<compile_context>
chip_gen: v7x
topology: tpu7x:2x2x1
jax: 0.10.2.dev20260603
libtpu: 0.0.44.dev20260713+nightly
codegen_flags: <defaults>
</compile_context>

<pallas_src>
import functools

import jax
import jax.numpy as jnp
import numpy as np
from jax import lax
from jax.experimental import pallas as pl
from jax.experimental.pallas import tpu as pltpu
from jax.experimental.pallas import tpu_sc as plsc

D_MODEL = 64
D_FFN = 1024
N_HEADS = 8
N_POINTS = 4
N_LEVELS = 5
SPATIAL = [(100, 100), (50, 50), (25, 25), (13, 13), (7, 7)]
NQ = 16384
S_TOTAL = sum(h * w for h, w in SPATIAL)
S_PAD = 13344
DH = D_MODEL // N_HEADS
LP = N_LEVELS * N_POINTS
NCOL = N_HEADS * LP
SW = S_PAD * (DH // 2)
KTAP = 4 * LP
CQ = 256
NQH = NQ // 2
NCH = (NQH // 2) // CQ
QT = 512
QT2 = 512
VT = 2224
N_TILES = 32

_lsi = np.cumsum([0] + [h * w for h, w in SPATIAL])[:-1].astype(np.float32)
_col_lvl = np.tile(np.repeat(np.arange(N_LEVELS), N_POINTS), N_HEADS)
_CST = np.zeros((8, NCOL), np.float32)
_CST[0] = np.array([w for h, w in SPATIAL], np.float32)[_col_lvl]
_CST[1] = np.array([h for h, w in SPATIAL], np.float32)[_col_lvl]
_CST[2] = 1.0 / _CST[0]
_CST[3] = 1.0 / _CST[1]
_CST[4] = _lsi[_col_lvl]
_CST_T = np.ascontiguousarray(_CST.T)
_SEG = (np.arange(NCOL)[:, None] // LP == np.arange(NCOL)[None, :] // LP)
_SEG = _SEG.astype(np.float32)


def _val_body(dv_ref, wv_ref, bv_ref, out_ref):
    out_ref[0] = (
        jnp.dot(dv_ref[0], wv_ref[...], precision=lax.Precision.HIGHEST)
        + bv_ref[...]
    )


def _run_val(dv, Wv, bv2):
    Bb = dv.shape[0]
    return pl.pallas_call(
        _val_body,
        grid=(Bb, S_PAD // VT),
        in_specs=[
            pl.BlockSpec((1, VT, D_MODEL), lambda b, i: (b, i, 0)),
            pl.BlockSpec((D_MODEL, D_MODEL), lambda b, i: (0, 0)),
            pl.BlockSpec((1, D_MODEL), lambda b, i: (0, 0)),
        ],
        out_specs=pl.BlockSpec((1, VT, D_MODEL), lambda b, i: (b, i, 0)),
        out_shape=jax.ShapeDtypeStruct((Bb, S_PAD, D_MODEL), jnp.float32),
    )(dv, Wv, bv2)


def _prep_body(qt_ref, rpt_ref, woxt_ref, woyt_ref, boxt_ref, boyt_ref,
               wat_ref, bat_ref, cstt_ref, seg_ref, out_ref):
    hp = lax.Precision.HIGHEST
    qT = qt_ref[0]
    offx = jnp.dot(woxt_ref[...], qT, precision=hp) + boxt_ref[...]
    offy = jnp.dot(woyt_ref[...], qT, precision=hp) + boyt_ref[...]
    a = jnp.dot(wat_ref[...], qT, precision=hp) + bat_ref[...]
    m = jnp.max(a, axis=0, keepdims=True)
    e = jnp.exp(a - m)
    s = jnp.dot(seg_ref[...], e, precision=hp)
    aw = e / s
    cst = cstt_ref[...]
    wl = cst[:, 0:1]
    hl = cst[:, 1:2]
    invw = cst[:, 2:3]
    invh = cst[:, 3:4]
    start = cst[:, 4:5]
    px = rpt_ref[0][0:1, :]
    py = rpt_ref[0][1:2, :]
    x = (px + offx * invw) * wl - 0.5
    y = (py + offy * invh) * hl - 0.5
    x0 = jnp.floor(x)
    y0 = jnp.floor(y)
    lw = x - x0
    lh = y - y0
    x1 = x0 + 1.0
    y1 = y0 + 1.0
    wx0 = (1.0 - lw) * ((x0 >= 0) & (x0 < wl)).astype(jnp.float32)
    wx1 = lw * ((x1 >= 0) & (x1 < wl)).astype(jnp.float32)
    wy0 = (1.0 - lh) * ((y0 >= 0) & (y0 < hl)).astype(jnp.float32) * aw
    wy1 = lh * ((y1 >= 0) & (y1 < hl)).astype(jnp.float32) * aw
    rx0 = jnp.clip(x0, 0.0, wl - 1.0) + start
    rx1 = jnp.clip(x1, 0.0, wl - 1.0) + start
    ry0 = jnp.clip(y0, 0.0, hl - 1.0) * wl
    ry1 = jnp.clip(y1, 0.0, hl - 1.0) * wl
    for t, (rx, wx, ry, wy) in enumerate(((rx0, wx0, ry0, wy0),
                                          (rx1, wx1, ry0, wy0),
                                          (rx0, wx0, ry1, wy1),
                                          (rx1, wx1, ry1, wy1))):
        row = (ry + rx).astype(jnp.int32)
        cf = wx * wy
        cfb = lax.bitcast_convert_type(cf, jnp.int32)
        cfb = (cfb + 0x8000) & jnp.int32(-65536)
        pk = cfb | row
        for h in range(N_HEADS):
            for c4 in range(QT // CQ):
                out_ref[h, c4, t * LP:(t + 1) * LP, :] = (
                    pk[h * LP:(h + 1) * LP, c4 * CQ:(c4 + 1) * CQ])


def _run_prep(q_t, rp_t, woxt, woyt, boxt, boyt, wat, bat, cstt, seg):
    Bb = q_t.shape[0]
    rep = lambda b, i: (0, 0)
    return pl.pallas_call(
        _prep_body,
        grid=(Bb, NQH // QT),
        in_specs=[
            pl.BlockSpec((1, D_MODEL, QT), lambda b, i: (b, 0, i)),
            pl.BlockSpec((1, 2, QT), lambda b, i: (b, 0, i)),
            pl.BlockSpec((NCOL, D_MODEL), rep),
            pl.BlockSpec((NCOL, D_MODEL), rep),
            pl.BlockSpec((NCOL, 1), rep),
            pl.BlockSpec((NCOL, 1), rep),
            pl.BlockSpec((NCOL, D_MODEL), rep),
            pl.BlockSpec((NCOL, 1), rep),
            pl.BlockSpec((NCOL, 8), rep),
            pl.BlockSpec((NCOL, NCOL), rep),
        ],
        out_specs=pl.BlockSpec(
            (N_HEADS, QT // CQ, KTAP, CQ),
            lambda b, i: (((i // 8) * 2 + b), i % 8, 0, 0)),
        out_shape=jax.ShapeDtypeStruct((N_TILES, NCH, KTAP, CQ), jnp.int32),
    )(q_t, rp_t, woxt, woyt, boxt, boyt, wat, bat, cstt, seg)


def _sc_body(value_hbm, pk_hbm, out_hbm, table_v, pk0_v, pk1_v, out_v,
             sem0, sem1):
    w = lax.axis_index("s") * 2 + lax.axis_index("c")
    hh = w % 8
    b = (w // 8) % 2
    half = w // 16
    pltpu.sync_copy(value_hbm.at[b * 8 + hh], table_v)

    def compute_chunk(pk_v, ch):
        def group_body(g, carry2):
            base = pl.multiple_of(g * 16, 16)

            def tap_body(k, accs):
                accs = list(accs)
                word = pk_v[k, pl.ds(base, 16)]
                iv = (word & 0x3FFF) << 2
                cv = lax.bitcast_convert_type(
                    word & jnp.int32(-65536), jnp.float32)
                for p in range(DH // 2):
                    gw = plsc.load_gather(table_v, [iv + p])
                    ev = lax.bitcast_convert_type(gw << 16, jnp.float32)
                    ov = lax.bitcast_convert_type(
                        gw & jnp.int32(-65536), jnp.float32)
                    accs[2 * p] = accs[2 * p] + cv * ev
                    accs[2 * p + 1] = accs[2 * p + 1] + cv * ov
                return tuple(accs)

            zero = jnp.zeros((16,), jnp.float32)
            accs = plsc.parallel_loop(0, KTAP, unroll=8,
                                      carry=(zero,) * DH)(tap_body)
            for c in range(DH):
                out_v[pl.ds(c * CQ + base, 16)] = accs[c]
            return carry2

        lax.fori_loop(0, CQ // 16, group_body, 0)
        pltpu.sync_copy(out_v, out_hbm.at[w, ch])

    pltpu.async_copy(pk_hbm.at[w, 0], pk0_v, sem0)

    def pair_body(chp, carry):
        ch0 = chp * 2
        pltpu.make_async_copy(pk_hbm.at[w, ch0], pk0_v, sem0).wait()
        pltpu.async_copy(pk_hbm.at[w, ch0 + 1], pk1_v, sem1)
        compute_chunk(pk0_v, ch0)
        pltpu.make_async_copy(pk_hbm.at[w, ch0 + 1], pk1_v, sem1).wait()

        @pl.when(chp + 1 < NCH // 2)
        def _():
            pltpu.async_copy(pk_hbm.at[w, ch0 + 2], pk0_v, sem0)

        compute_chunk(pk1_v, ch0 + 1)
        return carry

    lax.fori_loop(0, NCH // 2, pair_body, 0)


def _run_sc(value_t, pk_t):
    mesh = plsc.VectorSubcoreMesh(core_axis_name="c", subcore_axis_name="s")
    f = functools.partial(
        pl.kernel,
        out_type=jax.ShapeDtypeStruct((N_TILES, NCH, DH * CQ), jnp.float32),
        mesh=mesh,
        compiler_params=pltpu.CompilerParams(needs_layout_passes=False),
        scratch_types=[
            pltpu.VMEM((SW,), jnp.int32),
            pltpu.VMEM((KTAP, CQ), jnp.int32),
            pltpu.VMEM((KTAP, CQ), jnp.int32),
            pltpu.VMEM((DH * CQ,), jnp.float32),
            pltpu.SemaphoreType.DMA,
            pltpu.SemaphoreType.DMA,
        ],
    )(_sc_body)
    return f(value_t, pk_t)


def _post_body(ao_ref, q_ref, wo_ref, bo_ref, g1_ref, be1_ref, w1_ref,
               bb1_ref, w2_ref, bb2_ref, g2_ref, be2_ref, out_ref):
    hp = lax.Precision.HIGHEST
    src2 = jnp.dot(ao_ref[0], wo_ref[...], precision=hp) + bo_ref[...]
    x = q_ref[0] + src2
    mu = jnp.mean(x, axis=1, keepdims=True)
    var = jnp.mean((x - mu) ** 2, axis=1, keepdims=True)
    x1 = (x - mu) * lax.rsqrt(var + 1e-5) * g1_ref[...] + be1_ref[...]
    hdn = jnp.maximum(
        jnp.dot(x1.astype(jnp.bfloat16), w1_ref[...],
                preferred_element_type=jnp.float32) + bb1_ref[...], 0.0)
    ff = jnp.dot(hdn.astype(jnp.bfloat16), w2_ref[...],
                 preferred_element_type=jnp.float32) + bb2_ref[...]
    x2 = x1 + ff
    mu2 = jnp.mean(x2, axis=1, keepdims=True)
    var2 = jnp.mean((x2 - mu2) ** 2, axis=1, keepdims=True)
    out_ref[0] = (x2 - mu2) * lax.rsqrt(var2 + 1e-5) * g2_ref[...] + be2_ref[...]


def _run_post(ao, q_feat, Wo, bo2, g1, be1, W1, bb1, W2, bb2, g2, be2):
    Bb = q_feat.shape[0]
    rep = lambda b, i: (0, 0)
    return pl.pallas_call(
        _post_body,
        grid=(Bb, NQH // QT2),
        in_specs=[
            pl.BlockSpec((1, QT2, D_MODEL), lambda b, i: (b, i, 0)),
            pl.BlockSpec((1, QT2, D_MODEL), lambda b, i: (b, i, 0)),
            pl.BlockSpec((D_MODEL, D_MODEL), rep),
            pl.BlockSpec((1, D_MODEL), rep),
            pl.BlockSpec((1, D_MODEL), rep),
            pl.BlockSpec((1, D_MODEL), rep),
            pl.BlockSpec((D_MODEL, D_FFN), rep),
            pl.BlockSpec((1, D_FFN), rep),
            pl.BlockSpec((D_FFN, D_MODEL), rep),
            pl.BlockSpec((1, D_MODEL), rep),
            pl.BlockSpec((1, D_MODEL), rep),
            pl.BlockSpec((1, D_MODEL), rep),
        ],
        out_specs=pl.BlockSpec((1, QT2, D_MODEL), lambda b, i: (b, i, 0)),
        out_shape=jax.ShapeDtypeStruct((Bb, NQH, D_MODEL), jnp.float32),
    )(ao, q_feat, Wo, bo2, g1, be1, W1, bb1, W2, bb2, g2, be2)


def kernel(q_feat, dense_voxel_flatten, reference_points, spatial_shapes,
           level_start_index, Wv, bv, Woff, boff, Wa, ba, Wo, bo, ln1_g,
           ln1_b, W1, b1, W2, b2, ln2_g, ln2_b):
    Bb = q_feat.shape[0]
    assert Bb == 2 and q_feat.shape[1] == NQ

    dv = jnp.pad(dense_voxel_flatten, ((0, 0), (0, S_PAD - S_TOTAL), (0, 0)))
    val = _run_val(dv, Wv, bv.reshape(1, -1))
    vb = val.astype(jnp.bfloat16).reshape(Bb, S_PAD, N_HEADS, DH // 2, 2)
    value_t = (lax.bitcast_convert_type(vb, jnp.int32)
               .transpose(0, 2, 1, 3).reshape(Bb * N_HEADS, SW))

    q_t = q_feat.transpose(0, 2, 1)
    rp_t = reference_points.transpose(0, 2, 1)
    woxt = Woff[:, 0::2].T
    woyt = Woff[:, 1::2].T
    boxt = boff[0::2].reshape(-1, 1)
    boyt = boff[1::2].reshape(-1, 1)
    cstt = jnp.asarray(_CST_T)
    seg = jnp.asarray(_SEG)
    w1b = W1.astype(jnp.bfloat16)
    w2b = W2.astype(jnp.bfloat16)
    outs = []
    for half in range(2):
        qs = slice(half * NQH, (half + 1) * NQH)
        pk_t = _run_prep(q_t[:, :, qs], rp_t[:, :, qs], woxt, woyt,
                         boxt, boyt, Wa.T, ba.reshape(-1, 1), cstt, seg)
        out_sc = _run_sc(value_t, pk_t)
        ao = (out_sc.reshape(2, Bb, N_HEADS, NCH, DH, CQ)
              .transpose(1, 0, 3, 5, 2, 4).reshape(Bb, NQH, D_MODEL))
        outs.append(_run_post(ao, q_feat[:, qs], Wo, bo.reshape(1, -1),
                              ln1_g.reshape(1, -1), ln1_b.reshape(1, -1),
                              w1b, b1.reshape(1, -1),
                              w2b, b2.reshape(1, -1),
                              ln2_g.reshape(1, -1), ln2_b.reshape(1, -1)))
    return jnp.concatenate(outs, axis=1)

# --- scband reference (transcript-rebuilt; emitter-appended) ---
"""Pipeline reference for scband-deformable-voxel-transformer-encoder-layer-45767171506681 (READ-ONLY COPY).

The authoritative reference and input builder live on the scoring server;
editing this copy changes nothing except your own understanding.
"""

import jax, jax.numpy as jnp
import numpy as np

D_MODEL = 64; D_FFN = 1024; N_HEADS = 8; N_POINTS = 4; N_LEVELS = 5
SPATIAL = [(100, 100), (50, 50), (25, 25), (13, 13), (7, 7)]
B = 2; NQ = 16384
S_TOTAL = sum(h * w for h, w in SPATIAL)


def setup_inputs(seed: int = 0) -> dict:
    key = jax.random.key(seed)
    ks = jax.random.split(key, 16)
    d = D_MODEL; s = 0.02
    lsi = np.cumsum([0] + [h * w for h, w in SPATIAL])[:-1].astype(np.int32)
    inp = {
        "q_feat": jax.random.normal(ks[0], (B, NQ, d), dtype=jnp.float32),
        "dense_voxel_flatten": jax.random.normal(ks[1], (B, S_TOTAL, d), dtype=jnp.float32),
        "reference_points": jax.random.uniform(ks[2], (B, NQ, 2), dtype=jnp.float32),
        "spatial_shapes": jnp.array(SPATIAL, dtype=jnp.int32),
        "level_start_index": jnp.array(lsi, dtype=jnp.int32),
        "Wv": jax.random.normal(ks[3], (d, d), dtype=jnp.float32) * s,
        "bv": jnp.zeros((d,), jnp.float32),
        "Woff": jax.random.normal(ks[4], (d, N_HEADS * N_LEVELS * N_POINTS * 2), dtype=jnp.float32) * s,
        "boff": jax.random.normal(ks[5], (N_HEADS * N_LEVELS * N_POINTS * 2,), dtype=jnp.float32) * 0.5,
        "Wa": jax.random.normal(ks[6], (d, N_HEADS * N_LEVELS * N_POINTS), dtype=jnp.float32) * s,
        "ba": jnp.zeros((N_HEADS * N_LEVELS * N_POINTS,), jnp.float32),
        "Wo": jax.random.normal(ks[7], (d, d), dtype=jnp.float32) * s,
        "bo": jnp.zeros((d,), jnp.float32),
        "ln1_g": jnp.ones((d,), jnp.float32),
        "ln1_b": jnp.zeros((d,), jnp.float32),
        "W1": jax.random.normal(ks[8], (d, D_FFN), dtype=jnp.float32) * s,
        "b1": jnp.zeros((D_FFN,), jnp.float32),
        "W2": jax.random.normal(ks[9], (D_FFN, d), dtype=jnp.float32) * s,
        "b2": jnp.zeros((d,), jnp.float32),
        "ln2_g": jnp.ones((d,), jnp.float32),
        "ln2_b": jnp.zeros((d,), jnp.float32),
    }
    return inp


def _layer_norm(x, g, b):
    m = jnp.mean(x, axis=-1, keepdims=True)
    v = jnp.var(x, axis=-1, keepdims=True)
    return (x - m) / jnp.sqrt(v + 1e-5) * g + b


def _forward(q_feat, dense_voxel_flatten, reference_points, Wv, bv, Woff, boff, Wa, ba, Wo, bo,
             ln1_g, ln1_b, W1, b1, W2, b2, ln2_g, ln2_b, spatial_shapes, level_start_index):
    Bb, Nq, C = q_feat.shape
    H = N_HEADS; L = N_LEVELS; P = N_POINTS; dh = C // H
    q = q_feat  # q_pos is None
    value = (dense_voxel_flatten @ Wv + bv).reshape(Bb, -1, H, dh)
    offsets = (q @ Woff + boff).reshape(Bb, Nq, H, L, P, 2)
    attn = (q @ Wa + ba).reshape(Bb, Nq, H, L * P)
    attn = jax.nn.softmax(attn, axis=-1).reshape(Bb, Nq, H, L, P)
    # offset normalizer is (W, H) per level
    norm = jnp.stack([spatial_shapes[:, 1].astype(jnp.float32),
                      spatial_shapes[:, 0].astype(jnp.float32)], axis=-1)
    loc = reference_points[:, :, None, None, None, :] + offsets / norm[None, None, None, :, None, :]
    out = jnp.zeros((Bb, Nq, H, dh), jnp.float32)
    for l in range(L):
        Hl_s, Wl_s = SPATIAL[l]
        Hl = spatial_shapes[l, 0]; Wl = spatial_shapes[l, 1]
        v_l = jax.lax.dynamic_slice_in_dim(value, level_start_index[l], Hl_s * Wl_s, axis=1)  # (B, S_l, H, dh)
        v_l = jnp.transpose(v_l, (0, 2, 1, 3))     # (B, H, S_l, dh)
        loc_l = loc[:, :, :, l]                    # (B, Nq, H, P, 2)
        x = loc_l[..., 0] * Wl - 0.5
        y = loc_l[..., 1] * Hl - 0.5
        x0 = jnp.floor(x); y0 = jnp.floor(y)
        lw = x - x0; lh = y - y0
        acc = jnp.zeros((Bb, Nq, H, P, dh), jnp.float32)
        for dxi, dyi, w in ((0, 0, (1 - lw) * (1 - lh)), (1, 0, lw * (1 - lh)),
                            (0, 1, (1 - lw) * lh), (1, 1, lw * lh)):
            xi = x0 + dxi; yi = y0 + dyi
            valid = (xi >= 0) & (xi < Wl) & (yi >= 0) & (yi < Hl)
            xi_c = jnp.clip(xi, 0, Wl - 1).astype(jnp.int32)
            yi_c = jnp.clip(yi, 0, Hl - 1).astype(jnp.int32)
            idx = yi_c * Wl + xi_c                              # (B, Nq, H, P)
            idx_t = jnp.transpose(idx, (0, 2, 1, 3)).reshape(Bb, H, Nq * P)
            g = jnp.take_along_axis(v_l, jnp.broadcast_to(idx_t[..., None], (Bb, H, Nq * P, dh)), axis=2)
            g = g.reshape(Bb, H, Nq, P, dh).transpose(0, 2, 1, 3, 4)
            acc = acc + g * (w * valid.astype(jnp.float32))[..., None]
        out = out + jnp.sum(acc * attn[:, :, :, l][..., None], axis=3)
    src2 = out.reshape(Bb, Nq, C) @ Wo + bo
    x1 = _layer_norm(q_feat + src2, ln1_g, ln1_b)  # dropout = identity at eval
    ff = jax.nn.relu(x1 @ W1 + b1) @ W2 + b2
    x2 = _layer_norm(x1 + ff, ln2_g, ln2_b)
    return x2


def reference(q_feat, dense_voxel_flatten, reference_points, spatial_shapes, level_start_index,
              Wv, bv, Woff, boff, Wa, ba, Wo, bo, ln1_g, ln1_b, W1, b1, W2, b2, ln2_g, ln2_b):
    return _forward(q_feat, dense_voxel_flatten, reference_points, Wv, bv, Woff, boff, Wa, ba, Wo, bo,
                    ln1_g, ln1_b, W1, b1, W2, b2, ln2_g, ln2_b, spatial_shapes, level_start_index)

if __name__ == "__main__":
    import jax
    _d = setup_inputs()
    print(jax.jit(kernel)(*tuple(_d.values())))

</pallas_src>

<mosaic_0001>
#map = affine_map<(d0, d1) -> (0, 0)>
#map1 = affine_map<(d0, d1) -> (0, 0, 0, 0)>
#map2 = affine_map<(d0, d1) -> (0, 0, 0)>
module attributes {stable_mosaic.version = 14 : i64} {
  func.func @_sc_body(%arg0: i32, %arg1: i32, %arg2: memref<16x53376xi32, #tpu.memory_space<hbm>>, %arg3: memref<32x16x80x256xi32, #tpu.memory_space<hbm>>, %arg4: memref<32x16x2048xf32, #tpu.memory_space<hbm>>, %arg5: memref<53376xi32, #tpu.memory_space<vmem>>, %arg6: memref<80x256xi32, #tpu.memory_space<vmem>>, %arg7: memref<80x256xi32, #tpu.memory_space<vmem>>, %arg8: memref<2048xf32, #tpu.memory_space<vmem>>, %arg9: memref<!tpu.dma_semaphore, #tpu.memory_space<semaphore_mem>>, %arg10: memref<!tpu.dma_semaphore, #tpu.memory_space<semaphore_mem>>) attributes {dimension_semantics = [#tpu.dimension_semantics<core_parallel>, #tpu.dimension_semantics<subcore_parallel>], iteration_bounds = array<i64: 2, 16>, scalar_prefetch = 0 : i64, scratch_operands = 6 : i64, tpu.core_type = #tpu.core_type<sc_vector_subcore>, window_params = [{transform_indices = #map}, {transform_indices = #map1}, {transform_indices = #map2}]} {
    %mul3A = arith.constant 2 : i32
    %mul3A_0 = arith.muli %arg1, %mul3A : i32
    %add3A = arith.addi %mul3A_0, %arg0 : i32
    %jit3A = arith.constant 8 : i32
    %eq3A = arith.constant 0 : i32
    %eq3A_1 = arith.cmpi eq, %jit3A, %eq3A : i32
    %jit3A_2 = arith.constant 1 : i32
    %select_n3A = arith.select %eq3A_1, %jit3A_2, %jit3A : i32
    %rem3A = arith.remsi %add3A, %select_n3A : i32
    %ne3A = arith.constant 0 : i32
    %ne3A_3 = arith.cmpi ne, %rem3A, %ne3A : i32
    %lt3A = arith.constant 0 : i32
    %lt3A_4 = arith.cmpi slt, %rem3A, %lt3A : i32
    %lt3A_5 = arith.constant 0 : i32
    %lt3A_6 = arith.cmpi slt, %select_n3A, %lt3A_5 : i32
    %ne3A_7 = arith.xori %lt3A_4, %lt3A_6 : i1
    %and3A = arith.andi %ne3A_7, %ne3A_3 : i1
    %add3A_8 = arith.addi %rem3A, %select_n3A : i32
    %select_n3A_9 = arith.select %and3A, %add3A_8, %rem3A : i32
    %jit3A_10 = arith.constant 8 : i32
    %div3A = arith.divsi %add3A, %jit3A_10 : i32
    %sign3A = arith.constant 0 : i32
    %sign3A_11 = arith.cmpi sgt, %add3A, %sign3A : i32
    %sign3A_12 = arith.extui %sign3A_11 : i1 to i32
    %sign3A_13 = arith.constant 0 : i32
    %sign3A_14 = arith.cmpi slt, %add3A, %sign3A_13 : i32
    %sign3A_15 = arith.extui %sign3A_14 : i1 to i32
    %sign3A_16 = arith.subi %sign3A_12, %sign3A_15 : i32
    %sign3A_17 = arith.constant 0 : i32
    %sign3A_18 = arith.cmpi sgt, %jit3A_10, %sign3A_17 : i32
    %sign3A_19 = arith.extui %sign3A_18 : i1 to i32
    %sign3A_20 = arith.constant 0 : i32
    %sign3A_21 = arith.cmpi slt, %jit3A_10, %sign3A_20 : i32
    %sign3A_22 = arith.extui %sign3A_21 : i1 to i32
    %sign3A_23 = arith.subi %sign3A_19, %sign3A_22 : i32
    %ne3A_24 = arith.cmpi ne, %sign3A_16, %sign3A_23 : i32
    %rem3A_25 = arith.remsi %add3A, %jit3A_10 : i32
    %ne3A_26 = arith.constant 0 : i32
    %ne3A_27 = arith.cmpi ne, %rem3A_25, %ne3A_26 : i32
    %and3A_28 = arith.andi %ne3A_24, %ne3A_27 : i1
    %sub3A = arith.constant 1 : i32
    %sub3A_29 = arith.subi %div3A, %sub3A : i32
    %select_n3A_30 = arith.select %and3A_28, %sub3A_29, %div3A : i32
    %jit3A_31 = arith.constant 2 : i32
    %eq3A_32 = arith.constant 0 : i32
    %eq3A_33 = arith.cmpi eq, %jit3A_31, %eq3A_32 : i32
    %jit3A_34 = arith.constant 1 : i32
    %select_n3A_35 = arith.select %eq3A_33, %jit3A_34, %jit3A_31 : i32
    %rem3A_36 = arith.remsi %select_n3A_30, %select_n3A_35 : i32
    %ne3A_37 = arith.constant 0 : i32
    %ne3A_38 = arith.cmpi ne, %rem3A_36, %ne3A_37 : i32
    %lt3A_39 = arith.constant 0 : i32
    %lt3A_40 = arith.cmpi slt, %rem3A_36, %lt3A_39 : i32
    %lt3A_41 = arith.constant 0 : i32
    %lt3A_42 = arith.cmpi slt, %select_n3A_35, %lt3A_41 : i32
    %ne3A_43 = arith.xori %lt3A_40, %lt3A_42 : i1
    %and3A_44 = arith.andi %ne3A_43, %ne3A_38 : i1
    %add3A_45 = arith.addi %rem3A_36, %select_n3A_35 : i32
    %select_n3A_46 = arith.select %and3A_44, %add3A_45, %rem3A_36 : i32
    %jit3A_47 = arith.constant 16 : i32
    %div3A_48 = arith.divsi %add3A, %jit3A_47 : i32
    %sign3A_49 = arith.constant 0 : i32
    %sign3A_50 = arith.cmpi sgt, %add3A, %sign3A_49 : i32
    %sign3A_51 = arith.extui %sign3A_50 : i1 to i32
    %sign3A_52 = arith.constant 0 : i32
    %sign3A_53 = arith.cmpi slt, %add3A, %sign3A_52 : i32
    %sign3A_54 = arith.extui %sign3A_53 : i1 to i32
    %sign3A_55 = arith.subi %sign3A_51, %sign3A_54 : i32
    %sign3A_56 = arith.constant 0 : i32
    %sign3A_57 = arith.cmpi sgt, %jit3A_47, %sign3A_56 : i32
    %sign3A_58 = arith.extui %sign3A_57 : i1 to i32
    %sign3A_59 = arith.constant 0 : i32
    %sign3A_60 = arith.cmpi slt, %jit3A_47, %sign3A_59 : i32
    %sign3A_61 = arith.extui %sign3A_60 : i1 to i32
    %sign3A_62 = arith.subi %sign3A_58, %sign3A_61 : i32
    %ne3A_63 = arith.cmpi ne, %sign3A_55, %sign3A_62 : i32
    %rem3A_64 = arith.remsi %add3A, %jit3A_47 : i32
    %ne3A_65 = arith.constant 0 : i32
    %ne3A_66 = arith.cmpi ne, %rem3A_64, %ne3A_65 : i32
    %and3A_67 = arith.andi %ne3A_63, %ne3A_66 : i1
    %sub3A_68 = arith.constant 1 : i32
    %sub3A_69 = arith.subi %div3A_48, %sub3A_68 : i32
    %select_n3A_70 = arith.select %and3A_67, %sub3A_69, %div3A_48 : i32
    %mul3A_71 = arith.constant 8 : i32
    %mul3A_72 = arith.muli %select_n3A_46, %mul3A_71 : i32
    %add3A_73 = arith.addi %mul3A_72, %select_n3A_9 : i32
    "tpu.region"() ({
      %run_scoped3A = tpu.sem_alloc : memref<!tpu.dma_semaphore, #tpu.memory_space<semaphore_mem>>
      %dma_start3A_87 = arith.constant 0 : i32
      %dma_start3A_88 = tpu.memref_slice %arg2[%add3A_73, %dma_start3A_87] : memref<16x53376xi32, #tpu.memory_space<hbm>> -> memref<1x53376xi32, #tpu.memory_space<hbm>>
      %dma_start3A_89 = tpu.memref_squeeze %dma_start3A_88 : memref<1x53376xi32, #tpu.memory_space<hbm>> -> memref<53376xi32, #tpu.memory_space<hbm>>
      %dma_start3A_90 = arith.constant 0 : i32
      %dma_start3A_91 = tpu.memref_slice %arg2[%add3A_73, %dma_start3A_90] : memref<16x53376xi32, #tpu.memory_space<hbm>> -> memref<1x53376xi32, #tpu.memory_space<hbm>>
      %dma_start3A_92 = tpu.memref_squeeze %dma_start3A_91 : memref<1x53376xi32, #tpu.memory_space<hbm>> -> memref<53376xi32, #tpu.memory_space<hbm>>
      tpu.enqueue_dma source(%dma_start3A_92 : memref<53376xi32, #tpu.memory_space<hbm>>) target(%arg5 : memref<53376xi32, #tpu.memory_space<vmem>>) target_semaphore(%run_scoped3A : memref<!tpu.dma_semaphore, #tpu.memory_space<semaphore_mem>>)
      %dma_wait3A = arith.constant 0 : i32
      %dma_wait3A_93 = tpu.memref_slice %arg2[%add3A_73, %dma_wait3A] : memref<16x53376xi32, #tpu.memory_space<hbm>> -> memref<1x53376xi32, #tpu.memory_space<hbm>>
      %dma_wait3A_94 = tpu.memref_squeeze %dma_wait3A_93 : memref<1x53376xi32, #tpu.memory_space<hbm>> -> memref<53376xi32, #tpu.memory_space<hbm>>
      %dma_wait3A_95 = arith.constant 0 : i32
      %dma_wait3A_96 = tpu.memref_slice %arg2[%add3A_73, %dma_wait3A_95] : memref<16x53376xi32, #tpu.memory_space<hbm>> -> memref<1x53376xi32, #tpu.memory_space<hbm>>
      %dma_wait3A_97 = tpu.memref_squeeze %dma_wait3A_96 : memref<1x53376xi32, #tpu.memory_space<hbm>> -> memref<53376xi32, #tpu.memory_space<hbm>>
      tpu.wait_dma2 semaphore(%run_scoped3A : memref<!tpu.dma_semaphore, #tpu.memory_space<semaphore_mem>>) src(%dma_wait3A_97 : memref<53376xi32, #tpu.memory_space<hbm>>) dst(%arg5 : memref<53376xi32, #tpu.memory_space<vmem>>)
      tpu.yield
    }) : () -> ()
    %dma_start3A = arith.constant 0 : i32
    %dma_start3A_74 = arith.constant 0 : i32
    %dma_start3A_75 = arith.constant 0 : i32
    %dma_start3A_76 = tpu.memref_slice %arg3[%add3A, %dma_start3A, %dma_start3A_74, %dma_start3A_75] : memref<32x16x80x256xi32, #tpu.memory_space<hbm>> -> memref<1x1x80x256xi32, #tpu.memory_space<hbm>>
    %dma_start3A_77 = tpu.memref_squeeze %dma_start3A_76 : memref<1x1x80x256xi32, #tpu.memory_space<hbm>> -> memref<80x256xi32, #tpu.memory_space<hbm>>
    %dma_start3A_78 = arith.constant 0 : i32
    %dma_start3A_79 = arith.constant 0 : i32
    %dma_start3A_80 = tpu.memref_slice %arg3[%add3A, %dma_start3A, %dma_start3A_78, %dma_start3A_79] : memref<32x16x80x256xi32, #tpu.memory_space<hbm>> -> memref<1x1x80x256xi32, #tpu.memory_space<hbm>>
    %dma_start3A_81 = tpu.memref_squeeze %dma_start3A_80 : memref<1x1x80x256xi32, #tpu.memory_space<hbm>> -> memref<80x256xi32, #tpu.memory_space<hbm>>
    tpu.enqueue_dma source(%dma_start3A_81 : memref<80x256xi32, #tpu.memory_space<hbm>>) target(%arg6 : memref<80x256xi32, #tpu.memory_space<vmem>>) target_semaphore(%arg9 : memref<!tpu.dma_semaphore, #tpu.memory_space<semaphore_mem>>)
    %scan3A = arith.constant 0 : i32
    %scan3A_82 = arith.constant 0 : i32
    %scan3A_83 = arith.constant 8 : i32
    %scan3A_84 = arith.addi %scan3A_82, %scan3A_83 : i32
    %scan3A_85 = arith.constant 1 : i32
    scf.for %scan3A_87 = %scan3A_82 to %scan3A_84 step %scan3A_85  : i32 {
      %mul3A_88 = arith.constant 2 : i32
      %mul3A_89 = arith.muli %scan3A_87, %mul3A_88 : i32
      %dma_wait3A = arith.constant 0 : i32
      %dma_wait3A_90 = arith.constant 0 : i32
      %dma_wait3A_91 = tpu.memref_slice %arg3[%add3A, %mul3A_89, %dma_wait3A, %dma_wait3A_90] : memref<32x16x80x256xi32, #tpu.memory_space<hbm>> -> memref<1x1x80x256xi32, #tpu.memory_space<hbm>>
      %dma_wait3A_92 = tpu.memref_squeeze %dma_wait3A_91 : memref<1x1x80x256xi32, #tpu.memory_space<hbm>> -> memref<80x256xi32, #tpu.memory_space<hbm>>
      %dma_wait3A_93 = arith.constant 0 : i32
      %dma_wait3A_94 = arith.constant 0 : i32
      %dma_wait3A_95 = tpu.memref_slice %arg3[%add3A, %mul3A_89, %dma_wait3A_93, %dma_wait3A_94] : memref<32x16x80x256xi32, #tpu.memory_space<hbm>> -> memref<1x1x80x256xi32, #tpu.memory_space<hbm>>
      %dma_wait3A_96 = tpu.memref_squeeze %dma_wait3A_95 : memref<1x1x80x256xi32, #tpu.memory_space<hbm>> -> memref<80x256xi32, #tpu.memory_space<hbm>>
      tpu.wait_dma2 semaphore(%arg9 : memref<!tpu.dma_semaphore, #tpu.memory_space<semaphore_mem>>) src(%dma_wait3A_96 : memref<80x256xi32, #tpu.memory_space<hbm>>) dst(%arg6 : memref<80x256xi32, #tpu.memory_space<vmem>>)
      %add3A_97 = arith.constant 1 : i32
      %add3A_98 = arith.addi %mul3A_89, %add3A_97 : i32
      %dma_start3A_99 = arith.constant 0 : i32
      %dma_start3A_100 = arith.constant 0 : i32
      %dma_start3A_101 = tpu.memref_slice %arg3[%add3A, %add3A_98, %dma_start3A_99, %dma_start3A_100] : memref<32x16x80x256xi32, #tpu.memory_space<hbm>> -> memref<1x1x80x256xi32, #tpu.memory_space<hbm>>
      %dma_start3A_102 = tpu.memref_squeeze %dma_start3A_101 : memref<1x1x80x256xi32, #tpu.memory_space<hbm>> -> memref<80x256xi32, #tpu.memory_space<hbm>>
      %dma_start3A_103 = arith.constant 0 : i32
      %dma_start3A_104 = arith.constant 0 : i32
      %dma_start3A_105 = tpu.memref_slice %arg3[%add3A, %add3A_98, %dma_start3A_103, %dma_start3A_104] : memref<32x16x80x256xi32, #tpu.memory_space<hbm>> -> memref<1x1x80x256xi32, #tpu.memory_space<hbm>>
      %dma_start3A_106 = tpu.memref_squeeze %dma_start3A_105 : memref<1x1x80x256xi32, #tpu.memory_space<hbm>> -> memref<80x256xi32, #tpu.memory_space<hbm>>
      tpu.enqueue_dma source(%dma_start3A_106 : memref<80x256xi32, #tpu.memory_space<hbm>>) target(%arg7 : memref<80x256xi32, #tpu.memory_space<vmem>>) target_semaphore(%arg10 : memref<!tpu.dma_semaphore, #tpu.memory_space<semaphore_mem>>)
      %scan3A_107 = arith.constant 0 : i32
      %scan3A_108 = arith.constant 0 : i32
      %scan3A_109 = arith.constant 16 : i32
      %scan3A_110 = arith.addi %scan3A_108, %scan3A_109 : i32
      %scan3A_111 = arith.constant 1 : i32
      scf.for %scan3A_136 = %scan3A_108 to %scan3A_110 step %scan3A_111  : i32 {
        %mul3A_137 = arith.constant 16 : i32
        %mul3A_138 = arith.muli %scan3A_136, %mul3A_137 : i32
        %multiple_of3A = tpu.assume_multiple %mul3A_138, 16 : i32
        %broadcast_in_dim3A = arith.constant 0.000000e+00 : f32
        %broadcast_in_dim3A_139 = vector.broadcast %broadcast_in_dim3A : f32 to vector<16xf32>
        %parallel_loop3A = arith.constant 0 : i32
        %parallel_loop3A_140 = arith.constant 80 : i32
        %parallel_loop3A_141 = arith.constant 1 : i32
        %parallel_loop3A_142:8 = scf.for %parallel_loop3A_174 = %parallel_loop3A to %parallel_loop3A_140 step %parallel_loop3A_141 iter_args(%parallel_loop3A_175 = %broadcast_in_dim3A_139, %parallel_loop3A_176 = %broadcast_in_dim3A_139, %parallel_loop3A_177 = %broadcast_in_dim3A_139, %parallel_loop3A_178 = %broadcast_in_dim3A_139, %parallel_loop3A_179 = %broadcast_in_dim3A_139, %parallel_loop3A_180 = %broadcast_in_dim3A_139, %parallel_loop3A_181 = %broadcast_in_dim3A_139, %parallel_loop3A_182 = %broadcast_in_dim3A_139) -> (vector<16xf32>, vector<16xf32>, vector<16xf32>, vector<16xf32>, vector<16xf32>, vector<16xf32>, vector<16xf32>, vector<16xf32>)  : i32 {
          %parallel_loop3A_183 = arith.index_cast %parallel_loop3A_174 : i32 to index
          %parallel_loop3A_184 = arith.index_cast %multiple_of3A : i32 to index
          %parallel_loop3A_185 = tpu.vector_load %arg6[%parallel_loop3A_183, %parallel_loop3A_184] {strides = array<i32>} : memref<80x256xi32, #tpu.memory_space<vmem>>, vector<16xi32>,
          %parallel_loop3A_186 = arith.constant 16383 : i32
          %parallel_loop3A_187 = vector.broadcast %parallel_loop3A_186 : i32 to vector<16xi32>
          %parallel_loop3A_188 = arith.andi %parallel_loop3A_185, %parallel_loop3A_187 : vector<16xi32>
          %parallel_loop3A_189 = arith.constant 2 : i32
          %parallel_loop3A_190 = vector.broadcast %parallel_loop3A_189 : i32 to vector<16xi32>
          %parallel_loop3A_191 = arith.shli %parallel_loop3A_188, %parallel_loop3A_190 : vector<16xi32>
          %parallel_loop3A_192 = arith.constant -65536 : i32
          %parallel_loop3A_193 = vector.broadcast %parallel_loop3A_192 : i32 to vector<16xi32>
          %parallel_loop3A_194 = arith.andi %parallel_loop3A_185, %parallel_loop3A_193 : vector<16xi32>
          %parallel_loop3A_195 = tpu.bitcast %parallel_loop3A_194 : vector<16xi32> -> vector<16xf32>
          %parallel_loop3A_196 = arith.constant 0 : i32
          %parallel_loop3A_197 = vector.broadcast %parallel_loop3A_196 : i32 to vector<16xi32>
          %parallel_loop3A_198 = arith.addi %parallel_loop3A_191, %parallel_loop3A_197 : vector<16xi32>
          %parallel_loop3A_199 = tpu.vector_load_idx %arg5[%parallel_loop3A_198] : memref<53376xi32, #tpu.memory_space<vmem>>[vector<16xi32>], vector<16xi32>,
          %parallel_loop3A_200 = arith.constant 16 : i32
          %parallel_loop3A_201 = vector.broadcast %parallel_loop3A_200 : i32 to vector<16xi32>
          %parallel_loop3A_202 = arith.shli %parallel_loop3A_199, %parallel_loop3A_201 : vector<16xi32>
          %parallel_loop3A_203 = tpu.bitcast %parallel_loop3A_202 : vector<16xi32> -> vector<16xf32>
          %parallel_loop3A_204 = arith.constant -65536 : i32
          %parallel_loop3A_205 = vector.broadcast %parallel_loop3A_204 : i32 to vector<16xi32>
          %parallel_loop3A_206 = arith.andi %parallel_loop3A_199, %parallel_loop3A_205 : vector<16xi32>
          %parallel_loop3A_207 = tpu.bitcast %parallel_loop3A_206 : vector<16xi32> -> vector<16xf32>
          %parallel_loop3A_208 = arith.mulf %parallel_loop3A_195, %parallel_loop3A_203 : vector<16xf32>
          %parallel_loop3A_209 = arith.addf %parallel_loop3A_175, %parallel_loop3A_208 : vector<16xf32>
          %parallel_loop3A_210 = arith.mulf %parallel_loop3A_195, %parallel_loop3A_207 : vector<16xf32>
          %parallel_loop3A_211 = arith.addf %parallel_loop3A_176, %parallel_loop3A_210 : vector<16xf32>
          %parallel_loop3A_212 = arith.constant 1 : i32
          %parallel_loop3A_213 = vector.broadcast %parallel_loop3A_212 : i32 to vector<16xi32>
          %parallel_loop3A_214 = arith.addi %parallel_loop3A_191, %parallel_loop3A_213 : vector<16xi32>
          %parallel_loop3A_215 = tpu.vector_load_idx %arg5[%parallel_loop3A_214] : memref<53376xi32, #tpu.memory_space<vmem>>[vector<16xi32>], vector<16xi32>,
          %parallel_loop3A_216 = arith.constant 16 : i32
          %parallel_loop3A_217 = vector.broadcast %parallel_loop3A_216 : i32 to vector<16xi32>
          %parallel_loop3A_218 = arith.shli %parallel_loop3A_215, %parallel_loop3A_217 : vector<16xi32>
          %parallel_loop3A_219 = tpu.bitcast %parallel_loop3A_218 : vector<16xi32> -> vector<16xf32>
          %parallel_loop3A_220 = arith.constant -65536 : i32
          %parallel_loop3A_221 = vector.broadcast %parallel_loop3A_220 : i32 to vector<16xi32>
          %parallel_loop3A_222 = arith.andi %parallel_loop3A_215, %parallel_loop3A_221 : vector<16xi32>
          %parallel_loop3A_223 = tpu.bitcast %parallel_loop3A_222 : vector<16xi32> -> vector<16xf32>
          %parallel_loop3A_224 = arith.mulf %parallel_loop3A_195, %parallel_loop3A_219 : vector<16xf32>
          %parallel_loop3A_225 = arith.addf %parallel_loop3A_177, %parallel_loop3A_224 : vector<16xf32>
          %parallel_loop3A_226 = arith.mulf %parallel_loop3A_195, %parallel_loop3A_223 : vector<16xf32>
          %parallel_loop3A_227 = arith.addf %parallel_loop3A_178, %parallel_loop3A_226 : vector<16xf32>
          %parallel_loop3A_228 = arith.constant 2 : i32
          %parallel_loop3A_229 = vector.broadcast %parallel_loop3A_228 : i32 to vector<16xi32>
          %parallel_loop3A_230 = arith.addi %parallel_loop3A_191, %parallel_loop3A_229 : vector<16xi32>
          %parallel_loop3A_231 = tpu.vector_load_idx %arg5[%parallel_loop3A_230] : memref<53376xi32, #tpu.memory_space<vmem>>[vector<16xi32>], vector<16xi32>,
          %parallel_loop3A_232 = arith.constant 16 : i32
          %parallel_loop3A_233 = vector.broadcast %parallel_loop3A_232 : i32 to vector<16xi32>
          %parallel_loop3A_234 = arith.shli %parallel_loop3A_231, %parallel_loop3A_233 : vector<16xi32>
          %parallel_loop3A_235 = tpu.bitcast %parallel_loop3A_234 : vector<16xi32> -> vector<16xf32>
          %parallel_loop3A_236 = arith.constant -65536 : i32
          %parallel_loop3A_237 = vector.broadcast %parallel_loop3A_236 : i32 to vector<16xi32>
          %parallel_loop3A_238 = arith.andi %parallel_loop3A_231, %parallel_loop3A_237 : vector<16xi32>
          %parallel_loop3A_239 = tpu.bitcast %parallel_loop3A_238 : vector<16xi32> -> vector<16xf32>
          %parallel_loop3A_240 = arith.mulf %parallel_loop3A_195, %parallel_loop3A_235 : vector<16xf32>
          %parallel_loop3A_241 = arith.addf %parallel_loop3A_179, %parallel_loop3A_240 : vector<16xf32>
          %parallel_loop3A_242 = arith.mulf %parallel_loop3A_195, %parallel_loop3A_239 : vector<16xf32>
          %parallel_loop3A_243 = arith.addf %parallel_loop3A_180, %parallel_loop3A_242 : vector<16xf32>
          %parallel_loop3A_244 = arith.constant 3 : i32
          %parallel_loop3A_245 = vector.broadcast %parallel_loop3A_244 : i32 to vector<16xi32>
          %parallel_loop3A_246 = arith.addi %parallel_loop3A_191, %parallel_loop3A_245 : vector<16xi32>
          %parallel_loop3A_247 = tpu.vector_load_idx %arg5[%parallel_loop3A_246] : memref<53376xi32, #tpu.memory_space<vmem>>[vector<16xi32>], vector<16xi32>,
          %parallel_loop3A_248 = arith.constant 16 : i32
          %parallel_loop3A_249 = vector.broadcast %parallel_loop3A_248 : i32 to vector<16xi32>
          %parallel_loop3A_250 = arith.shli %parallel_loop3A_247, %parallel_loop3A_249 : vector<16xi32>
          %parallel_loop3A_251 = tpu.bitcast %parallel_loop3A_250 : vector<16xi32> -> vector<16xf32>
          %parallel_loop3A_252 = arith.constant -65536 : i32
          %parallel_loop3A_253 = vector.broadcast %parallel_loop3A_252 : i32 to vector<16xi32>
          %parallel_loop3A_254 = arith.andi %parallel_loop3A_247, %parallel_loop3A_253 : vector<16xi32>
          %parallel_loop3A_255 = tpu.bitcast %parallel_loop3A_254 : vector<16xi32> -> vector<16xf32>
          %parallel_loop3A_256 = arith.mulf %parallel_loop3A_195, %parallel_loop3A_251 : vector<16xf32>
          %parallel_loop3A_257 = arith.addf %parallel_loop3A_181, %parallel_loop3A_256 : vector<16xf32>
          %parallel_loop3A_258 = arith.mulf %parallel_loop3A_195, %parallel_loop3A_255 : vector<16xf32>
          %parallel_loop3A_259 = arith.addf %parallel_loop3A_182, %parallel_loop3A_258 : vector<16xf32>
          scf.yield %parallel_loop3A_209, %parallel_loop3A_211, %parallel_loop3A_225, %parallel_loop3A_227, %parallel_loop3A_241, %parallel_loop3A_243, %parallel_loop3A_257, %parallel_loop3A_259 : vector<16xf32>, vector<16xf32>, vector<16xf32>, vector<16xf32>, vector<16xf32>, vector<16xf32>, vector<16xf32>, vector<16xf32>
        } {sc.loop_unroll_factor = 8 : i64, sc.parallel_access}
        %add3A_143 = arith.constant 0 : i32
        %add3A_144 = arith.addi %add3A_143, %multiple_of3A : i32
        %swap3A = arith.index_cast %add3A_144 : i32 to index
        %swap3A_145 = tpu.vector_load %arg8[%swap3A] {strides = array<i32>} : memref<2048xf32, #tpu.memory_space<vmem>>, vector<16xf32>,
        tpu.vector_store %arg8[%swap3A], %parallel_loop3A_142#0 {strides = array<i32>} : memref<2048xf32, #tpu.memory_space<vmem>>, vector<16xf32>,
        %add3A_146 = arith.constant 256 : i32
        %add3A_147 = arith.addi %add3A_146, %multiple_of3A : i32
        %swap3A_148 = arith.index_cast %add3A_147 : i32 to index
        %swap3A_149 = tpu.vector_load %arg8[%swap3A_148] {strides = array<i32>} : memref<2048xf32, #tpu.memory_space<vmem>>, vector<16xf32>,
        tpu.vector_store %arg8[%swap3A_148], %parallel_loop3A_142#1 {strides = array<i32>} : memref<2048xf32, #tpu.memory_space<vmem>>, vector<16xf32>,
        %add3A_150 = arith.constant 512 : i32
        %add3A_151 = arith.addi %add3A_150, %multiple_of3A : i32
        %swap3A_152 = arith.index_cast %add3A_151 : i32 to index
        %swap3A_153 = tpu.vector_load %arg8[%swap3A_152] {strides = array<i32>} : memref<2048xf32, #tpu.memory_space<vmem>>, vector<16xf32>,
        tpu.vector_store %arg8[%swap3A_152], %parallel_loop3A_142#2 {strides = array<i32>} : memref<2048xf32, #tpu.memory_space<vmem>>, vector<16xf32>,
        %add3A_154 = arith.constant 768 : i32
        %add3A_155 = arith.addi %add3A_154, %multiple_of3A : i32
        %swap3A_156 = arith.index_cast %add3A_155 : i32 to index
        %swap3A_157 = tpu.vector_load %arg8[%swap3A_156] {strides = array<i32>} : memref<2048xf32, #tpu.memory_space<vmem>>, vector<16xf32>,
        tpu.vector_store %arg8[%swap3A_156], %parallel_loop3A_142#3 {strides = array<i32>} : memref<2048xf32, #tpu.memory_space<vmem>>, vector<16xf32>,
        %add3A_158 = arith.constant 1024 : i32
        %add3A_159 = arith.addi %add3A_158, %multiple_of3A : i32
        %swap3A_160 = arith.index_cast %add3A_159 : i32 to index
        %swap3A_161 = tpu.vector_load %arg8[%swap3A_160] {strides = array<i32>} : memref<2048xf32, #tpu.memory_space<vmem>>, vector<16xf32>,
        tpu.vector_store %arg8[%swap3A_160], %parallel_loop3A_142#4 {strides = array<i32>} : memref<2048xf32, #tpu.memory_space<vmem>>, vector<16xf32>,
        %add3A_162 = arith.constant 1280 : i32
        %add3A_163 = arith.addi %add3A_162, %multiple_of3A : i32
        %swap3A_164 = arith.index_cast %add3A_163 : i32 to index
        %swap3A_165 = tpu.vector_load %arg8[%swap3A_164] {strides = array<i32>} : memref<2048xf32, #tpu.memory_space<vmem>>, vector<16xf32>,
        tpu.vector_store %arg8[%swap3A_164], %parallel_loop3A_142#5 {strides = array<i32>} : memref<2048xf32, #tpu.memory_space<vmem>>, vector<16xf32>,
        %add3A_166 = arith.constant 1536 : i32
        %add3A_167 = arith.addi %add3A_166, %multiple_of3A : i32
        %swap3A_168 = arith.index_cast %add3A_167 : i32 to index
        %swap3A_169 = tpu.vector_load %arg8[%swap3A_168] {strides = array<i32>} : memref<2048xf32, #tpu.memory_space<vmem>>, vector<16xf32>,
        tpu.vector_store %arg8[%swap3A_168], %parallel_loop3A_142#6 {strides = array<i32>} : memref<2048xf32, #tpu.memory_space<vmem>>, vector<16xf32>,
        %add3A_170 = arith.constant 1792 : i32
        %add3A_171 = arith.addi %add3A_170, %multiple_of3A : i32
        %swap3A_172 = arith.index_cast %add3A_171 : i32 to index
        %swap3A_173 = tpu.vector_load %arg8[%swap3A_172] {strides = array<i32>} : memref<2048xf32, #tpu.memory_space<vmem>>, vector<16xf32>,
        tpu.vector_store %arg8[%swap3A_172], %parallel_loop3A_142#7 {strides = array<i32>} : memref<2048xf32, #tpu.memory_space<vmem>>, vector<16xf32>,
      }
      %scan3A_112 = arith.constant 16 : i32
      "tpu.region"() ({
        %run_scoped3A = tpu.sem_alloc : memref<!tpu.dma_semaphore, #tpu.memory_space<semaphore_mem>>
        %dma_start3A_136 = arith.constant 0 : i32
        %dma_start3A_137 = tpu.memref_slice %arg4[%add3A, %mul3A_89, %dma_start3A_136] : memref<32x16x2048xf32, #tpu.memory_space<hbm>> -> memref<1x1x2048xf32, #tpu.memory_space<hbm>>
        %dma_start3A_138 = tpu.memref_squeeze %dma_start3A_137 : memref<1x1x2048xf32, #tpu.memory_space<hbm>> -> memref<2048xf32, #tpu.memory_space<hbm>>
        %dma_start3A_139 = arith.constant 0 : i32
        %dma_start3A_140 = tpu.memref_slice %arg4[%add3A, %mul3A_89, %dma_start3A_139] : memref<32x16x2048xf32, #tpu.memory_space<hbm>> -> memref<1x1x2048xf32, #tpu.memory_space<hbm>>
        %dma_start3A_141 = tpu.memref_squeeze %dma_start3A_140 : memref<1x1x2048xf32, #tpu.memory_space<hbm>> -> memref<2048xf32, #tpu.memory_space<hbm>>
        tpu.enqueue_dma source(%arg8 : memref<2048xf32, #tpu.memory_space<vmem>>) target(%dma_start3A_141 : memref<2048xf32, #tpu.memory_space<hbm>>) target_semaphore(%run_scoped3A : memref<!tpu.dma_semaphore, #tpu.memory_space<semaphore_mem>>)
        %dma_wait3A_142 = arith.constant 0 : i32
        %dma_wait3A_143 = tpu.memref_slice %arg4[%add3A, %mul3A_89, %dma_wait3A_142] : memref<32x16x2048xf32, #tpu.memory_space<hbm>> -> memref<1x1x2048xf32, #tpu.memory_space<hbm>>
        %dma_wait3A_144 = tpu.memref_squeeze %dma_wait3A_143 : memref<1x1x2048xf32, #tpu.memory_space<hbm>> -> memref<2048xf32, #tpu.memory_space<hbm>>
        %dma_wait3A_145 = arith.constant 0 : i32
        %dma_wait3A_146 = tpu.memref_slice %arg4[%add3A, %mul3A_89, %dma_wait3A_145] : memref<32x16x2048xf32, #tpu.memory_space<hbm>> -> memref<1x1x2048xf32, #tpu.memory_space<hbm>>
        %dma_wait3A_147 = tpu.memref_squeeze %dma_wait3A_146 : memref<1x1x2048xf32, #tpu.memory_space<hbm>> -> memref<2048xf32, #tpu.memory_space<hbm>>
        tpu.wait_dma2 semaphore(%run_scoped3A : memref<!tpu.dma_semaphore, #tpu.memory_space<semaphore_mem>>) src(%arg8 : memref<2048xf32, #tpu.memory_space<vmem>>) dst(%dma_wait3A_147 : memref<2048xf32, #tpu.memory_space<hbm>>)
        tpu.yield
      }) : () -> ()
      %add3A_113 = arith.constant 1 : i32
      %add3A_114 = arith.addi %mul3A_89, %add3A_113 : i32
      %dma_wait3A_115 = arith.constant 0 : i32
      %dma_wait3A_116 = arith.constant 0 : i32
      %dma_wait3A_117 = tpu.memref_slice %arg3[%add3A, %add3A_114, %dma_wait3A_115, %dma_wait3A_116] : memref<32x16x80x256xi32, #tpu.memory_space<hbm>> -> memref<1x1x80x256xi32, #tpu.memory_space<hbm>>
      %dma_wait3A_118 = tpu.memref_squeeze %dma_wait3A_117 : memref<1x1x80x256xi32, #tpu.memory_space<hbm>> -> memref<80x256xi32, #tpu.memory_space<hbm>>
      %dma_wait3A_119 = arith.constant 0 : i32
      %dma_wait3A_120 = arith.constant 0 : i32
      %dma_wait3A_121 = tpu.memref_slice %arg3[%add3A, %add3A_114, %dma_wait3A_119, %dma_wait3A_120] : memref<32x16x80x256xi32, #tpu.memory_space<hbm>> -> memref<1x1x80x256xi32, #tpu.memory_space<hbm>>
      %dma_wait3A_122 = tpu.memref_squeeze %dma_wait3A_121 : memref<1x1x80x256xi32, #tpu.memory_space<hbm>> -> memref<80x256xi32, #tpu.memory_space<hbm>>
      tpu.wait_dma2 semaphore(%arg10 : memref<!tpu.dma_semaphore, #tpu.memory_space<semaphore_mem>>) src(%dma_wait3A_122 : memref<80x256xi32, #tpu.memory_space<hbm>>) dst(%arg7 : memref<80x256xi32, #tpu.memory_space<vmem>>)
      %add3A_123 = arith.constant 1 : i32
      %add3A_124 = arith.addi %scan3A_87, %add3A_123 : i32
      %lt3A_125 = arith.constant 8 : i32
      %lt3A_126 = arith.cmpi slt, %add3A_124, %lt3A_125 : i32
      %convert_element_type3A = arith.extui %lt3A_126 : i1 to i32
      %cond3A = arith.constant 0 : i32
      %cond3A_127 = arith.cmpi ne, %convert_element_type3A, %cond3A : i32
      scf.if %cond3A_127 {
        %add3A_136 = arith.constant 2 : i32
        %add3A_137 = arith.addi %mul3A_89, %add3A_136 : i32
        %dma_start3A_138 = arith.constant 0 : i32
        %dma_start3A_139 = arith.constant 0 : i32
        %dma_start3A_140 = tpu.memref_slice %arg3[%add3A, %add3A_137, %dma_start3A_138, %dma_start3A_139] : memref<32x16x80x256xi32, #tpu.memory_space<hbm>> -> memref<1x1x80x256xi32, #tpu.memory_space<hbm>>
        %dma_start3A_141 = tpu.memref_squeeze %dma_start3A_140 : memref<1x1x80x256xi32, #tpu.memory_space<hbm>> -> memref<80x256xi32, #tpu.memory_space<hbm>>
        %dma_start3A_142 = arith.constant 0 : i32
        %dma_start3A_143 = arith.constant 0 : i32
        %dma_start3A_144 = tpu.memref_slice %arg3[%add3A, %add3A_137, %dma_start3A_142, %dma_start3A_143] : memref<32x16x80x256xi32, #tpu.memory_space<hbm>> -> memref<1x1x80x256xi32, #tpu.memory_space<hbm>>
        %dma_start3A_145 = tpu.memref_squeeze %dma_start3A_144 : memref<1x1x80x256xi32, #tpu.memory_space<hbm>> -> memref<80x256xi32, #tpu.memory_space<hbm>>
        tpu.enqueue_dma source(%dma_start3A_145 : memref<80x256xi32, #tpu.memory_space<hbm>>) target(%arg6 : memref<80x256xi32, #tpu.memory_space<vmem>>) target_semaphore(%arg9 : memref<!tpu.dma_semaphore, #tpu.memory_space<semaphore_mem>>)
      } else {
      }
      %add3A_128 = arith.constant 1 : i32
      %add3A_129 = arith.addi %mul3A_89, %add3A_128 : i32
      %scan3A_130 = arith.constant 0 : i32
      %scan3A_131 = arith.constant 0 : i32
      %scan3A_132 = arith.constant 16 : i32
      %scan3A_133 = arith.addi %scan3A_131, %scan3A_132 : i32
      %scan3A_134 = arith.constant 1 : i32
      scf.for %scan3A_136 = %scan3A_131 to %scan3A_133 step %scan3A_134  : i32 {
        %mul3A_137 = arith.constant 16 : i32
        %mul3A_138 = arith.muli %scan3A_136, %mul3A_137 : i32
        %multiple_of3A = tpu.assume_multiple %mul3A_138, 16 : i32
        %broadcast_in_dim3A = arith.constant 0.000000e+00 : f32
        %broadcast_in_dim3A_139 = vector.broadcast %broadcast_in_dim3A : f32 to vector<16xf32>
        %parallel_loop3A = arith.constant 0 : i32
        %parallel_loop3A_140 = arith.constant 80 : i32
        %parallel_loop3A_141 = arith.constant 1 : i32
        %parallel_loop3A_142:8 = scf.for %parallel_loop3A_174 = %parallel_loop3A to %parallel_loop3A_140 step %parallel_loop3A_141 iter_args(%parallel_loop3A_175 = %broadcast_in_dim3A_139, %parallel_loop3A_176 = %broadcast_in_dim3A_139, %parallel_loop3A_177 = %broadcast_in_dim3A_139, %parallel_loop3A_178 = %broadcast_in_dim3A_139, %parallel_loop3A_179 = %broadcast_in_dim3A_139, %parallel_loop3A_180 = %broadcast_in_dim3A_139, %parallel_loop3A_181 = %broadcast_in_dim3A_139, %parallel_loop3A_182 = %broadcast_in_dim3A_139) -> (vector<16xf32>, vector<16xf32>, vector<16xf32>, vector<16xf32>, vector<16xf32>, vector<16xf32>, vector<16xf32>, vector<16xf32>)  : i32 {
          %parallel_loop3A_183 = arith.index_cast %parallel_loop3A_174 : i32 to index
          %parallel_loop3A_184 = arith.index_cast %multiple_of3A : i32 to index
          %parallel_loop3A_185 = tpu.vector_load %arg7[%parallel_loop3A_183, %parallel_loop3A_184] {strides = array<i32>} : memref<80x256xi32, #tpu.memory_space<vmem>>, vector<16xi32>,
          %parallel_loop3A_186 = arith.constant 16383 : i32
          %parallel_loop3A_187 = vector.broadcast %parallel_loop3A_186 : i32 to vector<16xi32>
          %parallel_loop3A_188 = arith.andi %parallel_loop3A_185, %parallel_loop3A_187 : vector<16xi32>
          %parallel_loop3A_189 = arith.constant 2 : i32
          %parallel_loop3A_190 = vector.broadcast %parallel_loop3A_189 : i32 to vector<16xi32>
          %parallel_loop3A_191 = arith.shli %parallel_loop3A_188, %parallel_loop3A_190 : vector<16xi32>
          %parallel_loop3A_192 = arith.constant -65536 : i32
          %parallel_loop3A_193 = vector.broadcast %parallel_loop3A_192 : i32 to vector<16xi32>
          %parallel_loop3A_194 = arith.andi %parallel_loop3A_185, %parallel_loop3A_193 : vector<16xi32>
          %parallel_loop3A_195 = tpu.bitcast %parallel_loop3A_194 : vector<16xi32> -> vector<16xf32>
          %parallel_loop3A_196 = arith.constant 0 : i32
          %parallel_loop3A_197 = vector.broadcast %parallel_loop3A_196 : i32 to vector<16xi32>
          %parallel_loop3A_198 = arith.addi %parallel_loop3A_191, %parallel_loop3A_197 : vector<16xi32>
          %parallel_loop3A_199 = tpu.vector_load_idx %arg5[%parallel_loop3A_198] : memref<53376xi32, #tpu.memory_space<vmem>>[vector<16xi32>], vector<16xi32>,
          %parallel_loop3A_200 = arith.constant 16 : i32
          %parallel_loop3A_201 = vector.broadcast %parallel_loop3A_200 : i32 to vector<16xi32>
          %parallel_loop3A_202 = arith.shli %parallel_loop3A_199, %parallel_loop3A_201 : vector<16xi32>
          %parallel_loop3A_203 = tpu.bitcast %parallel_loop3A_202 : vector<16xi32> -> vector<16xf32>
          %parallel_loop3A_204 = arith.constant -65536 : i32
          %parallel_loop3A_205 = vector.broadcast %parallel_loop3A_204 : i32 to vector<16xi32>
          %parallel_loop3A_206 = arith.andi %parallel_loop3A_199, %parallel_loop3A_205 : vector<16xi32>
          %parallel_loop3A_207 = tpu.bitcast %parallel_loop3A_206 : vector<16xi32> -> vector<16xf32>
          %parallel_loop3A_208 = arith.mulf %parallel_loop3A_195, %parallel_loop3A_203 : vector<16xf32>
          %parallel_loop3A_209 = arith.addf %parallel_loop3A_175, %parallel_loop3A_208 : vector<16xf32>
          %parallel_loop3A_210 = arith.mulf %parallel_loop3A_195, %parallel_loop3A_207 : vector<16xf32>
          %parallel_loop3A_211 = arith.addf %parallel_loop3A_176, %parallel_loop3A_210 : vector<16xf32>
          %parallel_loop3A_212 = arith.constant 1 : i32
          %parallel_loop3A_213 = vector.broadcast %parallel_loop3A_212 : i32 to vector<16xi32>
          %parallel_loop3A_214 = arith.addi %parallel_loop3A_191, %parallel_loop3A_213 : vector<16xi32>
          %parallel_loop3A_215 = tpu.vector_load_idx %arg5[%parallel_loop3A_214] : memref<53376xi32, #tpu.memory_space<vmem>>[vector<16xi32>], vector<16xi32>,
          %parallel_loop3A_216 = arith.constant 16 : i32
          %parallel_loop3A_217 = vector.broadcast %parallel_loop3A_216 : i32 to vector<16xi32>
          %parallel_loop3A_218 = arith.shli %parallel_loop3A_215, %parallel_loop3A_217 : vector<16xi32>
          %parallel_loop3A_219 = tpu.bitcast %parallel_loop3A_218 : vector<16xi32> -> vector<16xf32>
          %parallel_loop3A_220 = arith.constant -65536 : i32
          %parallel_loop3A_221 = vector.broadcast %parallel_loop3A_220 : i32 to vector<16xi32>
          %parallel_loop3A_222 = arith.andi %parallel_loop3A_215, %parallel_loop3A_221 : vector<16xi32>
          %parallel_loop3A_223 = tpu.bitcast %parallel_loop3A_222 : vector<16xi32> -> vector<16xf32>
          %parallel_loop3A_224 = arith.mulf %parallel_loop3A_195, %parallel_loop3A_219 : vector<16xf32>
          %parallel_loop3A_225 = arith.addf %parallel_loop3A_177, %parallel_loop3A_224 : vector<16xf32>
          %parallel_loop3A_226 = arith.mulf %parallel_loop3A_195, %parallel_loop3A_223 : vector<16xf32>
          %parallel_loop3A_227 = arith.addf %parallel_loop3A_178, %parallel_loop3A_226 : vector<16xf32>
          %parallel_loop3A_228 = arith.constant 2 : i32
          %parallel_loop3A_229 = vector.broadcast %parallel_loop3A_228 : i32 to vector<16xi32>
          %parallel_loop3A_230 = arith.addi %parallel_loop3A_191, %parallel_loop3A_229 : vector<16xi32>
          %parallel_loop3A_231 = tpu.vector_load_idx %arg5[%parallel_loop3A_230] : memref<53376xi32, #tpu.memory_space<vmem>>[vector<16xi32>], vector<16xi32>,
          %parallel_loop3A_232 = arith.constant 16 : i32
          %parallel_loop3A_233 = vector.broadcast %parallel_loop3A_232 : i32 to vector<16xi32>
          %parallel_loop3A_234 = arith.shli %parallel_loop3A_231, %parallel_loop3A_233 : vector<16xi32>
          %parallel_loop3A_235 = tpu.bitcast %parallel_loop3A_234 : vector<16xi32> -> vector<16xf32>
          %parallel_loop3A_236 = arith.constant -65536 : i32
          %parallel_loop3A_237 = vector.broadcast %parallel_loop3A_236 : i32 to vector<16xi32>
          %parallel_loop3A_238 = arith.andi %parallel_loop3A_231, %parallel_loop3A_237 : vector<16xi32>
          %parallel_loop3A_239 = tpu.bitcast %parallel_loop3A_238 : vector<16xi32> -> vector<16xf32>
          %parallel_loop3A_240 = arith.mulf %parallel_loop3A_195, %parallel_loop3A_235 : vector<16xf32>
          %parallel_loop3A_241 = arith.addf %parallel_loop3A_179, %parallel_loop3A_240 : vector<16xf32>
          %parallel_loop3A_242 = arith.mulf %parallel_loop3A_195, %parallel_loop3A_239 : vector<16xf32>
          %parallel_loop3A_243 = arith.addf %parallel_loop3A_180, %parallel_loop3A_242 : vector<16xf32>
          %parallel_loop3A_244 = arith.constant 3 : i32
          %parallel_loop3A_245 = vector.broadcast %parallel_loop3A_244 : i32 to vector<16xi32>
          %parallel_loop3A_246 = arith.addi %parallel_loop3A_191, %parallel_loop3A_245 : vector<16xi32>
          %parallel_loop3A_247 = tpu.vector_load_idx %arg5[%parallel_loop3A_246] : memref<53376xi32, #tpu.memory_space<vmem>>[vector<16xi32>], vector<16xi32>,
          %parallel_loop3A_248 = arith.constant 16 : i32
          %parallel_loop3A_249 = vector.broadcast %parallel_loop3A_248 : i32 to vector<16xi32>
          %parallel_loop3A_250 = arith.shli %parallel_loop3A_247, %parallel_loop3A_249 : vector<16xi32>
          %parallel_loop3A_251 = tpu.bitcast %parallel_loop3A_250 : vector<16xi32> -> vector<16xf32>
          %parallel_loop3A_252 = arith.constant -65536 : i32
          %parallel_loop3A_253 = vector.broadcast %parallel_loop3A_252 : i32 to vector<16xi32>
          %parallel_loop3A_254 = arith.andi %parallel_loop3A_247, %parallel_loop3A_253 : vector<16xi32>
          %parallel_loop3A_255 = tpu.bitcast %parallel_loop3A_254 : vector<16xi32> -> vector<16xf32>
          %parallel_loop3A_256 = arith.mulf %parallel_loop3A_195, %parallel_loop3A_251 : vector<16xf32>
          %parallel_loop3A_257 = arith.addf %parallel_loop3A_181, %parallel_loop3A_256 : vector<16xf32>
          %parallel_loop3A_258 = arith.mulf %parallel_loop3A_195, %parallel_loop3A_255 : vector<16xf32>
          %parallel_loop3A_259 = arith.addf %parallel_loop3A_182, %parallel_loop3A_258 : vector<16xf32>
          scf.yield %parallel_loop3A_209, %parallel_loop3A_211, %parallel_loop3A_225, %parallel_loop3A_227, %parallel_loop3A_241, %parallel_loop3A_243, %parallel_loop3A_257, %parallel_loop3A_259 : vector<16xf32>, vector<16xf32>, vector<16xf32>, vector<16xf32>, vector<16xf32>, vector<16xf32>, vector<16xf32>, vector<16xf32>
        } {sc.loop_unroll_factor = 8 : i64, sc.parallel_access}
        %add3A_143 = arith.constant 0 : i32
        %add3A_144 = arith.addi %add3A_143, %multiple_of3A : i32
        %swap3A = arith.index_cast %add3A_144 : i32 to index
        %swap3A_145 = tpu.vector_load %arg8[%swap3A] {strides = array<i32>} : memref<2048xf32, #tpu.memory_space<vmem>>, vector<16xf32>,
        tpu.vector_store %arg8[%swap3A], %parallel_loop3A_142#0 {strides = array<i32>} : memref<2048xf32, #tpu.memory_space<vmem>>, vector<16xf32>,
        %add3A_146 = arith.constant 256 : i32
        %add3A_147 = arith.addi %add3A_146, %multiple_of3A : i32
        %swap3A_148 = arith.index_cast %add3A_147 : i32 to index
        %swap3A_149 = tpu.vector_load %arg8[%swap3A_148] {strides = array<i32>} : memref<2048xf32, #tpu.memory_space<vmem>>, vector<16xf32>,
        tpu.vector_store %arg8[%swap3A_148], %parallel_loop3A_142#1 {strides = array<i32>} : memref<2048xf32, #tpu.memory_space<vmem>>, vector<16xf32>,
        %add3A_150 = arith.constant 512 : i32
        %add3A_151 = arith.addi %add3A_150, %multiple_of3A : i32
        %swap3A_152 = arith.index_cast %add3A_151 : i32 to index
        %swap3A_153 = tpu.vector_load %arg8[%swap3A_152] {strides = array<i32>} : memref<2048xf32, #tpu.memory_space<vmem>>, vector<16xf32>,
        tpu.vector_store %arg8[%swap3A_152], %parallel_loop3A_142#2 {strides = array<i32>} : memref<2048xf32, #tpu.memory_space<vmem>>, vector<16xf32>,
        %add3A_154 = arith.constant 768 : i32
        %add3A_155 = arith.addi %add3A_154, %multiple_of3A : i32
        %swap3A_156 = arith.index_cast %add3A_155 : i32 to index
        %swap3A_157 = tpu.vector_load %arg8[%swap3A_156] {strides = array<i32>} : memref<2048xf32, #tpu.memory_space<vmem>>, vector<16xf32>,
        tpu.vector_store %arg8[%swap3A_156], %parallel_loop3A_142#3 {strides = array<i32>} : memref<2048xf32, #tpu.memory_space<vmem>>, vector<16xf32>,
        %add3A_158 = arith.constant 1024 : i32
        %add3A_159 = arith.addi %add3A_158, %multiple_of3A : i32
        %swap3A_160 = arith.index_cast %add3A_159 : i32 to index
        %swap3A_161 = tpu.vector_load %arg8[%swap3A_160] {strides = array<i32>} : memref<2048xf32, #tpu.memory_space<vmem>>, vector<16xf32>,
        tpu.vector_store %arg8[%swap3A_160], %parallel_loop3A_142#4 {strides = array<i32>} : memref<2048xf32, #tpu.memory_space<vmem>>, vector<16xf32>,
        %add3A_162 = arith.constant 1280 : i32
        %add3A_163 = arith.addi %add3A_162, %multiple_of3A : i32
        %swap3A_164 = arith.index_cast %add3A_163 : i32 to index
        %swap3A_165 = tpu.vector_load %arg8[%swap3A_164] {strides = array<i32>} : memref<2048xf32, #tpu.memory_space<vmem>>, vector<16xf32>,
        tpu.vector_store %arg8[%swap3A_164], %parallel_loop3A_142#5 {strides = array<i32>} : memref<2048xf32, #tpu.memory_space<vmem>>, vector<16xf32>,
        %add3A_166 = arith.constant 1536 : i32
        %add3A_167 = arith.addi %add3A_166, %multiple_of3A : i32
        %swap3A_168 = arith.index_cast %add3A_167 : i32 to index
        %swap3A_169 = tpu.vector_load %arg8[%swap3A_168] {strides = array<i32>} : memref<2048xf32, #tpu.memory_space<vmem>>, vector<16xf32>,
        tpu.vector_store %arg8[%swap3A_168], %parallel_loop3A_142#6 {strides = array<i32>} : memref<2048xf32, #tpu.memory_space<vmem>>, vector<16xf32>,
        %add3A_170 = arith.constant 1792 : i32
        %add3A_171 = arith.addi %add3A_170, %multiple_of3A : i32
        %swap3A_172 = arith.index_cast %add3A_171 : i32 to index
        %swap3A_173 = tpu.vector_load %arg8[%swap3A_172] {strides = array<i32>} : memref<2048xf32, #tpu.memory_space<vmem>>, vector<16xf32>,
        tpu.vector_store %arg8[%swap3A_172], %parallel_loop3A_142#7 {strides = array<i32>} : memref<2048xf32, #tpu.memory_space<vmem>>, vector<16xf32>,
      }
      %scan3A_135 = arith.constant 16 : i32
      "tpu.region"() ({
        %run_scoped3A = tpu.sem_alloc : memref<!tpu.dma_semaphore, #tpu.memory_space<semaphore_mem>>
        %dma_start3A_136 = arith.constant 0 : i32
        %dma_start3A_137 = tpu.memref_slice %arg4[%add3A, %add3A_129, %dma_start3A_136] : memref<32x16x2048xf32, #tpu.memory_space<hbm>> -> memref<1x1x2048xf32, #tpu.memory_space<hbm>>
        %dma_start3A_138 = tpu.memref_squeeze %dma_start3A_137 : memref<1x1x2048xf32, #tpu.memory_space<hbm>> -> memref<2048xf32, #tpu.memory_space<hbm>>
        %dma_start3A_139 = arith.constant 0 : i32
        %dma_start3A_140 = tpu.memref_slice %arg4[%add3A, %add3A_129, %dma_start3A_139] : memref<32x16x2048xf32, #tpu.memory_space<hbm>> -> memref<1x1x2048xf32, #tpu.memory_space<hbm>>
        %dma_start3A_141 = tpu.memref_squeeze %dma_start3A_140 : memref<1x1x2048xf32, #tpu.memory_space<hbm>> -> memref<2048xf32, #tpu.memory_space<hbm>>
        tpu.enqueue_dma source(%arg8 : memref<2048xf32, #tpu.memory_space<vmem>>) target(%dma_start3A_141 : memref<2048xf32, #tpu.memory_space<hbm>>) target_semaphore(%run_scoped3A : memref<!tpu.dma_semaphore, #tpu.memory_space<semaphore_mem>>)
        %dma_wait3A_142 = arith.constant 0 : i32
        %dma_wait3A_143 = tpu.memref_slice %arg4[%add3A, %add3A_129, %dma_wait3A_142] : memref<32x16x2048xf32, #tpu.memory_space<hbm>> -> memref<1x1x2048xf32, #tpu.memory_space<hbm>>
        %dma_wait3A_144 = tpu.memref_squeeze %dma_wait3A_143 : memref<1x1x2048xf32, #tpu.memory_space<hbm>> -> memref<2048xf32, #tpu.memory_space<hbm>>
        %dma_wait3A_145 = arith.constant 0 : i32
        %dma_wait3A_146 = tpu.memref_slice %arg4[%add3A, %add3A_129, %dma_wait3A_145] : memref<32x16x2048xf32, #tpu.memory_space<hbm>> -> memref<1x1x2048xf32, #tpu.memory_space<hbm>>
        %dma_wait3A_147 = tpu.memref_squeeze %dma_wait3A_146 : memref<1x1x2048xf32, #tpu.memory_space<hbm>> -> memref<2048xf32, #tpu.memory_space<hbm>>
        tpu.wait_dma2 semaphore(%run_scoped3A : memref<!tpu.dma_semaphore, #tpu.memory_space<semaphore_mem>>) src(%arg8 : memref<2048xf32, #tpu.memory_space<vmem>>) dst(%dma_wait3A_147 : memref<2048xf32, #tpu.memory_space<hbm>>)
        tpu.yield
      }) : () -> ()
    }
    %scan3A_86 = arith.constant 8 : i32
    return
  }
}

#map = affine_map<(d0, d1) -> (0, 0)>
#map1 = affine_map<(d0, d1) -> (0, 0, 0, 0)>
#map2 = affine_map<(d0, d1) -> (0, 0, 0)>
module attributes {stable_mosaic.version = 14 : i64} {
  func.func @_sc_body(%arg0: i32, %arg1: i32, %arg2: memref<16x53376xi32, #tpu.memory_space<hbm>>, %arg3: memref<32x16x80x256xi32, #tpu.memory_space<hbm>>, %arg4: memref<32x16x2048xf32, #tpu.memory_space<hbm>>, %arg5: memref<53376xi32, #tpu.memory_space<vmem>>, %arg6: memref<80x256xi32, #tpu.memory_space<vmem>>, %arg7: memref<80x256xi32, #tpu.memory_space<vmem>>, %arg8: memref<2048xf32, #tpu.memory_space<vmem>>, %arg9: memref<!tpu.dma_semaphore, #tpu.memory_space<semaphore_mem>>, %arg10: memref<!tpu.dma_semaphore, #tpu.memory_space<semaphore_mem>>) attributes {dimension_semantics = [#tpu.dimension_semantics<core_parallel>, #tpu.dimension_semantics<subcore_parallel>], iteration_bounds = array<i64: 2, 16>, scalar_prefetch = 0 : i64, scratch_operands = 6 : i64, tpu.core_type = #tpu.core_type<sc_vector_subcore>, window_params = [{transform_indices = #map}, {transform_indices = #map1}, {transform_indices = #map2}]} {
    %mul3A = arith.constant 2 : i32
    %mul3A_0 = arith.muli %arg1, %mul3A : i32
    %add3A = arith.addi %mul3A_0, %arg0 : i32
    %jit3A = arith.constant 8 : i32
    %eq3A = arith.constant 0 : i32
    %eq3A_1 = arith.cmpi eq, %jit3A, %eq3A : i32
    %jit3A_2 = arith.constant 1 : i32
    %select_n3A = arith.select %eq3A_1, %jit3A_2, %jit3A : i32
    %rem3A = arith.remsi %add3A, %select_n3A : i32
    %ne3A = arith.constant 0 : i32
    %ne3A_3 = arith.cmpi ne, %rem3A, %ne3A : i32
    %lt3A = arith.constant 0 : i32
    %lt3A_4 = arith.cmpi slt, %rem3A, %lt3A : i32
    %lt3A_5 = arith.constant 0 : i32
    %lt3A_6 = arith.cmpi slt, %select_n3A, %lt3A_5 : i32
    %ne3A_7 = arith.xori %lt3A_4, %lt3A_6 : i1
    %and3A = arith.andi %ne3A_7, %ne3A_3 : i1
    %add3A_8 = arith.addi %rem3A, %select_n3A : i32
    %select_n3A_9 = arith.select %and3A, %add3A_8, %rem3A : i32
    %jit3A_10 = arith.constant 8 : i32
    %div3A = arith.divsi %add3A, %jit3A_10 : i32
    %sign3A = arith.constant 0 : i32
    %sign3A_11 = arith.cmpi sgt, %add3A, %sign3A : i32
    %sign3A_12 = arith.extui %sign3A_11 : i1 to i32
    %sign3A_13 = arith.constant 0 : i32
    %sign3A_14 = arith.cmpi slt, %add3A, %sign3A_13 : i32
    %sign3A_15 = arith.extui %sign3A_14 : i1 to i32
    %sign3A_16 = arith.subi %sign3A_12, %sign3A_15 : i32
    %sign3A_17 = arith.constant 0 : i32
    %sign3A_18 = arith.cmpi sgt, %jit3A_10, %sign3A_17 : i32
    %sign3A_19 = arith.extui %sign3A_18 : i1 to i32
    %sign3A_20 = arith.constant 0 : i32
    %sign3A_21 = arith.cmpi slt, %jit3A_10, %sign3A_20 : i32
    %sign3A_22 = arith.extui %sign3A_21 : i1 to i32
    %sign3A_23 = arith.subi %sign3A_19, %sign3A_22 : i32
    %ne3A_24 = arith.cmpi ne, %sign3A_16, %sign3A_23 : i32
    %rem3A_25 = arith.remsi %add3A, %jit3A_10 : i32
    %ne3A_26 = arith.constant 0 : i32
    %ne3A_27 = arith.cmpi ne, %rem3A_25, %ne3A_26 : i32
    %and3A_28 = arith.andi %ne3A_24, %ne3A_27 : i1
    %sub3A = arith.constant 1 : i32
    %sub3A_29 = arith.subi %div3A, %sub3A : i32
    %select_n3A_30 = arith.select %and3A_28, %sub3A_29, %div3A : i32
    %jit3A_31 = arith.constant 2 : i32
    %eq3A_32 = arith.constant 0 : i32
    %eq3A_33 = arith.cmpi eq, %jit3A_31, %eq3A_32 : i32
    %jit3A_34 = arith.constant 1 : i32
    %select_n3A_35 = arith.select %eq3A_33, %jit3A_34, %jit3A_31 : i32
    %rem3A_36 = arith.remsi %select_n3A_30, %select_n3A_35 : i32
    %ne3A_37 = arith.constant 0 : i32
    %ne3A_38 = arith.cmpi ne, %rem3A_36, %ne3A_37 : i32
    %lt3A_39 = arith.constant 0 : i32
    %lt3A_40 = arith.cmpi slt, %rem3A_36, %lt3A_39 : i32
    %lt3A_41 = arith.constant 0 : i32
    %lt3A_42 = arith.cmpi slt, %select_n3A_35, %lt3A_41 : i32
    %ne3A_43 = arith.xori %lt3A_40, %lt3A_42 : i1
    %and3A_44 = arith.andi %ne3A_43, %ne3A_38 : i1
    %add3A_45 = arith.addi %rem3A_36, %select_n3A_35 : i32
    %select_n3A_46 = arith.select %and3A_44, %add3A_45, %rem3A_36 : i32
    %jit3A_47 = arith.constant 16 : i32
    %div3A_48 = arith.divsi %add3A, %jit3A_47 : i32
    %sign3A_49 = arith.constant 0 : i32
    %sign3A_50 = arith.cmpi sgt, %add3A, %sign3A_49 : i32
    %sign3A_51 = arith.extui %sign3A_50 : i1 to i32
    %sign3A_52 = arith.constant 0 : i32
    %sign3A_53 = arith.cmpi slt, %add3A, %sign3A_52 : i32
    %sign3A_54 = arith.extui %sign3A_53 : i1 to i32
    %sign3A_55 = arith.subi %sign3A_51, %sign3A_54 : i32
    %sign3A_56 = arith.constant 0 : i32
    %sign3A_57 = arith.cmpi sgt, %jit3A_47, %sign3A_56 : i32
    %sign3A_58 = arith.extui %sign3A_57 : i1 to i32
    %sign3A_59 = arith.constant 0 : i32
    %sign3A_60 = arith.cmpi slt, %jit3A_47, %sign3A_59 : i32
    %sign3A_61 = arith.extui %sign3A_60 : i1 to i32
    %sign3A_62 = arith.subi %sign3A_58, %sign3A_61 : i32
    %ne3A_63 = arith.cmpi ne, %sign3A_55, %sign3A_62 : i32
    %rem3A_64 = arith.remsi %add3A, %jit3A_47 : i32
    %ne3A_65 = arith.constant 0 : i32
    %ne3A_66 = arith.cmpi ne, %rem3A_64, %ne3A_65 : i32
    %and3A_67 = arith.andi %ne3A_63, %ne3A_66 : i1
    %sub3A_68 = arith.constant 1 : i32
    %sub3A_69 = arith.subi %div3A_48, %sub3A_68 : i32
    %select_n3A_70 = arith.select %and3A_67, %sub3A_69, %div3A_48 : i32
    %mul3A_71 = arith.constant 8 : i32
    %mul3A_72 = arith.muli %select_n3A_46, %mul3A_71 : i32
    %add3A_73 = arith.addi %mul3A_72, %select_n3A_9 : i32
    "tpu.region"() ({
      %run_scoped3A = tpu.sem_alloc : memref<!tpu.dma_semaphore, #tpu.memory_space<semaphore_mem>>
      %dma_start3A_87 = arith.constant 0 : i32
      %dma_start3A_88 = tpu.memref_slice %arg2[%add3A_73, %dma_start3A_87] : memref<16x53376xi32, #tpu.memory_space<hbm>> -> memref<1x53376xi32, #tpu.memory_space<hbm>>
      %dma_start3A_89 = tpu.memref_squeeze %dma_start3A_88 : memref<1x53376xi32, #tpu.memory_space<hbm>> -> memref<53376xi32, #tpu.memory_space<hbm>>
      %dma_start3A_90 = arith.constant 0 : i32
      %dma_start3A_91 = tpu.memref_slice %arg2[%add3A_73, %dma_start3A_90] : memref<16x53376xi32, #tpu.memory_space<hbm>> -> memref<1x53376xi32, #tpu.memory_space<hbm>>
      %dma_start3A_92 = tpu.memref_squeeze %dma_start3A_91 : memref<1x53376xi32, #tpu.memory_space<hbm>> -> memref<53376xi32, #tpu.memory_space<hbm>>
      tpu.enqueue_dma source(%dma_start3A_92 : memref<53376xi32, #tpu.memory_space<hbm>>) target(%arg5 : memref<53376xi32, #tpu.memory_space<vmem>>) target_semaphore(%run_scoped3A : memref<!tpu.dma_semaphore, #tpu.memory_space<semaphore_mem>>)
      %dma_wait3A = arith.constant 0 : i32
      %dma_wait3A_93 = tpu.memref_slice %arg2[%add3A_73, %dma_wait3A] : memref<16x53376xi32, #tpu.memory_space<hbm>> -> memref<1x53376xi32, #tpu.memory_space<hbm>>
      %dma_wait3A_94 = tpu.memref_squeeze %dma_wait3A_93 : memref<1x53376xi32, #tpu.memory_space<hbm>> -> memref<53376xi32, #tpu.memory_space<hbm>>
      %dma_wait3A_95 = arith.constant 0 : i32
      %dma_wait3A_96 = tpu.memref_slice %arg2[%add3A_73, %dma_wait3A_95] : memref<16x53376xi32, #tpu.memory_space<hbm>> -> memref<1x53376xi32, #tpu.memory_space<hbm>>
      %dma_wait3A_97 = tpu.memref_squeeze %dma_wait3A_96 : memref<1x53376xi32, #tpu.memory_space<hbm>> -> memref<53376xi32, #tpu.memory_space<hbm>>
      tpu.wait_dma2 semaphore(%run_scoped3A : memref<!tpu.dma_semaphore, #tpu.memory_space<semaphore_mem>>) src(%dma_wait3A_97 : memref<53376xi32, #tpu.memory_space<hbm>>) dst(%arg5 : memref<53376xi32, #tpu.memory_space<vmem>>)
      tpu.yield
    }) : () -> ()
    %dma_start3A = arith.constant 0 : i32
    %dma_start3A_74 = arith.constant 0 : i32
    %dma_start3A_75 = arith.constant 0 : i32
    %dma_start3A_76 = tpu.memref_slice %arg3[%add3A, %dma_start3A, %dma_start3A_74, %dma_start3A_75] : memref<32x16x80x256xi32, #tpu.memory_space<hbm>> -> memref<1x1x80x256xi32, #tpu.memory_space<hbm>>
    %dma_start3A_77 = tpu.memref_squeeze %dma_start3A_76 : memref<1x1x80x256xi32, #tpu.memory_space<hbm>> -> memref<80x256xi32, #tpu.memory_space<hbm>>
    %dma_start3A_78 = arith.constant 0 : i32
    %dma_start3A_79 = arith.constant 0 : i32
    %dma_start3A_80 = tpu.memref_slice %arg3[%add3A, %dma_start3A, %dma_start3A_78, %dma_start3A_79] : memref<32x16x80x256xi32, #tpu.memory_space<hbm>> -> memref<1x1x80x256xi32, #tpu.memory_space<hbm>>
    %dma_start3A_81 = tpu.memref_squeeze %dma_start3A_80 : memref<1x1x80x256xi32, #tpu.memory_space<hbm>> -> memref<80x256xi32, #tpu.memory_space<hbm>>
    tpu.enqueue_dma source(%dma_start3A_81 : memref<80x256xi32, #tpu.memory_space<hbm>>) target(%arg6 : memref<80x256xi32, #tpu.memory_space<vmem>>) target_semaphore(%arg9 : memref<!tpu.dma_semaphore, #tpu.memory_space<semaphore_mem>>)
    %scan3A = arith.constant 0 : i32
    %scan3A_82 = arith.constant 0 : i32
    %scan3A_83 = arith.constant 8 : i32
    %scan3A_84 = arith.addi %scan3A_82, %scan3A_83 : i32
    %scan3A_85 = arith.constant 1 : i32
    scf.for %scan3A_87 = %scan3A_82 to %scan3A_84 step %scan3A_85  : i32 {
      %mul3A_88 = arith.constant 2 : i32
      %mul3A_89 = arith.muli %scan3A_87, %mul3A_88 : i32
      %dma_wait3A = arith.constant 0 : i32
      %dma_wait3A_90 = arith.constant 0 : i32
      %dma_wait3A_91 = tpu.memref_slice %arg3[%add3A, %mul3A_89, %dma_wait3A, %dma_wait3A_90] : memref<32x16x80x256xi32, #tpu.memory_space<hbm>> -> memref<1x1x80x256xi32, #tpu.memory_space<hbm>>
      %dma_wait3A_92 = tpu.memref_squeeze %dma_wait3A_91 : memref<1x1x80x256xi32, #tpu.memory_space<hbm>> -> memref<80x256xi32, #tpu.memory_space<hbm>>
      %dma_wait3A_93 = arith.constant 0 : i32
      %dma_wait3A_94 = arith.constant 0 : i32
      %dma_wait3A_95 = tpu.memref_slice %arg3[%add3A, %mul3A_89, %dma_wait3A_93, %dma_wait3A_94] : memref<32x16x80x256xi32, #tpu.memory_space<hbm>> -> memref<1x1x80x256xi32, #tpu.memory_space<hbm>>
      %dma_wait3A_96 = tpu.memref_squeeze %dma_wait3A_95 : memref<1x1x80x256xi32, #tpu.memory_space<hbm>> -> memref<80x256xi32, #tpu.memory_space<hbm>>
      tpu.wait_dma2 semaphore(%arg9 : memref<!tpu.dma_semaphore, #tpu.memory_space<semaphore_mem>>) src(%dma_wait3A_96 : memref<80x256xi32, #tpu.memory_space<hbm>>) dst(%arg6 : memref<80x256xi32, #tpu.memory_space<vmem>>)
      %add3A_97 = arith.constant 1 : i32
      %add3A_98 = arith.addi %mul3A_89, %add3A_97 : i32
      %dma_start3A_99 = arith.constant 0 : i32
      %dma_start3A_100 = arith.constant 0 : i32
      %dma_start3A_101 = tpu.memref_slice %arg3[%add3A, %add3A_98, %dma_start3A_99, %dma_start3A_100] : memref<32x16x80x256xi32, #tpu.memory_space<hbm>> -> memref<1x1x80x256xi32, #tpu.memory_space<hbm>>
      %dma_start3A_102 = tpu.memref_squeeze %dma_start3A_101 : memref<1x1x80x256xi32, #tpu.memory_space<hbm>> -> memref<80x256xi32, #tpu.memory_space<hbm>>
      %dma_start3A_103 = arith.constant 0 : i32
      %dma_start3A_104 = arith.constant 0 : i32
      %dma_start3A_105 = tpu.memref_slice %arg3[%add3A, %add3A_98, %dma_start3A_103, %dma_start3A_104] : memref<32x16x80x256xi32, #tpu.memory_space<hbm>> -> memref<1x1x80x256xi32, #tpu.memory_space<hbm>>
      %dma_start3A_106 = tpu.memref_squeeze %dma_start3A_105 : memref<1x1x80x256xi32, #tpu.memory_space<hbm>> -> memref<80x256xi32, #tpu.memory_space<hbm>>
      tpu.enqueue_dma source(%dma_start3A_106 : memref<80x256xi32, #tpu.memory_space<hbm>>) target(%arg7 : memref<80x256xi32, #tpu.memory_space<vmem>>) target_semaphore(%arg10 : memref<!tpu.dma_semaphore, #tpu.memory_space<semaphore_mem>>)
      %scan3A_107 = arith.constant 0 : i32
      %scan3A_108 = arith.constant 0 : i32
      %scan3A_109 = arith.constant 16 : i32
      %scan3A_110 = arith.addi %scan3A_108, %scan3A_109 : i32
      %scan3A_111 = arith.constant 1 : i32
      scf.for %scan3A_136 = %scan3A_108 to %scan3A_110 step %scan3A_111  : i32 {
        %mul3A_137 = arith.constant 16 : i32
        %mul3A_138 = arith.muli %scan3A_136, %mul3A_137 : i32
        %multiple_of3A = tpu.assume_multiple %mul3A_138, 16 : i32
        %broadcast_in_dim3A = arith.constant 0.000000e+00 : f32
        %broadcast_in_dim3A_139 = vector.broadcast %broadcast_in_dim3A : f32 to vector<16xf32>
        %parallel_loop3A = arith.constant 0 : i32
        %parallel_loop3A_140 = arith.constant 80 : i32
        %parallel_loop3A_141 = arith.constant 1 : i32
        %parallel_loop3A_142:8 = scf.for %parallel_loop3A_174 = %parallel_loop3A to %parallel_loop3A_140 step %parallel_loop3A_141 iter_args(%parallel_loop3A_175 = %broadcast_in_dim3A_139, %parallel_loop3A_176 = %broadcast_in_dim3A_139, %parallel_loop3A_177 = %broadcast_in_dim3A_139, %parallel_loop3A_178 = %broadcast_in_dim3A_139, %parallel_loop3A_179 = %broadcast_in_dim3A_139, %parallel_loop3A_180 = %broadcast_in_dim3A_139, %parallel_loop3A_181 = %broadcast_in_dim3A_139, %parallel_loop3A_182 = %broadcast_in_dim3A_139) -> (vector<16xf32>, vector<16xf32>, vector<16xf32>, vector<16xf32>, vector<16xf32>, vector<16xf32>, vector<16xf32>, vector<16xf32>)  : i32 {
          %parallel_loop3A_183 = arith.index_cast %parallel_loop3A_174 : i32 to index
          %parallel_loop3A_184 = arith.index_cast %multiple_of3A : i32 to index
          %parallel_loop3A_185 = tpu.vector_load %arg6[%parallel_loop3A_183, %parallel_loop3A_184] {strides = array<i32>} : memref<80x256xi32, #tpu.memory_space<vmem>>, vector<16xi32>,
          %parallel_loop3A_186 = arith.constant 16383 : i32
          %parallel_loop3A_187 = vector.broadcast %parallel_loop3A_186 : i32 to vector<16xi32>
          %parallel_loop3A_188 = arith.andi %parallel_loop3A_185, %parallel_loop3A_187 : vector<16xi32>
          %parallel_loop3A_189 = arith.constant 2 : i32
          %parallel_loop3A_190 = vector.broadcast %parallel_loop3A_189 : i32 to vector<16xi32>
          %parallel_loop3A_191 = arith.shli %parallel_loop3A_188, %parallel_loop3A_190 : vector<16xi32>
          %parallel_loop3A_192 = arith.constant -65536 : i32
          %parallel_loop3A_193 = vector.broadcast %parallel_loop3A_192 : i32 to vector<16xi32>
          %parallel_loop3A_194 = arith.andi %parallel_loop3A_185, %parallel_loop3A_193 : vector<16xi32>
          %parallel_loop3A_195 = tpu.bitcast %parallel_loop3A_194 : vector<16xi32> -> vector<16xf32>
          %parallel_loop3A_196 = arith.constant 0 : i32
          %parallel_loop3A_197 = vector.broadcast %parallel_loop3A_196 : i32 to vector<16xi32>
          %parallel_loop3A_198 = arith.addi %parallel_loop3A_191, %parallel_loop3A_197 : vector<16xi32>
          %parallel_loop3A_199 = tpu.vector_load_idx %arg5[%parallel_loop3A_198] : memref<53376xi32, #tpu.memory_space<vmem>>[vector<16xi32>], vector<16xi32>,
          %parallel_loop3A_200 = arith.constant 16 : i32
          %parallel_loop3A_201 = vector.broadcast %parallel_loop3A_200 : i32 to vector<16xi32>
          %parallel_loop3A_202 = arith.shli %parallel_loop3A_199, %parallel_loop3A_201 : vector<16xi32>
          %parallel_loop3A_203 = tpu.bitcast %parallel_loop3A_202 : vector<16xi32> -> vector<16xf32>
          %parallel_loop3A_204 = arith.constant -65536 : i32
          %parallel_loop3A_205 = vector.broadcast %parallel_loop3A_204 : i32 to vector<16xi32>
          %parallel_loop3A_206 = arith.andi %parallel_loop3A_199, %parallel_loop3A_205 : vector<16xi32>
          %parallel_loop3A_207 = tpu.bitcast %parallel_loop3A_206 : vector<16xi32> -> vector<16xf32>
          %parallel_loop3A_208 = arith.mulf %parallel_loop3A_195, %parallel_loop3A_203 : vector<16xf32>
          %parallel_loop3A_209 = arith.addf %parallel_loop3A_175, %parallel_loop3A_208 : vector<16xf32>
          %parallel_loop3A_210 = arith.mulf %parallel_loop3A_195, %parallel_loop3A_207 : vector<16xf32>
          %parallel_loop3A_211 = arith.addf %parallel_loop3A_176, %parallel_loop3A_210 : vector<16xf32>
          %parallel_loop3A_212 = arith.constant 1 : i32
          %parallel_loop3A_213 = vector.broadcast %parallel_loop3A_212 : i32 to vector<16xi32>
          %parallel_loop3A_214 = arith.addi %parallel_loop3A_191, %parallel_loop3A_213 : vector<16xi32>
          %parallel_loop3A_215 = tpu.vector_load_idx %arg5[%parallel_loop3A_214] : memref<53376xi32, #tpu.memory_space<vmem>>[vector<16xi32>], vector<16xi32>,
          %parallel_loop3A_216 = arith.constant 16 : i32
          %parallel_loop3A_217 = vector.broadcast %parallel_loop3A_216 : i32 to vector<16xi32>
          %parallel_loop3A_218 = arith.shli %parallel_loop3A_215, %parallel_loop3A_217 : vector<16xi32>
          %parallel_loop3A_219 = tpu.bitcast %parallel_loop3A_218 : vector<16xi32> -> vector<16xf32>
          %parallel_loop3A_220 = arith.constant -65536 : i32
          %parallel_loop3A_221 = vector.broadcast %parallel_loop3A_220 : i32 to vector<16xi32>
          %parallel_loop3A_222 = arith.andi %parallel_loop3A_215, %parallel_loop3A_221 : vector<16xi32>
          %parallel_loop3A_223 = tpu.bitcast %parallel_loop3A_222 : vector<16xi32> -> vector<16xf32>
          %parallel_loop3A_224 = arith.mulf %parallel_loop3A_195, %parallel_loop3A_219 : vector<16xf32>
          %parallel_loop3A_225 = arith.addf %parallel_loop3A_177, %parallel_loop3A_224 : vector<16xf32>
          %parallel_loop3A_226 = arith.mulf %parallel_loop3A_195, %parallel_loop3A_223 : vector<16xf32>
          %parallel_loop3A_227 = arith.addf %parallel_loop3A_178, %parallel_loop3A_226 : vector<16xf32>
          %parallel_loop3A_228 = arith.constant 2 : i32
          %parallel_loop3A_229 = vector.broadcast %parallel_loop3A_228 : i32 to vector<16xi32>
          %parallel_loop3A_230 = arith.addi %parallel_loop3A_191, %parallel_loop3A_229 : vector<16xi32>
          %parallel_loop3A_231 = tpu.vector_load_idx %arg5[%parallel_loop3A_230] : memref<53376xi32, #tpu.memory_space<vmem>>[vector<16xi32>], vector<16xi32>,
          %parallel_loop3A_232 = arith.constant 16 : i32
          %parallel_loop3A_233 = vector.broadcast %parallel_loop3A_232 : i32 to vector<16xi32>
          %parallel_loop3A_234 = arith.shli %parallel_loop3A_231, %parallel_loop3A_233 : vector<16xi32>
          %parallel_loop3A_235 = tpu.bitcast %parallel_loop3A_234 : vector<16xi32> -> vector<16xf32>
          %parallel_loop3A_236 = arith.constant -65536 : i32
          %parallel_loop3A_237 = vector.broadcast %parallel_loop3A_236 : i32 to vector<16xi32>
          %parallel_loop3A_238 = arith.andi %parallel_loop3A_231, %parallel_loop3A_237 : vector<16xi32>
          %parallel_loop3A_239 = tpu.bitcast %parallel_loop3A_238 : vector<16xi32> -> vector<16xf32>
          %parallel_loop3A_240 = arith.mulf %parallel_loop3A_195, %parallel_loop3A_235 : vector<16xf32>
          %parallel_loop3A_241 = arith.addf %parallel_loop3A_179, %parallel_loop3A_240 : vector<16xf32>
          %parallel_loop3A_242 = arith.mulf %parallel_loop3A_195, %parallel_loop3A_239 : vector<16xf32>
          %parallel_loop3A_243 = arith.addf %parallel_loop3A_180, %parallel_loop3A_242 : vector<16xf32>
          %parallel_loop3A_244 = arith.constant 3 : i32
          %parallel_loop3A_245 = vector.broadcast %parallel_loop3A_244 : i32 to vector<16xi32>
          %parallel_loop3A_246 = arith.addi %parallel_loop3A_191, %parallel_loop3A_245 : vector<16xi32>
          %parallel_loop3A_247 = tpu.vector_load_idx %arg5[%parallel_loop3A_246] : memref<53376xi32, #tpu.memory_space<vmem>>[vector<16xi32>], vector<16xi32>,
          %parallel_loop3A_248 = arith.constant 16 : i32
          %parallel_loop3A_249 = vector.broadcast %parallel_loop3A_248 : i32 to vector<16xi32>
          %parallel_loop3A_250 = arith.shli %parallel_loop3A_247, %parallel_loop3A_249 : vector<16xi32>
          %parallel_loop3A_251 = tpu.bitcast %parallel_loop3A_250 : vector<16xi32> -> vector<16xf32>
          %parallel_loop3A_252 = arith.constant -65536 : i32
          %parallel_loop3A_253 = vector.broadcast %parallel_loop3A_252 : i32 to vector<16xi32>
          %parallel_loop3A_254 = arith.andi %parallel_loop3A_247, %parallel_loop3A_253 : vector<16xi32>
          %parallel_loop3A_255 = tpu.bitcast %parallel_loop3A_254 : vector<16xi32> -> vector<16xf32>
          %parallel_loop3A_256 = arith.mulf %parallel_loop3A_195, %parallel_loop3A_251 : vector<16xf32>
          %parallel_loop3A_257 = arith.addf %parallel_loop3A_181, %parallel_loop3A_256 : vector<16xf32>
          %parallel_loop3A_258 = arith.mulf %parallel_loop3A_195, %parallel_loop3A_255 : vector<16xf32>
          %parallel_loop3A_259 = arith.addf %parallel_loop3A_182, %parallel_loop3A_258 : vector<16xf32>
          scf.yield %parallel_loop3A_209, %parallel_loop3A_211, %parallel_loop3A_225, %parallel_loop3A_227, %parallel_loop3A_241, %parallel_loop3A_243, %parallel_loop3A_257, %parallel_loop3A_259 : vector<16xf32>, vector<16xf32>, vector<16xf32>, vector<16xf32>, vector<16xf32>, vector<16xf32>, vector<16xf32>, vector<16xf32>
        } {sc.loop_unroll_factor = 8 : i64, sc.parallel_access}
        %add3A_143 = arith.constant 0 : i32
        %add3A_144 = arith.addi %add3A_143, %multiple_of3A : i32
        %swap3A = arith.index_cast %add3A_144 : i32 to index
        %swap3A_145 = tpu.vector_load %arg8[%swap3A] {strides = array<i32>} : memref<2048xf32, #tpu.memory_space<vmem>>, vector<16xf32>,
        tpu.vector_store %arg8[%swap3A], %parallel_loop3A_142#0 {strides = array<i32>} : memref<2048xf32, #tpu.memory_space<vmem>>, vector<16xf32>,
        %add3A_146 = arith.constant 256 : i32
        %add3A_147 = arith.addi %add3A_146, %multiple_of3A : i32
        %swap3A_148 = arith.index_cast %add3A_147 : i32 to index
        %swap3A_149 = tpu.vector_load %arg8[%swap3A_148] {strides = array<i32>} : memref<2048xf32, #tpu.memory_space<vmem>>, vector<16xf32>,
        tpu.vector_store %arg8[%swap3A_148], %parallel_loop3A_142#1 {strides = array<i32>} : memref<2048xf32, #tpu.memory_space<vmem>>, vector<16xf32>,
        %add3A_150 = arith.constant 512 : i32
        %add3A_151 = arith.addi %add3A_150, %multiple_of3A : i32
        %swap3A_152 = arith.index_cast %add3A_151 : i32 to index
        %swap3A_153 = tpu.vector_load %arg8[%swap3A_152] {strides = array<i32>} : memref<2048xf32, #tpu.memory_space<vmem>>, vector<16xf32>,
        tpu.vector_store %arg8[%swap3A_152], %parallel_loop3A_142#2 {strides = array<i32>} : memref<2048xf32, #tpu.memory_space<vmem>>, vector<16xf32>,
        %add3A_154 = arith.constant 768 : i32
        %add3A_155 = arith.addi %add3A_154, %multiple_of3A : i32
        %swap3A_156 = arith.index_cast %add3A_155 : i32 to index
        %swap3A_157 = tpu.vector_load %arg8[%swap3A_156] {strides = array<i32>} : memref<2048xf32, #tpu.memory_space<vmem>>, vector<16xf32>,
        tpu.vector_store %arg8[%swap3A_156], %parallel_loop3A_142#3 {strides = array<i32>} : memref<2048xf32, #tpu.memory_space<vmem>>, vector<16xf32>,
        %add3A_158 = arith.constant 1024 : i32
        %add3A_159 = arith.addi %add3A_158, %multiple_of3A : i32
        %swap3A_160 = arith.index_cast %add3A_159 : i32 to index
        %swap3A_161 = tpu.vector_load %arg8[%swap3A_160] {strides = array<i32>} : memref<2048xf32, #tpu.memory_space<vmem>>, vector<16xf32>,
        tpu.vector_store %arg8[%swap3A_160], %parallel_loop3A_142#4 {strides = array<i32>} : memref<2048xf32, #tpu.memory_space<vmem>>, vector<16xf32>,
        %add3A_162 = arith.constant 1280 : i32
        %add3A_163 = arith.addi %add3A_162, %multiple_of3A : i32
        %swap3A_164 = arith.index_cast %add3A_163 : i32 to index
        %swap3A_165 = tpu.vector_load %arg8[%swap3A_164] {strides = array<i32>} : memref<2048xf32, #tpu.memory_space<vmem>>, vector<16xf32>,
        tpu.vector_store %arg8[%swap3A_164], %parallel_loop3A_142#5 {strides = array<i32>} : memref<2048xf32, #tpu.memory_space<vmem>>, vector<16xf32>,
        %add3A_166 = arith.constant 1536 : i32
        %add3A_167 = arith.addi %add3A_166, %multiple_of3A : i32
        %swap3A_168 = arith.index_cast %add3A_167 : i32 to index
        %swap3A_169 = tpu.vector_load %arg8[%swap3A_168] {strides = array<i32>} : memref<2048xf32, #tpu.memory_space<vmem>>, vector<16xf32>,
        tpu.vector_store %arg8[%swap3A_168], %parallel_loop3A_142#6 {strides = array<i32>} : memref<2048xf32, #tpu.memory_space<vmem>>, vector<16xf32>,
        %add3A_170 = arith.constant 1792 : i32
        %add3A_171 = arith.addi %add3A_170, %multiple_of3A : i32
        %swap3A_172 = arith.index_cast %add3A_171 : i32 to index
        %swap3A_173 = tpu.vector_load %arg8[%swap3A_172] {strides = array<i32>} : memref<2048xf32, #tpu.memory_space<vmem>>, vector<16xf32>,
        tpu.vector_store %arg8[%swap3A_172], %parallel_loop3A_142#7 {strides = array<i32>} : memref<2048xf32, #tpu.memory_space<vmem>>, vector<16xf32>,
      }
      %scan3A_112 = arith.constant 16 : i32
      "tpu.region"() ({
        %run_scoped3A = tpu.sem_alloc : memref<!tpu.dma_semaphore, #tpu.memory_space<semaphore_mem>>
        %dma_start3A_136 = arith.constant 0 : i32
        %dma_start3A_137 = tpu.memref_slice %arg4[%add3A, %mul3A_89, %dma_start3A_136] : memref<32x16x2048xf32, #tpu.memory_space<hbm>> -> memref<1x1x2048xf32, #tpu.memory_space<hbm>>
        %dma_start3A_138 = tpu.memref_squeeze %dma_start3A_137 : memref<1x1x2048xf32, #tpu.memory_space<hbm>> -> memref<2048xf32, #tpu.memory_space<hbm>>
        %dma_start3A_139 = arith.constant 0 : i32
        %dma_start3A_140 = tpu.memref_slice %arg4[%add3A, %mul3A_89, %dma_start3A_139] : memref<32x16x2048xf32, #tpu.memory_space<hbm>> -> memref<1x1x2048xf32, #tpu.memory_space<hbm>>
        %dma_start3A_141 = tpu.memref_squeeze %dma_start3A_140 : memref<1x1x2048xf32, #tpu.memory_space<hbm>> -> memref<2048xf32, #tpu.memory_space<hbm>>
        tpu.enqueue_dma source(%arg8 : memref<2048xf32, #tpu.memory_space<vmem>>) target(%dma_start3A_141 : memref<2048xf32, #tpu.memory_space<hbm>>) target_semaphore(%run_scoped3A : memref<!tpu.dma_semaphore, #tpu.memory_space<semaphore_mem>>)
        %dma_wait3A_142 = arith.constant 0 : i32
        %dma_wait3A_143 = tpu.memref_slice %arg4[%add3A, %mul3A_89, %dma_wait3A_142] : memref<32x16x2048xf32, #tpu.memory_space<hbm>> -> memref<1x1x2048xf32, #tpu.memory_space<hbm>>
        %dma_wait3A_144 = tpu.memref_squeeze %dma_wait3A_143 : memref<1x1x2048xf32, #tpu.memory_space<hbm>> -> memref<2048xf32, #tpu.memory_space<hbm>>
        %dma_wait3A_145 = arith.constant 0 : i32
        %dma_wait3A_146 = tpu.memref_slice %arg4[%add3A, %mul3A_89, %dma_wait3A_145] : memref<32x16x2048xf32, #tpu.memory_space<hbm>> -> memref<1x1x2048xf32, #tpu.memory_space<hbm>>
        %dma_wait3A_147 = tpu.memref_squeeze %dma_wait3A_146 : memref<1x1x2048xf32, #tpu.memory_space<hbm>> -> memref<2048xf32, #tpu.memory_space<hbm>>
        tpu.wait_dma2 semaphore(%run_scoped3A : memref<!tpu.dma_semaphore, #tpu.memory_space<semaphore_mem>>) src(%arg8 : memref<2048xf32, #tpu.memory_space<vmem>>) dst(%dma_wait3A_147 : memref<2048xf32, #tpu.memory_space<hbm>>)
        tpu.yield
      }) : () -> ()
      %add3A_113 = arith.constant 1 : i32
      %add3A_114 = arith.addi %mul3A_89, %add3A_113 : i32
      %dma_wait3A_115 = arith.constant 0 : i32
      %dma_wait3A_116 = arith.constant 0 : i32
      %dma_wait3A_117 = tpu.memref_slice %arg3[%add3A, %add3A_114, %dma_wait3A_115, %dma_wait3A_116] : memref<32x16x80x256xi32, #tpu.memory_space<hbm>> -> memref<1x1x80x256xi32, #tpu.memory_space<hbm>>
      %dma_wait3A_118 = tpu.memref_squeeze %dma_wait3A_117 : memref<1x1x80x256xi32, #tpu.memory_space<hbm>> -> memref<80x256xi32, #tpu.memory_space<hbm>>
      %dma_wait3A_119 = arith.constant 0 : i32
      %dma_wait3A_120 = arith.constant 0 : i32
      %dma_wait3A_121 = tpu.memref_slice %arg3[%add3A, %add3A_114, %dma_wait3A_119, %dma_wait3A_120] : memref<32x16x80x256xi32, #tpu.memory_space<hbm>> -> memref<1x1x80x256xi32, #tpu.memory_space<hbm>>
      %dma_wait3A_122 = tpu.memref_squeeze %dma_wait3A_121 : memref<1x1x80x256xi32, #tpu.memory_space<hbm>> -> memref<80x256xi32, #tpu.memory_space<hbm>>
      tpu.wait_dma2 semaphore(%arg10 : memref<!tpu.dma_semaphore, #tpu.memory_space<semaphore_mem>>) src(%dma_wait3A_122 : memref<80x256xi32, #tpu.memory_space<hbm>>) dst(%arg7 : memref<80x256xi32, #tpu.memory_space<vmem>>)
      %add3A_123 = arith.constant 1 : i32
      %add3A_124 = arith.addi %scan3A_87, %add3A_123 : i32
      %lt3A_125 = arith.constant 8 : i32
      %lt3A_126 = arith.cmpi slt, %add3A_124, %lt3A_125 : i32
      %convert_element_type3A = arith.extui %lt3A_126 : i1 to i32
      %cond3A = arith.constant 0 : i32
      %cond3A_127 = arith.cmpi ne, %convert_element_type3A, %cond3A : i32
      scf.if %cond3A_127 {
        %add3A_136 = arith.constant 2 : i32
        %add3A_137 = arith.addi %mul3A_89, %add3A_136 : i32
        %dma_start3A_138 = arith.constant 0 : i32
        %dma_start3A_139 = arith.constant 0 : i32
        %dma_start3A_140 = tpu.memref_slice %arg3[%add3A, %add3A_137, %dma_start3A_138, %dma_start3A_139] : memref<32x16x80x256xi32, #tpu.memory_space<hbm>> -> memref<1x1x80x256xi32, #tpu.memory_space<hbm>>
        %dma_start3A_141 = tpu.memref_squeeze %dma_start3A_140 : memref<1x1x80x256xi32, #tpu.memory_space<hbm>> -> memref<80x256xi32, #tpu.memory_space<hbm>>
        %dma_start3A_142 = arith.constant 0 : i32
        %dma_start3A_143 = arith.constant 0 : i32
        %dma_start3A_144 = tpu.memref_slice %arg3[%add3A, %add3A_137, %dma_start3A_142, %dma_start3A_143] : memref<32x16x80x256xi32, #tpu.memory_space<hbm>> -> memref<1x1x80x256xi32, #tpu.memory_space<hbm>>
        %dma_start3A_145 = tpu.memref_squeeze %dma_start3A_144 : memref<1x1x80x256xi32, #tpu.memory_space<hbm>> -> memref<80x256xi32, #tpu.memory_space<hbm>>
        tpu.enqueue_dma source(%dma_start3A_145 : memref<80x256xi32, #tpu.memory_space<hbm>>) target(%arg6 : memref<80x256xi32, #tpu.memory_space<vmem>>) target_semaphore(%arg9 : memref<!tpu.dma_semaphore, #tpu.memory_space<semaphore_mem>>)
      } else {
      }
      %add3A_128 = arith.constant 1 : i32
      %add3A_129 = arith.addi %mul3A_89, %add3A_128 : i32
      %scan3A_130 = arith.constant 0 : i32
      %scan3A_131 = arith.constant 0 : i32
      %scan3A_132 = arith.constant 16 : i32
      %scan3A_133 = arith.addi %scan3A_131, %scan3A_132 : i32
      %scan3A_134 = arith.constant 1 : i32
      scf.for %scan3A_136 = %scan3A_131 to %scan3A_133 step %scan3A_134  : i32 {
        %mul3A_137 = arith.constant 16 : i32
        %mul3A_138 = arith.muli %scan3A_136, %mul3A_137 : i32
        %multiple_of3A = tpu.assume_multiple %mul3A_138, 16 : i32
        %broadcast_in_dim3A = arith.constant 0.000000e+00 : f32
        %broadcast_in_dim3A_139 = vector.broadcast %broadcast_in_dim3A : f32 to vector<16xf32>
        %parallel_loop3A = arith.constant 0 : i32
        %parallel_loop3A_140 = arith.constant 80 : i32
        %parallel_loop3A_141 = arith.constant 1 : i32
        %parallel_loop3A_142:8 = scf.for %parallel_loop3A_174 = %parallel_loop3A to %parallel_loop3A_140 step %parallel_loop3A_141 iter_args(%parallel_loop3A_175 = %broadcast_in_dim3A_139, %parallel_loop3A_176 = %broadcast_in_dim3A_139, %parallel_loop3A_177 = %broadcast_in_dim3A_139, %parallel_loop3A_178 = %broadcast_in_dim3A_139, %parallel_loop3A_179 = %broadcast_in_dim3A_139, %parallel_loop3A_180 = %broadcast_in_dim3A_139, %parallel_loop3A_181 = %broadcast_in_dim3A_139, %parallel_loop3A_182 = %broadcast_in_dim3A_139) -> (vector<16xf32>, vector<16xf32>, vector<16xf32>, vector<16xf32>, vector<16xf32>, vector<16xf32>, vector<16xf32>, vector<16xf32>)  : i32 {
          %parallel_loop3A_183 = arith.index_cast %parallel_loop3A_174 : i32 to index
          %parallel_loop3A_184 = arith.index_cast %multiple_of3A : i32 to index
          %parallel_loop3A_185 = tpu.vector_load %arg7[%parallel_loop3A_183, %parallel_loop3A_184] {strides = array<i32>} : memref<80x256xi32, #tpu.memory_space<vmem>>, vector<16xi32>,
          %parallel_loop3A_186 = arith.constant 16383 : i32
          %parallel_loop3A_187 = vector.broadcast %parallel_loop3A_186 : i32 to vector<16xi32>
          %parallel_loop3A_188 = arith.andi %parallel_loop3A_185, %parallel_loop3A_187 : vector<16xi32>
          %parallel_loop3A_189 = arith.constant 2 : i32
          %parallel_loop3A_190 = vector.broadcast %parallel_loop3A_189 : i32 to vector<16xi32>
          %parallel_loop3A_191 = arith.shli %parallel_loop3A_188, %parallel_loop3A_190 : vector<16xi32>
          %parallel_loop3A_192 = arith.constant -65536 : i32
          %parallel_loop3A_193 = vector.broadcast %parallel_loop3A_192 : i32 to vector<16xi32>
          %parallel_loop3A_194 = arith.andi %parallel_loop3A_185, %parallel_loop3A_193 : vector<16xi32>
          %parallel_loop3A_195 = tpu.bitcast %parallel_loop3A_194 : vector<16xi32> -> vector<16xf32>
          %parallel_loop3A_196 = arith.constant 0 : i32
          %parallel_loop3A_197 = vector.broadcast %parallel_loop3A_196 : i32 to vector<16xi32>
          %parallel_loop3A_198 = arith.addi %parallel_loop3A_191, %parallel_loop3A_197 : vector<16xi32>
          %parallel_loop3A_199 = tpu.vector_load_idx %arg5[%parallel_loop3A_198] : memref<53376xi32, #tpu.memory_space<vmem>>[vector<16xi32>], vector<16xi32>,
          %parallel_loop3A_200 = arith.constant 16 : i32
          %parallel_loop3A_201 = vector.broadcast %parallel_loop3A_200 : i32 to vector<16xi32>
          %parallel_loop3A_202 = arith.shli %parallel_loop3A_199, %parallel_loop3A_201 : vector<16xi32>
          %parallel_loop3A_203 = tpu.bitcast %parallel_loop3A_202 : vector<16xi32> -> vector<16xf32>
          %parallel_loop3A_204 = arith.constant -65536 : i32
          %parallel_loop3A_205 = vector.broadcast %parallel_loop3A_204 : i32 to vector<16xi32>
          %parallel_loop3A_206 = arith.andi %parallel_loop3A_199, %parallel_loop3A_205 : vector<16xi32>
          %parallel_loop3A_207 = tpu.bitcast %parallel_loop3A_206 : vector<16xi32> -> vector<16xf32>
          %parallel_loop3A_208 = arith.mulf %parallel_loop3A_195, %parallel_loop3A_203 : vector<16xf32>
          %parallel_loop3A_209 = arith.addf %parallel_loop3A_175, %parallel_loop3A_208 : vector<16xf32>
          %parallel_loop3A_210 = arith.mulf %parallel_loop3A_195, %parallel_loop3A_207 : vector<16xf32>
          %parallel_loop3A_211 = arith.addf %parallel_loop3A_176, %parallel_loop3A_210 : vector<16xf32>
          %parallel_loop3A_212 = arith.constant 1 : i32
          %parallel_loop3A_213 = vector.broadcast %parallel_loop3A_212 : i32 to vector<16xi32>
          %parallel_loop3A_214 = arith.addi %parallel_loop3A_191, %parallel_loop3A_213 : vector<16xi32>
          %parallel_loop3A_215 = tpu.vector_load_idx %arg5[%parallel_loop3A_214] : memref<53376xi32, #tpu.memory_space<vmem>>[vector<16xi32>], vector<16xi32>,
          %parallel_loop3A_216 = arith.constant 16 : i32
          %parallel_loop3A_217 = vector.broadcast %parallel_loop3A_216 : i32 to vector<16xi32>
          %parallel_loop3A_218 = arith.shli %parallel_loop3A_215, %parallel_loop3A_217 : vector<16xi32>
          %parallel_loop3A_219 = tpu.bitcast %parallel_loop3A_218 : vector<16xi32> -> vector<16xf32>
          %parallel_loop3A_220 = arith.constant -65536 : i32
          %parallel_loop3A_221 = vector.broadcast %parallel_loop3A_220 : i32 to vector<16xi32>
          %parallel_loop3A_222 = arith.andi %parallel_loop3A_215, %parallel_loop3A_221 : vector<16xi32>
          %parallel_loop3A_223 = tpu.bitcast %parallel_loop3A_222 : vector<16xi32> -> vector<16xf32>
          %parallel_loop3A_224 = arith.mulf %parallel_loop3A_195, %parallel_loop3A_219 : vector<16xf32>
          %parallel_loop3A_225 = arith.addf %parallel_loop3A_177, %parallel_loop3A_224 : vector<16xf32>
          %parallel_loop3A_226 = arith.mulf %parallel_loop3A_195, %parallel_loop3A_223 : vector<16xf32>
          %parallel_loop3A_227 = arith.addf %parallel_loop3A_178, %parallel_loop3A_226 : vector<16xf32>
          %parallel_loop3A_228 = arith.constant 2 : i32
          %parallel_loop3A_229 = vector.broadcast %parallel_loop3A_228 : i32 to vector<16xi32>
          %parallel_loop3A_230 = arith.addi %parallel_loop3A_191, %parallel_loop3A_229 : vector<16xi32>
          %parallel_loop3A_231 = tpu.vector_load_idx %arg5[%parallel_loop3A_230] : memref<53376xi32, #tpu.memory_space<vmem>>[vector<16xi32>], vector<16xi32>,
          %parallel_loop3A_232 = arith.constant 16 : i32
          %parallel_loop3A_233 = vector.broadcast %parallel_loop3A_232 : i32 to vector<16xi32>
          %parallel_loop3A_234 = arith.shli %parallel_loop3A_231, %parallel_loop3A_233 : vector<16xi32>
          %parallel_loop3A_235 = tpu.bitcast %parallel_loop3A_234 : vector<16xi32> -> vector<16xf32>
          %parallel_loop3A_236 = arith.constant -65536 : i32
          %parallel_loop3A_237 = vector.broadcast %parallel_loop3A_236 : i32 to vector<16xi32>
          %parallel_loop3A_238 = arith.andi %parallel_loop3A_231, %parallel_loop3A_237 : vector<16xi32>
          %parallel_loop3A_239 = tpu.bitcast %parallel_loop3A_238 : vector<16xi32> -> vector<16xf32>
          %parallel_loop3A_240 = arith.mulf %parallel_loop3A_195, %parallel_loop3A_235 : vector<16xf32>
          %parallel_loop3A_241 = arith.addf %parallel_loop3A_179, %parallel_loop3A_240 : vector<16xf32>
          %parallel_loop3A_242 = arith.mulf %parallel_loop3A_195, %parallel_loop3A_239 : vector<16xf32>
          %parallel_loop3A_243 = arith.addf %parallel_loop3A_180, %parallel_loop3A_242 : vector<16xf32>
          %parallel_loop3A_244 = arith.constant 3 : i32
          %parallel_loop3A_245 = vector.broadcast %parallel_loop3A_244 : i32 to vector<16xi32>
          %parallel_loop3A_246 = arith.addi %parallel_loop3A_191, %parallel_loop3A_245 : vector<16xi32>
          %parallel_loop3A_247 = tpu.vector_load_idx %arg5[%parallel_loop3A_246] : memref<53376xi32, #tpu.memory_space<vmem>>[vector<16xi32>], vector<16xi32>,
          %parallel_loop3A_248 = arith.constant 16 : i32
          %parallel_loop3A_249 = vector.broadcast %parallel_loop3A_248 : i32 to vector<16xi32>
          %parallel_loop3A_250 = arith.shli %parallel_loop3A_247, %parallel_loop3A_249 : vector<16xi32>
          %parallel_loop3A_251 = tpu.bitcast %parallel_loop3A_250 : vector<16xi32> -> vector<16xf32>
          %parallel_loop3A_252 = arith.constant -65536 : i32
          %parallel_loop3A_253 = vector.broadcast %parallel_loop3A_252 : i32 to vector<16xi32>
          %parallel_loop3A_254 = arith.andi %parallel_loop3A_247, %parallel_loop3A_253 : vector<16xi32>
          %parallel_loop3A_255 = tpu.bitcast %parallel_loop3A_254 : vector<16xi32> -> vector<16xf32>
          %parallel_loop3A_256 = arith.mulf %parallel_loop3A_195, %parallel_loop3A_251 : vector<16xf32>
          %parallel_loop3A_257 = arith.addf %parallel_loop3A_181, %parallel_loop3A_256 : vector<16xf32>
          %parallel_loop3A_258 = arith.mulf %parallel_loop3A_195, %parallel_loop3A_255 : vector<16xf32>
          %parallel_loop3A_259 = arith.addf %parallel_loop3A_182, %parallel_loop3A_258 : vector<16xf32>
          scf.yield %parallel_loop3A_209, %parallel_loop3A_211, %parallel_loop3A_225, %parallel_loop3A_227, %parallel_loop3A_241, %parallel_loop3A_243, %parallel_loop3A_257, %parallel_loop3A_259 : vector<16xf32>, vector<16xf32>, vector<16xf32>, vector<16xf32>, vector<16xf32>, vector<16xf32>, vector<16xf32>, vector<16xf32>
        } {sc.loop_unroll_factor = 8 : i64, sc.parallel_access}
        %add3A_143 = arith.constant 0 : i32
        %add3A_144 = arith.addi %add3A_143, %multiple_of3A : i32
        %swap3A = arith.index_cast %add3A_144 : i32 to index
        %swap3A_145 = tpu.vector_load %arg8[%swap3A] {strides = array<i32>} : memref<2048xf32, #tpu.memory_space<vmem>>, vector<16xf32>,
        tpu.vector_store %arg8[%swap3A], %parallel_loop3A_142#0 {strides = array<i32>} : memref<2048xf32, #tpu.memory_space<vmem>>, vector<16xf32>,
        %add3A_146 = arith.constant 256 : i32
        %add3A_147 = arith.addi %add3A_146, %multiple_of3A : i32
        %swap3A_148 = arith.index_cast %add3A_147 : i32 to index
        %swap3A_149 = tpu.vector_load %arg8[%swap3A_148] {strides = array<i32>} : memref<2048xf32, #tpu.memory_space<vmem>>, vector<16xf32>,
        tpu.vector_store %arg8[%swap3A_148], %parallel_loop3A_142#1 {strides = array<i32>} : memref<2048xf32, #tpu.memory_space<vmem>>, vector<16xf32>,
        %add3A_150 = arith.constant 512 : i32
        %add3A_151 = arith.addi %add3A_150, %multiple_of3A : i32
        %swap3A_152 = arith.index_cast %add3A_151 : i32 to index
        %swap3A_153 = tpu.vector_load %arg8[%swap3A_152] {strides = array<i32>} : memref<2048xf32, #tpu.memory_space<vmem>>, vector<16xf32>,
        tpu.vector_store %arg8[%swap3A_152], %parallel_loop3A_142#2 {strides = array<i32>} : memref<2048xf32, #tpu.memory_space<vmem>>, vector<16xf32>,
        %add3A_154 = arith.constant 768 : i32
        %add3A_155 = arith.addi %add3A_154, %multiple_of3A : i32
        %swap3A_156 = arith.index_cast %add3A_155 : i32 to index
        %swap3A_157 = tpu.vector_load %arg8[%swap3A_156] {strides = array<i32>} : memref<2048xf32, #tpu.memory_space<vmem>>, vector<16xf32>,
        tpu.vector_store %arg8[%swap3A_156], %parallel_loop3A_142#3 {strides = array<i32>} : memref<2048xf32, #tpu.memory_space<vmem>>, vector<16xf32>,
        %add3A_158 = arith.constant 1024 : i32
        %add3A_159 = arith.addi %add3A_158, %multiple_of3A : i32
        %swap3A_160 = arith.index_cast %add3A_159 : i32 to index
        %swap3A_161 = tpu.vector_load %arg8[%swap3A_160] {strides = array<i32>} : memref<2048xf32, #tpu.memory_space<vmem>>, vector<16xf32>,
        tpu.vector_store %arg8[%swap3A_160], %parallel_loop3A_142#4 {strides = array<i32>} : memref<2048xf32, #tpu.memory_space<vmem>>, vector<16xf32>,
        %add3A_162 = arith.constant 1280 : i32
        %add3A_163 = arith.addi %add3A_162, %multiple_of3A : i32
        %swap3A_164 = arith.index_cast %add3A_163 : i32 to index
        %swap3A_165 = tpu.vector_load %arg8[%swap3A_164] {strides = array<i32>} : memref<2048xf32, #tpu.memory_space<vmem>>, vector<16xf32>,
        tpu.vector_store %arg8[%swap3A_164], %parallel_loop3A_142#5 {strides = array<i32>} : memref<2048xf32, #tpu.memory_space<vmem>>, vector<16xf32>,
        %add3A_166 = arith.constant 1536 : i32
        %add3A_167 = arith.addi %add3A_166, %multiple_of3A : i32
        %swap3A_168 = arith.index_cast %add3A_167 : i32 to index
        %swap3A_169 = tpu.vector_load %arg8[%swap3A_168] {strides = array<i32>} : memref<2048xf32, #tpu.memory_space<vmem>>, vector<16xf32>,
        tpu.vector_store %arg8[%swap3A_168], %parallel_loop3A_142#6 {strides = array<i32>} : memref<2048xf32, #tpu.memory_space<vmem>>, vector<16xf32>,
        %add3A_170 = arith.constant 1792 : i32
        %add3A_171 = arith.addi %add3A_170, %multiple_of3A : i32
        %swap3A_172 = arith.index_cast %add3A_171 : i32 to index
        %swap3A_173 = tpu.vector_load %arg8[%swap3A_172] {strides = array<i32>} : memref<2048xf32, #tpu.memory_space<vmem>>, vector<16xf32>,
        tpu.vector_store %arg8[%swap3A_172], %parallel_loop3A_142#7 {strides = array<i32>} : memref<2048xf32, #tpu.memory_space<vmem>>, vector<16xf32>,
      }
      %scan3A_135 = arith.constant 16 : i32
      "tpu.region"() ({
        %run_scoped3A = tpu.sem_alloc : memref<!tpu.dma_semaphore, #tpu.memory_space<semaphore_mem>>
        %dma_start3A_136 = arith.constant 0 : i32
        %dma_start3A_137 = tpu.memref_slice %arg4[%add3A, %add3A_129, %dma_start3A_136] : memref<32x16x2048xf32, #tpu.memory_space<hbm>> -> memref<1x1x2048xf32, #tpu.memory_space<hbm>>
        %dma_start3A_138 = tpu.memref_squeeze %dma_start3A_137 : memref<1x1x2048xf32, #tpu.memory_space<hbm>> -> memref<2048xf32, #tpu.memory_space<hbm>>
        %dma_start3A_139 = arith.constant 0 : i32
        %dma_start3A_140 = tpu.memref_slice %arg4[%add3A, %add3A_129, %dma_start3A_139] : memref<32x16x2048xf32, #tpu.memory_space<hbm>> -> memref<1x1x2048xf32, #tpu.memory_space<hbm>>
        %dma_start3A_141 = tpu.memref_squeeze %dma_start3A_140 : memref<1x1x2048xf32, #tpu.memory_space<hbm>> -> memref<2048xf32, #tpu.memory_space<hbm>>
        tpu.enqueue_dma source(%arg8 : memref<2048xf32, #tpu.memory_space<vmem>>) target(%dma_start3A_141 : memref<2048xf32, #tpu.memory_space<hbm>>) target_semaphore(%run_scoped3A : memref<!tpu.dma_semaphore, #tpu.memory_space<semaphore_mem>>)
        %dma_wait3A_142 = arith.constant 0 : i32
        %dma_wait3A_143 = tpu.memref_slice %arg4[%add3A, %add3A_129, %dma_wait3A_142] : memref<32x16x2048xf32, #tpu.memory_space<hbm>> -> memref<1x1x2048xf32, #tpu.memory_space<hbm>>
        %dma_wait3A_144 = tpu.memref_squeeze %dma_wait3A_143 : memref<1x1x2048xf32, #tpu.memory_space<hbm>> -> memref<2048xf32, #tpu.memory_space<hbm>>
        %dma_wait3A_145 = arith.constant 0 : i32
        %dma_wait3A_146 = tpu.memref_slice %arg4[%add3A, %add3A_129, %dma_wait3A_145] : memref<32x16x2048xf32, #tpu.memory_space<hbm>> -> memref<1x1x2048xf32, #tpu.memory_space<hbm>>
        %dma_wait3A_147 = tpu.memref_squeeze %dma_wait3A_146 : memref<1x1x2048xf32, #tpu.memory_space<hbm>> -> memref<2048xf32, #tpu.memory_space<hbm>>
        tpu.wait_dma2 semaphore(%run_scoped3A : memref<!tpu.dma_semaphore, #tpu.memory_space<semaphore_mem>>) src(%arg8 : memref<2048xf32, #tpu.memory_space<vmem>>) dst(%dma_wait3A_147 : memref<2048xf32, #tpu.memory_space<hbm>>)
        tpu.yield
      }) : () -> ()
    }
    %scan3A_86 = arith.constant 8 : i32
    return
  }
}

module attributes {stable_mosaic.version = 14 : i64} {
  func.func @_val_body(%arg0: i32, %arg1: i32, %arg2: memref<1x2224x64xf32, #tpu.memory_space<vmem>>, %arg3: memref<64x64xf32, #tpu.memory_space<vmem>>, %arg4: memref<1x64xf32, #tpu.memory_space<vmem>>, %arg5: memref<1x2224x64xf32, #tpu.memory_space<vmem>>) attributes {dimension_semantics = [#tpu.dimension_semantics<arbitrary>, #tpu.dimension_semantics<arbitrary>], iteration_bounds = array<i64: 2, 6>, scalar_prefetch = 0 : i64, scratch_operands = 0 : i64, tpu.core_type = #tpu.core_type<tc>, window_params = [{transform_indices = @transform_0, window_bounds = array<i64: 1, 2224, 64>}, {pipeline_mode = #tpu.pipeline_mode<synchronous>, transform_indices = @transform_1, window_bounds = array<i64: 64, 64>}, {pipeline_mode = #tpu.pipeline_mode<synchronous>, transform_indices = @transform_2, window_bounds = array<i64: 1, 64>}, {transform_indices = @transform_3, window_bounds = array<i64: 1, 2224, 64>}]} {
    %get3A = arith.constant 0 : index
    %get3A_0 = arith.constant 0 : index
    %get3A_1 = arith.constant 0 : index
    %get3A_2 = vector.load %arg2[%get3A, %get3A_0, %get3A_1] : memref<1x2224x64xf32, #tpu.memory_space<vmem>>, vector<1x2224x64xf32>
    %get3A_3 = vector.shape_cast %get3A_2 : vector<1x2224x64xf32> to vector<2224x64xf32>
    %get3A_4 = arith.constant 0 : index
    %get3A_5 = arith.constant 0 : index
    %get3A_6 = vector.load %arg3[%get3A_4, %get3A_5] : memref<64x64xf32, #tpu.memory_space<vmem>>, vector<64x64xf32>
    %dot_general3A = arith.constant dense<0.000000e+00> : vector<2224x64xf32>
    %dot_general3A_7 = tpu.matmul %get3A_3, %get3A_6, %dot_general3A {dimension_numbers = #tpu.dot_dimension_numbers<[1], [0], [0], [1], [0, 0, 1, 1], [], []>, precision = #tpu.contract_precision<fp32>, transpose_lhs_hint = false} : vector<2224x64xf32>, vector<64x64xf32>, vector<2224x64xf32> -> vector<2224x64xf32>
    %get3A_8 = arith.constant 0 : index
    %get3A_9 = arith.constant 0 : index
    %get3A_10 = vector.load %arg4[%get3A_8, %get3A_9] : memref<1x64xf32, #tpu.memory_space<vmem>>, vector<1x64xf32>
    %add3A = vector.broadcast %get3A_10 : vector<1x64xf32> to vector<2224x64xf32>
    %add3A_11 = arith.addf %dot_general3A_7, %add3A : vector<2224x64xf32>
    %swap3A = arith.constant 0 : index
    %swap3A_12 = arith.constant 0 : index
    %swap3A_13 = arith.constant 0 : index
    %swap3A_14 = vector.load %arg5[%swap3A, %swap3A_12, %swap3A_13] : memref<1x2224x64xf32, #tpu.memory_space<vmem>>, vector<1x2224x64xf32>
    %swap3A_15 = vector.shape_cast %swap3A_14 : vector<1x2224x64xf32> to vector<2224x64xf32>
    %swap3A_16 = vector.shape_cast %add3A_11 : vector<2224x64xf32> to vector<1x2224x64xf32>
    tpu.vector_store %arg5[%swap3A, %swap3A_12, %swap3A_13], %swap3A_16 {strides = array<i32>} : memref<1x2224x64xf32, #tpu.memory_space<vmem>>, vector<1x2224x64xf32>,
    return
  }
  func.func @transform_0(%arg0: i32, %arg1: i32) -> (i32, i32, i32) {
    %c0_i32 = arith.constant 0 : i32
    %c0_i32_0 = arith.constant 0 : i32
    return %arg0, %arg1, %c0_i32 : i32, i32, i32
  }
  func.func @transform_1(%arg0: i32, %arg1: i32) -> (i32, i32) {
    %c0_i32 = arith.constant 0 : i32
    %c0_i32_0 = arith.constant 0 : i32
    %c0_i32_1 = arith.constant 0 : i32
    return %c0_i32, %c0_i32_0 : i32, i32
  }
  func.func @transform_2(%arg0: i32, %arg1: i32) -> (i32, i32) {
    %c0_i32 = arith.constant 0 : i32
    %c0_i32_0 = arith.constant 0 : i32
    %c0_i32_1 = arith.constant 0 : i32
    return %c0_i32, %c0_i32_0 : i32, i32
  }
  func.func @transform_3(%arg0: i32, %arg1: i32) -> (i32, i32, i32) {
    %c0_i32 = arith.constant 0 : i32
    %c0_i32_0 = arith.constant 0 : i32
    return %arg0, %arg1, %c0_i32 : i32, i32, i32
  }
}

module attributes {stable_mosaic.version = 14 : i64} {
  func.func @_prep_body(%arg0: i32, %arg1: i32, %arg2: memref<1x64x512xf32, #tpu.memory_space<vmem>>, %arg3: memref<1x2x512xf32, #tpu.memory_space<vmem>>, %arg4: memref<160x64xf32, #tpu.memory_space<vmem>>, %arg5: memref<160x64xf32, #tpu.memory_space<vmem>>, %arg6: memref<160x1xf32, #tpu.memory_space<vmem>>, %arg7: memref<160x1xf32, #tpu.memory_space<vmem>>, %arg8: memref<160x64xf32, #tpu.memory_space<vmem>>, %arg9: memref<160x1xf32, #tpu.memory_space<vmem>>, %arg10: memref<160x8xf32, #tpu.memory_space<vmem>>, %arg11: memref<160x160xf32, #tpu.memory_space<vmem>>, %arg12: memref<8x2x80x256xi32, #tpu.memory_space<vmem>>) attributes {dimension_semantics = [#tpu.dimension_semantics<arbitrary>, #tpu.dimension_semantics<arbitrary>], iteration_bounds = array<i64: 2, 16>, scalar_prefetch = 0 : i64, scratch_operands = 0 : i64, tpu.core_type = #tpu.core_type<tc>, window_params = [{transform_indices = @transform_0, window_bounds = array<i64: 1, 64, 512>}, {transform_indices = @transform_1, window_bounds = array<i64: 1, 2, 512>}, {pipeline_mode = #tpu.pipeline_mode<synchronous>, transform_indices = @transform_2, window_bounds = array<i64: 160, 64>}, {pipeline_mode = #tpu.pipeline_mode<synchronous>, transform_indices = @transform_3, window_bounds = array<i64: 160, 64>}, {pipeline_mode = #tpu.pipeline_mode<synchronous>, transform_indices = @transform_4, window_bounds = array<i64: 160, 1>}, {pipeline_mode = #tpu.pipeline_mode<synchronous>, transform_indices = @transform_5, window_bounds = array<i64: 160, 1>}, {pipeline_mode = #tpu.pipeline_mode<synchronous>, transform_indices = @transform_6, window_bounds = array<i64: 160, 64>}, {pipeline_mode = #tpu.pipeline_mode<synchronous>, transform_indices = @transform_7, window_bounds = array<i64: 160, 1>}, {pipeline_mode = #tpu.pipeline_mode<synchronous>, transform_indices = @transform_8, window_bounds = array<i64: 160, 8>}, {pipeline_mode = #tpu.pipeline_mode<synchronous>, transform_indices = @transform_9, window_bounds = array<i64: 160, 160>}, {transform_indices = @transform_10, window_bounds = array<i64: 8, 2, 80, 256>}]} {
    %get3A = arith.constant 0 : index
    %get3A_0 = arith.constant 0 : index
    %get3A_1 = arith.constant 0 : index
    %get3A_2 = vector.load %arg2[%get3A, %get3A_0, %get3A_1] : memref<1x64x512xf32, #tpu.memory_space<vmem>>, vector<1x64x512xf32>
    %get3A_3 = vector.shape_cast %get3A_2 : vector<1x64x512xf32> to vector<64x512xf32>
    %get3A_4 = arith.constant 0 : index
    %get3A_5 = arith.constant 0 : index
    %get3A_6 = vector.load %arg4[%get3A_4, %get3A_5] : memref<160x64xf32, #tpu.memory_space<vmem>>, vector<160x64xf32>
    %dot_general3A = arith.constant dense<0.000000e+00> : vector<160x512xf32>
    %dot_general3A_7 = tpu.matmul %get3A_6, %get3A_3, %dot_general3A {dimension_numbers = #tpu.dot_dimension_numbers<[1], [0], [0], [1], [0, 0, 1, 1], [], []>, precision = #tpu.contract_precision<fp32>, transpose_lhs_hint = false} : vector<160x64xf32>, vector<64x512xf32>, vector<160x512xf32> -> vector<160x512xf32>
    %get3A_8 = arith.constant 0 : index
    %get3A_9 = arith.constant 0 : index
    %get3A_10 = vector.load %arg6[%get3A_8, %get3A_9] : memref<160x1xf32, #tpu.memory_space<vmem>>, vector<160x1xf32>
    %add3A = vector.broadcast %get3A_10 : vector<160x1xf32> to vector<160x512xf32>
    %add3A_11 = arith.addf %dot_general3A_7, %add3A : vector<160x512xf32>
    %get3A_12 = arith.constant 0 : index
    %get3A_13 = arith.constant 0 : index
    %get3A_14 = vector.load %arg5[%get3A_12, %get3A_13] : memref<160x64xf32, #tpu.memory_space<vmem>>, vector<160x64xf32>
    %dot_general3A_15 = arith.constant dense<0.000000e+00> : vector<160x512xf32>
    %dot_general3A_16 = tpu.matmul %get3A_14, %get3A_3, %dot_general3A_15 {dimension_numbers = #tpu.dot_dimension_numbers<[1], [0], [0], [1], [0, 0, 1, 1], [], []>, precision = #tpu.contract_precision<fp32>, transpose_lhs_hint = false} : vector<160x64xf32>, vector<64x512xf32>, vector<160x512xf32> -> vector<160x512xf32>
    %get3A_17 = arith.constant 0 : index
    %get3A_18 = arith.constant 0 : index
    %get3A_19 = vector.load %arg7[%get3A_17, %get3A_18] : memref<160x1xf32, #tpu.memory_space<vmem>>, vector<160x1xf32>
    %add3A_20 = vector.broadcast %get3A_19 : vector<160x1xf32> to vector<160x512xf32>
    %add3A_21 = arith.addf %dot_general3A_16, %add3A_20 : vector<160x512xf32>
    %get3A_22 = arith.constant 0 : index
    %get3A_23 = arith.constant 0 : index
    %get3A_24 = vector.load %arg8[%get3A_22, %get3A_23] : memref<160x64xf32, #tpu.memory_space<vmem>>, vector<160x64xf32>
    %dot_general3A_25 = arith.constant dense<0.000000e+00> : vector<160x512xf32>
    %dot_general3A_26 = tpu.matmul %get3A_24, %get3A_3, %dot_general3A_25 {dimension_numbers = #tpu.dot_dimension_numbers<[1], [0], [0], [1], [0, 0, 1, 1], [], []>, precision = #tpu.contract_precision<fp32>, transpose_lhs_hint = false} : vector<160x64xf32>, vector<64x512xf32>, vector<160x512xf32> -> vector<160x512xf32>
    %get3A_27 = arith.constant 0 : index
    %get3A_28 = arith.constant 0 : index
    %get3A_29 = vector.load %arg9[%get3A_27, %get3A_28] : memref<160x1xf32, #tpu.memory_space<vmem>>, vector<160x1xf32>
    %add3A_30 = vector.broadcast %get3A_29 : vector<160x1xf32> to vector<160x512xf32>
    %add3A_31 = arith.addf %dot_general3A_26, %add3A_30 : vector<160x512xf32>
    %reduce_max3A = arith.constant dense<0xFF800000> : vector<512xf32>
    %reduce_max3A_32 = vector.multi_reduction <maximumf>, %add3A_31, %reduce_max3A [0] : vector<160x512xf32> to vector<512xf32>
    %broadcast_in_dim3A = vector.shape_cast %reduce_max3A_32 : vector<512xf32> to vector<1x512xf32>
    %sub3A = vector.broadcast %broadcast_in_dim3A : vector<1x512xf32> to vector<160x512xf32>
    %sub3A_33 = arith.subf %add3A_31, %sub3A : vector<160x512xf32>
    %exp3A = math.exp %sub3A_33 : vector<160x512xf32>
    %get3A_34 = arith.constant 0 : index
    %get3A_35 = arith.constant 0 : index
    %get3A_36 = vector.load %arg11[%get3A_34, %get3A_35] : memref<160x160xf32, #tpu.memory_space<vmem>>, vector<160x160xf32>
    %dot_general3A_37 = arith.constant dense<0.000000e+00> : vector<160x512xf32>
    %dot_general3A_38 = tpu.matmul %get3A_36, %exp3A, %dot_general3A_37 {dimension_numbers = #tpu.dot_dimension_numbers<[1], [0], [0], [1], [0, 0, 1, 1], [], []>, precision = #tpu.contract_precision<fp32>, transpose_lhs_hint = false} : vector<160x160xf32>, vector<160x512xf32>, vector<160x512xf32> -> vector<160x512xf32>
    %div3A = arith.divf %exp3A, %dot_general3A_38 : vector<160x512xf32>
    %get3A_39 = arith.constant 0 : index
    %get3A_40 = arith.constant 0 : index
    %get3A_41 = vector.load %arg10[%get3A_39, %get3A_40] : memref<160x8xf32, #tpu.memory_space<vmem>>, vector<160x8xf32>
    %slice3A = vector.extract_strided_slice %get3A_41 {offsets = [0, 0], sizes = [160, 1], strides = [1, 1]} : vector<160x8xf32> to vector<160x1xf32>
    %slice3A_42 = vector.extract_strided_slice %get3A_41 {offsets = [0, 1], sizes = [160, 1], strides = [1, 1]} : vector<160x8xf32> to vector<160x1xf32>
    %slice3A_43 = vector.extract_strided_slice %get3A_41 {offsets = [0, 2], sizes = [160, 1], strides = [1, 1]} : vector<160x8xf32> to vector<160x1xf32>
    %slice3A_44 = vector.extract_strided_slice %get3A_41 {offsets = [0, 3], sizes = [160, 1], strides = [1, 1]} : vector<160x8xf32> to vector<160x1xf32>
    %slice3A_45 = vector.extract_strided_slice %get3A_41 {offsets = [0, 4], sizes = [160, 1], strides = [1, 1]} : vector<160x8xf32> to vector<160x1xf32>
    %get3A_46 = arith.constant 0 : index
    %get3A_47 = arith.constant 0 : index
    %get3A_48 = arith.constant 0 : index
    %get3A_49 = vector.load %arg3[%get3A_46, %get3A_47, %get3A_48] : memref<1x2x512xf32, #tpu.memory_space<vmem>>, vector<1x2x512xf32>
    %get3A_50 = vector.shape_cast %get3A_49 : vector<1x2x512xf32> to vector<2x512xf32>
    %slice3A_51 = vector.extract_strided_slice %get3A_50 {offsets = [0, 0], sizes = [1, 512], strides = [1, 1]} : vector<2x512xf32> to vector<1x512xf32>
    %get3A_52 = arith.constant 0 : index
    %get3A_53 = arith.constant 0 : index
    %get3A_54 = arith.constant 0 : index
    %get3A_55 = vector.load %arg3[%get3A_52, %get3A_53, %get3A_54] : memref<1x2x512xf32, #tpu.memory_space<vmem>>, vector<1x2x512xf32>
    %get3A_56 = vector.shape_cast %get3A_55 : vector<1x2x512xf32> to vector<2x512xf32>
    %slice3A_57 = vector.extract_strided_slice %get3A_56 {offsets = [1, 0], sizes = [1, 512], strides = [1, 1]} : vector<2x512xf32> to vector<1x512xf32>
    %mul3A = vector.broadcast %slice3A_43 : vector<160x1xf32> to vector<160x512xf32>
    %mul3A_58 = arith.mulf %add3A_11, %mul3A : vector<160x512xf32>
    %add3A_59 = vector.broadcast %slice3A_51 : vector<1x512xf32> to vector<160x512xf32>
    %add3A_60 = arith.addf %add3A_59, %mul3A_58 : vector<160x512xf32>
    %mul3A_61 = vector.broadcast %slice3A : vector<160x1xf32> to vector<160x512xf32>
    %mul3A_62 = arith.mulf %add3A_60, %mul3A_61 : vector<160x512xf32>
    %sub3A_63 = arith.constant 5.000000e-01 : f32
    %sub3A_64 = vector.broadcast %sub3A_63 : f32 to vector<160x512xf32>
    %sub3A_65 = arith.subf %mul3A_62, %sub3A_64 : vector<160x512xf32>
    %mul3A_66 = vector.broadcast %slice3A_44 : vector<160x1xf32> to vector<160x512xf32>
    %mul3A_67 = arith.mulf %add3A_21, %mul3A_66 : vector<160x512xf32>
    %add3A_68 = vector.broadcast %slice3A_57 : vector<1x512xf32> to vector<160x512xf32>
    %add3A_69 = arith.addf %add3A_68, %mul3A_67 : vector<160x512xf32>
    %mul3A_70 = vector.broadcast %slice3A_42 : vector<160x1xf32> to vector<160x512xf32>
    %mul3A_71 = arith.mulf %add3A_69, %mul3A_70 : vector<160x512xf32>
    %sub3A_72 = arith.constant 5.000000e-01 : f32
    %sub3A_73 = vector.broadcast %sub3A_72 : f32 to vector<160x512xf32>
    %sub3A_74 = arith.subf %mul3A_71, %sub3A_73 : vector<160x512xf32>
    %floor3A = math.floor %sub3A_65 : vector<160x512xf32>
    %floor3A_75 = math.floor %sub3A_74 : vector<160x512xf32>
    %sub3A_76 = arith.subf %sub3A_65, %floor3A : vector<160x512xf32>
    %sub3A_77 = arith.subf %sub3A_74, %floor3A_75 : vector<160x512xf32>
    %add3A_78 = arith.constant 1.000000e+00 : f32
    %add3A_79 = vector.broadcast %add3A_78 : f32 to vector<160x512xf32>
    %add3A_80 = arith.addf %floor3A, %add3A_79 : vector<160x512xf32>
    %add3A_81 = arith.constant 1.000000e+00 : f32
    %add3A_82 = vector.broadcast %add3A_81 : f32 to vector<160x512xf32>
    %add3A_83 = arith.addf %floor3A_75, %add3A_82 : vector<160x512xf32>
    %sub3A_84 = arith.constant 1.000000e+00 : f32
    %sub3A_85 = vector.broadcast %sub3A_84 : f32 to vector<160x512xf32>
    %sub3A_86 = arith.subf %sub3A_85, %sub3A_76 : vector<160x512xf32>
    %ge3A = arith.constant 0.000000e+00 : f32
    %ge3A_87 = vector.broadcast %ge3A : f32 to vector<160x512xf32>
    %ge3A_88 = arith.cmpf oge, %floor3A, %ge3A_87 : vector<160x512xf32>
    %lt3A = vector.broadcast %slice3A : vector<160x1xf32> to vector<160x512xf32>
    %lt3A_89 = arith.cmpf olt, %floor3A, %lt3A : vector<160x512xf32>
    %and3A = arith.andi %ge3A_88, %lt3A_89 : vector<160x512xi1>
    %convert_element_type3A = arith.extui %and3A : vector<160x512xi1> to vector<160x512xi32>
    %convert_element_type3A_90 = arith.sitofp %convert_element_type3A : vector<160x512xi32> to vector<160x512xf32>
    %mul3A_91 = arith.mulf %sub3A_86, %convert_element_type3A_90 : vector<160x512xf32>
    %ge3A_92 = arith.constant 0.000000e+00 : f32
    %ge3A_93 = vector.broadcast %ge3A_92 : f32 to vector<160x512xf32>
    %ge3A_94 = arith.cmpf oge, %add3A_80, %ge3A_93 : vector<160x512xf32>
    %lt3A_95 = vector.broadcast %slice3A : vector<160x1xf32> to vector<160x512xf32>
    %lt3A_96 = arith.cmpf olt, %add3A_80, %lt3A_95 : vector<160x512xf32>
    %and3A_97 = arith.andi %ge3A_94, %lt3A_96 : vector<160x512xi1>
    %convert_element_type3A_98 = arith.extui %and3A_97 : vector<160x512xi1> to vector<160x512xi32>
    %convert_element_type3A_99 = arith.sitofp %convert_element_type3A_98 : vector<160x512xi32> to vector<160x512xf32>
    %mul3A_100 = arith.mulf %sub3A_76, %convert_element_type3A_99 : vector<160x512xf32>
    %sub3A_101 = arith.constant 1.000000e+00 : f32
    %sub3A_102 = vector.broadcast %sub3A_101 : f32 to vector<160x512xf32>
    %sub3A_103 = arith.subf %sub3A_102, %sub3A_77 : vector<160x512xf32>
    %ge3A_104 = arith.constant 0.000000e+00 : f32
    %ge3A_105 = vector.broadcast %ge3A_104 : f32 to vector<160x512xf32>
    %ge3A_106 = arith.cmpf oge, %floor3A_75, %ge3A_105 : vector<160x512xf32>
    %lt3A_107 = vector.broadcast %slice3A_42 : vector<160x1xf32> to vector<160x512xf32>
    %lt3A_108 = arith.cmpf olt, %floor3A_75, %lt3A_107 : vector<160x512xf32>
    %and3A_109 = arith.andi %ge3A_106, %lt3A_108 : vector<160x512xi1>
    %convert_element_type3A_110 = arith.extui %and3A_109 : vector<160x512xi1> to vector<160x512xi32>
    %convert_element_type3A_111 = arith.sitofp %convert_element_type3A_110 : vector<160x512xi32> to vector<160x512xf32>
    %mul3A_112 = arith.mulf %sub3A_103, %convert_element_type3A_111 : vector<160x512xf32>
    %mul3A_113 = arith.mulf %mul3A_112, %div3A : vector<160x512xf32>
    %ge3A_114 = arith.constant 0.000000e+00 : f32
    %ge3A_115 = vector.broadcast %ge3A_114 : f32 to vector<160x512xf32>
    %ge3A_116 = arith.cmpf oge, %add3A_83, %ge3A_115 : vector<160x512xf32>
    %lt3A_117 = vector.broadcast %slice3A_42 : vector<160x1xf32> to vector<160x512xf32>
    %lt3A_118 = arith.cmpf olt, %add3A_83, %lt3A_117 : vector<160x512xf32>
    %and3A_119 = arith.andi %ge3A_116, %lt3A_118 : vector<160x512xi1>
    %convert_element_type3A_120 = arith.extui %and3A_119 : vector<160x512xi1> to vector<160x512xi32>
    %convert_element_type3A_121 = arith.sitofp %convert_element_type3A_120 : vector<160x512xi32> to vector<160x512xf32>
    %mul3A_122 = arith.mulf %sub3A_77, %convert_element_type3A_121 : vector<160x512xf32>
    %mul3A_123 = arith.mulf %mul3A_122, %div3A : vector<160x512xf32>
    %sub3A_124 = arith.constant 1.000000e+00 : f32
    %sub3A_125 = vector.broadcast %sub3A_124 : f32 to vector<160x1xf32>
    %sub3A_126 = arith.subf %slice3A, %sub3A_125 : vector<160x1xf32>
    %jit3A = arith.constant 0.000000e+00 : f32
    %max3A = vector.broadcast %jit3A : f32 to vector<160x512xf32>
    %max3A_127 = arith.maximumf %max3A, %floor3A : vector<160x512xf32>
    %min3A = vector.broadcast %sub3A_126 : vector<160x1xf32> to vector<160x512xf32>
    %min3A_128 = arith.minimumf %min3A, %max3A_127 : vector<160x512xf32>
    %add3A_129 = vector.broadcast %slice3A_45 : vector<160x1xf32> to vector<160x512xf32>
    %add3A_130 = arith.addf %min3A_128, %add3A_129 : vector<160x512xf32>
    %sub3A_131 = arith.constant 1.000000e+00 : f32
    %sub3A_132 = vector.broadcast %sub3A_131 : f32 to vector<160x1xf32>
    %sub3A_133 = arith.subf %slice3A, %sub3A_132 : vector<160x1xf32>
    %jit3A_134 = arith.constant 0.000000e+00 : f32
    %max3A_135 = vector.broadcast %jit3A_134 : f32 to vector<160x512xf32>
    %max3A_136 = arith.maximumf %max3A_135, %add3A_80 : vector<160x512xf32>
    %min3A_137 = vector.broadcast %sub3A_133 : vector<160x1xf32> to vector<160x512xf32>
    %min3A_138 = arith.minimumf %min3A_137, %max3A_136 : vector<160x512xf32>
    %add3A_139 = vector.broadcast %slice3A_45 : vector<160x1xf32> to vector<160x512xf32>
    %add3A_140 = arith.addf %min3A_138, %add3A_139 : vector<160x512xf32>
    %sub3A_141 = arith.constant 1.000000e+00 : f32
    %sub3A_142 = vector.broadcast %sub3A_141 : f32 to vector<160x1xf32>
    %sub3A_143 = arith.subf %slice3A_42, %sub3A_142 : vector<160x1xf32>
    %jit3A_144 = arith.constant 0.000000e+00 : f32
    %max3A_145 = vector.broadcast %jit3A_144 : f32 to vector<160x512xf32>
    %max3A_146 = arith.maximumf %max3A_145, %floor3A_75 : vector<160x512xf32>
    %min3A_147 = vector.broadcast %sub3A_143 : vector<160x1xf32> to vector<160x512xf32>
    %min3A_148 = arith.minimumf %min3A_147, %max3A_146 : vector<160x512xf32>
    %mul3A_149 = vector.broadcast %slice3A : vector<160x1xf32> to vector<160x512xf32>
    %mul3A_150 = arith.mulf %min3A_148, %mul3A_149 : vector<160x512xf32>
    %sub3A_151 = arith.constant 1.000000e+00 : f32
    %sub3A_152 = vector.broadcast %sub3A_151 : f32 to vector<160x1xf32>
    %sub3A_153 = arith.subf %slice3A_42, %sub3A_152 : vector<160x1xf32>
    %jit3A_154 = arith.constant 0.000000e+00 : f32
    %max3A_155 = vector.broadcast %jit3A_154 : f32 to vector<160x512xf32>
    %max3A_156 = arith.maximumf %max3A_155, %add3A_83 : vector<160x512xf32>
    %min3A_157 = vector.broadcast %sub3A_153 : vector<160x1xf32> to vector<160x512xf32>
    %min3A_158 = arith.minimumf %min3A_157, %max3A_156 : vector<160x512xf32>
    %mul3A_159 = vector.broadcast %slice3A : vector<160x1xf32> to vector<160x512xf32>
    %mul3A_160 = arith.mulf %min3A_158, %mul3A_159 : vector<160x512xf32>
    %add3A_161 = arith.addf %mul3A_150, %add3A_130 : vector<160x512xf32>
    %convert_element_type3A_162 = arith.fptosi %add3A_161 : vector<160x512xf32> to vector<160x512xi32>
    %mul3A_163 = arith.mulf %mul3A_91, %mul3A_113 : vector<160x512xf32>
    %bitcast_convert_type3A = tpu.bitcast %mul3A_163 : vector<160x512xf32> -> vector<160x512xi32>
    %add3A_164 = arith.constant 32768 : i32
    %add3A_165 = vector.broadcast %add3A_164 : i32 to vector<160x512xi32>
    %add3A_166 = arith.addi %bitcast_convert_type3A, %add3A_165 : vector<160x512xi32>
    %and3A_167 = arith.constant -65536 : i32
    %and3A_168 = vector.broadcast %and3A_167 : i32 to vector<160x512xi32>
    %and3A_169 = arith.andi %add3A_166, %and3A_168 : vector<160x512xi32>
    %or3A = arith.ori %and3A_169, %convert_element_type3A_162 : vector<160x512xi32>
    %slice3A_170 = vector.extract_strided_slice %or3A {offsets = [0, 0], sizes = [20, 256], strides = [1, 1]} : vector<160x512xi32> to vector<20x256xi32>
    %swap3A = arith.constant 0 : index
    %swap3A_171 = arith.constant 0 : index
    %swap3A_172 = arith.constant 0 : index
    %swap3A_173 = arith.constant 0 : index
    %swap3A_174 = vector.load %arg12[%swap3A, %swap3A_171, %swap3A_172, %swap3A_173] : memref<8x2x80x256xi32, #tpu.memory_space<vmem>>, vector<1x1x20x256xi32>
    %swap3A_175 = vector.shape_cast %swap3A_174 : vector<1x1x20x256xi32> to vector<20x256xi32>
    %swap3A_176 = vector.shape_cast %slice3A_170 : vector<20x256xi32> to vector<1x1x20x256xi32>
    tpu.vector_store %arg12[%swap3A, %swap3A_171, %swap3A_172, %swap3A_173], %swap3A_176 {strides = array<i32>} : memref<8x2x80x256xi32, #tpu.memory_space<vmem>>, vector<1x1x20x256xi32>,
    %slice3A_177 = vector.extract_strided_slice %or3A {offsets = [0, 256], sizes = [20, 256], strides = [1, 1]} : vector<160x512xi32> to vector<20x256xi32>
    %swap3A_178 = arith.constant 0 : index
    %swap3A_179 = arith.constant 1 : index
    %swap3A_180 = arith.constant 0 : index
    %swap3A_181 = arith.constant 0 : index
    %swap3A_182 = vector.load %arg12[%swap3A_178, %swap3A_179, %swap3A_180, %swap3A_181] : memref<8x2x80x256xi32, #tpu.memory_space<vmem>>, vector<1x1x20x256xi32>
    %swap3A_183 = vector.shape_cast %swap3A_182 : vector<1x1x20x256xi32> to vector<20x256xi32>
    %swap3A_184 = vector.shape_cast %slice3A_177 : vector<20x256xi32> to vector<1x1x20x256xi32>
    tpu.vector_store %arg12[%swap3A_178, %swap3A_179, %swap3A_180, %swap3A_181], %swap3A_184 {strides = array<i32>} : memref<8x2x80x256xi32, #tpu.memory_space<vmem>>, vector<1x1x20x256xi32>,
    %slice3A_185 = vector.extract_strided_slice %or3A {offsets = [20, 0], sizes = [20, 256], strides = [1, 1]} : vector<160x512xi32> to vector<20x256xi32>
    %swap3A_186 = arith.constant 1 : index
    %swap3A_187 = arith.constant 0 : index
    %swap3A_188 = arith.constant 0 : index
    %swap3A_189 = arith.constant 0 : index
    %swap3A_190 = vector.load %arg12[%swap3A_186, %swap3A_187, %swap3A_188, %swap3A_189] : memref<8x2x80x256xi32, #tpu.memory_space<vmem>>, vector<1x1x20x256xi32>
    %swap3A_191 = vector.shape_cast %swap3A_190 : vector<1x1x20x256xi32> to vector<20x256xi32>
    %swap3A_192 = vector.shape_cast %slice3A_185 : vector<20x256xi32> to vector<1x1x20x256xi32>
    tpu.vector_store %arg12[%swap3A_186, %swap3A_187, %swap3A_188, %swap3A_189], %swap3A_192 {strides = array<i32>} : memref<8x2x80x256xi32, #tpu.memory_space<vmem>>, vector<1x1x20x256xi32>,
    %slice3A_193 = vector.extract_strided_slice %or3A {offsets = [20, 256], sizes = [20, 256], strides = [1, 1]} : vector<160x512xi32> to vector<20x256xi32>
    %swap3A_194 = arith.constant 1 : index
    %swap3A_195 = arith.constant 1 : index
    %swap3A_196 = arith.constant 0 : index
    %swap3A_197 = arith.constant 0 : index
    %swap3A_198 = vector.load %arg12[%swap3A_194, %swap3A_195, %swap3A_196, %swap3A_197] : memref<8x2x80x256xi32, #tpu.memory_space<vmem>>, vector<1x1x20x256xi32>
    %swap3A_199 = vector.shape_cast %swap3A_198 : vector<1x1x20x256xi32> to vector<20x256xi32>
    %swap3A_200 = vector.shape_cast %slice3A_193 : vector<20x256xi32> to vector<1x1x20x256xi32>
    tpu.vector_store %arg12[%swap3A_194, %swap3A_195, %swap3A_196, %swap3A_197], %swap3A_200 {strides = array<i32>} : memref<8x2x80x256xi32, #tpu.memory_space<vmem>>, vector<1x1x20x256xi32>,
    %slice3A_201 = vector.extract_strided_slice %or3A {offsets = [40, 0], sizes = [20, 256], strides = [1, 1]} : vector<160x512xi32> to vector<20x256xi32>
    %swap3A_202 = arith.constant 2 : index
    %swap3A_203 = arith.constant 0 : index
    %swap3A_204 = arith.constant 0 : index
    %swap3A_205 = arith.constant 0 : index
    %swap3A_206 = vector.load %arg12[%swap3A_202, %swap3A_203, %swap3A_204, %swap3A_205] : memref<8x2x80x256xi32, #tpu.memory_space<vmem>>, vector<1x1x20x256xi32>
    %swap3A_207 = vector.shape_cast %swap3A_206 : vector<1x1x20x256xi32> to vector<20x256xi32>
    %swap3A_208 = vector.shape_cast %slice3A_201 : vector<20x256xi32> to vector<1x1x20x256xi32>
    tpu.vector_store %arg12[%swap3A_202, %swap3A_203, %swap3A_204, %swap3A_205], %swap3A_208 {strides = array<i32>} : memref<8x2x80x256xi32, #tpu.memory_space<vmem>>, vector<1x1x20x256xi32>,
    %slice3A_209 = vector.extract_strided_slice %or3A {offsets = [40, 256], sizes = [20, 256], strides = [1, 1]} : vector<160x512xi32> to vector<20x256xi32>
    %swap3A_210 = arith.constant 2 : index
    %swap3A_211 = arith.constant 1 : index
    %swap3A_212 = arith.constant 0 : index
    %swap3A_213 = arith.constant 0 : index
    %swap3A_214 = vector.load %arg12[%swap3A_210, %swap3A_211, %swap3A_212, %swap3A_213] : memref<8x2x80x256xi32, #tpu.memory_space<vmem>>, vector<1x1x20x256xi32>
    %swap3A_215 = vector.shape_cast %swap3A_214 : vector<1x1x20x256xi32> to vector<20x256xi32>
    %swap3A_216 = vector.shape_cast %slice3A_209 : vector<20x256xi32> to vector<1x1x20x256xi32>
    tpu.vector_store %arg12[%swap3A_210, %swap3A_211, %swap3A_212, %swap3A_213], %swap3A_216 {strides = array<i32>} : memref<8x2x80x256xi32, #tpu.memory_space<vmem>>, vector<1x1x20x256xi32>,
    %slice3A_217 = vector.extract_strided_slice %or3A {offsets = [60, 0], sizes = [20, 256], strides = [1, 1]} : vector<160x512xi32> to vector<20x256xi32>
    %swap3A_218 = arith.constant 3 : index
    %swap3A_219 = arith.constant 0 : index
    %swap3A_220 = arith.constant 0 : index
    %swap3A_221 = arith.constant 0 : index
    %swap3A_222 = vector.load %arg12[%swap3A_218, %swap3A_219, %swap3A_220, %swap3A_221] : memref<8x2x80x256xi32, #tpu.memory_space<vmem>>, vector<1x1x20x256xi32>
    %swap3A_223 = vector.shape_cast %swap3A_222 : vector<1x1x20x256xi32> to vector<20x256xi32>
    %swap3A_224 = vector.shape_cast %slice3A_217 : vector<20x256xi32> to vector<1x1x20x256xi32>
    tpu.vector_store %arg12[%swap3A_218, %swap3A_219, %swap3A_220, %swap3A_221], %swap3A_224 {strides = array<i32>} : memref<8x2x80x256xi32, #tpu.memory_space<vmem>>, vector<1x1x20x256xi32>,
    %slice3A_225 = vector.extract_strided_slice %or3A {offsets = [60, 256], sizes = [20, 256], strides = [1, 1]} : vector<160x512xi32> to vector<20x256xi32>
    %swap3A_226 = arith.constant 3 : index
    %swap3A_227 = arith.constant 1 : index
    %swap3A_228 = arith.constant 0 : index
    %swap3A_229 = arith.constant 0 : index
    %swap3A_230 = vector.load %arg12[%swap3A_226, %swap3A_227, %swap3A_228, %swap3A_229] : memref<8x2x80x256xi32, #tpu.memory_space<vmem>>, vector<1x1x20x256xi32>
    %swap3A_231 = vector.shape_cast %swap3A_230 : vector<1x1x20x256xi32> to vector<20x256xi32>
    %swap3A_232 = vector.shape_cast %slice3A_225 : vector<20x256xi32> to vector<1x1x20x256xi32>
    tpu.vector_store %arg12[%swap3A_226, %swap3A_227, %swap3A_228, %swap3A_229], %swap3A_232 {strides = array<i32>} : memref<8x2x80x256xi32, #tpu.memory_space<vmem>>, vector<1x1x20x256xi32>,
    %slice3A_233 = vector.extract_strided_slice %or3A {offsets = [80, 0], sizes = [20, 256], strides = [1, 1]} : vector<160x512xi32> to vector<20x256xi32>
    %swap3A_234 = arith.constant 4 : index
    %swap3A_235 = arith.constant 0 : index
    %swap3A_236 = arith.constant 0 : index
    %swap3A_237 = arith.constant 0 : index
    %swap3A_238 = vector.load %arg12[%swap3A_234, %swap3A_235, %swap3A_236, %swap3A_237] : memref<8x2x80x256xi32, #tpu.memory_space<vmem>>, vector<1x1x20x256xi32>
    %swap3A_239 = vector.shape_cast %swap3A_238 : vector<1x1x20x256xi32> to vector<20x256xi32>
    %swap3A_240 = vector.shape_cast %slice3A_233 : vector<20x256xi32> to vector<1x1x20x256xi32>
    tpu.vector_store %arg12[%swap3A_234, %swap3A_235, %swap3A_236, %swap3A_237], %swap3A_240 {strides = array<i32>} : memref<8x2x80x256xi32, #tpu.memory_space<vmem>>, vector<1x1x20x256xi32>,
    %slice3A_241 = vector.extract_strided_slice %or3A {offsets = [80, 256], sizes = [20, 256], strides = [1, 1]} : vector<160x512xi32> to vector<20x256xi32>
    %swap3A_242 = arith.constant 4 : index
    %swap3A_243 = arith.constant 1 : index
    %swap3A_244 = arith.constant 0 : index
    %swap3A_245 = arith.constant 0 : index
    %swap3A_246 = vector.load %arg12[%swap3A_242, %swap3A_243, %swap3A_244, %swap3A_245] : memref<8x2x80x256xi32, #tpu.memory_space<vmem>>, vector<1x1x20x256xi32>
    %swap3A_247 = vector.shape_cast %swap3A_246 : vector<1x1x20x256xi32> to vector<20x256xi32>
    %swap3A_248 = vector.shape_cast %slice3A_241 : vector<20x256xi32> to vector<1x1x20x256xi32>
    tpu.vector_store %arg12[%swap3A_242, %swap3A_243, %swap3A_244, %swap3A_245], %swap3A_248 {strides = array<i32>} : memref<8x2x80x256xi32, #tpu.memory_space<vmem>>, vector<1x1x20x256xi32>,
    %slice3A_249 = vector.extract_strided_slice %or3A {offsets = [100, 0], sizes = [20, 256], strides = [1, 1]} : vector<160x512xi32> to vector<20x256xi32>
    %swap3A_250 = arith.constant 5 : index
    %swap3A_251 = arith.constant 0 : index
    %swap3A_252 = arith.constant 0 : index
    %swap3A_253 = arith.constant 0 : index
    %swap3A_254 = vector.load %arg12[%swap3A_250, %swap3A_251, %swap3A_252, %swap3A_253] : memref<8x2x80x256xi32, #tpu.memory_space<vmem>>, vector<1x1x20x256xi32>
    %swap3A_255 = vector.shape_cast %swap3A_254 : vector<1x1x20x256xi32> to vector<20x256xi32>
    %swap3A_256 = vector.shape_cast %slice3A_249 : vector<20x256xi32> to vector<1x1x20x256xi32>
    tpu.vector_store %arg12[%swap3A_250, %swap3A_251, %swap3A_252, %swap3A_253], %swap3A_256 {strides = array<i32>} : memref<8x2x80x256xi32, #tpu.memory_space<vmem>>, vector<1x1x20x256xi32>,
    %slice3A_257 = vector.extract_strided_slice %or3A {offsets = [100, 256], sizes = [20, 256], strides = [1, 1]} : vector<160x512xi32> to vector<20x256xi32>
    %swap3A_258 = arith.constant 5 : index
    %swap3A_259 = arith.constant 1 : index
    %swap3A_260 = arith.constant 0 : index
    %swap3A_261 = arith.constant 0 : index
    %swap3A_262 = vector.load %arg12[%swap3A_258, %swap3A_259, %swap3A_260, %swap3A_261] : memref<8x2x80x256xi32, #tpu.memory_space<vmem>>, vector<1x1x20x256xi32>
    %swap3A_263 = vector.shape_cast %swap3A_262 : vector<1x1x20x256xi32> to vector<20x256xi32>
    %swap3A_264 = vector.shape_cast %slice3A_257 : vector<20x256xi32> to vector<1x1x20x256xi32>
    tpu.vector_store %arg12[%swap3A_258, %swap3A_259, %swap3A_260, %swap3A_261], %swap3A_264 {strides = array<i32>} : memref<8x2x80x256xi32, #tpu.memory_space<vmem>>, vector<1x1x20x256xi32>,
    %slice3A_265 = vector.extract_strided_slice %or3A {offsets = [120, 0], sizes = [20, 256], strides = [1, 1]} : vector<160x512xi32> to vector<20x256xi32>
    %swap3A_266 = arith.constant 6 : index
    %swap3A_267 = arith.constant 0 : index
    %swap3A_268 = arith.constant 0 : index
    %swap3A_269 = arith.constant 0 : index
    %swap3A_270 = vector.load %arg12[%swap3A_266, %swap3A_267, %swap3A_268, %swap3A_269] : memref<8x2x80x256xi32, #tpu.memory_space<vmem>>, vector<1x1x20x256xi32>
    %swap3A_271 = vector.shape_cast %swap3A_270 : vector<1x1x20x256xi32> to vector<20x256xi32>
    %swap3A_272 = vector.shape_cast %slice3A_265 : vector<20x256xi32> to vector<1x1x20x256xi32>
    tpu.vector_store %arg12[%swap3A_266, %swap3A_267, %swap3A_268, %swap3A_269], %swap3A_272 {strides = array<i32>} : memref<8x2x80x256xi32, #tpu.memory_space<vmem>>, vector<1x1x20x256xi32>,
    %slice3A_273 = vector.extract_strided_slice %or3A {offsets = [120, 256], sizes = [20, 256], strides = [1, 1]} : vector<160x512xi32> to vector<20x256xi32>
    %swap3A_274 = arith.constant 6 : index
    %swap3A_275 = arith.constant 1 : index
    %swap3A_276 = arith.constant 0 : index
    %swap3A_277 = arith.constant 0 : index
    %swap3A_278 = vector.load %arg12[%swap3A_274, %swap3A_275, %swap3A_276, %swap3A_277] : memref<8x2x80x256xi32, #tpu.memory_space<vmem>>, vector<1x1x20x256xi32>
    %swap3A_279 = vector.shape_cast %swap3A_278 : vector<1x1x20x256xi32> to vector<20x256xi32>
    %swap3A_280 = vector.shape_cast %slice3A_273 : vector<20x256xi32> to vector<1x1x20x256xi32>
    tpu.vector_store %arg12[%swap3A_274, %swap3A_275, %swap3A_276, %swap3A_277], %swap3A_280 {strides = array<i32>} : memref<8x2x80x256xi32, #tpu.memory_space<vmem>>, vector<1x1x20x256xi32>,
    %slice3A_281 = vector.extract_strided_slice %or3A {offsets = [140, 0], sizes = [20, 256], strides = [1, 1]} : vector<160x512xi32> to vector<20x256xi32>
    %swap3A_282 = arith.constant 7 : index
    %swap3A_283 = arith.constant 0 : index
    %swap3A_284 = arith.constant 0 : index
    %swap3A_285 = arith.constant 0 : index
    %swap3A_286 = vector.load %arg12[%swap3A_282, %swap3A_283, %swap3A_284, %swap3A_285] : memref<8x2x80x256xi32, #tpu.memory_space<vmem>>, vector<1x1x20x256xi32>
    %swap3A_287 = vector.shape_cast %swap3A_286 : vector<1x1x20x256xi32> to vector<20x256xi32>
    %swap3A_288 = vector.shape_cast %slice3A_281 : vector<20x256xi32> to vector<1x1x20x256xi32>
    tpu.vector_store %arg12[%swap3A_282, %swap3A_283, %swap3A_284, %swap3A_285], %swap3A_288 {strides = array<i32>} : memref<8x2x80x256xi32, #tpu.memory_space<vmem>>, vector<1x1x20x256xi32>,
    %slice3A_289 = vector.extract_strided_slice %or3A {offsets = [140, 256], sizes = [20, 256], strides = [1, 1]} : vector<160x512xi32> to vector<20x256xi32>
    %swap3A_290 = arith.constant 7 : index
    %swap3A_291 = arith.constant 1 : index
    %swap3A_292 = arith.constant 0 : index
    %swap3A_293 = arith.constant 0 : index
    %swap3A_294 = vector.load %arg12[%swap3A_290, %swap3A_291, %swap3A_292, %swap3A_293] : memref<8x2x80x256xi32, #tpu.memory_space<vmem>>, vector<1x1x20x256xi32>
    %swap3A_295 = vector.shape_cast %swap3A_294 : vector<1x1x20x256xi32> to vector<20x256xi32>
    %swap3A_296 = vector.shape_cast %slice3A_289 : vector<20x256xi32> to vector<1x1x20x256xi32>
    tpu.vector_store %arg12[%swap3A_290, %swap3A_291, %swap3A_292, %swap3A_293], %swap3A_296 {strides = array<i32>} : memref<8x2x80x256xi32, #tpu.memory_space<vmem>>, vector<1x1x20x256xi32>,
    %add3A_297 = arith.addf %mul3A_150, %add3A_140 : vector<160x512xf32>
    %convert_element_type3A_298 = arith.fptosi %add3A_297 : vector<160x512xf32> to vector<160x512xi32>
    %mul3A_299 = arith.mulf %mul3A_100, %mul3A_113 : vector<160x512xf32>
    %bitcast_convert_type3A_300 = tpu.bitcast %mul3A_299 : vector<160x512xf32> -> vector<160x512xi32>
    %add3A_301 = arith.constant 32768 : i32
    %add3A_302 = vector.broadcast %add3A_301 : i32 to vector<160x512xi32>
    %add3A_303 = arith.addi %bitcast_convert_type3A_300, %add3A_302 : vector<160x512xi32>
    %and3A_304 = arith.constant -65536 : i32
    %and3A_305 = vector.broadcast %and3A_304 : i32 to vector<160x512xi32>
    %and3A_306 = arith.andi %add3A_303, %and3A_305 : vector<160x512xi32>
    %or3A_307 = arith.ori %and3A_306, %convert_element_type3A_298 : vector<160x512xi32>
    %slice3A_308 = vector.extract_strided_slice %or3A_307 {offsets = [0, 0], sizes = [20, 256], strides = [1, 1]} : vector<160x512xi32> to vector<20x256xi32>
    %swap3A_309 = arith.constant 0 : index
    %swap3A_310 = arith.constant 0 : index
    %swap3A_311 = arith.constant 20 : index
    %swap3A_312 = arith.constant 0 : index
    %swap3A_313 = vector.load %arg12[%swap3A_309, %swap3A_310, %swap3A_311, %swap3A_312] : memref<8x2x80x256xi32, #tpu.memory_space<vmem>>, vector<1x1x20x256xi32>
    %swap3A_314 = vector.shape_cast %swap3A_313 : vector<1x1x20x256xi32> to vector<20x256xi32>
    %swap3A_315 = vector.shape_cast %slice3A_308 : vector<20x256xi32> to vector<1x1x20x256xi32>
    tpu.vector_store %arg12[%swap3A_309, %swap3A_310, %swap3A_311, %swap3A_312], %swap3A_315 {strides = array<i32>} : memref<8x2x80x256xi32, #tpu.memory_space<vmem>>, vector<1x1x20x256xi32>,
    %slice3A_316 = vector.extract_strided_slice %or3A_307 {offsets = [0, 256], sizes = [20, 256], strides = [1, 1]} : vector<160x512xi32> to vector<20x256xi32>
    %swap3A_317 = arith.constant 0 : index
    %swap3A_318 = arith.constant 1 : index
    %swap3A_319 = arith.constant 20 : index
    %swap3A_320 = arith.constant 0 : index
    %swap3A_321 = vector.load %arg12[%swap3A_317, %swap3A_318, %swap3A_319, %swap3A_320] : memref<8x2x80x256xi32, #tpu.memory_space<vmem>>, vector<1x1x20x256xi32>
    %swap3A_322 = vector.shape_cast %swap3A_321 : vector<1x1x20x256xi32> to vector<20x256xi32>
    %swap3A_323 = vector.shape_cast %slice3A_316 : vector<20x256xi32> to vector<1x1x20x256xi32>
    tpu.vector_store %arg12[%swap3A_317, %swap3A_318, %swap3A_319, %swap3A_320], %swap3A_323 {strides = array<i32>} : memref<8x2x80x256xi32, #tpu.memory_space<vmem>>, vector<1x1x20x256xi32>,
    %slice3A_324 = vector.extract_strided_slice %or3A_307 {offsets = [20, 0], sizes = [20, 256], strides = [1, 1]} : vector<160x512xi32> to vector<20x256xi32>
    %swap3A_325 = arith.constant 1 : index
    %swap3A_326 = arith.constant 0 : index
    %swap3A_327 = arith.constant 20 : index
    %swap3A_328 = arith.constant 0 : index
    %swap3A_329 = vector.load %arg12[%swap3A_325, %swap3A_326, %swap3A_327, %swap3A_328] : memref<8x2x80x256xi32, #tpu.memory_space<vmem>>, vector<1x1x20x256xi32>
    %swap3A_330 = vector.shape_cast %swap3A_329 : vector<1x1x20x256xi32> to vector<20x256xi32>
    %swap3A_331 = vector.shape_cast %slice3A_324 : vector<20x256xi32> to vector<1x1x20x256xi32>
    tpu.vector_store %arg12[%swap3A_325, %swap3A_326, %swap3A_327, %swap3A_328], %swap3A_331 {strides = array<i32>} : memref<8x2x80x256xi32, #tpu.memory_space<vmem>>, vector<1x1x20x256xi32>,
    %slice3A_332 = vector.extract_strided_slice %or3A_307 {offsets = [20, 256], sizes = [20, 256], strides = [1, 1]} : vector<160x512xi32> to vector<20x256xi32>
    %swap3A_333 = arith.constant 1 : index
    %swap3A_334 = arith.constant 1 : index
    %swap3A_335 = arith.constant 20 : index
    %swap3A_336 = arith.constant 0 : index
    %swap3A_337 = vector.load %arg12[%swap3A_333, %swap3A_334, %swap3A_335, %swap3A_336] : memref<8x2x80x256xi32, #tpu.memory_space<vmem>>, vector<1x1x20x256xi32>
    %swap3A_338 = vector.shape_cast %swap3A_337 : vector<1x1x20x256xi32> to vector<20x256xi32>
    %swap3A_339 = vector.shape_cast %slice3A_332 : vector<20x256xi32> to vector<1x1x20x256xi32>
    tpu.vector_store %arg12[%swap3A_333, %swap3A_334, %swap3A_335, %swap3A_336], %swap3A_339 {strides = array<i32>} : memref<8x2x80x256xi32, #tpu.memory_space<vmem>>, vector<1x1x20x256xi32>,
    %slice3A_340 = vector.extract_strided_slice %or3A_307 {offsets = [40, 0], sizes = [20, 256], strides = [1, 1]} : vector<160x512xi32> to vector<20x256xi32>
    %swap3A_341 = arith.constant 2 : index
    %swap3A_342 = arith.constant 0 : index
    %swap3A_343 = arith.constant 20 : index
    %swap3A_344 = arith.constant 0 : index
    %swap3A_345 = vector.load %arg12[%swap3A_341, %swap3A_342, %swap3A_343, %swap3A_344] : memref<8x2x80x256xi32, #tpu.memory_space<vmem>>, vector<1x1x20x256xi32>
    %swap3A_346 = vector.shape_cast %swap3A_345 : vector<1x1x20x256xi32> to vector<20x256xi32>
    %swap3A_347 = vector.shape_cast %slice3A_340 : vector<20x256xi32> to vector<1x1x20x256xi32>
    tpu.vector_store %arg12[%swap3A_341, %swap3A_342, %swap3A_343, %swap3A_344], %swap3A_347 {strides = array<i32>} : memref<8x2x80x256xi32, #tpu.memory_space<vmem>>, vector<1x1x20x256xi32>,
    %slice3A_348 = vector.extract_strided_slice %or3A_307 {offsets = [40, 256], sizes = [20, 256], strides = [1, 1]} : vector<160x512xi32> to vector<20x256xi32>
    %swap3A_349 = arith.constant 2 : index
    %swap3A_350 = arith.constant 1 : index
    %swap3A_351 = arith.constant 20 : index
    %swap3A_352 = arith.constant 0 : index
    %swap3A_353 = vector.load %arg12[%swap3A_349, %swap3A_350, %swap3A_351, %swap3A_352] : memref<8x2x80x256xi32, #tpu.memory_space<vmem>>, vector<1x1x20x256xi32>
    %swap3A_354 = vector.shape_cast %swap3A_353 : vector<1x1x20x256xi32> to vector<20x256xi32>
    %swap3A_355 = vector.shape_cast %slice3A_348 : vector<20x256xi32> to vector<1x1x20x256xi32>
    tpu.vector_store %arg12[%swap3A_349, %swap3A_350, %swap3A_351, %swap3A_352], %swap3A_355 {strides = array<i32>} : memref<8x2x80x256xi32, #tpu.memory_space<vmem>>, vector<1x1x20x256xi32>,
    %slice3A_356 = vector.extract_strided_slice %or3A_307 {offsets = [60, 0], sizes = [20, 256], strides = [1, 1]} : vector<160x512xi32> to vector<20x256xi32>
    %swap3A_357 = arith.constant 3 : index
    %swap3A_358 = arith.constant 0 : index
    %swap3A_359 = arith.constant 20 : index
    %swap3A_360 = arith.constant 0 : index
    %swap3A_361 = vector.load %arg12[%swap3A_357, %swap3A_358, %swap3A_359, %swap3A_360] : memref<8x2x80x256xi32, #tpu.memory_space<vmem>>, vector<1x1x20x256xi32>
    %swap3A_362 = vector.shape_cast %swap3A_361 : vector<1x1x20x256xi32> to vector<20x256xi32>
    %swap3A_363 = vector.shape_cast %slice3A_356 : vector<20x256xi32> to vector<1x1x20x256xi32>
    tpu.vector_store %arg12[%swap3A_357, %swap3A_358, %swap3A_359, %swap3A_360], %swap3A_363 {strides = array<i32>} : memref<8x2x80x256xi32, #tpu.memory_space<vmem>>, vector<1x1x20x256xi32>,
    %slice3A_364 = vector.extract_strided_slice %or3A_307 {offsets = [60, 256], sizes = [20, 256], strides = [1, 1]} : vector<160x512xi32> to vector<20x256xi32>
    %swap3A_365 = arith.constant 3 : index
    %swap3A_366 = arith.constant 1 : index
    %swap3A_367 = arith.constant 20 : index
    %swap3A_368 = arith.constant 0 : index
    %swap3A_369 = vector.load %arg12[%swap3A_365, %swap3A_366, %swap3A_367, %swap3A_368] : memref<8x2x80x256xi32, #tpu.memory_space<vmem>>, vector<1x1x20x256xi32>
    %swap3A_370 = vector.shape_cast %swap3A_369 : vector<1x1x20x256xi32> to vector<20x256xi32>
    %swap3A_371 = vector.shape_cast %slice3A_364 : vector<20x256xi32> to vector<1x1x20x256xi32>
    tpu.vector_store %arg12[%swap3A_365, %swap3A_366, %swap3A_367, %swap3A_368], %swap3A_371 {strides = array<i32>} : memref<8x2x80x256xi32, #tpu.memory_space<vmem>>, vector<1x1x20x256xi32>,
    %slice3A_372 = vector.extract_strided_slice %or3A_307 {offsets = [80, 0], sizes = [20, 256], strides = [1, 1]} : vector<160x512xi32> to vector<20x256xi32>
    %swap3A_373 = arith.constant 4 : index
    %swap3A_374 = arith.constant 0 : index
    %swap3A_375 = arith.constant 20 : index
    %swap3A_376 = arith.constant 0 : index
    %swap3A_377 = vector.load %arg12[%swap3A_373, %swap3A_374, %swap3A_375, %swap3A_376] : memref<8x2x80x256xi32, #tpu.memory_space<vmem>>, vector<1x1x20x256xi32>
    %swap3A_378 = vector.shape_cast %swap3A_377 : vector<1x1x20x256xi32> to vector<20x256xi32>
    %swap3A_379 = vector.shape_cast %slice3A_372 : vector<20x256xi32> to vector<1x1x20x256xi32>
    tpu.vector_store %arg12[%swap3A_373, %swap3A_374, %swap3A_375, %swap3A_376], %swap3A_379 {strides = array<i32>} : memref<8x2x80x256xi32, #tpu.memory_space<vmem>>, vector<1x1x20x256xi32>,
    %slice3A_380 = vector.extract_strided_slice %or3A_307 {offsets = [80, 256], sizes = [20, 256], strides = [1, 1]} : vector<160x512xi32> to vector<20x256xi32>
    %swap3A_381 = arith.constant 4 : index
    %swap3A_382 = arith.constant 1 : index
    %swap3A_383 = arith.constant 20 : index
    %swap3A_384 = arith.constant 0 : index
    %swap3A_385 = vector.load %arg12[%swap3A_381, %swap3A_382, %swap3A_383, %swap3A_384] : memref<8x2x80x256xi32, #tpu.memory_space<vmem>>, vector<1x1x20x256xi32>
    %swap3A_386 = vector.shape_cast %swap3A_385 : vector<1x1x20x256xi32> to vector<20x256xi32>
    %swap3A_387 = vector.shape_cast %slice3A_380 : vector<20x256xi32> to vector<1x1x20x256xi32>
    tpu.vector_store %arg12[%swap3A_381, %swap3A_382, %swap3A_383, %swap3A_384], %swap3A_387 {strides = array<i32>} : memref<8x2x80x256xi32, #tpu.memory_space<vmem>>, vector<1x1x20x256xi32>,
    %slice3A_388 = vector.extract_strided_slice %or3A_307 {offsets = [100, 0], sizes = [20, 256], strides = [1, 1]} : vector<160x512xi32> to vector<20x256xi32>
    %swap3A_389 = arith.constant 5 : index
    %swap3A_390 = arith.constant 0 : index
    %swap3A_391 = arith.constant 20 : index
    %swap3A_392 = arith.constant 0 : index
    %swap3A_393 = vector.load %arg12[%swap3A_389, %swap3A_390, %swap3A_391, %swap3A_392] : memref<8x2x80x256xi32, #tpu.memory_space<vmem>>, vector<1x1x20x256xi32>
    %swap3A_394 = vector.shape_cast %swap3A_393 : vector<1x1x20x256xi32> to vector<20x256xi32>
    %swap3A_395 = vector.shape_cast %slice3A_388 : vector<20x256xi32> to vector<1x1x20x256xi32>
    tpu.vector_store %arg12[%swap3A_389, %swap3A_390, %swap3A_391, %swap3A_392], %swap3A_395 {strides = array<i32>} : memref<8x2x80x256xi32, #tpu.memory_space<vmem>>, vector<1x1x20x256xi32>,
    %slice3A_396 = vector.extract_strided_slice %or3A_307 {offsets = [100, 256], sizes = [20, 256], strides = [1, 1]} : vector<160x512xi32> to vector<20x256xi32>
    %swap3A_397 = arith.constant 5 : index
    %swap3A_398 = arith.constant 1 : index
    %swap3A_399 = arith.constant 20 : index
    %swap3A_400 = arith.constant 0 : index
    %swap3A_401 = vector.load %arg12[%swap3A_397, %swap3A_398, %swap3A_399, %swap3A_400] : memref<8x2x80x256xi32, #tpu.memory_space<vmem>>, vector<1x1x20x256xi32>
    %swap3A_402 = vector.shape_cast %swap3A_401 : vector<1x1x20x256xi32> to vector<20x256xi32>
    %swap3A_403 = vector.shape_cast %slice3A_396 : vector<20x256xi32> to vector<1x1x20x256xi32>
    tpu.vector_store %arg12[%swap3A_397, %swap3A_398, %swap3A_399, %swap3A_400], %swap3A_403 {strides = array<i32>} : memref<8x2x80x256xi32, #tpu.memory_space<vmem>>, vector<1x1x20x256xi32>,
    %slice3A_404 = vector.extract_strided_slice %or3A_307 {offsets = [120, 0], sizes = [20, 256], strides = [1, 1]} : vector<160x512xi32> to vector<20x256xi32>
    %swap3A_405 = arith.constant 6 : index
    %swap3A_406 = arith.constant 0 : index
    %swap3A_407 = arith.constant 20 : index
    %swap3A_408 = arith.constant 0 : index
    %swap3A_409 = vector.load %arg12[%swap3A_405, %swap3A_406, %swap3A_407, %swap3A_408] : memref<8x2x80x256xi32, #tpu.memory_space<vmem>>, vector<1x1x20x256xi32>
    %swap3A_410 = vector.shape_cast %swap3A_409 : vector<1x1x20x256xi32> to vector<20x256xi32>
    %swap3A_411 = vector.shape_cast %slice3A_404 : vector<20x256xi32> to vector<1x1x20x256xi32>
    tpu.vector_store %arg12[%swap3A_405, %swap3A_406, %swap3A_407, %swap3A_408], %swap3A_411 {strides = array<i32>} : memref<8x2x80x256xi32, #tpu.memory_space<vmem>>, vector<1x1x20x256xi32>,
    %slice3A_412 = vector.extract_strided_slice %or3A_307 {offsets = [120, 256], sizes = [20, 256], strides = [1, 1]} : vector<160x512xi32> to vector<20x256xi32>
    %swap3A_413 = arith.constant 6 : index
    %swap3A_414 = arith.constant 1 : index
    %swap3A_415 = arith.constant 20 : index
    %swap3A_416 = arith.constant 0 : index
    %swap3A_417 = vector.load %arg12[%swap3A_413, %swap3A_414, %swap3A_415, %swap3A_416] : memref<8x2x80x256xi32, #tpu.memory_space<vmem>>, vector<1x1x20x256xi32>
    %swap3A_418 = vector.shape_cast %swap3A_417 : vector<1x1x20x256xi32> to vector<20x256xi32>
    %swap3A_419 = vector.shape_cast %slice3A_412 : vector<20x256xi32> to vector<1x1x20x256xi32>
    tpu.vector_store %arg12[%swap3A_413, %swap3A_414, %swap3A_415, %swap3A_416], %swap3A_419 {strides = array<i32>} : memref<8x2x80x256xi32, #tpu.memory_space<vmem>>, vector<1x1x20x256xi32>,
    %slice3A_420 = vector.extract_strided_slice %or3A_307 {offsets = [140, 0], sizes = [20, 256], strides = [1, 1]} : vector<160x512xi32> to vector<20x256xi32>
    %swap3A_421 = arith.constant 7 : index
    %swap3A_422 = arith.constant 0 : index
    %swap3A_423 = arith.constant 20 : index
    %swap3A_424 = arith.constant 0 : index
    %swap3A_425 = vector.load %arg12[%swap3A_421, %swap3A_422, %swap3A_423, %swap3A_424] : memref<8x2x80x256xi32, #tpu.memory_space<vmem>>, vector<1x1x20x256xi32>
    %swap3A_426 = vector.shape_cast %swap3A_425 : vector<1x1x20x256xi32> to vector<20x256xi32>
    %swap3A_427 = vector.shape_cast %slice3A_420 : vector<20x256xi32> to vector<1x1x20x256xi32>
    tpu.vector_store %arg12[%swap3A_421, %swap3A_422, %swap3A_423, %swap3A_424], %swap3A_427 {strides = array<i32>} : memref<8x2x80x256xi32, #tpu.memory_space<vmem>>, vector<1x1x20x256xi32>,
    %slice3A_428 = vector.extract_strided_slice %or3A_307 {offsets = [140, 256], sizes = [20, 256], strides = [1, 1]} : vector<160x512xi32> to vector<20x256xi32>
    %swap3A_429 = arith.constant 7 : index
    %swap3A_430 = arith.constant 1 : index
    %swap3A_431 = arith.constant 20 : index
    %swap3A_432 = arith.constant 0 : index
    %swap3A_433 = vector.load %arg12[%swap3A_429, %swap3A_430, %swap3A_431, %swap3A_432] : memref<8x2x80x256xi32, #tpu.memory_space<vmem>>, vector<1x1x20x256xi32>
    %swap3A_434 = vector.shape_cast %swap3A_433 : vector<1x1x20x256xi32> to vector<20x256xi32>
    %swap3A_435 = vector.shape_cast %slice3A_428 : vector<20x256xi32> to vector<1x1x20x256xi32>
    tpu.vector_store %arg12[%swap3A_429, %swap3A_430, %swap3A_431, %swap3A_432], %swap3A_435 {strides = array<i32>} : memref<8x2x80x256xi32, #tpu.memory_space<vmem>>, vector<1x1x20x256xi32>,
    %add3A_436 = arith.addf %mul3A_160, %add3A_130 : vector<160x512xf32>
    %convert_element_type3A_437 = arith.fptosi %add3A_436 : vector<160x512xf32> to vector<160x512xi32>
    %mul3A_438 = arith.mulf %mul3A_91, %mul3A_123 : vector<160x512xf32>
    %bitcast_convert_type3A_439 = tpu.bitcast %mul3A_438 : vector<160x512xf32> -> vector<160x512xi32>
    %add3A_440 = arith.constant 32768 : i32
    %add3A_441 = vector.broadcast %add3A_440 : i32 to vector<160x512xi32>
    %add3A_442 = arith.addi %bitcast_convert_type3A_439, %add3A_441 : vector<160x512xi32>
    %and3A_443 = arith.constant -65536 : i32
    %and3A_444 = vector.broadcast %and3A_443 : i32 to vector<160x512xi32>
    %and3A_445 = arith.andi %add3A_442, %and3A_444 : vector<160x512xi32>
    %or3A_446 = arith.ori %and3A_445, %convert_element_type3A_437 : vector<160x512xi32>
    %slice3A_447 = vector.extract_strided_slice %or3A_446 {offsets = [0, 0], sizes = [20, 256], strides = [1, 1]} : vector<160x512xi32> to vector<20x256xi32>
    %swap3A_448 = arith.constant 0 : index
    %swap3A_449 = arith.constant 0 : index
    %swap3A_450 = arith.constant 40 : index
    %swap3A_451 = arith.constant 0 : index
    %swap3A_452 = vector.load %arg12[%swap3A_448, %swap3A_449, %swap3A_450, %swap3A_451] : memref<8x2x80x256xi32, #tpu.memory_space<vmem>>, vector<1x1x20x256xi32>
    %swap3A_453 = vector.shape_cast %swap3A_452 : vector<1x1x20x256xi32> to vector<20x256xi32>
    %swap3A_454 = vector.shape_cast %slice3A_447 : vector<20x256xi32> to vector<1x1x20x256xi32>
    tpu.vector_store %arg12[%swap3A_448, %swap3A_449, %swap3A_450, %swap3A_451], %swap3A_454 {strides = array<i32>} : memref<8x2x80x256xi32, #tpu.memory_space<vmem>>, vector<1x1x20x256xi32>,
    %slice3A_455 = vector.extract_strided_slice %or3A_446 {offsets = [0, 256], sizes = [20, 256], strides = [1, 1]} : vector<160x512xi32> to vector<20x256xi32>
    %swap3A_456 = arith.constant 0 : index
    %swap3A_457 = arith.constant 1 : index
    %swap3A_458 = arith.constant 40 : index
    %swap3A_459 = arith.constant 0 : index
    %swap3A_460 = vector.load %arg12[%swap3A_456, %swap3A_457, %swap3A_458, %swap3A_459] : memref<8x2x80x256xi32, #tpu.memory_space<vmem>>, vector<1x1x20x256xi32>
    %swap3A_461 = vector.shape_cast %swap3A_460 : vector<1x1x20x256xi32> to vector<20x256xi32>
    %swap3A_462 = vector.shape_cast %slice3A_455 : vector<20x256xi32> to vector<1x1x20x256xi32>
    tpu.vector_store %arg12[%swap3A_456, %swap3A_457, %swap3A_458, %swap3A_459], %swap3A_462 {strides = array<i32>} : memref<8x2x80x256xi32, #tpu.memory_space<vmem>>, vector<1x1x20x256xi32>,
    %slice3A_463 = vector.extract_strided_slice %or3A_446 {offsets = [20, 0], sizes = [20, 256], strides = [1, 1]} : vector<160x512xi32> to vector<20x256xi32>
    %swap3A_464 = arith.constant 1 : index
    %swap3A_465 = arith.constant 0 : index
    %swap3A_466 = arith.constant 40 : index
    %swap3A_467 = arith.constant 0 : index
    %swap3A_468 = vector.load %arg12[%swap3A_464, %swap3A_465, %swap3A_466, %swap3A_467] : memref<8x2x80x256xi32, #tpu.memory_space<vmem>>, vector<1x1x20x256xi32>
    %swap3A_469 = vector.shape_cast %swap3A_468 : vector<1x1x20x256xi32> to vector<20x256xi32>
    %swap3A_470 = vector.shape_cast %slice3A_463 : vector<20x256xi32> to vector<1x1x20x256xi32>
    tpu.vector_store %arg12[%swap3A_464, %swap3A_465, %swap3A_466, %swap3A_467], %swap3A_470 {strides = array<i32>} : memref<8x2x80x256xi32, #tpu.memory_space<vmem>>, vector<1x1x20x256xi32>,
    %slice3A_471 = vector.extract_strided_slice %or3A_446 {offsets = [20, 256], sizes = [20, 256], strides = [1, 1]} : vector<160x512xi32> to vector<20x256xi32>
    %swap3A_472 = arith.constant 1 : index
    %swap3A_473 = arith.constant 1 : index
    %swap3A_474 = arith.constant 40 : index
    %swap3A_475 = arith.constant 0 : index
    %swap3A_476 = vector.load %arg12[%swap3A_472, %swap3A_473, %swap3A_474, %swap3A_475] : memref<8x2x80x256xi32, #tpu.memory_space<vmem>>, vector<1x1x20x256xi32>
    %swap3A_477 = vector.shape_cast %swap3A_476 : vector<1x1x20x256xi32> to vector<20x256xi32>
    %swap3A_478 = vector.shape_cast %slice3A_471 : vector<20x256xi32> to vector<1x1x20x256xi32>
    tpu.vector_store %arg12[%swap3A_472, %swap3A_473, %swap3A_474, %swap3A_475], %swap3A_478 {strides = array<i32>} : memref<8x2x80x256xi32, #tpu.memory_space<vmem>>, vector<1x1x20x256xi32>,
    %slice3A_479 = vector.extract_strided_slice %or3A_446 {offsets = [40, 0], sizes = [20, 256], strides = [1, 1]} : vector<160x512xi32> to vector<20x256xi32>
    %swap3A_480 = arith.constant 2 : index
    %swap3A_481 = arith.constant 0 : index
    %swap3A_482 = arith.constant 40 : index
    %swap3A_483 = arith.constant 0 : index
    %swap3A_484 = vector.load %arg12[%swap3A_480, %swap3A_481, %swap3A_482, %swap3A_483] : memref<8x2x80x256xi32, #tpu.memory_space<vmem>>, vector<1x1x20x256xi32>
    %swap3A_485 = vector.shape_cast %swap3A_484 : vector<1x1x20x256xi32> to vector<20x256xi32>
    %swap3A_486 = vector.shape_cast %slice3A_479 : vector<20x256xi32> to vector<1x1x20x256xi32>
    tpu.vector_store %arg12[%swap3A_480, %swap3A_481, %swap3A_482, %swap3A_483], %swap3A_486 {strides = array<i32>} : memref<8x2x80x256xi32, #tpu.memory_space<vmem>>, vector<1x1x20x256xi32>,
    %slice3A_487 = vector.extract_strided_slice %or3A_446 {offsets = [40, 256], sizes = [20, 256], strides = [1, 1]} : vector<160x512xi32> to vector<20x256xi32>
    %swap3A_488 = arith.constant 2 : index
    %swap3A_489 = arith.constant 1 : index
    %swap3A_490 = arith.constant 40 : index
    %swap3A_491 = arith.constant 0 : index
    %swap3A_492 = vector.load %arg12[%swap3A_488, %swap3A_489, %swap3A_490, %swap3A_491] : memref<8x2x80x256xi32, #tpu.memory_space<vmem>>, vector<1x1x20x256xi32>
    %swap3A_493 = vector.shape_cast %swap3A_492 : vector<1x1x20x256xi32> to vector<20x256xi32>
    %swap3A_494 = vector.shape_cast %slice3A_487 : vector<20x256xi32> to vector<1x1x20x256xi32>
    tpu.vector_store %arg12[%swap3A_488, %swap3A_489, %swap3A_490, %swap3A_491], %swap3A_494 {strides = array<i32>} : memref<8x2x80x256xi32, #tpu.memory_space<vmem>>, vector<1x1x20x256xi32>,
    %slice3A_495 = vector.extract_strided_slice %or3A_446 {offsets = [60, 0], sizes = [20, 256], strides = [1, 1]} : vector<160x512xi32> to vector<20x256xi32>
    %swap3A_496 = arith.constant 3 : index
    %swap3A_497 = arith.constant 0 : index
    %swap3A_498 = arith.constant 40 : index
    %swap3A_499 = arith.constant 0 : index
    %swap3A_500 = vector.load %arg12[%swap3A_496, %swap3A_497, %swap3A_498, %swap3A_499] : memref<8x2x80x256xi32, #tpu.memory_space<vmem>>, vector<1x1x20x256xi32>
    %swap3A_501 = vector.shape_cast %swap3A_500 : vector<1x1x20x256xi32> to vector<20x256xi32>
    %swap3A_502 = vector.shape_cast %slice3A_495 : vector<20x256xi32> to vector<1x1x20x256xi32>
    tpu.vector_store %arg12[%swap3A_496, %swap3A_497, %swap3A_498, %swap3A_499], %swap3A_502 {strides = array<i32>} : memref<8x2x80x256xi32, #tpu.memory_space<vmem>>, vector<1x1x20x256xi32>,
    %slice3A_503 = vector.extract_strided_slice %or3A_446 {offsets = [60, 256], sizes = [20, 256], strides = [1, 1]} : vector<160x512xi32> to vector<20x256xi32>
    %swap3A_504 = arith.constant 3 : index
    %swap3A_505 = arith.constant 1 : index
    %swap3A_506 = arith.constant 40 : index
    %swap3A_507 = arith.constant 0 : index
    %swap3A_508 = vector.load %arg12[%swap3A_504, %swap3A_505, %swap3A_506, %swap3A_507] : memref<8x2x80x256xi32, #tpu.memory_space<vmem>>, vector<1x1x20x256xi32>
    %swap3A_509 = vector.shape_cast %swap3A_508 : vector<1x1x20x256xi32> to vector<20x256xi32>
    %swap3A_510 = vector.shape_cast %slice3A_503 : vector<20x256xi32> to vector<1x1x20x256xi32>
    tpu.vector_store %arg12[%swap3A_504, %swap3A_505, %swap3A_506, %swap3A_507], %swap3A_510 {strides = array<i32>} : memref<8x2x80x256xi32, #tpu.memory_space<vmem>>, vector<1x1x20x256xi32>,
    %slice3A_511 = vector.extract_strided_slice %or3A_446 {offsets = [80, 0], sizes = [20, 256], strides = [1, 1]} : vector<160x512xi32> to vector<20x256xi32>
    %swap3A_512 = arith.constant 4 : index
    %swap3A_513 = arith.constant 0 : index
    %swap3A_514 = arith.constant 40 : index
    %swap3A_515 = arith.constant 0 : index
    %swap3A_516 = vector.load %arg12[%swap3A_512, %swap3A_513, %swap3A_514, %swap3A_515] : memref<8x2x80x256xi32, #tpu.memory_space<vmem>>, vector<1x1x20x256xi32>
    %swap3A_517 = vector.shape_cast %swap3A_516 : vector<1x1x20x256xi32> to vector<20x256xi32>
    %swap3A_518 = vector.shape_cast %slice3A_511 : vector<20x256xi32> to vector<1x1x20x256xi32>
    tpu.vector_store %arg12[%swap3A_512, %swap3A_513, %swap3A_514, %swap3A_515], %swap3A_518 {strides = array<i32>} : memref<8x2x80x256xi32, #tpu.memory_space<vmem>>, vector<1x1x20x256xi32>,
    %slice3A_519 = vector.extract_strided_slice %or3A_446 {offsets = [80, 256], sizes = [20, 256], strides = [1, 1]} : vector<160x512xi32> to vector<20x256xi32>
    %swap3A_520 = arith.constant 4 : index
    %swap3A_521 = arith.constant 1 : index
    %swap3A_522 = arith.constant 40 : index
    %swap3A_523 = arith.constant 0 : index
    %swap3A_524 = vector.load %arg12[%swap3A_520, %swap3A_521, %swap3A_522, %swap3A_523] : memref<8x2x80x256xi32, #tpu.memory_space<vmem>>, vector<1x1x20x256xi32>
    %swap3A_525 = vector.shape_cast %swap3A_524 : vector<1x1x20x256xi32> to vector<20x256xi32>
    %swap3A_526 = vector.shape_cast %slice3A_519 : vector<20x256xi32> to vector<1x1x20x256xi32>
    tpu.vector_store %arg12[%swap3A_520, %swap3A_521, %swap3A_522, %swap3A_523], %swap3A_526 {strides = array<i32>} : memref<8x2x80x256xi32, #tpu.memory_space<vmem>>, vector<1x1x20x256xi32>,
    %slice3A_527 = vector.extract_strided_slice %or3A_446 {offsets = [100, 0], sizes = [20, 256], strides = [1, 1]} : vector<160x512xi32> to vector<20x256xi32>
    %swap3A_528 = arith.constant 5 : index
    %swap3A_529 = arith.constant 0 : index
    %swap3A_530 = arith.constant 40 : index
    %swap3A_531 = arith.constant 0 : index
    %swap3A_532 = vector.load %arg12[%swap3A_528, %swap3A_529, %swap3A_530, %swap3A_531] : memref<8x2x80x256xi32, #tpu.memory_space<vmem>>, vector<1x1x20x256xi32>
    %swap3A_533 = vector.shape_cast %swap3A_532 : vector<1x1x20x256xi32> to vector<20x256xi32>
    %swap3A_534 = vector.shape_cast %slice3A_527 : vector<20x256xi32> to vector<1x1x20x256xi32>
    tpu.vector_store %arg12[%swap3A_528, %swap3A_529, %swap3A_530, %swap3A_531], %swap3A_534 {strides = array<i32>} : memref<8x2x80x256xi32, #tpu.memory_space<vmem>>, vector<1x1x20x256xi32>,
    %slice3A_535 = vector.extract_strided_slice %or3A_446 {offsets = [100, 256], sizes = [20, 256], strides = [1, 1]} : vector<160x512xi32> to vector<20x256xi32>
    %swap3A_536 = arith.constant 5 : index
    %swap3A_537 = arith.constant 1 : index
    %swap3A_538 = arith.constant 40 : index
    %swap3A_539 = arith.constant 0 : index
    %swap3A_540 = vector.load %arg12[%swap3A_536, %swap3A_537, %swap3A_538, %swap3A_539] : memref<8x2x80x256xi32, #tpu.memory_space<vmem>>, vector<1x1x20x256xi32>
    %swap3A_541 = vector.shape_cast %swap3A_540 : vector<1x1x20x256xi32> to vector<20x256xi32>
    %swap3A_542 = vector.shape_cast %slice3A_535 : vector<20x256xi32> to vector<1x1x20x256xi32>
    tpu.vector_store %arg12[%swap3A_536, %swap3A_537, %swap3A_538, %swap3A_539], %swap3A_542 {strides = array<i32>} : memref<8x2x80x256xi32, #tpu.memory_space<vmem>>, vector<1x1x20x256xi32>,
    %slice3A_543 = vector.extract_strided_slice %or3A_446 {offsets = [120, 0], sizes = [20, 256], strides = [1, 1]} : vector<160x512xi32> to vector<20x256xi32>
    %swap3A_544 = arith.constant 6 : index
    %swap3A_545 = arith.constant 0 : index
    %swap3A_546 = arith.constant 40 : index
    %swap3A_547 = arith.constant 0 : index
    %swap3A_548 = vector.load %arg12[%swap3A_544, %swap3A_545, %swap3A_546, %swap3A_547] : memref<8x2x80x256xi32, #tpu.memory_space<vmem>>, vector<1x1x20x256xi32>
    %swap3A_549 = vector.shape_cast %swap3A_548 : vector<1x1x20x256xi32> to vector<20x256xi32>
    %swap3A_550 = vector.shape_cast %slice3A_543 : vector<20x256xi32> to vector<1x1x20x256xi32>
    tpu.vector_store %arg12[%swap3A_544, %swap3A_545, %swap3A_546, %swap3A_547], %swap3A_550 {strides = array<i32>} : memref<8x2x80x256xi32, #tpu.memory_space<vmem>>, vector<1x1x20x256xi32>,
    %slice3A_551 = vector.extract_strided_slice %or3A_446 {offsets = [120, 256], sizes = [20, 256], strides = [1, 1]} : vector<160x512xi32> to vector<20x256xi32>
    %swap3A_552 = arith.constant 6 : index
    %swap3A_553 = arith.constant 1 : index
    %swap3A_554 = arith.constant 40 : index
    %swap3A_555 = arith.constant 0 : index
    %swap3A_556 = vector.load %arg12[%swap3A_552, %swap3A_553, %swap3A_554, %swap3A_555] : memref<8x2x80x256xi32, #tpu.memory_space<vmem>>, vector<1x1x20x256xi32>
    %swap3A_557 = vector.shape_cast %swap3A_556 : vector<1x1x20x256xi32> to vector<20x256xi32>
    %swap3A_558 = vector.shape_cast %slice3A_551 : vector<20x256xi32> to vector<1x1x20x256xi32>
    tpu.vector_store %arg12[%swap3A_552, %swap3A_553, %swap3A_554, %swap3A_555], %swap3A_558 {strides = array<i32>} : memref<8x2x80x256xi32, #tpu.memory_space<vmem>>, vector<1x1x20x256xi32>,
    %slice3A_559 = vector.extract_strided_slice %or3A_446 {offsets = [140, 0], sizes = [20, 256], strides = [1, 1]} : vector<160x512xi32> to vector<20x256xi32>
    %swap3A_560 = arith.constant 7 : index
    %swap3A_561 = arith.constant 0 : index
    %swap3A_562 = arith.constant 40 : index
    %swap3A_563 = arith.constant 0 : index
    %swap3A_564 = vector.load %arg12[%swap3A_560, %swap3A_561, %swap3A_562, %swap3A_563] : memref<8x2x80x256xi32, #tpu.memory_space<vmem>>, vector<1x1x20x256xi32>
    %swap3A_565 = vector.shape_cast %swap3A_564 : vector<1x1x20x256xi32> to vector<20x256xi32>
    %swap3A_566 = vector.shape_cast %slice3A_559 : vector<20x256xi32> to vector<1x1x20x256xi32>
    tpu.vector_store %arg12[%swap3A_560, %swap3A_561, %swap3A_562, %swap3A_563], %swap3A_566 {strides = array<i32>} : memref<8x2x80x256xi32, #tpu.memory_space<vmem>>, vector<1x1x20x256xi32>,
    %slice3A_567 = vector.extract_strided_slice %or3A_446 {offsets = [140, 256], sizes = [20, 256], strides = [1, 1]} : vector<160x512xi32> to vector<20x256xi32>
    %swap3A_568 = arith.constant 7 : index
    %swap3A_569 = arith.constant 1 : index
    %swap3A_570 = arith.constant 40 : index
    %swap3A_571 = arith.constant 0 : index
    %swap3A_572 = vector.load %arg12[%swap3A_568, %swap3A_569, %swap3A_570, %swap3A_571] : memref<8x2x80x256xi32, #tpu.memory_space<vmem>>, vector<1x1x20x256xi32>
    %swap3A_573 = vector.shape_cast %swap3A_572 : vector<1x1x20x256xi32> to vector<20x256xi32>
    %swap3A_574 = vector.shape_cast %slice3A_567 : vector<20x256xi32> to vector<1x1x20x256xi32>
    tpu.vector_store %arg12[%swap3A_568, %swap3A_569, %swap3A_570, %swap3A_571], %swap3A_574 {strides = array<i32>} : memref<8x2x80x256xi32, #tpu.memory_space<vmem>>, vector<1x1x20x256xi32>,
    %add3A_575 = arith.addf %mul3A_160, %add3A_140 : vector<160x512xf32>
    %convert_element_type3A_576 = arith.fptosi %add3A_575 : vector<160x512xf32> to vector<160x512xi32>
    %mul3A_577 = arith.mulf %mul3A_100, %mul3A_123 : vector<160x512xf32>
    %bitcast_convert_type3A_578 = tpu.bitcast %mul3A_577 : vector<160x512xf32> -> vector<160x512xi32>
    %add3A_579 = arith.constant 32768 : i32
    %add3A_580 = vector.broadcast %add3A_579 : i32 to vector<160x512xi32>
    %add3A_581 = arith.addi %bitcast_convert_type3A_578, %add3A_580 : vector<160x512xi32>
    %and3A_582 = arith.constant -65536 : i32
    %and3A_583 = vector.broadcast %and3A_582 : i32 to vector<160x512xi32>
    %and3A_584 = arith.andi %add3A_581, %and3A_583 : vector<160x512xi32>
    %or3A_585 = arith.ori %and3A_584, %convert_element_type3A_576 : vector<160x512xi32>
    %slice3A_586 = vector.extract_strided_slice %or3A_585 {offsets = [0, 0], sizes = [20, 256], strides = [1, 1]} : vector<160x512xi32> to vector<20x256xi32>
    %swap3A_587 = arith.constant 0 : index
    %swap3A_588 = arith.constant 0 : index
    %swap3A_589 = arith.constant 60 : index
    %swap3A_590 = arith.constant 0 : index
    %swap3A_591 = vector.load %arg12[%swap3A_587, %swap3A_588, %swap3A_589, %swap3A_590] : memref<8x2x80x256xi32, #tpu.memory_space<vmem>>, vector<1x1x20x256xi32>
    %swap3A_592 = vector.shape_cast %swap3A_591 : vector<1x1x20x256xi32> to vector<20x256xi32>
    %swap3A_593 = vector.shape_cast %slice3A_586 : vector<20x256xi32> to vector<1x1x20x256xi32>
    tpu.vector_store %arg12[%swap3A_587, %swap3A_588, %swap3A_589, %swap3A_590], %swap3A_593 {strides = array<i32>} : memref<8x2x80x256xi32, #tpu.memory_space<vmem>>, vector<1x1x20x256xi32>,
    %slice3A_594 = vector.extract_strided_slice %or3A_585 {offsets = [0, 256], sizes = [20, 256], strides = [1, 1]} : vector<160x512xi32> to vector<20x256xi32>
    %swap3A_595 = arith.constant 0 : index
    %swap3A_596 = arith.constant 1 : index
    %swap3A_597 = arith.constant 60 : index
    %swap3A_598 = arith.constant 0 : index
    %swap3A_599 = vector.load %arg12[%swap3A_595, %swap3A_596, %swap3A_597, %swap3A_598] : memref<8x2x80x256xi32, #tpu.memory_space<vmem>>, vector<1x1x20x256xi32>
    %swap3A_600 = vector.shape_cast %swap3A_599 : vector<1x1x20x256xi32> to vector<20x256xi32>
    %swap3A_601 = vector.shape_cast %slice3A_594 : vector<20x256xi32> to vector<1x1x20x256xi32>
    tpu.vector_store %arg12[%swap3A_595, %swap3A_596, %swap3A_597, %swap3A_598], %swap3A_601 {strides = array<i32>} : memref<8x2x80x256xi32, #tpu.memory_space<vmem>>, vector<1x1x20x256xi32>,
    %slice3A_602 = vector.extract_strided_slice %or3A_585 {offsets = [20, 0], sizes = [20, 256], strides = [1, 1]} : vector<160x512xi32> to vector<20x256xi32>
    %swap3A_603 = arith.constant 1 : index
    %swap3A_604 = arith.constant 0 : index
    %swap3A_605 = arith.constant 60 : index
    %swap3A_606 = arith.constant 0 : index
    %swap3A_607 = vector.load %arg12[%swap3A_603, %swap3A_604, %swap3A_605, %swap3A_606] : memref<8x2x80x256xi32, #tpu.memory_space<vmem>>, vector<1x1x20x256xi32>
    %swap3A_608 = vector.shape_cast %swap3A_607 : vector<1x1x20x256xi32> to vector<20x256xi32>
    %swap3A_609 = vector.shape_cast %slice3A_602 : vector<20x256xi32> to vector<1x1x20x256xi32>
    tpu.vector_store %arg12[%swap3A_603, %swap3A_604, %swap3A_605, %swap3A_606], %swap3A_609 {strides = array<i32>} : memref<8x2x80x256xi32, #tpu.memory_space<vmem>>, vector<1x1x20x256xi32>,
    %slice3A_610 = vector.extract_strided_slice %or3A_585 {offsets = [20, 256], sizes = [20, 256], strides = [1, 1]} : vector<160x512xi32> to vector<20x256xi32>
    %swap3A_611 = arith.constant 1 : index
    %swap3A_612 = arith.constant 1 : index
    %swap3A_613 = arith.constant 60 : index
    %swap3A_614 = arith.constant 0 : index
    %swap3A_615 = vector.load %arg12[%swap3A_611, %swap3A_612, %swap3A_613, %swap3A_614] : memref<8x2x80x256xi32, #tpu.memory_space<vmem>>, vector<1x1x20x256xi32>
    %swap3A_616 = vector.shape_cast %swap3A_615 : vector<1x1x20x256xi32> to vector<20x256xi32>
    %swap3A_617 = vector.shape_cast %slice3A_610 : vector<20x256xi32> to vector<1x1x20x256xi32>
    tpu.vector_store %arg12[%swap3A_611, %swap3A_612, %swap3A_613, %swap3A_614], %swap3A_617 {strides = array<i32>} : memref<8x2x80x256xi32, #tpu.memory_space<vmem>>, vector<1x1x20x256xi32>,
    %slice3A_618 = vector.extract_strided_slice %or3A_585 {offsets = [40, 0], sizes = [20, 256], strides = [1, 1]} : vector<160x512xi32> to vector<20x256xi32>
    %swap3A_619 = arith.constant 2 : index
    %swap3A_620 = arith.constant 0 : index
    %swap3A_621 = arith.constant 60 : index
    %swap3A_622 = arith.constant 0 : index
    %swap3A_623 = vector.load %arg12[%swap3A_619, %swap3A_620, %swap3A_621, %swap3A_622] : memref<8x2x80x256xi32, #tpu.memory_space<vmem>>, vector<1x1x20x256xi32>
    %swap3A_624 = vector.shape_cast %swap3A_623 : vector<1x1x20x256xi32> to vector<20x256xi32>
    %swap3A_625 = vector.shape_cast %slice3A_618 : vector<20x256xi32> to vector<1x1x20x256xi32>
    tpu.vector_store %arg12[%swap3A_619, %swap3A_620, %swap3A_621, %swap3A_622], %swap3A_625 {strides = array<i32>} : memref<8x2x80x256xi32, #tpu.memory_space<vmem>>, vector<1x1x20x256xi32>,
    %slice3A_626 = vector.extract_strided_slice %or3A_585 {offsets = [40, 256], sizes = [20, 256], strides = [1, 1]} : vector<160x512xi32> to vector<20x256xi32>
    %swap3A_627 = arith.constant 2 : index
    %swap3A_628 = arith.constant 1 : index
    %swap3A_629 = arith.constant 60 : index
    %swap3A_630 = arith.constant 0 : index
    %swap3A_631 = vector.load %arg12[%swap3A_627, %swap3A_628, %swap3A_629, %swap3A_630] : memref<8x2x80x256xi32, #tpu.memory_space<vmem>>, vector<1x1x20x256xi32>
    %swap3A_632 = vector.shape_cast %swap3A_631 : vector<1x1x20x256xi32> to vector<20x256xi32>
    %swap3A_633 = vector.shape_cast %slice3A_626 : vector<20x256xi32> to vector<1x1x20x256xi32>
    tpu.vector_store %arg12[%swap3A_627, %swap3A_628, %swap3A_629, %swap3A_630], %swap3A_633 {strides = array<i32>} : memref<8x2x80x256xi32, #tpu.memory_space<vmem>>, vector<1x1x20x256xi32>,
    %slice3A_634 = vector.extract_strided_slice %or3A_585 {offsets = [60, 0], sizes = [20, 256], strides = [1, 1]} : vector<160x512xi32> to vector<20x256xi32>
    %swap3A_635 = arith.constant 3 : index
    %swap3A_636 = arith.constant 0 : index
    %swap3A_637 = arith.constant 60 : index
    %swap3A_638 = arith.constant 0 : index
    %swap3A_639 = vector.load %arg12[%swap3A_635, %swap3A_636, %swap3A_637, %swap3A_638] : memref<8x2x80x256xi32, #tpu.memory_space<vmem>>, vector<1x1x20x256xi32>
    %swap3A_640 = vector.shape_cast %swap3A_639 : vector<1x1x20x256xi32> to vector<20x256xi32>
    %swap3A_641 = vector.shape_cast %slice3A_634 : vector<20x256xi32> to vector<1x1x20x256xi32>
    tpu.vector_store %arg12[%swap3A_635, %swap3A_636, %swap3A_637, %swap3A_638], %swap3A_641 {strides = array<i32>} : memref<8x2x80x256xi32, #tpu.memory_space<vmem>>, vector<1x1x20x256xi32>,
    %slice3A_642 = vector.extract_strided_slice %or3A_585 {offsets = [60, 256], sizes = [20, 256], strides = [1, 1]} : vector<160x512xi32> to vector<20x256xi32>
    %swap3A_643 = arith.constant 3 : index
    %swap3A_644 = arith.constant 1 : index
    %swap3A_645 = arith.constant 60 : index
    %swap3A_646 = arith.constant 0 : index
    %swap3A_647 = vector.load %arg12[%swap3A_643, %swap3A_644, %swap3A_645, %swap3A_646] : memref<8x2x80x256xi32, #tpu.memory_space<vmem>>, vector<1x1x20x256xi32>
    %swap3A_648 = vector.shape_cast %swap3A_647 : vector<1x1x20x256xi32> to vector<20x256xi32>
    %swap3A_649 = vector.shape_cast %slice3A_642 : vector<20x256xi32> to vector<1x1x20x256xi32>
    tpu.vector_store %arg12[%swap3A_643, %swap3A_644, %swap3A_645, %swap3A_646], %swap3A_649 {strides = array<i32>} : memref<8x2x80x256xi32, #tpu.memory_space<vmem>>, vector<1x1x20x256xi32>,
    %slice3A_650 = vector.extract_strided_slice %or3A_585 {offsets = [80, 0], sizes = [20, 256], strides = [1, 1]} : vector<160x512xi32> to vector<20x256xi32>
    %swap3A_651 = arith.constant 4 : index
    %swap3A_652 = arith.constant 0 : index
    %swap3A_653 = arith.constant 60 : index
    %swap3A_654 = arith.constant 0 : index
    %swap3A_655 = vector.load %arg12[%swap3A_651, %swap3A_652, %swap3A_653, %swap3A_654] : memref<8x2x80x256xi32, #tpu.memory_space<vmem>>, vector<1x1x20x256xi32>
    %swap3A_656 = vector.shape_cast %swap3A_655 : vector<1x1x20x256xi32> to vector<20x256xi32>
    %swap3A_657 = vector.shape_cast %slice3A_650 : vector<20x256xi32> to vector<1x1x20x256xi32>
    tpu.vector_store %arg12[%swap3A_651, %swap3A_652, %swap3A_653, %swap3A_654], %swap3A_657 {strides = array<i32>} : memref<8x2x80x256xi32, #tpu.memory_space<vmem>>, vector<1x1x20x256xi32>,
    %slice3A_658 = vector.extract_strided_slice %or3A_585 {offsets = [80, 256], sizes = [20, 256], strides = [1, 1]} : vector<160x512xi32> to vector<20x256xi32>
    %swap3A_659 = arith.constant 4 : index
    %swap3A_660 = arith.constant 1 : index
    %swap3A_661 = arith.constant 60 : index
    %swap3A_662 = arith.constant 0 : index
    %swap3A_663 = vector.load %arg12[%swap3A_659, %swap3A_660, %swap3A_661, %swap3A_662] : memref<8x2x80x256xi32, #tpu.memory_space<vmem>>, vector<1x1x20x256xi32>
    %swap3A_664 = vector.shape_cast %swap3A_663 : vector<1x1x20x256xi32> to vector<20x256xi32>
    %swap3A_665 = vector.shape_cast %slice3A_658 : vector<20x256xi32> to vector<1x1x20x256xi32>
    tpu.vector_store %arg12[%swap3A_659, %swap3A_660, %swap3A_661, %swap3A_662], %swap3A_665 {strides = array<i32>} : memref<8x2x80x256xi32, #tpu.memory_space<vmem>>, vector<1x1x20x256xi32>,
    %slice3A_666 = vector.extract_strided_slice %or3A_585 {offsets = [100, 0], sizes = [20, 256], strides = [1, 1]} : vector<160x512xi32> to vector<20x256xi32>
    %swap3A_667 = arith.constant 5 : index
    %swap3A_668 = arith.constant 0 : index
    %swap3A_669 = arith.constant 60 : index
    %swap3A_670 = arith.constant 0 : index
    %swap3A_671 = vector.load %arg12[%swap3A_667, %swap3A_668, %swap3A_669, %swap3A_670] : memref<8x2x80x256xi32, #tpu.memory_space<vmem>>, vector<1x1x20x256xi32>
    %swap3A_672 = vector.shape_cast %swap3A_671 : vector<1x1x20x256xi32> to vector<20x256xi32>
    %swap3A_673 = vector.shape_cast %slice3A_666 : vector<20x256xi32> to vector<1x1x20x256xi32>
    tpu.vector_store %arg12[%swap3A_667, %swap3A_668, %swap3A_669, %swap3A_670], %swap3A_673 {strides = array<i32>} : memref<8x2x80x256xi32, #tpu.memory_space<vmem>>, vector<1x1x20x256xi32>,
    %slice3A_674 = vector.extract_strided_slice %or3A_585 {offsets = [100, 256], sizes = [20, 256], strides = [1, 1]} : vector<160x512xi32> to vector<20x256xi32>
    %swap3A_675 = arith.constant 5 : index
    %swap3A_676 = arith.constant 1 : index
    %swap3A_677 = arith.constant 60 : index
    %swap3A_678 = arith.constant 0 : index
    %swap3A_679 = vector.load %arg12[%swap3A_675, %swap3A_676, %swap3A_677, %swap3A_678] : memref<8x2x80x256xi32, #tpu.memory_space<vmem>>, vector<1x1x20x256xi32>
    %swap3A_680 = vector.shape_cast %swap3A_679 : vector<1x1x20x256xi32> to vector<20x256xi32>
    %swap3A_681 = vector.shape_cast %slice3A_674 : vector<20x256xi32> to vector<1x1x20x256xi32>
    tpu.vector_store %arg12[%swap3A_675, %swap3A_676, %swap3A_677, %swap3A_678], %swap3A_681 {strides = array<i32>} : memref<8x2x80x256xi32, #tpu.memory_space<vmem>>, vector<1x1x20x256xi32>,
    %slice3A_682 = vector.extract_strided_slice %or3A_585 {offsets = [120, 0], sizes = [20, 256], strides = [1, 1]} : vector<160x512xi32> to vector<20x256xi32>
    %swap3A_683 = arith.constant 6 : index
    %swap3A_684 = arith.constant 0 : index
    %swap3A_685 = arith.constant 60 : index
    %swap3A_686 = arith.constant 0 : index
    %swap3A_687 = vector.load %arg12[%swap3A_683, %swap3A_684, %swap3A_685, %swap3A_686] : memref<8x2x80x256xi32, #tpu.memory_space<vmem>>, vector<1x1x20x256xi32>
    %swap3A_688 = vector.shape_cast %swap3A_687 : vector<1x1x20x256xi32> to vector<20x256xi32>
    %swap3A_689 = vector.shape_cast %slice3A_682 : vector<20x256xi32> to vector<1x1x20x256xi32>
    tpu.vector_store %arg12[%swap3A_683, %swap3A_684, %swap3A_685, %swap3A_686], %swap3A_689 {strides = array<i32>} : memref<8x2x80x256xi32, #tpu.memory_space<vmem>>, vector<1x1x20x256xi32>,
    %slice3A_690 = vector.extract_strided_slice %or3A_585 {offsets = [120, 256], sizes = [20, 256], strides = [1, 1]} : vector<160x512xi32> to vector<20x256xi32>
    %swap3A_691 = arith.constant 6 : index
    %swap3A_692 = arith.constant 1 : index
    %swap3A_693 = arith.constant 60 : index
    %swap3A_694 = arith.constant 0 : index
    %swap3A_695 = vector.load %arg12[%swap3A_691, %swap3A_692, %swap3A_693, %swap3A_694] : memref<8x2x80x256xi32, #tpu.memory_space<vmem>>, vector<1x1x20x256xi32>
    %swap3A_696 = vector.shape_cast %swap3A_695 : vector<1x1x20x256xi32> to vector<20x256xi32>
    %swap3A_697 = vector.shape_cast %slice3A_690 : vector<20x256xi32> to vector<1x1x20x256xi32>
    tpu.vector_store %arg12[%swap3A_691, %swap3A_692, %swap3A_693, %swap3A_694], %swap3A_697 {strides = array<i32>} : memref<8x2x80x256xi32, #tpu.memory_space<vmem>>, vector<1x1x20x256xi32>,
    %slice3A_698 = vector.extract_strided_slice %or3A_585 {offsets = [140, 0], sizes = [20, 256], strides = [1, 1]} : vector<160x512xi32> to vector<20x256xi32>
    %swap3A_699 = arith.constant 7 : index
    %swap3A_700 = arith.constant 0 : index
    %swap3A_701 = arith.constant 60 : index
    %swap3A_702 = arith.constant 0 : index
    %swap3A_703 = vector.load %arg12[%swap3A_699, %swap3A_700, %swap3A_701, %swap3A_702] : memref<8x2x80x256xi32, #tpu.memory_space<vmem>>, vector<1x1x20x256xi32>
    %swap3A_704 = vector.shape_cast %swap3A_703 : vector<1x1x20x256xi32> to vector<20x256xi32>
    %swap3A_705 = vector.shape_cast %slice3A_698 : vector<20x256xi32> to vector<1x1x20x256xi32>
    tpu.vector_store %arg12[%swap3A_699, %swap3A_700, %swap3A_701, %swap3A_702], %swap3A_705 {strides = array<i32>} : memref<8x2x80x256xi32, #tpu.memory_space<vmem>>, vector<1x1x20x256xi32>,
    %slice3A_706 = vector.extract_strided_slice %or3A_585 {offsets = [140, 256], sizes = [20, 256], strides = [1, 1]} : vector<160x512xi32> to vector<20x256xi32>
    %swap3A_707 = arith.constant 7 : index
    %swap3A_708 = arith.constant 1 : index
    %swap3A_709 = arith.constant 60 : index
    %swap3A_710 = arith.constant 0 : index
    %swap3A_711 = vector.load %arg12[%swap3A_707, %swap3A_708, %swap3A_709, %swap3A_710] : memref<8x2x80x256xi32, #tpu.memory_space<vmem>>, vector<1x1x20x256xi32>
    %swap3A_712 = vector.shape_cast %swap3A_711 : vector<1x1x20x256xi32> to vector<20x256xi32>
    %swap3A_713 = vector.shape_cast %slice3A_706 : vector<20x256xi32> to vector<1x1x20x256xi32>
    tpu.vector_store %arg12[%swap3A_707, %swap3A_708, %swap3A_709, %swap3A_710], %swap3A_713 {strides = array<i32>} : memref<8x2x80x256xi32, #tpu.memory_space<vmem>>, vector<1x1x20x256xi32>,
    return
  }
  func.func @transform_0(%arg0: i32, %arg1: i32) -> (i32, i32, i32) {
    %c0_i32 = arith.constant 0 : i32
    %c0_i32_0 = arith.constant 0 : i32
    return %arg0, %c0_i32, %arg1 : i32, i32, i32
  }
  func.func @transform_1(%arg0: i32, %arg1: i32) -> (i32, i32, i32) {
    %c0_i32 = arith.constant 0 : i32
    %c0_i32_0 = arith.constant 0 : i32
    return %arg0, %c0_i32, %arg1 : i32, i32, i32
  }
  func.func @transform_2(%arg0: i32, %arg1: i32) -> (i32, i32) {
    %c0_i32 = arith.constant 0 : i32
    %c0_i32_0 = arith.constant 0 : i32
    %c0_i32_1 = arith.constant 0 : i32
    return %c0_i32, %c0_i32_0 : i32, i32
  }
  func.func @transform_3(%arg0: i32, %arg1: i32) -> (i32, i32) {
    %c0_i32 = arith.constant 0 : i32
    %c0_i32_0 = arith.constant 0 : i32
    %c0_i32_1 = arith.constant 0 : i32
    return %c0_i32, %c0_i32_0 : i32, i32
  }
  func.func @transform_4(%arg0: i32, %arg1: i32) -> (i32, i32) {
    %c0_i32 = arith.constant 0 : i32
    %c0_i32_0 = arith.constant 0 : i32
    %c0_i32_1 = arith.constant 0 : i32
    return %c0_i32, %c0_i32_0 : i32, i32
  }
  func.func @transform_5(%arg0: i32, %arg1: i32) -> (i32, i32) {
    %c0_i32 = arith.constant 0 : i32
    %c0_i32_0 = arith.constant 0 : i32
    %c0_i32_1 = arith.constant 0 : i32
    return %c0_i32, %c0_i32_0 : i32, i32
  }
  func.func @transform_6(%arg0: i32, %arg1: i32) -> (i32, i32) {
    %c0_i32 = arith.constant 0 : i32
    %c0_i32_0 = arith.constant 0 : i32
    %c0_i32_1 = arith.constant 0 : i32
    return %c0_i32, %c0_i32_0 : i32, i32
  }
  func.func @transform_7(%arg0: i32, %arg1: i32) -> (i32, i32) {
    %c0_i32 = arith.constant 0 : i32
    %c0_i32_0 = arith.constant 0 : i32
    %c0_i32_1 = arith.constant 0 : i32
    return %c0_i32, %c0_i32_0 : i32, i32
  }
  func.func @transform_8(%arg0: i32, %arg1: i32) -> (i32, i32) {
    %c0_i32 = arith.constant 0 : i32
    %c0_i32_0 = arith.constant 0 : i32
    %c0_i32_1 = arith.constant 0 : i32
    return %c0_i32, %c0_i32_0 : i32, i32
  }
  func.func @transform_9(%arg0: i32, %arg1: i32) -> (i32, i32) {
    %c0_i32 = arith.constant 0 : i32
    %c0_i32_0 = arith.constant 0 : i32
    %c0_i32_1 = arith.constant 0 : i32
    return %c0_i32, %c0_i32_0 : i32, i32
  }
  func.func @transform_10(%arg0: i32, %arg1: i32) -> (i32, i32, i32, i32) {
    %jit3A = arith.constant 8 : i32
    %div3A = arith.divsi %arg1, %jit3A : i32
    %sign3A = arith.constant 0 : i32
    %sign3A_0 = arith.cmpi sgt, %arg1, %sign3A : i32
    %sign3A_1 = arith.extui %sign3A_0 : i1 to i32
    %sign3A_2 = arith.constant 0 : i32
    %sign3A_3 = arith.cmpi slt, %arg1, %sign3A_2 : i32
    %sign3A_4 = arith.extui %sign3A_3 : i1 to i32
    %sign3A_5 = arith.subi %sign3A_1, %sign3A_4 : i32
    %sign3A_6 = arith.constant 0 : i32
    %sign3A_7 = arith.cmpi sgt, %jit3A, %sign3A_6 : i32
    %sign3A_8 = arith.extui %sign3A_7 : i1 to i32
    %sign3A_9 = arith.constant 0 : i32
    %sign3A_10 = arith.cmpi slt, %jit3A, %sign3A_9 : i32
    %sign3A_11 = arith.extui %sign3A_10 : i1 to i32
    %sign3A_12 = arith.subi %sign3A_8, %sign3A_11 : i32
    %ne3A = arith.cmpi ne, %sign3A_5, %sign3A_12 : i32
    %rem3A = arith.remsi %arg1, %jit3A : i32
    %ne3A_13 = arith.constant 0 : i32
    %ne3A_14 = arith.cmpi ne, %rem3A, %ne3A_13 : i32
    %and3A = arith.andi %ne3A, %ne3A_14 : i1
    %sub3A = arith.constant 1 : i32
    %sub3A_15 = arith.subi %div3A, %sub3A : i32
    %select_n3A = arith.select %and3A, %sub3A_15, %div3A : i32
    %mul3A = arith.constant 2 : i32
    %mul3A_16 = arith.muli %select_n3A, %mul3A : i32
    %add3A = arith.addi %mul3A_16, %arg0 : i32
    %jit3A_17 = arith.constant 8 : i32
    %eq3A = arith.constant 0 : i32
    %eq3A_18 = arith.cmpi eq, %jit3A_17, %eq3A : i32
    %jit3A_19 = arith.constant 1 : i32
    %select_n3A_20 = arith.select %eq3A_18, %jit3A_19, %jit3A_17 : i32
    %rem3A_21 = arith.remsi %arg1, %select_n3A_20 : i32
    %ne3A_22 = arith.constant 0 : i32
    %ne3A_23 = arith.cmpi ne, %rem3A_21, %ne3A_22 : i32
    %lt3A = arith.constant 0 : i32
    %lt3A_24 = arith.cmpi slt, %rem3A_21, %lt3A : i32
    %lt3A_25 = arith.constant 0 : i32
    %lt3A_26 = arith.cmpi slt, %select_n3A_20, %lt3A_25 : i32
    %ne3A_27 = arith.xori %lt3A_24, %lt3A_26 : i1
    %and3A_28 = arith.andi %ne3A_27, %ne3A_23 : i1
    %add3A_29 = arith.addi %rem3A_21, %select_n3A_20 : i32
    %select_n3A_30 = arith.select %and3A_28, %add3A_29, %rem3A_21 : i32
    %c0_i32 = arith.constant 0 : i32
    %c0_i32_31 = arith.constant 0 : i32
    %c0_i32_32 = arith.constant 0 : i32
    return %add3A, %select_n3A_30, %c0_i32, %c0_i32_31 : i32, i32, i32, i32
  }
}

module attributes {stable_mosaic.version = 14 : i64} {
  func.func @_post_body(%arg0: i32, %arg1: i32, %arg2: memref<1x512x64xf32, #tpu.memory_space<vmem>>, %arg3: memref<1x512x64xf32, #tpu.memory_space<vmem>>, %arg4: memref<64x64xf32, #tpu.memory_space<vmem>>, %arg5: memref<1x64xf32, #tpu.memory_space<vmem>>, %arg6: memref<1x64xf32, #tpu.memory_space<vmem>>, %arg7: memref<1x64xf32, #tpu.memory_space<vmem>>, %arg8: memref<64x1024xbf16, #tpu.memory_space<vmem>>, %arg9: memref<1x1024xf32, #tpu.memory_space<vmem>>, %arg10: memref<1024x64xbf16, #tpu.memory_space<vmem>>, %arg11: memref<1x64xf32, #tpu.memory_space<vmem>>, %arg12: memref<1x64xf32, #tpu.memory_space<vmem>>, %arg13: memref<1x64xf32, #tpu.memory_space<vmem>>, %arg14: memref<1x512x64xf32, #tpu.memory_space<vmem>>) attributes {dimension_semantics = [#tpu.dimension_semantics<arbitrary>, #tpu.dimension_semantics<arbitrary>], iteration_bounds = array<i64: 2, 16>, scalar_prefetch = 0 : i64, scratch_operands = 0 : i64, tpu.core_type = #tpu.core_type<tc>, window_params = [{transform_indices = @transform_0, window_bounds = array<i64: 1, 512, 64>}, {transform_indices = @transform_1, window_bounds = array<i64: 1, 512, 64>}, {pipeline_mode = #tpu.pipeline_mode<synchronous>, transform_indices = @transform_2, window_bounds = array<i64: 64, 64>}, {pipeline_mode = #tpu.pipeline_mode<synchronous>, transform_indices = @transform_3, window_bounds = array<i64: 1, 64>}, {pipeline_mode = #tpu.pipeline_mode<synchronous>, transform_indices = @transform_4, window_bounds = array<i64: 1, 64>}, {pipeline_mode = #tpu.pipeline_mode<synchronous>, transform_indices = @transform_5, window_bounds = array<i64: 1, 64>}, {pipeline_mode = #tpu.pipeline_mode<synchronous>, transform_indices = @transform_6, window_bounds = array<i64: 64, 1024>}, {pipeline_mode = #tpu.pipeline_mode<synchronous>, transform_indices = @transform_7, window_bounds = array<i64: 1, 1024>}, {pipeline_mode = #tpu.pipeline_mode<synchronous>, transform_indices = @transform_8, window_bounds = array<i64: 1024, 64>}, {pipeline_mode = #tpu.pipeline_mode<synchronous>, transform_indices = @transform_9, window_bounds = array<i64: 1, 64>}, {pipeline_mode = #tpu.pipeline_mode<synchronous>, transform_indices = @transform_10, window_bounds = array<i64: 1, 64>}, {pipeline_mode = #tpu.pipeline_mode<synchronous>, transform_indices = @transform_11, window_bounds = array<i64: 1, 64>}, {transform_indices = @transform_12, window_bounds = array<i64: 1, 512, 64>}]} {
    %get3A = arith.constant 0 : index
    %get3A_0 = arith.constant 0 : index
    %get3A_1 = arith.constant 0 : index
    %get3A_2 = vector.load %arg2[%get3A, %get3A_0, %get3A_1] : memref<1x512x64xf32, #tpu.memory_space<vmem>>, vector<1x512x64xf32>
    %get3A_3 = vector.shape_cast %get3A_2 : vector<1x512x64xf32> to vector<512x64xf32>
    %get3A_4 = arith.constant 0 : index
    %get3A_5 = arith.constant 0 : index
    %get3A_6 = vector.load %arg4[%get3A_4, %get3A_5] : memref<64x64xf32, #tpu.memory_space<vmem>>, vector<64x64xf32>
    %dot_general3A = arith.constant dense<0.000000e+00> : vector<512x64xf32>
    %dot_general3A_7 = tpu.matmul %get3A_3, %get3A_6, %dot_general3A {dimension_numbers = #tpu.dot_dimension_numbers<[1], [0], [0], [1], [0, 0, 1, 1], [], []>, precision = #tpu.contract_precision<fp32>, transpose_lhs_hint = false} : vector<512x64xf32>, vector<64x64xf32>, vector<512x64xf32> -> vector<512x64xf32>
    %get3A_8 = arith.constant 0 : index
    %get3A_9 = arith.constant 0 : index
    %get3A_10 = vector.load %arg5[%get3A_8, %get3A_9] : memref<1x64xf32, #tpu.memory_space<vmem>>, vector<1x64xf32>
    %add3A = vector.broadcast %get3A_10 : vector<1x64xf32> to vector<512x64xf32>
    %add3A_11 = arith.addf %dot_general3A_7, %add3A : vector<512x64xf32>
    %get3A_12 = arith.constant 0 : index
    %get3A_13 = arith.constant 0 : index
    %get3A_14 = arith.constant 0 : index
    %get3A_15 = vector.load %arg3[%get3A_12, %get3A_13, %get3A_14] : memref<1x512x64xf32, #tpu.memory_space<vmem>>, vector<1x512x64xf32>
    %get3A_16 = vector.shape_cast %get3A_15 : vector<1x512x64xf32> to vector<512x64xf32>
    %add3A_17 = arith.addf %get3A_16, %add3A_11 : vector<512x64xf32>
    %reduce_sum3A = arith.constant dense<0.000000e+00> : vector<512xf32>
    %reduce_sum3A_18 = vector.multi_reduction <add>, %add3A_17, %reduce_sum3A [1] : vector<512x64xf32> to vector<512xf32>
    %broadcast_in_dim3A = vector.shape_cast %reduce_sum3A_18 : vector<512xf32> to vector<512x1xf32>
    %div3A = arith.constant 6.400000e+01 : f32
    %div3A_19 = vector.broadcast %div3A : f32 to vector<512x1xf32>
    %div3A_20 = arith.divf %broadcast_in_dim3A, %div3A_19 : vector<512x1xf32>
    %sub3A = vector.broadcast %div3A_20 : vector<512x1xf32> to vector<512x64xf32>
    %sub3A_21 = arith.subf %add3A_17, %sub3A : vector<512x64xf32>
    %integer_pow3A = arith.mulf %sub3A_21, %sub3A_21 : vector<512x64xf32>
    %reduce_sum3A_22 = arith.constant dense<0.000000e+00> : vector<512xf32>
    %reduce_sum3A_23 = vector.multi_reduction <add>, %integer_pow3A, %reduce_sum3A_22 [1] : vector<512x64xf32> to vector<512xf32>
    %broadcast_in_dim3A_24 = vector.shape_cast %reduce_sum3A_23 : vector<512xf32> to vector<512x1xf32>
    %div3A_25 = arith.constant 6.400000e+01 : f32
    %div3A_26 = vector.broadcast %div3A_25 : f32 to vector<512x1xf32>
    %div3A_27 = arith.divf %broadcast_in_dim3A_24, %div3A_26 : vector<512x1xf32>
    %sub3A_28 = vector.broadcast %div3A_20 : vector<512x1xf32> to vector<512x64xf32>
    %sub3A_29 = arith.subf %add3A_17, %sub3A_28 : vector<512x64xf32>
    %add3A_30 = arith.constant 9.99999974E-6 : f32
    %add3A_31 = vector.broadcast %add3A_30 : f32 to vector<512x1xf32>
    %add3A_32 = arith.addf %div3A_27, %add3A_31 : vector<512x1xf32>
    %rsqrt3A = math.rsqrt %add3A_32 : vector<512x1xf32>
    %mul3A = vector.broadcast %rsqrt3A : vector<512x1xf32> to vector<512x64xf32>
    %mul3A_33 = arith.mulf %sub3A_29, %mul3A : vector<512x64xf32>
    %get3A_34 = arith.constant 0 : index
    %get3A_35 = arith.constant 0 : index
    %get3A_36 = vector.load %arg6[%get3A_34, %get3A_35] : memref<1x64xf32, #tpu.memory_space<vmem>>, vector<1x64xf32>
    %mul3A_37 = vector.broadcast %get3A_36 : vector<1x64xf32> to vector<512x64xf32>
    %mul3A_38 = arith.mulf %mul3A_33, %mul3A_37 : vector<512x64xf32>
    %get3A_39 = arith.constant 0 : index
    %get3A_40 = arith.constant 0 : index
    %get3A_41 = vector.load %arg7[%get3A_39, %get3A_40] : memref<1x64xf32, #tpu.memory_space<vmem>>, vector<1x64xf32>
    %add3A_42 = vector.broadcast %get3A_41 : vector<1x64xf32> to vector<512x64xf32>
    %add3A_43 = arith.addf %mul3A_38, %add3A_42 : vector<512x64xf32>
    %convert_element_type3A = arith.truncf %add3A_43 : vector<512x64xf32> to vector<512x64xbf16>
    %get3A_44 = arith.constant 0 : index
    %get3A_45 = arith.constant 0 : index
    %get3A_46 = vector.load %arg8[%get3A_44, %get3A_45] : memref<64x1024xbf16, #tpu.memory_space<vmem>>, vector<64x1024xbf16>
    %dot_general3A_47 = arith.constant dense<0.000000e+00> : vector<512x1024xf32>
    %dot_general3A_48 = tpu.matmul %convert_element_type3A, %get3A_46, %dot_general3A_47 {dimension_numbers = #tpu.dot_dimension_numbers<[1], [0], [0], [1], [0, 0, 1, 1], [], []>, transpose_lhs_hint = false} : vector<512x64xbf16>, vector<64x1024xbf16>, vector<512x1024xf32> -> vector<512x1024xf32>
    %get3A_49 = arith.constant 0 : index
    %get3A_50 = arith.constant 0 : index
    %get3A_51 = vector.load %arg9[%get3A_49, %get3A_50] : memref<1x1024xf32, #tpu.memory_space<vmem>>, vector<1x1024xf32>
    %add3A_52 = vector.broadcast %get3A_51 : vector<1x1024xf32> to vector<512x1024xf32>
    %add3A_53 = arith.addf %dot_general3A_48, %add3A_52 : vector<512x1024xf32>
    %max3A = arith.constant 0.000000e+00 : f32
    %max3A_54 = vector.broadcast %max3A : f32 to vector<512x1024xf32>
    %max3A_55 = arith.maximumf %add3A_53, %max3A_54 : vector<512x1024xf32>
    %convert_element_type3A_56 = arith.truncf %max3A_55 : vector<512x1024xf32> to vector<512x1024xbf16>
    %get3A_57 = arith.constant 0 : index
    %get3A_58 = arith.constant 0 : index
    %get3A_59 = vector.load %arg10[%get3A_57, %get3A_58] : memref<1024x64xbf16, #tpu.memory_space<vmem>>, vector<1024x64xbf16>
    %dot_general3A_60 = arith.constant dense<0.000000e+00> : vector<512x64xf32>
    %dot_general3A_61 = tpu.matmul %convert_element_type3A_56, %get3A_59, %dot_general3A_60 {dimension_numbers = #tpu.dot_dimension_numbers<[1], [0], [0], [1], [0, 0, 1, 1], [], []>, transpose_lhs_hint = false} : vector<512x1024xbf16>, vector<1024x64xbf16>, vector<512x64xf32> -> vector<512x64xf32>
    %get3A_62 = arith.constant 0 : index
    %get3A_63 = arith.constant 0 : index
    %get3A_64 = vector.load %arg11[%get3A_62, %get3A_63] : memref<1x64xf32, #tpu.memory_space<vmem>>, vector<1x64xf32>
    %add3A_65 = vector.broadcast %get3A_64 : vector<1x64xf32> to vector<512x64xf32>
    %add3A_66 = arith.addf %dot_general3A_61, %add3A_65 : vector<512x64xf32>
    %add3A_67 = arith.addf %add3A_43, %add3A_66 : vector<512x64xf32>
    %reduce_sum3A_68 = arith.constant dense<0.000000e+00> : vector<512xf32>
    %reduce_sum3A_69 = vector.multi_reduction <add>, %add3A_67, %reduce_sum3A_68 [1] : vector<512x64xf32> to vector<512xf32>
    %broadcast_in_dim3A_70 = vector.shape_cast %reduce_sum3A_69 : vector<512xf32> to vector<512x1xf32>
    %div3A_71 = arith.constant 6.400000e+01 : f32
    %div3A_72 = vector.broadcast %div3A_71 : f32 to vector<512x1xf32>
    %div3A_73 = arith.divf %broadcast_in_dim3A_70, %div3A_72 : vector<512x1xf32>
    %sub3A_74 = vector.broadcast %div3A_73 : vector<512x1xf32> to vector<512x64xf32>
    %sub3A_75 = arith.subf %add3A_67, %sub3A_74 : vector<512x64xf32>
    %integer_pow3A_76 = arith.mulf %sub3A_75, %sub3A_75 : vector<512x64xf32>
    %reduce_sum3A_77 = arith.constant dense<0.000000e+00> : vector<512xf32>
    %reduce_sum3A_78 = vector.multi_reduction <add>, %integer_pow3A_76, %reduce_sum3A_77 [1] : vector<512x64xf32> to vector<512xf32>
    %broadcast_in_dim3A_79 = vector.shape_cast %reduce_sum3A_78 : vector<512xf32> to vector<512x1xf32>
    %div3A_80 = arith.constant 6.400000e+01 : f32
    %div3A_81 = vector.broadcast %div3A_80 : f32 to vector<512x1xf32>
    %div3A_82 = arith.divf %broadcast_in_dim3A_79, %div3A_81 : vector<512x1xf32>
    %sub3A_83 = vector.broadcast %div3A_73 : vector<512x1xf32> to vector<512x64xf32>
    %sub3A_84 = arith.subf %add3A_67, %sub3A_83 : vector<512x64xf32>
    %add3A_85 = arith.constant 9.99999974E-6 : f32
    %add3A_86 = vector.broadcast %add3A_85 : f32 to vector<512x1xf32>
    %add3A_87 = arith.addf %div3A_82, %add3A_86 : vector<512x1xf32>
    %rsqrt3A_88 = math.rsqrt %add3A_87 : vector<512x1xf32>
    %mul3A_89 = vector.broadcast %rsqrt3A_88 : vector<512x1xf32> to vector<512x64xf32>
    %mul3A_90 = arith.mulf %sub3A_84, %mul3A_89 : vector<512x64xf32>
    %get3A_91 = arith.constant 0 : index
    %get3A_92 = arith.constant 0 : index
    %get3A_93 = vector.load %arg12[%get3A_91, %get3A_92] : memref<1x64xf32, #tpu.memory_space<vmem>>, vector<1x64xf32>
    %mul3A_94 = vector.broadcast %get3A_93 : vector<1x64xf32> to vector<512x64xf32>
    %mul3A_95 = arith.mulf %mul3A_90, %mul3A_94 : vector<512x64xf32>
    %get3A_96 = arith.constant 0 : index
    %get3A_97 = arith.constant 0 : index
    %get3A_98 = vector.load %arg13[%get3A_96, %get3A_97] : memref<1x64xf32, #tpu.memory_space<vmem>>, vector<1x64xf32>
    %add3A_99 = vector.broadcast %get3A_98 : vector<1x64xf32> to vector<512x64xf32>
    %add3A_100 = arith.addf %mul3A_95, %add3A_99 : vector<512x64xf32>
    %swap3A = arith.constant 0 : index
    %swap3A_101 = arith.constant 0 : index
    %swap3A_102 = arith.constant 0 : index
    %swap3A_103 = vector.load %arg14[%swap3A, %swap3A_101, %swap3A_102] : memref<1x512x64xf32, #tpu.memory_space<vmem>>, vector<1x512x64xf32>
    %swap3A_104 = vector.shape_cast %swap3A_103 : vector<1x512x64xf32> to vector<512x64xf32>
    %swap3A_105 = vector.shape_cast %add3A_100 : vector<512x64xf32> to vector<1x512x64xf32>
    tpu.vector_store %arg14[%swap3A, %swap3A_101, %swap3A_102], %swap3A_105 {strides = array<i32>} : memref<1x512x64xf32, #tpu.memory_space<vmem>>, vector<1x512x64xf32>,
    return
  }
  func.func @transform_0(%arg0: i32, %arg1: i32) -> (i32, i32, i32) {
    %c0_i32 = arith.constant 0 : i32
    %c0_i32_0 = arith.constant 0 : i32
    return %arg0, %arg1, %c0_i32 : i32, i32, i32
  }
  func.func @transform_1(%arg0: i32, %arg1: i32) -> (i32, i32, i32) {
    %c0_i32 = arith.constant 0 : i32
    %c0_i32_0 = arith.constant 0 : i32
    return %arg0, %arg1, %c0_i32 : i32, i32, i32
  }
  func.func @transform_2(%arg0: i32, %arg1: i32) -> (i32, i32) {
    %c0_i32 = arith.constant 0 : i32
    %c0_i32_0 = arith.constant 0 : i32
    %c0_i32_1 = arith.constant 0 : i32
    return %c0_i32, %c0_i32_0 : i32, i32
  }
  func.func @transform_3(%arg0: i32, %arg1: i32) -> (i32, i32) {
    %c0_i32 = arith.constant 0 : i32
    %c0_i32_0 = arith.constant 0 : i32
    %c0_i32_1 = arith.constant 0 : i32
    return %c0_i32, %c0_i32_0 : i32, i32
  }
  func.func @transform_4(%arg0: i32, %arg1: i32) -> (i32, i32) {
    %c0_i32 = arith.constant 0 : i32
    %c0_i32_0 = arith.constant 0 : i32
    %c0_i32_1 = arith.constant 0 : i32
    return %c0_i32, %c0_i32_0 : i32, i32
  }
  func.func @transform_5(%arg0: i32, %arg1: i32) -> (i32, i32) {
    %c0_i32 = arith.constant 0 : i32
    %c0_i32_0 = arith.constant 0 : i32
    %c0_i32_1 = arith.constant 0 : i32
    return %c0_i32, %c0_i32_0 : i32, i32
  }
  func.func @transform_6(%arg0: i32, %arg1: i32) -> (i32, i32) {
    %c0_i32 = arith.constant 0 : i32
    %c0_i32_0 = arith.constant 0 : i32
    %c0_i32_1 = arith.constant 0 : i32
    return %c0_i32, %c0_i32_0 : i32, i32
  }
  func.func @transform_7(%arg0: i32, %arg1: i32) -> (i32, i32) {
    %c0_i32 = arith.constant 0 : i32
    %c0_i32_0 = arith.constant 0 : i32
    %c0_i32_1 = arith.constant 0 : i32
    return %c0_i32, %c0_i32_0 : i32, i32
  }
  func.func @transform_8(%arg0: i32, %arg1: i32) -> (i32, i32) {
    %c0_i32 = arith.constant 0 : i32
    %c0_i32_0 = arith.constant 0 : i32
    %c0_i32_1 = arith.constant 0 : i32
    return %c0_i32, %c0_i32_0 : i32, i32
  }
  func.func @transform_9(%arg0: i32, %arg1: i32) -> (i32, i32) {
    %c0_i32 = arith.constant 0 : i32
    %c0_i32_0 = arith.constant 0 : i32
    %c0_i32_1 = arith.constant 0 : i32
    return %c0_i32, %c0_i32_0 : i32, i32
  }
  func.func @transform_10(%arg0: i32, %arg1: i32) -> (i32, i32) {
    %c0_i32 = arith.constant 0 : i32
    %c0_i32_0 = arith.constant 0 : i32
    %c0_i32_1 = arith.constant 0 : i32
    return %c0_i32, %c0_i32_0 : i32, i32
  }
  func.func @transform_11(%arg0: i32, %arg1: i32) -> (i32, i32) {
    %c0_i32 = arith.constant 0 : i32
    %c0_i32_0 = arith.constant 0 : i32
    %c0_i32_1 = arith.constant 0 : i32
    return %c0_i32, %c0_i32_0 : i32, i32
  }
  func.func @transform_12(%arg0: i32, %arg1: i32) -> (i32, i32, i32) {
    %c0_i32 = arith.constant 0 : i32
    %c0_i32_0 = arith.constant 0 : i32
    return %arg0, %arg1, %c0_i32 : i32, i32, i32
  }
}

</mosaic_0001>

<sc_bundles>
// kernel: kernel.12.cloned.1.call-start
scs
__scs_entry_jumppad:
0x0: {  	(pc) =	sbr.rel $0x88, $3  }
0x1: {  	(tag) =	ssettag $0x0;
	lr =	simm.s32 $0x1  }
0x2: {  	[smem:$0x3F8E] =	sst lr;
	_ =	strace $0xD0000000  }
0x3: {  	_ = 	snop  }
0x4: {  	_ = 	snop  }
0x5: {  	_ = 	snop  }
0x6: {  	_ = 	snop  }
0x7: {  	_ = 	snop  }
__scs_overlays_trampoline_lowered:
0x8: {  	[smem:$0x3F9D] =	sst s0  }
0x9: {  	[smem:$0x3F9E] =	sst s1  }
0xa: {  	[smem:$0x3F9F] =	sst s2  }
0xb: {  	[smem:$0x3FA0] =	sst s3  }
0xc: {  	[smem:$0x3FA1] =	sst s4  }
0xd: {  	[smem:$0x3FA2] =	sst s5  }
0xe: {  	[smem:$0x3FA3] =	sst s6  }
0xf: {  	[smem:$0x3FA4] =	sst s7  }
0x10: {  	[smem:$0x3FA5] =	sst s8  }
0x11: {  	[smem:$0x3FA6] =	sst s9;
	s0 =	simm.s32 @!p0 $0x0  }
0x12: {  	s1 =	sld [smem:$0x3F8C];
	s0 =	simm.s32 @p0 $0x1  }
0x13: {  	[smem:$0x3FA7] =	sst s0;
	s0 =	simm.s32 @!p1 $0x0  }
0x14: {  	s2 =	sld [smem:$0x3F8B];
	s0 =	simm.s32 @p1 $0x1  }
0x15: {  	[smem:$0x3FA8] =	sst s0;
	s0 =	simm.s32 @!p2 $0x0  }
0x16: {  	s3 =	sld [smem:$0x3FDB];
	s0 =	simm.s32 @p2 $0x1  }
0x17: {  	s4 =	simm.s32 $0x1BF5;
	[smem:$0x3FAA] =	sst s0  }
0x18: {  	s0 =	sld [smem:$0x3F8D];
	_ =	swait.ge [sflag:s4], $0x0  }
0x19: {  	s7 =	sld [smem:$0x3F8E]  }
0x1a: {  	s8 =	sadd.s32 $0xFFFFE003, lr  }
0x1b: {  	s9 =	sadd.s32 $0xFFFFFEF7, lr;
	s5 =	simm.s32 $0xFFFFFFFF;
	p2 =	slt.u32 s8, $0xFFFFF086  }
0x1c: {  	p1 =	slt.u32 s9, $0xF7A;
	s5 =	simm.s32 @!p2 $0x0  }
0x1d: {  	s5 =	simm.s32 @p1 $0x1;
	p0 =	seq.s32 s7, s2  }
0x1e: {  	s7 =	smul.u32 @!p0 $0xF7A, s2;
	p2 =	seq.s32 @!p0 s5, $0x0  }
0x1f: {  	s9 =	smul.u32 $0xF7A, s1;
	s8 =	simm.s32 @!p0 $0x1BF5;
	p2 =	por !p2, p0  }
0x20: {  	[sflag:s8] =	ssyncset.s32 @!p0 $0xFFFFF086;
	s6 =	sadd.s32 @!p0 s3, s7;
	s7 =	simm.s32 @!p0 $0x108  }
0x21: {  	s3 =	sadd.s32 s3, s9;
	s6 =	sadd.s32 @!p0 $0x88, s6;
	s7 =	simm.s32 @p2 $0x1082  }
0x22: {  	[simem:s7], [sflag:s8] =	dma.local @!p0 [hbm:s6], $0xF7A  }
0x23: {  	s9 =	sor.u32 $0xD0000000, s2;
	s6 =	simm.s32 $0x108;
	_ =	swait.ge @!p0 [sflag:s8], $0x0  }
0x24: {  	s3 =	sadd.s32 $0x88, s3;
	s6 =	simm.s32 @!p1 $0x1082;
	[sflag:s4] =	ssyncset.s32 $0xFFFFF086  }
0x25: {  	[simem:s6], [sflag:s4] =	dma.local [hbm:s3], $0xF7A  }
0x26: {  	[smem:$0x3F8E] =	sst s1;
	(tag) =	ssettag s2;
	_ =	strace s9  }
0x27: {  	s1 =	sld [smem:$0x3F9E]  }
0x28: {  	s2 =	sld [smem:$0x3F9F]  }
0x29: {  	s4 =	sld [smem:$0x3FA1]  }
0x2a: {  	p0 =	seq.s32 s5, $0x0;
	s5 =	sld [smem:$0x3FA2]  }
0x2b: {  	s6 =	sld [smem:$0x3FA3]  }
0x2c: {  	s7 =	sld [smem:$0x3FA4]  }
0x2d: {  	s3 =	simm.s32 $0x108;
	s8 =	sld [smem:$0x3FA5]  }
0x2e: {  	s3 =	simm.s32 @!p0 $0x1082;
	s9 =	sld [smem:$0x3FA6]  }
0x2f: {  	lr =	sadd.s32 s0, s3;
	s0 =	sld [smem:$0x3F9D]  }
0x30: {  	s3 =	sld [smem:$0x3FA0]  }
0x31: {  	[smem:$0x3FA9] =	sst s10  }
0x32: {  	s10 =	sld [smem:$0x3FA7];
	_ =	sdelay $0x3  }
0x33: {  	p0 =	seq.s32 s10, $0x1;
	s10 =	sld [smem:$0x3FA9];
	_ =	sdelay $0x3  }
0x34: {  	[smem:$0x3FA9] =	sst s10  }
0x35: {  	s10 =	sld [smem:$0x3FA8];
	_ =	sdelay $0x3  }
0x36: {  	p1 =	seq.s32 s10, $0x1;
	s10 =	sld [smem:$0x3FA9];
	_ =	sdelay $0x3  }
0x37: {  	[smem:$0x3FA9] =	sst s10  }
0x38: {  	s10 =	sld [smem:$0x3FAA]  }
0x39: {  	_ = 	snop;
	(pc) =	sbr.ind lr, $3  }
0x3a: {  	_ = 	snop  }
0x3b: {  	_ = 	snop  }
0x3c: {  	p2 =	seq.s32 s10, $0x1;
	s10 =	sld [smem:$0x3FA9]  }
0x3d: {  	_ =	shalt  }
0x3e: {  	_ =	shalt  }
0x3f: {  	_ =	shalt  }
0x40: {  	_ =	shalt  }
0x41: {  	_ =	shalt  }
0x42: {  	_ =	shalt  }
0x43: {  	_ =	shalt  }
0x44: {  	_ =	shalt  }
0x45: {  	_ =	shalt  }
0x46: {  	_ =	shalt  }
0x47: {  	_ =	shalt  }
0x48: {  	_ =	shalt  }
0x49: {  	_ =	shalt  }
0x4a: {  	_ =	shalt  }
0x4b: {  	_ =	shalt  }
0x4c: {  	_ =	shalt  }
0x4d: {  	_ =	shalt  }
0x4e: {  	_ =	shalt  }
0x4f: {  	_ =	shalt  }
0x50: {  	_ =	shalt  }
0x51: {  	_ =	shalt  }
0x52: {  	_ =	shalt  }
0x53: {  	_ =	shalt  }
0x54: {  	_ =	shalt  }
0x55: {  	_ =	shalt  }
0x56: {  	_ =	shalt  }
0x57: {  	_ =	shalt  }
0x58: {  	_ =	shalt  }
0x59: {  	_ =	shalt  }
0x5a: {  	_ =	shalt  }
0x5b: {  	_ =	shalt  }
0x5c: {  	_ =	shalt  }
0x5d: {  	_ =	shalt  }
0x5e: {  	_ =	shalt  }
0x5f: {  	_ =	shalt  }
0x60: {  	_ =	shalt  }
0x61: {  	_ =	shalt  }
0x62: {  	_ =	shalt  }
0x63: {  	_ =	shalt  }
0x64: {  	_ =	shalt  }
0x65: {  	_ =	shalt  }
0x66: {  	_ =	shalt  }
0x67: {  	_ =	shalt  }
0x68: {  	_ =	shalt  }
0x69: {  	_ =	shalt  }
0x6a: {  	_ =	shalt  }
0x6b: {  	_ =	shalt  }
0x6c: {  	_ =	shalt  }
0x6d: {  	_ =	shalt  }
0x6e: {  	_ =	shalt  }
0x6f: {  	_ =	shalt  }
0x70: {  	_ =	shalt  }
0x71: {  	_ =	shalt  }
0x72: {  	_ =	shalt  }
0x73: {  	_ =	shalt  }
0x74: {  	_ =	shalt  }
0x75: {  	_ =	shalt  }
0x76: {  	_ =	shalt  }
0x77: {  	_ =	shalt  }
0x78: {  	_ =	shalt  }
0x79: {  	_ =	shalt  }
0x7a: {  	_ =	shalt  }
0x7b: {  	_ =	shalt  }
0x7c: {  	_ =	shalt  }
0x7d: {  	_ =	shalt  }
0x7e: {  	_ =	shalt  }
0x7f: {  	_ =	shalt  }
0x80: {  	_ =	shalt  }
0x81: {  	_ =	shalt  }
0x82: {  	_ =	shalt  }
0x83: {  	_ =	shalt  }
0x84: {  	_ =	shalt  }
0x85: {  	_ =	shalt  }
0x86: {  	_ =	shalt  }
0x87: {  	_ =	shalt  }
.Lfunc_end0:
.L_simem_size_0:
called_computation.1_lowered:
.L_overlay_start_0:
0x88: {  	s2 =	sld [smem:$0x3FD9]  }
0x89: {  	s3 =	sld [smem:$0x3FFE];
	_ =	sdelay $0x1  }
0x8a: {  	s1 =	srdreg.scid  }
0x8b: {  	s0 =	sand.u32 $0x1, s1  }
0x8c: {  	s16 =	sshll.u32 s0, $0xA;
	s2 =	sadd.s32 s3, s2  }
0x8d: {  	s2 =	sadd.s32 s2, s16  }
0x8e: {  	[smem:$0x3FB5] =	sst s2  }
0x8f: {  	_ = 	snop  }
0x90: {  	(tm) =	ssettm $0x1  }
0x91: {  	s17 =	sld [smem:$0x3FFB];
	_ =	sdelay $0x3  }
0x92: {  	_ =	strace s17  }
0x93: {  	s2 =	sld [smem:$0x3FFC];
	_ =	sdelay $0x3  }
0x94: {  	_ =	strace s2  }
0x95: {  	s2 =	sld [smem:$0x3FFD];
	_ =	sdelay $0x3  }
0x96: {  	_ =	strace s2  }
0x97: {  	_ =	strace $0x8FFFFFFF  }
0x98: {  	s18 =	sld [smem:$0x3FDB];
	_ =	sdelay $0x1  }
0x99: {  	s19 =	simm.s32 $_scs_section_size  }
0x9a: {  	s4 =	simm.s32 $_size__tile_overlayer_lowered;
	s5 =	simm.s32 $_tile_overlayer_lowered  }
0x9b: {  	s22 =	simm.s32 $0x1BFF;
	s21 =	sshll.u32 s5, $0x1;
	s2 =	sadd.s32 s19, s18  }
0x9c: {  	s6 =	simm.s32 $0x0;
	s20 =	sshll.u32 s4, $0x1;
	s4 =	sadd.s32 s21, s2  }
0x9d: {  	[timem:s6], [sflag:s22] =	dma.local [hbm:s4], s20  }
0x9e: {  	_ =	swait.ge [sflag:s22], s20  }
0x9f: {  	s3 =	ssub.s32 $0x0, s20;
	[sflag:s22] =	ssyncset.done $0x0  }
0xa0: {  	[sflag:s22] =	ssyncadd.s32 s3;
	_ =	sdelay $0x1  }
0xa1: {  	s23 =	simm.s32 $0x1B8B  }
0xa2: {  	_ =	swait.ge [sflag:s23], $0x1  }
0xa3: {  	[sflag:s23] =	ssyncset.done $0x0  }
0xa4: {  	s25 =	simm.s32 $0x1B8E;
	s24 =	sld [smem:$0x3FFE];
	[sflag:s23] =	ssyncadd.s32 $0xFFFFFFFF  }
0xa5: {  	s26 =	simm.s32 $execute0_lowered;
	[smem:$0x3FD2] =	sst s25  }
0xa6: {  	s4 =	sshll.u32 s26, $0x1;
	_ =	strace $0x80000046;
	[dreg:$0x1] =	wrdreg $0xFFFFFFFF  }
0xa7: {  	s28 =	simm.s32 $_size_execute0_lowered;
	s2 =	sadd.s32 s2, s4;
	[dreg:$0x0] =	wrdreg $0x0  }
0xa8: {  	s4 =	sshll.u32 s28, $0x1;
	[dreg:$0x2] =	wrdreg s2  }
0xa9: {  	[dreg:$0x3] =	wrdreg s4  }
0xaa: {  	[dreg:$0x4] =	wrdreg $0xC0  }
0xab: {  	_ =	task [dreg:s6], $0x5FFFF  }
0xac: {  	[dreg:$0x1] =	wrdreg $0xFFFFFFFF  }
0xad: {  	[dreg:$0x0] =	wrdreg $0x60  }
0xae: {  	[dreg:$0x2] =	wrdreg s24  }
0xaf: {  	[dreg:$0x3] =	wrdreg $0xA  }
0xb0: {  	_ =	task.clear_ibuf [dreg:s6], $0x4FFFF;
	_ =	strace $0x90000046  }
0xb1: {  	s29 =	simm.s32 $0xA;
	_ =	strace $0x80000048  }
0xb2: {  	_ =	swait.ge [sflag:s29], $0x1  }
0xb3: {  	[sflag:s29] =	ssyncadd.s32 $0xFFFFFFFF  }
0xb4: {  	_ =	strace $0x90000048  }
0xb5: {  	_ =	sfence  }
0xb6: {  	s30 =	sld [smem:$0x0];
	_ =	sdelay $0x2  }
0xb7: {  	s31 =	sshll.u32 s1, $0xD;
	s1 =	sshrl.u32 s1, $0x2  }
0xb8: {  	s3 =	sand.u32 $0x4000, s31;
	s1 =	sadd.s32 s1, s30  }
0xb9: {  	s0 =	sor.u32 s3, s0;
	s1 =	sshll.u32 s1, $0x11  }
0xba: {  	s0 =	sor.u32 s1, s0  }
0xbb: {  	s0 =	sadd.s32 $0x8F2B, s0  }
0xbc: {  	[sflag:s0] =	ssyncadd.remote.s32 $0x1  }
0xbd: {  	_ =	sfence.sel $0xFFFF  }
0xbe: {  	[dreg:$0x0] =	wrdreg $0xFFFFFFFF;
	(pc) =	sbr.abs _section_cstart, $3  }
0xbf: {  	[dreg:$0x1] =	wrdreg $0xFFFFFFFF  }
0xc0: {  	_ =	task.clear_ibuf [dreg:s6], $0x2FFFF;
	_ =	strace $0x9FFFFFFF  }
0xc1: {  	(tm) =	ssettm $0x7FFFFFFF  }
tec
execute0_lowered:
.L_overlay_start_1:
0x0: {  	(tag) =	ssettag $0x1  }
0x1: {  	s5 =	rddreg [dreg:$0x0];
	s1 =	stileid.u32  }
0x2: {  	s0 =	rddreg [dreg:$0x1];
	s2 =	simm.s32 $0x0;
	s4 =	srdreg.scid  }
0x3: {  	s11 =	simm.s32 $0x80;
	s12 =	simm.s32 $0x400;
	s13 =	simm.s32 $0x3  }
0x4: {  	s14 =	simm.s32 $0xD080;
	s15 =	simm.s32 $0x1;
	s16 =	simm.s32 $0x12080  }
0x5: {  	s17 =	simm.s32 $0x17080;
	s18 =	simm.s32 $0x2;
	s19 =	simm.s32 $0x0  }
0x6: {  	s3 =	sshll.u32 s1, $0x1D;
	[smem:$0x7FF] =	sst s2;
	s6 =	sand.u32 $0x1, s4  }
0x7: {  	s30 =	sshll.u32 s1, $0x1;
	s3 =	sshra.s32 s3, $0x1F;
	_ =	strace $0x80000047  }
0x8: {  	s8 =	sor.u32 s6, s30;
	s6 =	ssub.s32 $0x2, s6;
	s3 =	sand.u32 $0xD080, s3  }
0x9: {  	s9 =	sshll.u32 s8, $0x4;
	s4 =	smul.u32 $0x50000, s8;
	s10 =	sshrl.u32 s6, $0x1  }
0xa: {  	s8 =	sshll.u32 s8, $0xF;
	s7 =	sadd.s32 s3, s5;
	s3 =	sadd.s32 $0x1D800, s5  }
0xb: {  	s5 =	sadd.s32 $0x15D800, s5;
	s9 =	sand.u32 $0x70, s9;
	s10 =	ssub.s32 s6, s10  }
0xc: {  	s7 =	sadd.s32 s9, s7;
	s31 =	sshrl.u32 s4, $0x3;
	s9 =	sor.u32 $0xA000, s4  }
0xd: {  	s10 =	smax.u32 s10, $0x1;
	s6 =	sadd.s32 $0x3600, s7;
	s7 =	sadd.s32 s3, s31  }
.LBB2_1:
0xe: {  	[tilespmem:s2], [sflag:$0x3] =	stream.strided.gather [hbm4b:s6+s11], $0xD080, s12, s11, $0x38;
	[tilespmem:$0x17880] =	vst v63  }
0xf: {  	_ =	swait.ge [sflag:s13], $0xD080  }
0x10: {  	[sflag:s13] =	ssyncset.done $0x0  }
0x11: {  	s21 =	simm.s32 $0x0;
	[sflag:s13] =	ssyncadd.s32 $0xFFFF2F80  }
0x12: {  	[tilespmem:s14], [sflag:$0x1] =	stream.linear.gather [hbm4b:s7+s2], $0x5000, $0x38;
	[tilespmem:$0x17880] =	vst v63  }
.LBB2_2:
0x13: {  	s20 =	sshllo.u32 s21, $0x1  }
0x14: {  	s22 =	smul.u32 $0x5000, s20;
	_ =	sdelay $0x1  }
0x15: {  	_ =	swait.ge [sflag:s15], $0x5000;
	s22 =	sadd.s32 s4, s22  }
0x16: {  	[sflag:s15] =	ssyncset.done $0x0;
	s22 =	sshrl.u32 s22, $0x3  }
0x17: {  	[sflag:s15] =	ssyncadd.s32 $0xFFFFB000;
	s23 =	sadd.s32 s3, s22;
	s22 =	simm.s32 $0x0  }
0x18: {  	[tilespmem:s16], [sflag:$0x2] =	stream.linear.gather [hbm4b:s23+s22], $0x5000, $0x38;
	[tilespmem:$0x17880] =	vst v63  }
0x19: {  	s24 =	simm.s32 $0x0;
	s23 =	simm.s32 $0x0  }
.LBB2_3:
0x1a: {  	s25 =	sshll.u32 s23, $0x2;
	s26 =	sand.u32 $0x7, s22  }
0x1b: {  	s25 =	sand.u32 $0xFFFFF000, s25;
	s26 =	sshll.u32 s26, $0x6  }
0x1c: {  	s25 =	sor.u32 s26, s25  }
0x1d: {  	s25 =	sshrl.u32 s25, $0x2  }
0x1e: {  	s29 =	sadd.s32 $0xD280, s25  }
0x1f: {  	v4 =	vld [tilespmem:s29+$0xFFFFFE00]  }
0x20: {  	v6 =	vld [tilespmem:s29+$0xFFFFFE80]  }
0x21: {  	v1 =	vld [tilespmem:s29+$0x180]  }
0x22: {  	v2 =	vld [tilespmem:s29+$0x100]  }
0x23: {  	v3 =	vld [tilespmem:s29+$0x80]  }
0x24: {  	v5 =	vld [tilespmem:s29+$0x0]  }
0x25: {  	v9 =	vld [tilespmem:s29+$0xFFFFFF80];
	_ =	sdelay $0x1  }
0x26: {  	v0 =	vshll.u32 v4, $0x2;
	v30 =	vand.u32 $0xFFFF0000, v1  }
0x27: {  	v7 =	vshll.u32 v1, $0x2;
	v8 =	vshll.u32 v2, $0x2;
	v1 =	vand.u32 $0xFFFF0000, v2  }
0x28: {  	v14 =	vshll.u32 v3, $0x2;
	v2 =	vand.u32 $0xFFFF0000, v3;
	v3 =	vshll.u32 v5, $0x2  }
0x29: {  	v21 =	vshll.u32 v9, $0x2;
	v16 =	vand.u32 $0xFFFC, v0;
	v0 =	vshll.u32 v6, $0x2  }
0x2a: {  	v11 =	vld [tilespmem:s29+$0xFFFFFF00];
	v10 =	vand.u32 $0xFFFC, v8;
	v8 =	vand.u32 $0xFFFC, v14;
	v17 =	vand.u32 $0xFFFC, v0  }
0x2b: {  	v14 =	vand.u32 $0xFFFC, v3;
	v3 =	vand.u32 $0xFFFC, v21;
	v15 =	vor.u32 $0x1, v16  }
0x2c: {  	v21 =	vor.u32 $0x1, v3;
	_ =	sdelay $0x1  }
0x2d: {  	v13 =	vimm.f32 $0.0e+00;
	v19 =	vor.u32 $0x1, v17;
	v18 =	vld.idx.msk [tilespmem:v16+s2+$0x0], $0xffff  }
0x2e: {  	v12 =	vand.u32 $0xFFFC, v7;
	v7 =	vand.u32 $0xFFFF0000, v5;
	v5 =	vshll.u32 v11, $0x2;
	v20 =	vld.idx.msk [tilespmem:v17+s2+$0x0], $0xffff  }
0x2f: {  	v9 =	vand.u32 $0xFFFF0000, v9;
	v11 =	vand.u32 $0xFFFF0000, v11;
	v22 =	vand.u32 $0xFFFC, v5;
	v23 =	vld.idx.msk [tilespmem:v15+s2+$0x0], $0xffff  }
0x30: {  	v5 =	vand.u32 $0xFFFF0000, v4;
	v55 =	vor.u32 $0x1, v8;
	v56 =	vor.u32 $0x1, v12;
	v21 =	vld.idx.msk [tilespmem:v21+s2+$0x0], $0xffff  }
0x31: {  	v59 =	vor.u32 $0x2, v16;
	v24 =	vor.u32 $0x1, v22;
	v60 =	vor.u32 $0x2, v17  }
0x32: {  	v16 =	vor.u32 $0x3, v16;
	v15 =	vand.u32 $0xFFFF0000, v6;
	v19 =	vld.idx.msk [tilespmem:v19+s2+$0x0], $0xffff;
	v4 =	vshll.u32 v18, $0x10  }
0x33: {  	v6 =	vor.u32 $0x1, v14;
	v18 =	vand.u32 $0xFFFF0000, v18;
	v4 =	vmul.f32 v4, v5  }
0x34: {  	v25 =	vshll.u32 v20, $0x10;
	v20 =	vand.u32 $0xFFFF0000, v20;
	v18 =	vmul.f32 v18, v5  }
0x35: {  	v27 =	vshll.u32 v23, $0x10;
	v23 =	vand.u32 $0xFFFF0000, v23;
	v57 =	vshll.u32 v21, $0x10  }
0x36: {  	v26 =	vld.idx.msk [tilespmem:v22+s2+$0x0], $0xffff;
	v21 =	vand.u32 $0xFFFF0000, v21;
	v25 =	vmul.f32 v25, v15;
	v20 =	vmul.f32 v20, v15  }
0x37: {  	v27 =	vmul.f32 v27, v5;
	v54 =	vshll.u32 v19, $0x10;
	v23 =	vmul.f32 v23, v5  }
0x38: {  	v6 =	vld.idx.msk [tilespmem:v6+s2+$0x0], $0xffff;
	v19 =	vand.u32 $0xFFFF0000, v19;
	v21 =	vmul.f32 v21, v9;
	v4 =	vadd.f32 v4, v13  }
0x39: {  	v28 =	vld.idx.msk [tilespmem:v3+s2+$0x0], $0xffff;
	v18 =	vadd.f32 v18, v13;
	v19 =	vmul.f32 v19, v15;
	v27 =	vadd.f32 v27, v13  }
0x3a: {  	v24 =	vld.idx.msk [tilespmem:v24+s2+$0x0], $0xffff;
	v23 =	vadd.f32 v23, v13;
	v4 =	vadd.f32 v25, v4;
	v25 =	vmul.f32 v54, v15  }
0x3b: {  	v18 =	vadd.f32 v20, v18;
	v20 =	vshll.u32 v26, $0x10;
	v26 =	vand.u32 $0xFFFF0000, v26  }
0x3c: {  	v20 =	vmul.f32 v20, v11;
	v26 =	vmul.f32 v26, v11;
	v19 =	vadd.f32 v19, v23  }
0x3d: {  	v58 =	vshll.u32 v6, $0x10;
	v6 =	vand.u32 $0xFFFF0000, v6;
	v25 =	vadd.f32 v25, v27  }
0x3e: {  	v23 =	vld.idx.msk [tilespmem:v14+s2+$0x0], $0xffff;
	v27 =	vshll.u32 v28, $0x10;
	v6 =	vmul.f32 v6, v7;
	v4 =	vadd.f32 v20, v4  }
0x3f: {  	v20 =	vshll.u32 v24, $0x10;
	v24 =	vand.u32 $0xFFFF0000, v24;
	v27 =	vmul.f32 v27, v9  }
0x40: {  	v28 =	vand.u32 $0xFFFF0000, v28;
	v20 =	vmul.f32 v20, v11;
	v24 =	vmul.f32 v24, v11  }
0x41: {  	v18 =	vadd.f32 v26, v18;
	v28 =	vmul.f32 v28, v9;
	v4 =	vadd.f32 v27, v4;
	v27 =	vld.idx.msk [tilespmem:v8+s2+$0x0], $0xffff  }
0x42: {  	v20 =	vadd.f32 v20, v25;
	v19 =	vadd.f32 v24, v19;
	v24 =	vmul.f32 v57, v9  }
0x43: {  	v26 =	vld.idx.msk [tilespmem:v55+s2+$0x0], $0xffff;
	v18 =	vadd.f32 v28, v18;
	v28 =	vshll.u32 v23, $0x10;
	v23 =	vand.u32 $0xFFFF0000, v23  }
0x44: {  	v28 =	vmul.f32 v28, v7;
	v23 =	vmul.f32 v23, v7;
	v20 =	vadd.f32 v24, v20  }
0x45: {  	v19 =	vadd.f32 v21, v19;
	v21 =	vor.u32 $0x1, v10;
	v24 =	vmul.f32 v58, v7  }
0x46: {  	v4 =	vadd.f32 v28, v4;
	v18 =	vadd.f32 v23, v18;
	v23 =	vld.idx.msk [tilespmem:v10+s2+$0x0], $0xffff;
	v28 =	vshll.u32 v27, $0x10  }
0x47: {  	v20 =	vadd.f32 v24, v20;
	v27 =	vand.u32 $0xFFFF0000, v27;
	v6 =	vadd.f32 v6, v19  }
0x48: {  	v19 =	vshll.u32 v26, $0x10;
	v24 =	vld.idx.msk [tilespmem:v59+s2+$0x0], $0xffff;
	v28 =	vmul.f32 v28, v2;
	v27 =	vmul.f32 v27, v2  }
0x49: {  	v17 =	vor.u32 $0x3, v17;
	v26 =	vand.u32 $0xFFFF0000, v26;
	v19 =	vmul.f32 v19, v2  }
0x4a: {  	v26 =	vmul.f32 v26, v2;
	v21 =	vld.idx.msk [tilespmem:v21+s2+$0x0], $0xffff;
	v4 =	vadd.f32 v28, v4;
	v18 =	vadd.f32 v27, v18  }
0x4b: {  	v28 =	vld.idx.msk [tilespmem:v12+s2+$0x0], $0xffff;
	v27 =	vor.u32 $0x2, v22;
	v19 =	vadd.f32 v19, v20;
	v20 =	vshll.u32 v23, $0x10  }
0x4c: {  	v6 =	vadd.f32 v26, v6;
	v23 =	vand.u32 $0xFFFF0000, v23;
	v20 =	vmul.f32 v20, v1  }
0x4d: {  	v23 =	vmul.f32 v23, v1;
	v29 =	vshll.u32 v24, $0x10;
	v24 =	vand.u32 $0xFFFF0000, v24  }
0x4e: {  	v25 =	vld.idx.msk [tilespmem:v56+s2+$0x0], $0xffff;
	v22 =	vor.u32 $0x3, v22;
	v29 =	vmul.f32 v29, v5;
	v24 =	vmul.f32 v24, v5  }
0x4f: {  	v16 =	vld.idx.msk [tilespmem:v16+s2+$0x0], $0xffff;
	v4 =	vadd.f32 v20, v4;
	v18 =	vadd.f32 v23, v18;
	v20 =	vshll.u32 v21, $0x10  }
0x50: {  	v23 =	vshll.u32 v28, $0x10;
	v28 =	vand.u32 $0xFFFF0000, v28;
	v21 =	vand.u32 $0xFFFF0000, v21  }
0x51: {  	v61 =	vld.idx.msk [tilespmem:v27+s2+$0x0], $0xffff;
	v27 =	vadd.f32 v29, v13;
	v20 =	vmul.f32 v20, v1;
	v23 =	vmul.f32 v23, v30  }
0x52: {  	v24 =	vadd.f32 v24, v13;
	v21 =	vmul.f32 v21, v1;
	v28 =	vmul.f32 v28, v30  }
0x53: {  	v19 =	vadd.f32 v20, v19;
	v20 =	vshll.u32 v25, $0x10;
	v25 =	vand.u32 $0xFFFF0000, v25  }
0x54: {  	v26 =	vld.idx.msk [tilespmem:v60+s2+$0x0], $0xffff;
	v21 =	vadd.f32 v21, v6;
	v42 =	vadd.f32 v23, v4;
	v23 =	vshll.u32 v16, $0x10  }
0x55: {  	v17 =	vld.idx.msk [tilespmem:v17+s2+$0x0], $0xffff;
	v16 =	vand.u32 $0xFFFF0000, v16;
	v20 =	vmul.f32 v20, v30;
	v25 =	vmul.f32 v25, v30  }
0x56: {  	v35 =	vadd.f32 v28, v18;
	v18 =	vmul.f32 v23, v5;
	v16 =	vmul.f32 v16, v5  }
0x57: {  	v23 =	vor.u32 $0x2, v12;
	v12 =	vor.u32 $0x3, v12;
	v62 =	vshll.u32 v61, $0x10  }
0x58: {  	v22 =	vld.idx.msk [tilespmem:v22+s2+$0x0], $0xffff;
	v38 =	vadd.f32 v20, v19;
	v19 =	vor.u32 $0x2, v3;
	v20 =	vor.u32 $0x3, v3  }
0x59: {  	v32 =	vadd.f32 v25, v21;
	v21 =	vshll.u32 v26, $0x10;
	v26 =	vand.u32 $0xFFFF0000, v26  }
0x5a: {  	v18 =	vadd.f32 v18, v13;
	v13 =	vadd.f32 v16, v13;
	v16 =	vshll.u32 v17, $0x10  }
0x5b: {  	v17 =	vand.u32 $0xFFFF0000, v17;
	v21 =	vmul.f32 v21, v15;
	v16 =	vmul.f32 v16, v15  }
0x5c: {  	v25 =	vand.u32 $0xFFFF0000, v61;
	v26 =	vmul.f32 v26, v15;
	v15 =	vmul.f32 v17, v15  }
0x5d: {  	v17 =	vor.u32 $0x2, v10;
	v16 =	vadd.f32 v16, v18;
	v18 =	vshll.u32 v22, $0x10  }
0x5e: {  	v25 =	vmul.f32 v25, v11;
	v13 =	vadd.f32 v15, v13;
	v15 =	vmul.f32 v18, v11;
	v18 =	vld.idx.msk [tilespmem:v23+s2+$0x0], $0xffff  }
0x5f: {  	v21 =	vadd.f32 v21, v27;
	v27 =	vor.u32 $0x2, v14;
	v14 =	vor.u32 $0x3, v14;
	v19 =	vld.idx.msk [tilespmem:v19+s2+$0x0], $0xffff  }
0x60: {  	v24 =	vadd.f32 v26, v24;
	v22 =	vand.u32 $0xFFFF0000, v22;
	v26 =	vmul.f32 v62, v11;
	v20 =	vld.idx.msk [tilespmem:v20+s2+$0x0], $0xffff  }
0x61: {  	v11 =	vmul.f32 v22, v11  }
0x62: {  	v10 =	vor.u32 $0x3, v10;
	v12 =	vld.idx.msk [tilespmem:v12+s2+$0x0], $0xffff;
	v21 =	vadd.f32 v26, v21;
	v22 =	vadd.f32 v25, v24  }
0x63: {  	v23 =	vor.u32 $0x2, v8;
	v17 =	vld.idx.msk [tilespmem:v17+s2+$0x0], $0xffff;
	v15 =	vadd.f32 v15, v16;
	v11 =	vadd.f32 v11, v13  }
0x64: {  	v3 =	vld.idx.msk [tilespmem:v27+s2+$0x0], $0xffff;
	v63 =	vshll.u32 v18, $0x10;
	v27 =	vand.u32 $0xFFFF0000, v18;
	v16 =	vshll.u32 v19, $0x10  }
0x65: {  	v4 =	vld.idx.msk [tilespmem:v14+s2+$0x0], $0xffff;
	v19 =	vand.u32 $0xFFFF0000, v19;
	v13 =	vshll.u32 v20, $0x10;
	v14 =	vand.u32 $0xFFFF0000, v20  }
0x66: {  	v20 =	vor.u32 $0x3, v8;
	v16 =	vmul.f32 v16, v9;
	v19 =	vmul.f32 v19, v9  }
0x67: {  	v8 =	vmul.f32 v13, v9;
	v9 =	vmul.f32 v14, v9;
	v14 =	vshll.u32 v12, $0x10  }
0x68: {  	v18 =	vld.idx.msk [tilespmem:v10+s2+$0x0], $0xffff;
	v13 =	vand.u32 $0xFFFF0000, v12;
	v16 =	vadd.f32 v16, v21;
	v12 =	vadd.f32 v19, v22  }
0x69: {  	v21 =	vld.idx.msk [tilespmem:v23+s2+$0x0], $0xffff;
	v23 =	vshll.u32 v17, $0x10;
	v8 =	vadd.f32 v8, v15;
	v10 =	vshll.u32 v3, $0x10  }
0x6a: {  	v15 =	vand.u32 $0xFFFF0000, v3;
	v9 =	vadd.f32 v9, v11;
	v11 =	vshll.u32 v4, $0x10  }
0x6b: {  	v19 =	vand.u32 $0xFFFF0000, v4;
	v22 =	vmul.f32 v10, v7;
	v15 =	vmul.f32 v15, v7;
	v20 =	vld.idx.msk [tilespmem:v20+s2+$0x0], $0xffff  }
0x6c: {  	v17 =	vand.u32 $0xFFFF0000, v17;
	v10 =	vmul.f32 v11, v7;
	v7 =	vmul.f32 v19, v7  }
0x6d: {  	v6 =	vshll.u32 v18, $0x10;
	v18 =	vand.u32 $0xFFFF0000, v18;
	v28 =	vmul.f32 v23, v1  }
0x6e: {  	v29 =	vmul.f32 v17, v1;
	v11 =	vadd.f32 v22, v16;
	v22 =	vmul.f32 v63, v30  }
0x6f: {  	v12 =	vadd.f32 v15, v12;
	v16 =	vshll.u32 v21, $0x10;
	v3 =	vand.u32 $0xFFFF0000, v21  }
0x70: {  	s25 =	sshll.u32 s24, $0x4;
	v21 =	vmul.f32 v27, v30;
	v36 =	vmul.f32 v16, v2;
	v15 =	vshll.u32 v20, $0x10  }
0x71: {  	s28 =	simm.s32 $0x0;
	s26 =	sand.u32 $0x70, s25;
	s29 =	sadd.s32 $0x800, s29;
	v37 =	vmul.f32 v3, v2;
	v20 =	vand.u32 $0xFFFF0000, v20;
	v15 =	vmul.f32 v15, v2  }
.LBB2_4:
0x72: {  	_ = 	snop  }
0x73: {  	v7 =	vadd.f32 v7, v9;
	v9 =	vadd.f32 v36, v11  }
0x74: {  	v8 =	vadd.f32 v10, v8  }
0x75: {  	v16 =	vld [tilespmem:s29+$0x180];
	v10 =	vadd.f32 v37, v12;
	v9 =	vadd.f32 v28, v9  }
0x76: {  	v2 =	vmul.f32 v20, v2;
	v17 =	vld [tilespmem:s29+$0xFFFFFF00];
	v8 =	vadd.f32 v15, v8  }
0x77: {  	v12 =	vld [tilespmem:s29+$0x100];
	v10 =	vadd.f32 v29, v10;
	v11 =	vmul.f32 v6, v1;
	v0 =	vadd.f32 v22, v9  }
0x78: {  	v2 =	vadd.f32 v2, v7;
	v7 =	vld [tilespmem:s29+$0x80];
	v1 =	vmul.f32 v18, v1  }
0x79: {  	v15 =	vld [tilespmem:s29+$0x0];
	v14 =	vmul.f32 v14, v30;
	v11 =	vadd.f32 v11, v8;
	[tilespmem:$0x1FF70] =	vst v0;
	v0 =	vadd.f32 v21, v10  }
0x7a: {  	v1 =	vadd.f32 v1, v2;
	v2 =	vmul.f32 v13, v30;
	v13 =	vld [tilespmem:s29+$0xFFFFFF80]  }
0x7b: {  	v3 =	vand.u32 $0xFFFF0000, v16;
	v16 =	vshll.u32 v16, $0x2;
	[tilespmem:$0x1FF90] =	vst v0;
	v0 =	vadd.f32 v14, v11;
	v14 =	vld [tilespmem:s29+$0xFFFFFE80]  }
0x7c: {  	v23 =	vshll.u32 v17, $0x2;
	v18 =	vshll.u32 v12, $0x2;
	v19 =	vand.u32 $0xFFFC, v16  }
0x7d: {  	v18 =	vand.u32 $0xFFFC, v18;
	v27 =	vor.u32 $0x1, v19;
	v28 =	vor.u32 $0x2, v19  }
0x7e: {  	[tilespmem:$0x1FFA0] =	vst v0;
	v0 =	vadd.f32 v2, v1;
	v1 =	vand.u32 $0xFFFF0000, v12;
	v12 =	vshll.u32 v7, $0x2  }
0x7f: {  	v16 =	vshll.u32 v15, $0x2;
	v22 =	vshll.u32 v13, $0x2;
	v21 =	vand.u32 $0xFFFC, v12  }
0x80: {  	v12 =	vand.u32 $0xFFFF0000, v13;
	v13 =	vand.u32 $0xFFFC, v16;
	v24 =	vshll.u32 v14, $0x2  }
0x81: {  	v16 =	vand.u32 $0xFFFF0000, v14;
	v14 =	vand.u32 $0xFFFC, v23;
	v23 =	vld.idx.msk [tilespmem:v19+s2+$0x0], $0xffff;
	v19 =	vor.u32 $0x3, v19  }
0x82: {  	v20 =	vld [tilespmem:s29+$0xFFFFFE00];
	_ =	sdelay $0x1  }
0x83: {  	v30 =	vor.u32 $0x1, v18  }
0x84: {  	v61 =	vld.idx.msk [tilespmem:v18+s2+$0x0], $0xffff  }
0x85: {  	v19 =	vld.idx.msk [tilespmem:v19+s2+$0x0], $0xffff  }
0x86: {  	v25 =	vshll.u32 v20, $0x2;
	v31 =	vor.u32 $0x2, v18;
	v18 =	vor.u32 $0x3, v18  }
0x87: {  	v25 =	vand.u32 $0xFFFC, v25  }
0x88: {  	v47 =	vor.u32 $0x1, v25;
	v33 =	vor.u32 $0x1, v21;
	v52 =	vld.idx.msk [tilespmem:v30+s2+$0x0], $0xffff  }
0x89: {  	v2 =	vand.u32 $0xFFFF0000, v7;
	v7 =	vand.u32 $0xFFFF0000, v15;
	v37 =	vor.u32 $0x2, v13;
	v26 =	vld.idx.msk [tilespmem:v21+s2+$0x0], $0xffff  }
0x8a: {  	v15 =	vand.u32 $0xFFFF0000, v17;
	v29 =	vld.idx.msk [tilespmem:v13+s2+$0x0], $0xffff;
	v50 =	vshll.u32 v61, $0x10;
	v5 =	vshll.u32 v19, $0x10  }
0x8b: {  	v17 =	vand.u32 $0xFFFF0000, v20;
	v20 =	vand.u32 $0xFFFC, v24;
	v18 =	vld.idx.msk [tilespmem:v18+s2+$0x0], $0xffff;
	[tilespmem:$0x1FF80] =	vst v5;
	v5 =	vmul.f32 v50, v1  }
0x8c: {  	[tilespmem:$0x1FED0] =	vst v42;
	v36 =	vor.u32 $0x1, v13;
	v41 =	vor.u32 $0x3, v13;
	v13 =	vld.idx.msk [tilespmem:v25+s2+$0x0], $0xffff;
	v51 =	vand.u32 $0xFFFF0000, v61  }
0x8d: {  	v48 =	vor.u32 $0x2, v25;
	v22 =	vand.u32 $0xFFFC, v22;
	v33 =	vld.idx.msk [tilespmem:v33+s2+$0x0], $0xffff;
	[tilespmem:$0x1FF30] =	vst v5;
	v5 =	vmul.f32 v51, v1  }
0x8e: {  	[tilespmem:$0x1FFB0] =	vst v0;
	v34 =	vor.u32 $0x2, v21;
	v39 =	vor.u32 $0x1, v22;
	v40 =	vor.u32 $0x2, v22;
	v37 =	vld.idx.msk [tilespmem:v37+s2+$0x0], $0xffff  }
0x8f: {  	v0 =	vor.u32 $0x3, v25;
	v42 =	vor.u32 $0x1, v14;
	v63 =	vld.idx.msk [tilespmem:v14+s2+$0x0], $0xffff;
	[tilespmem:$0x1FF40] =	vst v5;
	v5 =	vand.u32 $0xFFFF0000, v19  }
0x90: {  	v43 =	vor.u32 $0x2, v14;
	v46 =	vor.u32 $0x3, v14;
	v60 =	vld.idx.msk [tilespmem:v20+s2+$0x0], $0xffff;
	[tilespmem:$0x1FFE0] =	vst v5;
	v5 =	vshll.u32 v18, $0x10  }
0x91: {  	v45 =	vor.u32 $0x2, v20;
	v14 =	vld.idx.msk [tilespmem:v27+s2+$0x0], $0xffff;
	v27 =	vshll.u32 v26, $0x10;
	[tilespmem:$0x1FFD0] =	vst v5;
	v5 =	vand.u32 $0xFFFF0000, v18  }
0x92: {  	v62 =	vld.idx.msk [tilespmem:v22+s2+$0x0], $0xffff;
	v21 =	vor.u32 $0x3, v21;
	v25 =	vshll.u32 v23, $0x10;
	[tilespmem:$0x1FFC0] =	vst v5;
	v5 =	vmul.f32 v27, v2  }
0x93: {  	v22 =	vor.u32 $0x3, v22;
	v61 =	vld.idx.msk [tilespmem:v34+s2+$0x0], $0xffff;
	v4 =	vmul.f32 v25, v3;
	v26 =	vand.u32 $0xFFFF0000, v26  }
0x94: {  	v41 =	vld.idx.msk [tilespmem:v41+s2+$0x0], $0xffff;
	v59 =	vshll.u32 v13, $0x10;
	v6 =	vand.u32 $0xFFFF0000, v33;
	[tilespmem:$0x1FF10] =	vst v5;
	v5 =	vmul.f32 v26, v2  }
0x95: {  	[tilespmem:$0x1FEF0] =	vst v38;
	v40 =	vld.idx.msk [tilespmem:v40+s2+$0x0], $0xffff;
	v57 =	vshll.u32 v60, $0x10;
	v38 =	vand.u32 $0xFFFF0000, v60;
	v60 =	vand.u32 $0xFFFF0000, v13  }
0x96: {  	v13 =	vand.u32 $0xFFFF0000, v37;
	[tilespmem:$0x1FF20] =	vst v5;
	v5 =	vshll.u32 v33, $0x10;
	v33 =	vshll.u32 v37, $0x10;
	v37 =	vld.idx.msk [tilespmem:v45+s2+$0x0], $0xffff  }
0x97: {  	v44 =	vor.u32 $0x1, v20;
	v49 =	vor.u32 $0x3, v20;
	v23 =	vand.u32 $0xFFFF0000, v23;
	v20 =	vld.idx.msk [tilespmem:v28+s2+$0x0], $0xffff  }
0x98: {  	v53 =	vshll.u32 v29, $0x10;
	v29 =	vand.u32 $0xFFFF0000, v29;
	[tilespmem:$0x1FF50] =	vst v4;
	v21 =	vld.idx.msk [tilespmem:v21+s2+$0x0], $0xffff;
	v4 =	vmul.f32 v23, v3  }
0x99: {  	v54 =	vld.idx.msk [tilespmem:v31+s2+$0x0], $0xffff;
	v23 =	vshll.u32 v61, $0x10;
	v61 =	vand.u32 $0xFFFF0000, v61;
	v9 =	vmul.f32 v53, v7  }
0x9a: {  	v22 =	vld.idx.msk [tilespmem:v22+s2+$0x0], $0xffff;
	v53 =	vshll.u32 v41, $0x10;
	v24 =	vshll.u32 v40, $0x10;
	v25 =	vand.u32 $0xFFFF0000, v40  }
0x9b: {  	v18 =	vshll.u32 v37, $0x10;
	v19 =	vand.u32 $0xFFFF0000, v37;
	v37 =	vmul.f32 v61, v2;
	v61 =	vld [tilespmem:$0x1FED0]  }
0x9c: {  	v36 =	vld.idx.msk [tilespmem:v36+s2+$0x0], $0xffff;
	v59 =	vmul.f32 v59, v17;
	[tilespmem:$0x1FF60] =	vst v4;
	v28 =	vshll.u32 v20, $0x10;
	v4 =	vand.u32 $0xFFFF0000, v20  }
0x9d: {  	v50 =	vshll.u32 v52, $0x10;
	v8 =	vshll.u32 v21, $0x10;
	v20 =	vand.u32 $0xFFFF0000, v21;
	v21 =	vld.idx.msk [tilespmem:v43+s2+$0x0], $0xffff  }
0x9e: {  	v51 =	vand.u32 $0xFFFF0000, v52;
	v52 =	vshll.u32 v54, $0x10;
	v43 =	vmul.f32 v29, v7;
	v29 =	vld.idx.msk [tilespmem:v46+s2+$0x0], $0xffff  }
0x9f: {  	[tilespmem:$0x1FEE0] =	vst v35;
	v39 =	vld.idx.msk [tilespmem:v39+s2+$0x0], $0xffff;
	v46 =	vand.u32 $0xFFFF0000, v41;
	v40 =	vshll.u32 v22, $0x10;
	v41 =	vand.u32 $0xFFFF0000, v22  }
0xa0: {  	v22 =	vmul.f32 v28, v3;
	v28 =	vmul.f32 v52, v1;
	v52 =	vadd.f32 v59, v61;
	v59 =	vld [tilespmem:$0x1FEE0]  }
0xa1: {  	[tilespmem:$0x1FF00] =	vst v32;
	v56 =	vshll.u32 v62, $0x10;
	v32 =	vand.u32 $0xFFFF0000, v62  }
0xa2: {  	v47 =	vld.idx.msk [tilespmem:v47+s2+$0x0], $0xffff;
	v60 =	vmul.f32 v60, v17;
	v54 =	vand.u32 $0xFFFF0000, v54;
	v27 =	vand.u32 $0xFFFF0000, v36  }
0xa3: {  	v11 =	vshll.u32 v29, $0x10;
	v26 =	vshll.u32 v36, $0x10;
	v36 =	vld.idx.msk [tilespmem:v44+s2+$0x0], $0xffff;
	v44 =	vmul.f32 v56, v12  }
0xa4: {  	v56 =	vmul.f32 v32, v12;
	v32 =	vand.u32 $0xFFFF0000, v39;
	v45 =	vshll.u32 v39, $0x10  }
0xa5: {  	v39 =	vand.u32 $0xFFFF0000, v29;
	v29 =	vmul.f32 v54, v1;
	v54 =	vadd.f32 v60, v59;
	v60 =	vld [tilespmem:$0x1FEF0]  }
0xa6: {  	v42 =	vld.idx.msk [tilespmem:v42+s2+$0x0], $0xffff;
	v31 =	vshll.u32 v21, $0x10;
	v34 =	vand.u32 $0xFFFF0000, v21  }
0xa7: {  	v21 =	vmul.f32 v4, v3;
	v4 =	vmul.f32 v50, v1;
	v50 =	vshll.u32 v47, $0x10  }
0xa8: {  	v50 =	vmul.f32 v50, v17  }
0xa9: {  	v35 =	vshll.u32 v36, $0x10  }
0xaa: {  	v35 =	vmul.f32 v35, v16;
	v50 =	vadd.f32 v50, v60  }
0xab: {  	v30 =	vshll.u32 v42, $0x10  }
0xac: {  	v30 =	vmul.f32 v30, v15;
	v35 =	vadd.f32 v35, v50  }
0xad: {  	v55 =	vshll.u32 v63, $0x10;
	v58 =	vand.u32 $0xFFFF0000, v63;
	v57 =	vmul.f32 v57, v16  }
0xae: {  	v62 =	vshll.u32 v14, $0x10;
	v55 =	vmul.f32 v55, v15;
	v30 =	vadd.f32 v30, v35  }
0xaf: {  	v58 =	vmul.f32 v58, v15;
	v38 =	vmul.f32 v38, v16;
	v61 =	vld [tilespmem:$0x1FF00];
	v52 =	vadd.f32 v57, v52  }
0xb0: {  	v63 =	vand.u32 $0xFFFF0000, v14;
	v62 =	vmul.f32 v62, v3;
	v45 =	vmul.f32 v45, v12  }
0xb1: {  	v47 =	vand.u32 $0xFFFF0000, v47;
	v57 =	vadd.f32 v55, v52;
	v38 =	vadd.f32 v38, v54  }
0xb2: {  	v63 =	vmul.f32 v63, v3;
	v47 =	vmul.f32 v47, v17;
	v59 =	vadd.f32 v45, v30;
	v30 =	vmovc v3;
	v3 =	vld [tilespmem:$0x1FF10]  }
0xb3: {  	v14 =	vand.u32 $0xFFFF0000, v36;
	v38 =	vadd.f32 v58, v38;
	v58 =	vadd.f32 v44, v57  }
0xb4: {  	v14 =	vmul.f32 v14, v16;
	v47 =	vadd.f32 v47, v61  }
0xb5: {  	v42 =	vand.u32 $0xFFFF0000, v42;
	v9 =	vadd.f32 v9, v58  }
0xb6: {  	v42 =	vmul.f32 v42, v15;
	v14 =	vadd.f32 v14, v47  }
0xb7: {  	v9 =	vadd.f32 v3, v9;
	v3 =	vld [tilespmem:$0x1FF20]  }
0xb8: {  	v32 =	vmul.f32 v32, v12;
	v14 =	vadd.f32 v42, v14;
	v38 =	vadd.f32 v56, v38;
	_ =	sdelay $0x1  }
0xb9: {  	v27 =	vmul.f32 v27, v7;
	v14 =	vadd.f32 v32, v14;
	v60 =	vadd.f32 v43, v38;
	_ =	sdelay $0x1  }
0xba: {  	v14 =	vadd.f32 v27, v14;
	v27 =	vadd.f32 v3, v60;
	v3 =	vld [tilespmem:$0x1FF30];
	_ =	sdelay $0x4  }
0xbb: {  	v9 =	vadd.f32 v3, v9;
	v3 =	vld [tilespmem:$0x1FF40];
	_ =	sdelay $0x4  }
0xbc: {  	v61 =	vadd.f32 v3, v27;
	v3 =	vld [tilespmem:$0x1FF50];
	_ =	sdelay $0x4  }
0xbd: {  	v42 =	vadd.f32 v3, v9;
	v3 =	vld [tilespmem:$0x1FF60]  }
0xbe: {  	v49 =	vld.idx.msk [tilespmem:v49+s2+$0x0], $0xffff  }
0xbf: {  	v48 =	vld.idx.msk [tilespmem:v48+s2+$0x0], $0xffff;
	v26 =	vmul.f32 v26, v7;
	_ =	sdelay $0x1  }
0xc0: {  	v5 =	vmul.f32 v5, v2;
	v26 =	vadd.f32 v26, v59  }
0xc1: {  	v35 =	vadd.f32 v3, v61;
	v3 =	vld [tilespmem:$0x1FF70]  }
0xc2: {  	v6 =	vmul.f32 v6, v2;
	v10 =	vand.u32 $0xFFFF0000, v49;
	v5 =	vadd.f32 v5, v26  }
0xc3: {  	[tilespmem:$0x1FFF0] =	vst v8;
	v8 =	vshll.u32 v49, $0x10;
	v49 =	vmul.f32 v51, v1;
	v51 =	vshll.u32 v48, $0x10  }
0xc4: {  	v6 =	vadd.f32 v6, v14;
	v14 =	vmul.f32 v51, v17;
	v4 =	vadd.f32 v4, v5;
	_ =	sdelay $0x1  }
0xc5: {  	v38 =	vadd.f32 v62, v4;
	v4 =	vadd.f32 v14, v3;
	v3 =	vld [tilespmem:$0x1FF90];
	_ =	sdelay $0x1  }
0xc6: {  	v0 =	vld.idx.msk [tilespmem:v0+s2+$0x0], $0xffff;
	v36 =	vmul.f32 v23, v2;
	v23 =	vand.u32 $0xFFFF0000, v48  }
0xc7: {  	v23 =	vmul.f32 v23, v17;
	v5 =	vadd.f32 v49, v6;
	_ =	sdelay $0x1  }
0xc8: {  	v32 =	vadd.f32 v63, v5;
	v5 =	vadd.f32 v23, v3;
	v3 =	vld [tilespmem:$0x1FFA0];
	_ =	sdelay $0x1  }
0xc9: {  	v48 =	vshll.u32 v0, $0x10  }
0xca: {  	v6 =	vmul.f32 v48, v17;
	_ =	sdelay $0x1  }
0xcb: {  	v6 =	vadd.f32 v6, v3;
	v3 =	vld [tilespmem:$0x1FFB0];
	_ =	sdelay $0x1  }
0xcc: {  	v0 =	vand.u32 $0xFFFF0000, v0  }
0xcd: {  	v0 =	vmul.f32 v0, v17;
	_ =	sdelay $0x1  }
0xce: {  	v0 =	vadd.f32 v0, v3;
	v3 =	vmul.f32 v10, v16  }
0xcf: {  	v8 =	vmul.f32 v8, v16;
	v18 =	vmul.f32 v18, v16  }
0xd0: {  	v31 =	vmul.f32 v31, v15;
	v0 =	vadd.f32 v3, v0;
	v3 =	vmul.f32 v39, v15  }
0xd1: {  	v19 =	vmul.f32 v19, v16;
	v9 =	vmul.f32 v11, v15;
	v4 =	vadd.f32 v18, v4  }
0xd2: {  	v6 =	vadd.f32 v8, v6;
	v0 =	vadd.f32 v3, v0;
	v3 =	vmul.f32 v41, v12  }
0xd3: {  	s28 =	sadd.s32 $0x8, s28;
	v34 =	vmul.f32 v34, v15;
	v4 =	vadd.f32 v31, v4;
	v5 =	vadd.f32 v19, v5  }
0xd4: {  	p0 =	slt.u32 s28, $0x48;
	v24 =	vmul.f32 v24, v12;
	v6 =	vadd.f32 v9, v6;
	v9 =	vadd.f32 v3, v0;
	v0 =	vld [tilespmem:$0x1FFF0]  }
.Ltmp0:
0xd5: {  	v25 =	vmul.f32 v25, v12;
	v5 =	vadd.f32 v34, v5;
	(pc) =	sbr.rel @p0 .LBB2_4-.Ltmp0, $4  }
0xd6: {  	v33 =	vmul.f32 v33, v7;
	v14 =	vld [tilespmem:$0x1FF80];
	v4 =	vadd.f32 v24, v4;
	v8 =	vmul.f32 v40, v12  }
0xd7: {  	v13 =	vmul.f32 v13, v7;
	v18 =	vld [tilespmem:$0x1FFC0];
	v5 =	vadd.f32 v25, v5  }
0xd8: {  	v11 =	vadd.f32 v33, v4;
	v10 =	vmul.f32 v53, v7;
	v8 =	vadd.f32 v8, v6;
	v6 =	vld [tilespmem:$0x1FFD0]  }
0xd9: {  	s29 =	sadd.s32 $0x800, s29;
	v7 =	vmul.f32 v46, v7;
	v12 =	vadd.f32 v13, v5;
	v13 =	vld [tilespmem:$0x1FFE0];
	v15 =	vmul.f32 v0, v2  }
0xda: {  	_ = 	snop  }
0xdb: {  	v0 =	vadd.f32 v10, v8;
	v3 =	vadd.f32 v36, v11  }
0xdc: {  	v2 =	vmul.f32 v20, v2;
	s28 =	sand.u32 $0x80, s25;
	v4 =	vadd.f32 v7, v9;
	v5 =	vadd.f32 v37, v12  }
0xdd: {  	[tilespmem:s25+$0x17080] =	vst v42;
	s31 =	sor.u32 s26, s28;
	v0 =	vadd.f32 v15, v0;
	v3 =	vadd.f32 v28, v3;
	v6 =	vmul.f32 v6, v1  }
0xde: {  	s24 =	sadd.s32 $0x1, s24;
	v60 =	vmul.f32 v18, v1;
	[tilespmem:s31+$0x17180] =	vst v35;
	v2 =	vadd.f32 v2, v4;
	v61 =	vadd.f32 v29, v5  }
0xdf: {  	v62 =	vmul.f32 v14, v30;
	p0 =	sne.s32 s24, $0x10;
	[tilespmem:s31+$0x17280] =	vst v38;
	v3 =	vadd.f32 v22, v3;
	v0 =	vadd.f32 v6, v0  }
.Ltmp1:
0xe0: {  	[tilespmem:s31+$0x17380] =	vst v32;
	v63 =	vmul.f32 v13, v30;
	v1 =	vadd.f32 v60, v2;
	v4 =	vadd.f32 v21, v61;
	(pc) =	sbr.rel @p0 .LBB2_3-.Ltmp1, $4  }
0xe1: {  	[tilespmem:s31+$0x17480] =	vst v3;
	v0 =	vadd.f32 v62, v0  }
0xe2: {  	v1 =	vadd.f32 v63, v1;
	[tilespmem:s31+$0x17580] =	vst v4  }
0xe3: {  	[tilespmem:s31+$0x17680] =	vst v0  }
0xe4: {  	s23 =	sadd.s32 $0x80, s23;
	s22 =	sadd.s32 $0x1, s22;
	[tilespmem:s31+$0x17780] =	vst v1  }
0xe5: {  	s22 =	sshll.u32 s21, $0x8  }
0xe6: {  	s31 =	sshll.u32 s21, $0xC;
	s23 =	sand.u32 $0x300, s22  }
0xe7: {  	s22 =	sand.u32 $0x4000, s31;
	s23 =	sor.u32 s23, s8  }
0xe8: {  	s23 =	sor.u32 s22, s23  }
0xe9: {  	s23 =	sshrl.u32 s23, $0x3  }
0xea: {  	s23 =	sadd.s32 s5, s23  }
0xeb: {  	[hbm4b:s23+s11] =	stream.strided.scatter [tilespmem:s17], [sflag:$0x3], $0x800, s12, s11, $0x38;
	[tilespmem:$0x17880] =	vst v63  }
0xec: {  	p0 =	seq.s32 s21, $0x7;
	_ =	swait.ge [sflag:s13], $0x800  }
0xed: {  	s23 =	smul.u32 @!p0 $0xA000, s21;
	[sflag:s13] =	ssyncset.done $0x0  }
0xee: {  	[sflag:s13] =	ssyncadd.s32 $0xFFFFF800  }
0xef: {  	s24 =	simm.s32 @!p0 $0x0;
	s23 =	sadd.s32 @!p0 s23, s9;
	_ =	swait.ge [sflag:s18], $0x5000  }
0xf0: {  	s25 =	simm.s32 @!p0 $0xD080;
	s23 =	sshrl.u32 @!p0 s23, $0x3;
	[sflag:s18] =	ssyncset.done $0x0  }
0xf1: {  	s21 =	sadd.s32 $0x1, s21;
	s23 =	sadd.s32 @!p0 s3, s23;
	[sflag:s18] =	ssyncadd.s32 $0xFFFFB000  }
0xf2: {  	[tilespmem:s25], [sflag:$0x1] =	stream.linear.gather @!p0 [hbm4b:s23+s24], $0x5000, $0x38;
	[tilespmem:$0x17880] =	vst v63  }
0xf3: {  	s23 =	simm.s32 $0x0;
	s24 =	simm.s32 $0x0;
	s25 =	simm.s32 $0x0  }
.LBB2_7:
0xf4: {  	s26 =	sshll.u32 s24, $0x2;
	s28 =	sand.u32 $0x7, s23  }
0xf5: {  	s26 =	sand.u32 $0xFFFFF000, s26;
	s28 =	sshll.u32 s28, $0x6  }
0xf6: {  	s26 =	sor.u32 s28, s26  }
0xf7: {  	s26 =	sshrl.u32 s26, $0x2  }
0xf8: {  	s30 =	sadd.s32 $0x12280, s26  }
0xf9: {  	v4 =	vld [tilespmem:s30+$0xFFFFFE00]  }
0xfa: {  	v6 =	vld [tilespmem:s30+$0xFFFFFE80]  }
0xfb: {  	v1 =	vld [tilespmem:s30+$0x180]  }
0xfc: {  	v2 =	vld [tilespmem:s30+$0x100]  }
0xfd: {  	v3 =	vld [tilespmem:s30+$0x80]  }
0xfe: {  	v5 =	vld [tilespmem:s30+$0x0]  }
0xff: {  	v9 =	vld [tilespmem:s30+$0xFFFFFF80];
	_ =	sdelay $0x1  }
0x100: {  	v0 =	vshll.u32 v4, $0x2;
	v30 =	vand.u32 $0xFFFF0000, v1  }
0x101: {  	v7 =	vshll.u32 v1, $0x2;
	v8 =	vshll.u32 v2, $0x2;
	v1 =	vand.u32 $0xFFFF0000, v2  }
0x102: {  	v14 =	vshll.u32 v3, $0x2;
	v2 =	vand.u32 $0xFFFF0000, v3;
	v3 =	vshll.u32 v5, $0x2  }
0x103: {  	v21 =	vshll.u32 v9, $0x2;
	v16 =	vand.u32 $0xFFFC, v0;
	v0 =	vshll.u32 v6, $0x2  }
0x104: {  	v11 =	vld [tilespmem:s30+$0xFFFFFF00];
	v10 =	vand.u32 $0xFFFC, v8;
	v8 =	vand.u32 $0xFFFC, v14;
	v17 =	vand.u32 $0xFFFC, v0  }
0x105: {  	v14 =	vand.u32 $0xFFFC, v3;
	v3 =	vand.u32 $0xFFFC, v21;
	v15 =	vor.u32 $0x1, v16  }
0x106: {  	v21 =	vor.u32 $0x1, v3;
	_ =	sdelay $0x1  }
0x107: {  	v13 =	vimm.f32 $0.0e+00;
	v19 =	vor.u32 $0x1, v17;
	v18 =	vld.idx.msk [tilespmem:v16+s2+$0x0], $0xffff  }
0x108: {  	v12 =	vand.u32 $0xFFFC, v7;
	v7 =	vand.u32 $0xFFFF0000, v5;
	v5 =	vshll.u32 v11, $0x2;
	v20 =	vld.idx.msk [tilespmem:v17+s2+$0x0], $0xffff  }
0x109: {  	v9 =	vand.u32 $0xFFFF0000, v9;
	v11 =	vand.u32 $0xFFFF0000, v11;
	v22 =	vand.u32 $0xFFFC, v5;
	v23 =	vld.idx.msk [tilespmem:v15+s2+$0x0], $0xffff  }
0x10a: {  	v5 =	vand.u32 $0xFFFF0000, v4;
	v55 =	vor.u32 $0x1, v8;
	v56 =	vor.u32 $0x1, v12;
	v21 =	vld.idx.msk [tilespmem:v21+s2+$0x0], $0xffff  }
0x10b: {  	v59 =	vor.u32 $0x2, v16;
	v24 =	vor.u32 $0x1, v22;
	v60 =	vor.u32 $0x2, v17  }
0x10c: {  	v16 =	vor.u32 $0x3, v16;
	v15 =	vand.u32 $0xFFFF0000, v6;
	v19 =	vld.idx.msk [tilespmem:v19+s2+$0x0], $0xffff;
	v4 =	vshll.u32 v18, $0x10  }
0x10d: {  	v6 =	vor.u32 $0x1, v14;
	v18 =	vand.u32 $0xFFFF0000, v18;
	v4 =	vmul.f32 v4, v5  }
0x10e: {  	v25 =	vshll.u32 v20, $0x10;
	v20 =	vand.u32 $0xFFFF0000, v20;
	v18 =	vmul.f32 v18, v5  }
0x10f: {  	v27 =	vshll.u32 v23, $0x10;
	v23 =	vand.u32 $0xFFFF0000, v23;
	v57 =	vshll.u32 v21, $0x10  }
0x110: {  	v26 =	vld.idx.msk [tilespmem:v22+s2+$0x0], $0xffff;
	v21 =	vand.u32 $0xFFFF0000, v21;
	v25 =	vmul.f32 v25, v15;
	v20 =	vmul.f32 v20, v15  }
0x111: {  	v27 =	vmul.f32 v27, v5;
	v54 =	vshll.u32 v19, $0x10;
	v23 =	vmul.f32 v23, v5  }
0x112: {  	v6 =	vld.idx.msk [tilespmem:v6+s2+$0x0], $0xffff;
	v19 =	vand.u32 $0xFFFF0000, v19;
	v21 =	vmul.f32 v21, v9;
	v4 =	vadd.f32 v4, v13  }
0x113: {  	v28 =	vld.idx.msk [tilespmem:v3+s2+$0x0], $0xffff;
	v18 =	vadd.f32 v18, v13;
	v19 =	vmul.f32 v19, v15;
	v27 =	vadd.f32 v27, v13  }
0x114: {  	v24 =	vld.idx.msk [tilespmem:v24+s2+$0x0], $0xffff;
	v23 =	vadd.f32 v23, v13;
	v4 =	vadd.f32 v25, v4;
	v25 =	vmul.f32 v54, v15  }
0x115: {  	v18 =	vadd.f32 v20, v18;
	v20 =	vshll.u32 v26, $0x10;
	v26 =	vand.u32 $0xFFFF0000, v26  }
0x116: {  	v20 =	vmul.f32 v20, v11;
	v26 =	vmul.f32 v26, v11;
	v19 =	vadd.f32 v19, v23  }
0x117: {  	v58 =	vshll.u32 v6, $0x10;
	v6 =	vand.u32 $0xFFFF0000, v6;
	v25 =	vadd.f32 v25, v27  }
0x118: {  	v23 =	vld.idx.msk [tilespmem:v14+s2+$0x0], $0xffff;
	v27 =	vshll.u32 v28, $0x10;
	v6 =	vmul.f32 v6, v7;
	v4 =	vadd.f32 v20, v4  }
0x119: {  	v20 =	vshll.u32 v24, $0x10;
	v24 =	vand.u32 $0xFFFF0000, v24;
	v27 =	vmul.f32 v27, v9  }
0x11a: {  	v28 =	vand.u32 $0xFFFF0000, v28;
	v20 =	vmul.f32 v20, v11;
	v24 =	vmul.f32 v24, v11  }
0x11b: {  	v18 =	vadd.f32 v26, v18;
	v28 =	vmul.f32 v28, v9;
	v4 =	vadd.f32 v27, v4;
	v27 =	vld.idx.msk [tilespmem:v8+s2+$0x0], $0xffff  }
0x11c: {  	v20 =	vadd.f32 v20, v25;
	v19 =	vadd.f32 v24, v19;
	v24 =	vmul.f32 v57, v9  }
0x11d: {  	v26 =	vld.idx.msk [tilespmem:v55+s2+$0x0], $0xffff;
	v18 =	vadd.f32 v28, v18;
	v28 =	vshll.u32 v23, $0x10;
	v23 =	vand.u32 $0xFFFF0000, v23  }
0x11e: {  	v28 =	vmul.f32 v28, v7;
	v23 =	vmul.f32 v23, v7;
	v20 =	vadd.f32 v24, v20  }
0x11f: {  	v19 =	vadd.f32 v21, v19;
	v21 =	vor.u32 $0x1, v10;
	v24 =	vmul.f32 v58, v7  }
0x120: {  	v4 =	vadd.f32 v28, v4;
	v18 =	vadd.f32 v23, v18;
	v23 =	vld.idx.msk [tilespmem:v10+s2+$0x0], $0xffff;
	v28 =	vshll.u32 v27, $0x10  }
0x121: {  	v20 =	vadd.f32 v24, v20;
	v27 =	vand.u32 $0xFFFF0000, v27;
	v6 =	vadd.f32 v6, v19  }
0x122: {  	v19 =	vshll.u32 v26, $0x10;
	v24 =	vld.idx.msk [tilespmem:v59+s2+$0x0], $0xffff;
	v28 =	vmul.f32 v28, v2;
	v27 =	vmul.f32 v27, v2  }
0x123: {  	v17 =	vor.u32 $0x3, v17;
	v26 =	vand.u32 $0xFFFF0000, v26;
	v19 =	vmul.f32 v19, v2  }
0x124: {  	v26 =	vmul.f32 v26, v2;
	v21 =	vld.idx.msk [tilespmem:v21+s2+$0x0], $0xffff;
	v4 =	vadd.f32 v28, v4;
	v18 =	vadd.f32 v27, v18  }
0x125: {  	v28 =	vld.idx.msk [tilespmem:v12+s2+$0x0], $0xffff;
	v27 =	vor.u32 $0x2, v22;
	v19 =	vadd.f32 v19, v20;
	v20 =	vshll.u32 v23, $0x10  }
0x126: {  	v6 =	vadd.f32 v26, v6;
	v23 =	vand.u32 $0xFFFF0000, v23;
	v20 =	vmul.f32 v20, v1  }
0x127: {  	v23 =	vmul.f32 v23, v1;
	v29 =	vshll.u32 v24, $0x10;
	v24 =	vand.u32 $0xFFFF0000, v24  }
0x128: {  	v25 =	vld.idx.msk [tilespmem:v56+s2+$0x0], $0xffff;
	v22 =	vor.u32 $0x3, v22;
	v29 =	vmul.f32 v29, v5;
	v24 =	vmul.f32 v24, v5  }
0x129: {  	v16 =	vld.idx.msk [tilespmem:v16+s2+$0x0], $0xffff;
	v4 =	vadd.f32 v20, v4;
	v18 =	vadd.f32 v23, v18;
	v20 =	vshll.u32 v21, $0x10  }
0x12a: {  	v23 =	vshll.u32 v28, $0x10;
	v28 =	vand.u32 $0xFFFF0000, v28;
	v21 =	vand.u32 $0xFFFF0000, v21  }
0x12b: {  	v61 =	vld.idx.msk [tilespmem:v27+s2+$0x0], $0xffff;
	v27 =	vadd.f32 v29, v13;
	v20 =	vmul.f32 v20, v1;
	v23 =	vmul.f32 v23, v30  }
0x12c: {  	v24 =	vadd.f32 v24, v13;
	v21 =	vmul.f32 v21, v1;
	v28 =	vmul.f32 v28, v30  }
0x12d: {  	v19 =	vadd.f32 v20, v19;
	v20 =	vshll.u32 v25, $0x10;
	v25 =	vand.u32 $0xFFFF0000, v25  }
0x12e: {  	v26 =	vld.idx.msk [tilespmem:v60+s2+$0x0], $0xffff;
	v21 =	vadd.f32 v21, v6;
	v42 =	vadd.f32 v23, v4;
	v23 =	vshll.u32 v16, $0x10  }
0x12f: {  	v17 =	vld.idx.msk [tilespmem:v17+s2+$0x0], $0xffff;
	v16 =	vand.u32 $0xFFFF0000, v16;
	v20 =	vmul.f32 v20, v30;
	v25 =	vmul.f32 v25, v30  }
0x130: {  	v35 =	vadd.f32 v28, v18;
	v18 =	vmul.f32 v23, v5;
	v16 =	vmul.f32 v16, v5  }
0x131: {  	v23 =	vor.u32 $0x2, v12;
	v12 =	vor.u32 $0x3, v12;
	v62 =	vshll.u32 v61, $0x10  }
0x132: {  	v22 =	vld.idx.msk [tilespmem:v22+s2+$0x0], $0xffff;
	v38 =	vadd.f32 v20, v19;
	v19 =	vor.u32 $0x2, v3;
	v20 =	vor.u32 $0x3, v3  }
0x133: {  	v32 =	vadd.f32 v25, v21;
	v21 =	vshll.u32 v26, $0x10;
	v26 =	vand.u32 $0xFFFF0000, v26  }
0x134: {  	v18 =	vadd.f32 v18, v13;
	v13 =	vadd.f32 v16, v13;
	v16 =	vshll.u32 v17, $0x10  }
0x135: {  	v17 =	vand.u32 $0xFFFF0000, v17;
	v21 =	vmul.f32 v21, v15;
	v16 =	vmul.f32 v16, v15  }
0x136: {  	v25 =	vand.u32 $0xFFFF0000, v61;
	v26 =	vmul.f32 v26, v15;
	v15 =	vmul.f32 v17, v15  }
0x137: {  	v17 =	vor.u32 $0x2, v10;
	v16 =	vadd.f32 v16, v18;
	v18 =	vshll.u32 v22, $0x10  }
0x138: {  	v25 =	vmul.f32 v25, v11;
	v13 =	vadd.f32 v15, v13;
	v15 =	vmul.f32 v18, v11;
	v18 =	vld.idx.msk [tilespmem:v23+s2+$0x0], $0xffff  }
0x139: {  	v21 =	vadd.f32 v21, v27;
	v27 =	vor.u32 $0x2, v14;
	v14 =	vor.u32 $0x3, v14;
	v19 =	vld.idx.msk [tilespmem:v19+s2+$0x0], $0xffff  }
0x13a: {  	v24 =	vadd.f32 v26, v24;
	v22 =	vand.u32 $0xFFFF0000, v22;
	v26 =	vmul.f32 v62, v11;
	v20 =	vld.idx.msk [tilespmem:v20+s2+$0x0], $0xffff  }
0x13b: {  	v11 =	vmul.f32 v22, v11  }
0x13c: {  	v10 =	vor.u32 $0x3, v10;
	v12 =	vld.idx.msk [tilespmem:v12+s2+$0x0], $0xffff;
	v21 =	vadd.f32 v26, v21;
	v22 =	vadd.f32 v25, v24  }
0x13d: {  	v23 =	vor.u32 $0x2, v8;
	v17 =	vld.idx.msk [tilespmem:v17+s2+$0x0], $0xffff;
	v15 =	vadd.f32 v15, v16;
	v11 =	vadd.f32 v11, v13  }
0x13e: {  	v3 =	vld.idx.msk [tilespmem:v27+s2+$0x0], $0xffff;
	v63 =	vshll.u32 v18, $0x10;
	v27 =	vand.u32 $0xFFFF0000, v18;
	v16 =	vshll.u32 v19, $0x10  }
0x13f: {  	v4 =	vld.idx.msk [tilespmem:v14+s2+$0x0], $0xffff;
	v19 =	vand.u32 $0xFFFF0000, v19;
	v13 =	vshll.u32 v20, $0x10;
	v14 =	vand.u32 $0xFFFF0000, v20  }
0x140: {  	v20 =	vor.u32 $0x3, v8;
	v16 =	vmul.f32 v16, v9;
	v19 =	vmul.f32 v19, v9  }
0x141: {  	v8 =	vmul.f32 v13, v9;
	v9 =	vmul.f32 v14, v9;
	v14 =	vshll.u32 v12, $0x10  }
0x142: {  	v18 =	vld.idx.msk [tilespmem:v10+s2+$0x0], $0xffff;
	v13 =	vand.u32 $0xFFFF0000, v12;
	v16 =	vadd.f32 v16, v21;
	v12 =	vadd.f32 v19, v22  }
0x143: {  	v21 =	vld.idx.msk [tilespmem:v23+s2+$0x0], $0xffff;
	v23 =	vshll.u32 v17, $0x10;
	v8 =	vadd.f32 v8, v15;
	v10 =	vshll.u32 v3, $0x10  }
0x144: {  	v15 =	vand.u32 $0xFFFF0000, v3;
	v9 =	vadd.f32 v9, v11;
	v11 =	vshll.u32 v4, $0x10  }
0x145: {  	v19 =	vand.u32 $0xFFFF0000, v4;
	v22 =	vmul.f32 v10, v7;
	v15 =	vmul.f32 v15, v7;
	v20 =	vld.idx.msk [tilespmem:v20+s2+$0x0], $0xffff  }
0x146: {  	v17 =	vand.u32 $0xFFFF0000, v17;
	v10 =	vmul.f32 v11, v7;
	v7 =	vmul.f32 v19, v7  }
0x147: {  	v6 =	vshll.u32 v18, $0x10;
	v18 =	vand.u32 $0xFFFF0000, v18;
	v28 =	vmul.f32 v23, v1  }
0x148: {  	v29 =	vmul.f32 v17, v1;
	v11 =	vadd.f32 v22, v16;
	v22 =	vmul.f32 v63, v30  }
0x149: {  	v12 =	vadd.f32 v15, v12;
	v16 =	vshll.u32 v21, $0x10;
	v3 =	vand.u32 $0xFFFF0000, v21  }
0x14a: {  	s26 =	sshll.u32 s25, $0x4;
	v21 =	vmul.f32 v27, v30;
	v36 =	vmul.f32 v16, v2;
	v15 =	vshll.u32 v20, $0x10  }
0x14b: {  	s29 =	simm.s32 $0x0;
	s28 =	sand.u32 $0x70, s26;
	s30 =	sadd.s32 $0x800, s30;
	v37 =	vmul.f32 v3, v2;
	v20 =	vand.u32 $0xFFFF0000, v20;
	v15 =	vmul.f32 v15, v2  }
.LBB2_8:
0x14c: {  	_ = 	snop  }
0x14d: {  	v7 =	vadd.f32 v7, v9;
	v9 =	vadd.f32 v36, v11  }
0x14e: {  	v8 =	vadd.f32 v10, v8  }
0x14f: {  	v16 =	vld [tilespmem:s30+$0x180];
	v10 =	vadd.f32 v37, v12;
	v9 =	vadd.f32 v28, v9  }
0x150: {  	v2 =	vmul.f32 v20, v2;
	v17 =	vld [tilespmem:s30+$0xFFFFFF00];
	v8 =	vadd.f32 v15, v8  }
0x151: {  	v12 =	vld [tilespmem:s30+$0x100];
	v10 =	vadd.f32 v29, v10;
	v11 =	vmul.f32 v6, v1;
	v0 =	vadd.f32 v22, v9  }
0x152: {  	v2 =	vadd.f32 v2, v7;
	v7 =	vld [tilespmem:s30+$0x80];
	v1 =	vmul.f32 v18, v1  }
0x153: {  	v15 =	vld [tilespmem:s30+$0x0];
	v14 =	vmul.f32 v14, v30;
	v11 =	vadd.f32 v11, v8;
	[tilespmem:$0x1FE40] =	vst v0;
	v0 =	vadd.f32 v21, v10  }
0x154: {  	v1 =	vadd.f32 v1, v2;
	v2 =	vmul.f32 v13, v30;
	v13 =	vld [tilespmem:s30+$0xFFFFFF80]  }
0x155: {  	v3 =	vand.u32 $0xFFFF0000, v16;
	v16 =	vshll.u32 v16, $0x2;
	[tilespmem:$0x1FE60] =	vst v0;
	v0 =	vadd.f32 v14, v11;
	v14 =	vld [tilespmem:s30+$0xFFFFFE80]  }
0x156: {  	v23 =	vshll.u32 v17, $0x2;
	v18 =	vshll.u32 v12, $0x2;
	v19 =	vand.u32 $0xFFFC, v16  }
0x157: {  	v18 =	vand.u32 $0xFFFC, v18;
	v27 =	vor.u32 $0x1, v19;
	v28 =	vor.u32 $0x2, v19  }
0x158: {  	[tilespmem:$0x1FE70] =	vst v0;
	v0 =	vadd.f32 v2, v1;
	v1 =	vand.u32 $0xFFFF0000, v12;
	v12 =	vshll.u32 v7, $0x2  }
0x159: {  	v16 =	vshll.u32 v15, $0x2;
	v22 =	vshll.u32 v13, $0x2;
	v21 =	vand.u32 $0xFFFC, v12  }
0x15a: {  	v12 =	vand.u32 $0xFFFF0000, v13;
	v13 =	vand.u32 $0xFFFC, v16;
	v24 =	vshll.u32 v14, $0x2  }
0x15b: {  	v16 =	vand.u32 $0xFFFF0000, v14;
	v14 =	vand.u32 $0xFFFC, v23;
	v23 =	vld.idx.msk [tilespmem:v19+s2+$0x0], $0xffff;
	v19 =	vor.u32 $0x3, v19  }
0x15c: {  	v20 =	vld [tilespmem:s30+$0xFFFFFE00];
	_ =	sdelay $0x1  }
0x15d: {  	v30 =	vor.u32 $0x1, v18  }
0x15e: {  	v61 =	vld.idx.msk [tilespmem:v18+s2+$0x0], $0xffff  }
0x15f: {  	v19 =	vld.idx.msk [tilespmem:v19+s2+$0x0], $0xffff  }
0x160: {  	v25 =	vshll.u32 v20, $0x2;
	v31 =	vor.u32 $0x2, v18;
	v18 =	vor.u32 $0x3, v18  }
0x161: {  	v25 =	vand.u32 $0xFFFC, v25  }
0x162: {  	v47 =	vor.u32 $0x1, v25;
	v33 =	vor.u32 $0x1, v21;
	v52 =	vld.idx.msk [tilespmem:v30+s2+$0x0], $0xffff  }
0x163: {  	v2 =	vand.u32 $0xFFFF0000, v7;
	v7 =	vand.u32 $0xFFFF0000, v15;
	v37 =	vor.u32 $0x2, v13;
	v26 =	vld.idx.msk [tilespmem:v21+s2+$0x0], $0xffff  }
0x164: {  	v15 =	vand.u32 $0xFFFF0000, v17;
	v29 =	vld.idx.msk [tilespmem:v13+s2+$0x0], $0xffff;
	v50 =	vshll.u32 v61, $0x10;
	v5 =	vshll.u32 v19, $0x10  }
0x165: {  	v17 =	vand.u32 $0xFFFF0000, v20;
	v20 =	vand.u32 $0xFFFC, v24;
	v18 =	vld.idx.msk [tilespmem:v18+s2+$0x0], $0xffff;
	[tilespmem:$0x1FE50] =	vst v5;
	v5 =	vmul.f32 v50, v1  }
0x166: {  	[tilespmem:$0x1FDA0] =	vst v42;
	v36 =	vor.u32 $0x1, v13;
	v41 =	vor.u32 $0x3, v13;
	v13 =	vld.idx.msk [tilespmem:v25+s2+$0x0], $0xffff;
	v51 =	vand.u32 $0xFFFF0000, v61  }
0x167: {  	v48 =	vor.u32 $0x2, v25;
	v22 =	vand.u32 $0xFFFC, v22;
	v33 =	vld.idx.msk [tilespmem:v33+s2+$0x0], $0xffff;
	[tilespmem:$0x1FE00] =	vst v5;
	v5 =	vmul.f32 v51, v1  }
0x168: {  	[tilespmem:$0x1FE80] =	vst v0;
	v34 =	vor.u32 $0x2, v21;
	v39 =	vor.u32 $0x1, v22;
	v40 =	vor.u32 $0x2, v22;
	v37 =	vld.idx.msk [tilespmem:v37+s2+$0x0], $0xffff  }
0x169: {  	v0 =	vor.u32 $0x3, v25;
	v42 =	vor.u32 $0x1, v14;
	v63 =	vld.idx.msk [tilespmem:v14+s2+$0x0], $0xffff;
	[tilespmem:$0x1FE10] =	vst v5;
	v5 =	vand.u32 $0xFFFF0000, v19  }
0x16a: {  	v43 =	vor.u32 $0x2, v14;
	v46 =	vor.u32 $0x3, v14;
	v60 =	vld.idx.msk [tilespmem:v20+s2+$0x0], $0xffff;
	[tilespmem:$0x1FEB0] =	vst v5;
	v5 =	vshll.u32 v18, $0x10  }
0x16b: {  	v45 =	vor.u32 $0x2, v20;
	v14 =	vld.idx.msk [tilespmem:v27+s2+$0x0], $0xffff;
	v27 =	vshll.u32 v26, $0x10;
	[tilespmem:$0x1FEA0] =	vst v5;
	v5 =	vand.u32 $0xFFFF0000, v18  }
0x16c: {  	v62 =	vld.idx.msk [tilespmem:v22+s2+$0x0], $0xffff;
	v21 =	vor.u32 $0x3, v21;
	v25 =	vshll.u32 v23, $0x10;
	[tilespmem:$0x1FE90] =	vst v5;
	v5 =	vmul.f32 v27, v2  }
0x16d: {  	v22 =	vor.u32 $0x3, v22;
	v61 =	vld.idx.msk [tilespmem:v34+s2+$0x0], $0xffff;
	v4 =	vmul.f32 v25, v3;
	v26 =	vand.u32 $0xFFFF0000, v26  }
0x16e: {  	v41 =	vld.idx.msk [tilespmem:v41+s2+$0x0], $0xffff;
	v59 =	vshll.u32 v13, $0x10;
	v6 =	vand.u32 $0xFFFF0000, v33;
	[tilespmem:$0x1FDE0] =	vst v5;
	v5 =	vmul.f32 v26, v2  }
0x16f: {  	[tilespmem:$0x1FDC0] =	vst v38;
	v40 =	vld.idx.msk [tilespmem:v40+s2+$0x0], $0xffff;
	v57 =	vshll.u32 v60, $0x10;
	v38 =	vand.u32 $0xFFFF0000, v60;
	v60 =	vand.u32 $0xFFFF0000, v13  }
0x170: {  	v13 =	vand.u32 $0xFFFF0000, v37;
	[tilespmem:$0x1FDF0] =	vst v5;
	v5 =	vshll.u32 v33, $0x10;
	v33 =	vshll.u32 v37, $0x10;
	v37 =	vld.idx.msk [tilespmem:v45+s2+$0x0], $0xffff  }
0x171: {  	v44 =	vor.u32 $0x1, v20;
	v49 =	vor.u32 $0x3, v20;
	v23 =	vand.u32 $0xFFFF0000, v23;
	v20 =	vld.idx.msk [tilespmem:v28+s2+$0x0], $0xffff  }
0x172: {  	v53 =	vshll.u32 v29, $0x10;
	v29 =	vand.u32 $0xFFFF0000, v29;
	[tilespmem:$0x1FE20] =	vst v4;
	v21 =	vld.idx.msk [tilespmem:v21+s2+$0x0], $0xffff;
	v4 =	vmul.f32 v23, v3  }
0x173: {  	v54 =	vld.idx.msk [tilespmem:v31+s2+$0x0], $0xffff;
	v23 =	vshll.u32 v61, $0x10;
	v61 =	vand.u32 $0xFFFF0000, v61;
	v9 =	vmul.f32 v53, v7  }
0x174: {  	v22 =	vld.idx.msk [tilespmem:v22+s2+$0x0], $0xffff;
	v53 =	vshll.u32 v41, $0x10;
	v24 =	vshll.u32 v40, $0x10;
	v25 =	vand.u32 $0xFFFF0000, v40  }
0x175: {  	v18 =	vshll.u32 v37, $0x10;
	v19 =	vand.u32 $0xFFFF0000, v37;
	v37 =	vmul.f32 v61, v2;
	v61 =	vld [tilespmem:$0x1FDA0]  }
0x176: {  	v36 =	vld.idx.msk [tilespmem:v36+s2+$0x0], $0xffff;
	v59 =	vmul.f32 v59, v17;
	[tilespmem:$0x1FE30] =	vst v4;
	v28 =	vshll.u32 v20, $0x10;
	v4 =	vand.u32 $0xFFFF0000, v20  }
0x177: {  	v50 =	vshll.u32 v52, $0x10;
	v8 =	vshll.u32 v21, $0x10;
	v20 =	vand.u32 $0xFFFF0000, v21;
	v21 =	vld.idx.msk [tilespmem:v43+s2+$0x0], $0xffff  }
0x178: {  	v51 =	vand.u32 $0xFFFF0000, v52;
	v52 =	vshll.u32 v54, $0x10;
	v43 =	vmul.f32 v29, v7;
	v29 =	vld.idx.msk [tilespmem:v46+s2+$0x0], $0xffff  }
0x179: {  	[tilespmem:$0x1FDB0] =	vst v35;
	v39 =	vld.idx.msk [tilespmem:v39+s2+$0x0], $0xffff;
	v46 =	vand.u32 $0xFFFF0000, v41;
	v40 =	vshll.u32 v22, $0x10;
	v41 =	vand.u32 $0xFFFF0000, v22  }
0x17a: {  	v22 =	vmul.f32 v28, v3;
	v28 =	vmul.f32 v52, v1;
	v52 =	vadd.f32 v59, v61;
	v59 =	vld [tilespmem:$0x1FDB0]  }
0x17b: {  	[tilespmem:$0x1FDD0] =	vst v32;
	v56 =	vshll.u32 v62, $0x10;
	v32 =	vand.u32 $0xFFFF0000, v62  }
0x17c: {  	v47 =	vld.idx.msk [tilespmem:v47+s2+$0x0], $0xffff;
	v60 =	vmul.f32 v60, v17;
	v54 =	vand.u32 $0xFFFF0000, v54;
	v27 =	vand.u32 $0xFFFF0000, v36  }
0x17d: {  	v11 =	vshll.u32 v29, $0x10;
	v26 =	vshll.u32 v36, $0x10;
	v36 =	vld.idx.msk [tilespmem:v44+s2+$0x0], $0xffff;
	v44 =	vmul.f32 v56, v12  }
0x17e: {  	v56 =	vmul.f32 v32, v12;
	v32 =	vand.u32 $0xFFFF0000, v39;
	v45 =	vshll.u32 v39, $0x10  }
0x17f: {  	v39 =	vand.u32 $0xFFFF0000, v29;
	v29 =	vmul.f32 v54, v1;
	v54 =	vadd.f32 v60, v59;
	v60 =	vld [tilespmem:$0x1FDC0]  }
0x180: {  	v42 =	vld.idx.msk [tilespmem:v42+s2+$0x0], $0xffff;
	v31 =	vshll.u32 v21, $0x10;
	v34 =	vand.u32 $0xFFFF0000, v21  }
0x181: {  	v21 =	vmul.f32 v4, v3;
	v4 =	vmul.f32 v50, v1;
	v50 =	vshll.u32 v47, $0x10  }
0x182: {  	v50 =	vmul.f32 v50, v17  }
0x183: {  	v35 =	vshll.u32 v36, $0x10  }
0x184: {  	v35 =	vmul.f32 v35, v16;
	v50 =	vadd.f32 v50, v60  }
0x185: {  	v30 =	vshll.u32 v42, $0x10  }
0x186: {  	v30 =	vmul.f32 v30, v15;
	v35 =	vadd.f32 v35, v50  }
0x187: {  	v55 =	vshll.u32 v63, $0x10;
	v58 =	vand.u32 $0xFFFF0000, v63;
	v57 =	vmul.f32 v57, v16  }
0x188: {  	v62 =	vshll.u32 v14, $0x10;
	v55 =	vmul.f32 v55, v15;
	v30 =	vadd.f32 v30, v35  }
0x189: {  	v58 =	vmul.f32 v58, v15;
	v38 =	vmul.f32 v38, v16;
	v61 =	vld [tilespmem:$0x1FDD0];
	v52 =	vadd.f32 v57, v52  }
0x18a: {  	v63 =	vand.u32 $0xFFFF0000, v14;
	v62 =	vmul.f32 v62, v3;
	v45 =	vmul.f32 v45, v12  }
0x18b: {  	v47 =	vand.u32 $0xFFFF0000, v47;
	v57 =	vadd.f32 v55, v52;
	v38 =	vadd.f32 v38, v54  }
0x18c: {  	v63 =	vmul.f32 v63, v3;
	v47 =	vmul.f32 v47, v17;
	v59 =	vadd.f32 v45, v30;
	v30 =	vmovc v3;
	v3 =	vld [tilespmem:$0x1FDE0]  }
0x18d: {  	v14 =	vand.u32 $0xFFFF0000, v36;
	v38 =	vadd.f32 v58, v38;
	v58 =	vadd.f32 v44, v57  }
0x18e: {  	v14 =	vmul.f32 v14, v16;
	v47 =	vadd.f32 v47, v61  }
0x18f: {  	v42 =	vand.u32 $0xFFFF0000, v42;
	v9 =	vadd.f32 v9, v58  }
0x190: {  	v42 =	vmul.f32 v42, v15;
	v14 =	vadd.f32 v14, v47  }
0x191: {  	v9 =	vadd.f32 v3, v9;
	v3 =	vld [tilespmem:$0x1FDF0]  }
0x192: {  	v32 =	vmul.f32 v32, v12;
	v14 =	vadd.f32 v42, v14;
	v38 =	vadd.f32 v56, v38;
	_ =	sdelay $0x1  }
0x193: {  	v27 =	vmul.f32 v27, v7;
	v14 =	vadd.f32 v32, v14;
	v60 =	vadd.f32 v43, v38;
	_ =	sdelay $0x1  }
0x194: {  	v14 =	vadd.f32 v27, v14;
	v27 =	vadd.f32 v3, v60;
	v3 =	vld [tilespmem:$0x1FE00];
	_ =	sdelay $0x4  }
0x195: {  	v9 =	vadd.f32 v3, v9;
	v3 =	vld [tilespmem:$0x1FE10];
	_ =	sdelay $0x4  }
0x196: {  	v61 =	vadd.f32 v3, v27;
	v3 =	vld [tilespmem:$0x1FE20];
	_ =	sdelay $0x4  }
0x197: {  	v42 =	vadd.f32 v3, v9;
	v3 =	vld [tilespmem:$0x1FE30]  }
0x198: {  	v49 =	vld.idx.msk [tilespmem:v49+s2+$0x0], $0xffff  }
0x199: {  	v48 =	vld.idx.msk [tilespmem:v48+s2+$0x0], $0xffff;
	v26 =	vmul.f32 v26, v7;
	_ =	sdelay $0x1  }
0x19a: {  	v5 =	vmul.f32 v5, v2;
	v26 =	vadd.f32 v26, v59  }
0x19b: {  	v35 =	vadd.f32 v3, v61;
	v3 =	vld [tilespmem:$0x1FE40]  }
0x19c: {  	v6 =	vmul.f32 v6, v2;
	v10 =	vand.u32 $0xFFFF0000, v49;
	v5 =	vadd.f32 v5, v26  }
0x19d: {  	[tilespmem:$0x1FEC0] =	vst v8;
	v8 =	vshll.u32 v49, $0x10;
	v49 =	vmul.f32 v51, v1;
	v51 =	vshll.u32 v48, $0x10  }
0x19e: {  	v6 =	vadd.f32 v6, v14;
	v14 =	vmul.f32 v51, v17;
	v4 =	vadd.f32 v4, v5;
	_ =	sdelay $0x1  }
0x19f: {  	v38 =	vadd.f32 v62, v4;
	v4 =	vadd.f32 v14, v3;
	v3 =	vld [tilespmem:$0x1FE60];
	_ =	sdelay $0x1  }
0x1a0: {  	v0 =	vld.idx.msk [tilespmem:v0+s2+$0x0], $0xffff;
	v36 =	vmul.f32 v23, v2;
	v23 =	vand.u32 $0xFFFF0000, v48  }
0x1a1: {  	v23 =	vmul.f32 v23, v17;
	v5 =	vadd.f32 v49, v6;
	_ =	sdelay $0x1  }
0x1a2: {  	v32 =	vadd.f32 v63, v5;
	v5 =	vadd.f32 v23, v3;
	v3 =	vld [tilespmem:$0x1FE70];
	_ =	sdelay $0x1  }
0x1a3: {  	v48 =	vshll.u32 v0, $0x10  }
0x1a4: {  	v6 =	vmul.f32 v48, v17;
	_ =	sdelay $0x1  }
0x1a5: {  	v6 =	vadd.f32 v6, v3;
	v3 =	vld [tilespmem:$0x1FE80];
	_ =	sdelay $0x1  }
0x1a6: {  	v0 =	vand.u32 $0xFFFF0000, v0  }
0x1a7: {  	v0 =	vmul.f32 v0, v17;
	_ =	sdelay $0x1  }
0x1a8: {  	v0 =	vadd.f32 v0, v3;
	v3 =	vmul.f32 v10, v16  }
0x1a9: {  	v8 =	vmul.f32 v8, v16;
	v18 =	vmul.f32 v18, v16  }
0x1aa: {  	v31 =	vmul.f32 v31, v15;
	v0 =	vadd.f32 v3, v0;
	v3 =	vmul.f32 v39, v15  }
0x1ab: {  	v19 =	vmul.f32 v19, v16;
	v9 =	vmul.f32 v11, v15;
	v4 =	vadd.f32 v18, v4  }
0x1ac: {  	v6 =	vadd.f32 v8, v6;
	v0 =	vadd.f32 v3, v0;
	v3 =	vmul.f32 v41, v12  }
0x1ad: {  	s29 =	sadd.s32 $0x8, s29;
	v34 =	vmul.f32 v34, v15;
	v4 =	vadd.f32 v31, v4;
	v5 =	vadd.f32 v19, v5  }
0x1ae: {  	p0 =	slt.u32 s29, $0x48;
	v24 =	vmul.f32 v24, v12;
	v6 =	vadd.f32 v9, v6;
	v9 =	vadd.f32 v3, v0;
	v0 =	vld [tilespmem:$0x1FEC0]  }
.Ltmp2:
0x1af: {  	v25 =	vmul.f32 v25, v12;
	v5 =	vadd.f32 v34, v5;
	(pc) =	sbr.rel @p0 .LBB2_8-.Ltmp2, $4  }
0x1b0: {  	v33 =	vmul.f32 v33, v7;
	v14 =	vld [tilespmem:$0x1FE50];
	v4 =	vadd.f32 v24, v4;
	v8 =	vmul.f32 v40, v12  }
0x1b1: {  	v13 =	vmul.f32 v13, v7;
	v18 =	vld [tilespmem:$0x1FE90];
	v5 =	vadd.f32 v25, v5  }
0x1b2: {  	v11 =	vadd.f32 v33, v4;
	v10 =	vmul.f32 v53, v7;
	v8 =	vadd.f32 v8, v6;
	v6 =	vld [tilespmem:$0x1FEA0]  }
0x1b3: {  	s30 =	sadd.s32 $0x800, s30;
	v7 =	vmul.f32 v46, v7;
	v12 =	vadd.f32 v13, v5;
	v13 =	vld [tilespmem:$0x1FEB0];
	v15 =	vmul.f32 v0, v2  }
0x1b4: {  	_ = 	snop  }
0x1b5: {  	v0 =	vadd.f32 v10, v8;
	v3 =	vadd.f32 v36, v11  }
0x1b6: {  	v2 =	vmul.f32 v20, v2;
	s29 =	sand.u32 $0x80, s26;
	v4 =	vadd.f32 v7, v9;
	v5 =	vadd.f32 v37, v12  }
0x1b7: {  	[tilespmem:s26+$0x17080] =	vst v42;
	s31 =	sor.u32 s28, s29;
	v0 =	vadd.f32 v15, v0;
	v3 =	vadd.f32 v28, v3;
	v6 =	vmul.f32 v6, v1  }
0x1b8: {  	s25 =	sadd.s32 $0x1, s25;
	v60 =	vmul.f32 v18, v1;
	[tilespmem:s31+$0x17180] =	vst v35;
	v2 =	vadd.f32 v2, v4;
	v61 =	vadd.f32 v29, v5  }
0x1b9: {  	v62 =	vmul.f32 v14, v30;
	p0 =	sne.s32 s25, $0x10;
	[tilespmem:s31+$0x17280] =	vst v38;
	v3 =	vadd.f32 v22, v3;
	v0 =	vadd.f32 v6, v0  }
.Ltmp3:
0x1ba: {  	[tilespmem:s31+$0x17380] =	vst v32;
	v63 =	vmul.f32 v13, v30;
	v1 =	vadd.f32 v60, v2;
	v4 =	vadd.f32 v21, v61;
	(pc) =	sbr.rel @p0 .LBB2_7-.Ltmp3, $4  }
0x1bb: {  	[tilespmem:s31+$0x17480] =	vst v3;
	v0 =	vadd.f32 v62, v0  }
0x1bc: {  	v1 =	vadd.f32 v63, v1;
	[tilespmem:s31+$0x17580] =	vst v4  }
0x1bd: {  	[tilespmem:s31+$0x17680] =	vst v0  }
0x1be: {  	s24 =	sadd.s32 $0x80, s24;
	s23 =	sadd.s32 $0x1, s23;
	[tilespmem:s31+$0x17780] =	vst v1  }
0x1bf: {  	s20 =	sshll.u32 s20, $0x7  }
0x1c0: {  	s20 =	sand.u32 $0x380, s20  }
0x1c1: {  	s20 =	sor.u32 s20, s8  }
0x1c2: {  	s20 =	sor.u32 s22, s20  }
0x1c3: {  	p0 =	sne.s32 s21, $0x8;
	s20 =	sshrl.u32 s20, $0x3  }
.Ltmp4:
0x1c4: {  	s20 =	sadd.s32 s5, s20;
	(pc) =	sbr.rel @p0 .LBB2_2-.Ltmp4, $4  }
0x1c5: {  	[hbm4b:s20+s11] =	stream.strided.scatter [tilespmem:s17], [sflag:$0x3], $0x800, s12, s11, $0x38;
	[tilespmem:$0x17880] =	vst v63  }
0x1c6: {  	_ =	swait.ge [sflag:s13], $0x800  }
0x1c7: {  	[sflag:s13] =	ssyncset.done $0x0  }
0x1c8: {  	[sflag:s13] =	ssyncadd.s32 $0xFFFFF800  }
0x1c9: {  	s19 =	sadd.s32 $0x1, s19  }
0x1ca: {  	p0 =	sne.s32 s19, s10  }
.Ltmp5:
0x1cb: {  	_ = 	snop;
	(pc) =	sbr.rel @p0 .LBB2_1-.Ltmp5, $1  }
0x1cc: {  	_ =	sdelay $0x3  }
0x1cd: {  	_ =	sfence.sel $0x180000  }
0x1ce: {  	[bflag:$0x0] =	sbarrier.arrive $0xFFFF  }
0x1cf: {  	p0 =	sne.s32 s1, $0x0;
	_ =	strace $0x90000047  }
0x1d0: {  	s0 =	sadd.s32 @!p0 $0x100000, s0;
	[bflag:$0x2] =	sbarrier.arrive $0xFFFF  }
0x1d1: {  	[sflag:s0] =	ssyncadd.tile.s32 @!p0 $0x1;
	_ =	shalt  }
.Lfunc_end2:
_tile_overlayer_lowered:
.L_overlay_start_2:
0x1d2: {  	(tag) =	ssettag $0x2  }
0x1d3: {  	s0 =	rddreg [dreg:$0x0];
	s2 =	stileid.u32  }
0x1d4: {  	s1 =	rddreg [dreg:$0x1];
	p0 =	sne.s32 s2, $0x0  }
0x1d5: {  	s3 =	rddreg [dreg:$0x2];
	[bflag:$0x3] =	sbarrier.arrive $0xFFFF;
	s2 =	simm.s32 @!p0 $0x1C03  }
0x1d6: {  	[timem:s3], [sflag:s2] =	dma.local @!p0 [hbm:s0], s1  }
0x1d7: {  	s0 =	simm.s32 @!p0 $0x3  }
0x1d8: {  	_ =	swait.ge @!p0 [sflag:s0], s1  }
0x1d9: {  	s1 =	ssub.s32 @!p0 $0x0, s1;
	[sflag:s0] =	ssyncset.done @!p0 $0x0  }
0x1da: {  	[sflag:s0] =	ssyncadd.s32 @!p0 s1  }
0x1db: {  	[bflag:$0x3] =	sbarrier.arrive $0xFFFF  }
0x1dc: {  	_ =	shalt  }

// kernel: kernel.9.cloned.1.call-start
scs
__scs_entry_jumppad:
0x0: {  	(pc) =	sbr.rel $0x88, $3  }
0x1: {  	(tag) =	ssettag $0x0;
	lr =	simm.s32 $0x1  }
0x2: {  	[smem:$0x3F8E] =	sst lr;
	_ =	strace $0xD0000000  }
0x3: {  	_ = 	snop  }
0x4: {  	_ = 	snop  }
0x5: {  	_ = 	snop  }
0x6: {  	_ = 	snop  }
0x7: {  	_ = 	snop  }
__scs_overlays_trampoline_lowered:
0x8: {  	[smem:$0x3F9D] =	sst s0  }
0x9: {  	[smem:$0x3F9E] =	sst s1  }
0xa: {  	[smem:$0x3F9F] =	sst s2  }
0xb: {  	[smem:$0x3FA0] =	sst s3  }
0xc: {  	[smem:$0x3FA1] =	sst s4  }
0xd: {  	[smem:$0x3FA2] =	sst s5  }
0xe: {  	[smem:$0x3FA3] =	sst s6  }
0xf: {  	[smem:$0x3FA4] =	sst s7  }
0x10: {  	[smem:$0x3FA5] =	sst s8  }
0x11: {  	[smem:$0x3FA6] =	sst s9;
	s0 =	simm.s32 @!p0 $0x0  }
0x12: {  	s1 =	sld [smem:$0x3F8C];
	s0 =	simm.s32 @p0 $0x1  }
0x13: {  	[smem:$0x3FA7] =	sst s0;
	s0 =	simm.s32 @!p1 $0x0  }
0x14: {  	s2 =	sld [smem:$0x3F8B];
	s0 =	simm.s32 @p1 $0x1  }
0x15: {  	[smem:$0x3FA8] =	sst s0;
	s0 =	simm.s32 @!p2 $0x0  }
0x16: {  	s3 =	sld [smem:$0x3FDB];
	s0 =	simm.s32 @p2 $0x1  }
0x17: {  	s4 =	simm.s32 $0x1BF5;
	[smem:$0x3FAA] =	sst s0  }
0x18: {  	s0 =	sld [smem:$0x3F8D];
	_ =	swait.ge [sflag:s4], $0x0  }
0x19: {  	s7 =	sld [smem:$0x3F8E]  }
0x1a: {  	s8 =	sadd.s32 $0xFFFFE003, lr  }
0x1b: {  	s9 =	sadd.s32 $0xFFFFFEF7, lr;
	s5 =	simm.s32 $0xFFFFFFFF;
	p2 =	slt.u32 s8, $0xFFFFF086  }
0x1c: {  	p1 =	slt.u32 s9, $0xF7A;
	s5 =	simm.s32 @!p2 $0x0  }
0x1d: {  	s5 =	simm.s32 @p1 $0x1;
	p0 =	seq.s32 s7, s2  }
0x1e: {  	s7 =	smul.u32 @!p0 $0xF7A, s2;
	p2 =	seq.s32 @!p0 s5, $0x0  }
0x1f: {  	s9 =	smul.u32 $0xF7A, s1;
	s8 =	simm.s32 @!p0 $0x1BF5;
	p2 =	por !p2, p0  }
0x20: {  	[sflag:s8] =	ssyncset.s32 @!p0 $0xFFFFF086;
	s6 =	sadd.s32 @!p0 s3, s7;
	s7 =	simm.s32 @!p0 $0x108  }
0x21: {  	s3 =	sadd.s32 s3, s9;
	s6 =	sadd.s32 @!p0 $0x88, s6;
	s7 =	simm.s32 @p2 $0x1082  }
0x22: {  	[simem:s7], [sflag:s8] =	dma.local @!p0 [hbm:s6], $0xF7A  }
0x23: {  	s9 =	sor.u32 $0xD0000000, s2;
	s6 =	simm.s32 $0x108;
	_ =	swait.ge @!p0 [sflag:s8], $0x0  }
0x24: {  	s3 =	sadd.s32 $0x88, s3;
	s6 =	simm.s32 @!p1 $0x1082;
	[sflag:s4] =	ssyncset.s32 $0xFFFFF086  }
0x25: {  	[simem:s6], [sflag:s4] =	dma.local [hbm:s3], $0xF7A  }
0x26: {  	[smem:$0x3F8E] =	sst s1;
	(tag) =	ssettag s2;
	_ =	strace s9  }
0x27: {  	s1 =	sld [smem:$0x3F9E]  }
0x28: {  	s2 =	sld [smem:$0x3F9F]  }
0x29: {  	s4 =	sld [smem:$0x3FA1]  }
0x2a: {  	p0 =	seq.s32 s5, $0x0;
	s5 =	sld [smem:$0x3FA2]  }
0x2b: {  	s6 =	sld [smem:$0x3FA3]  }
0x2c: {  	s7 =	sld [smem:$0x3FA4]  }
0x2d: {  	s3 =	simm.s32 $0x108;
	s8 =	sld [smem:$0x3FA5]  }
0x2e: {  	s3 =	simm.s32 @!p0 $0x1082;
	s9 =	sld [smem:$0x3FA6]  }
0x2f: {  	lr =	sadd.s32 s0, s3;
	s0 =	sld [smem:$0x3F9D]  }
0x30: {  	s3 =	sld [smem:$0x3FA0]  }
0x31: {  	[smem:$0x3FA9] =	sst s10  }
0x32: {  	s10 =	sld [smem:$0x3FA7];
	_ =	sdelay $0x3  }
0x33: {  	p0 =	seq.s32 s10, $0x1;
	s10 =	sld [smem:$0x3FA9];
	_ =	sdelay $0x3  }
0x34: {  	[smem:$0x3FA9] =	sst s10  }
0x35: {  	s10 =	sld [smem:$0x3FA8];
	_ =	sdelay $0x3  }
0x36: {  	p1 =	seq.s32 s10, $0x1;
	s10 =	sld [smem:$0x3FA9];
	_ =	sdelay $0x3  }
0x37: {  	[smem:$0x3FA9] =	sst s10  }
0x38: {  	s10 =	sld [smem:$0x3FAA]  }
0x39: {  	_ = 	snop;
	(pc) =	sbr.ind lr, $3  }
0x3a: {  	_ = 	snop  }
0x3b: {  	_ = 	snop  }
0x3c: {  	p2 =	seq.s32 s10, $0x1;
	s10 =	sld [smem:$0x3FA9]  }
0x3d: {  	_ =	shalt  }
0x3e: {  	_ =	shalt  }
0x3f: {  	_ =	shalt  }
0x40: {  	_ =	shalt  }
0x41: {  	_ =	shalt  }
0x42: {  	_ =	shalt  }
0x43: {  	_ =	shalt  }
0x44: {  	_ =	shalt  }
0x45: {  	_ =	shalt  }
0x46: {  	_ =	shalt  }
0x47: {  	_ =	shalt  }
0x48: {  	_ =	shalt  }
0x49: {  	_ =	shalt  }
0x4a: {  	_ =	shalt  }
0x4b: {  	_ =	shalt  }
0x4c: {  	_ =	shalt  }
0x4d: {  	_ =	shalt  }
0x4e: {  	_ =	shalt  }
0x4f: {  	_ =	shalt  }
0x50: {  	_ =	shalt  }
0x51: {  	_ =	shalt  }
0x52: {  	_ =	shalt  }
0x53: {  	_ =	shalt  }
0x54: {  	_ =	shalt  }
0x55: {  	_ =	shalt  }
0x56: {  	_ =	shalt  }
0x57: {  	_ =	shalt  }
0x58: {  	_ =	shalt  }
0x59: {  	_ =	shalt  }
0x5a: {  	_ =	shalt  }
0x5b: {  	_ =	shalt  }
0x5c: {  	_ =	shalt  }
0x5d: {  	_ =	shalt  }
0x5e: {  	_ =	shalt  }
0x5f: {  	_ =	shalt  }
0x60: {  	_ =	shalt  }
0x61: {  	_ =	shalt  }
0x62: {  	_ =	shalt  }
0x63: {  	_ =	shalt  }
0x64: {  	_ =	shalt  }
0x65: {  	_ =	shalt  }
0x66: {  	_ =	shalt  }
0x67: {  	_ =	shalt  }
0x68: {  	_ =	shalt  }
0x69: {  	_ =	shalt  }
0x6a: {  	_ =	shalt  }
0x6b: {  	_ =	shalt  }
0x6c: {  	_ =	shalt  }
0x6d: {  	_ =	shalt  }
0x6e: {  	_ =	shalt  }
0x6f: {  	_ =	shalt  }
0x70: {  	_ =	shalt  }
0x71: {  	_ =	shalt  }
0x72: {  	_ =	shalt  }
0x73: {  	_ =	shalt  }
0x74: {  	_ =	shalt  }
0x75: {  	_ =	shalt  }
0x76: {  	_ =	shalt  }
0x77: {  	_ =	shalt  }
0x78: {  	_ =	shalt  }
0x79: {  	_ =	shalt  }
0x7a: {  	_ =	shalt  }
0x7b: {  	_ =	shalt  }
0x7c: {  	_ =	shalt  }
0x7d: {  	_ =	shalt  }
0x7e: {  	_ =	shalt  }
0x7f: {  	_ =	shalt  }
0x80: {  	_ =	shalt  }
0x81: {  	_ =	shalt  }
0x82: {  	_ =	shalt  }
0x83: {  	_ =	shalt  }
0x84: {  	_ =	shalt  }
0x85: {  	_ =	shalt  }
0x86: {  	_ =	shalt  }
0x87: {  	_ =	shalt  }
.Lfunc_end0:
.L_simem_size_0:
called_computation_lowered:
.L_overlay_start_0:
0x88: {  	s2 =	sld [smem:$0x3FD9]  }
0x89: {  	s3 =	sld [smem:$0x3FFE];
	_ =	sdelay $0x1  }
0x8a: {  	s1 =	srdreg.scid  }
0x8b: {  	s0 =	sand.u32 $0x1, s1  }
0x8c: {  	s17 =	sshll.u32 s0, $0xA;
	s2 =	sadd.s32 s3, s2  }
0x8d: {  	s2 =	sadd.s32 s2, s17  }
0x8e: {  	[smem:$0x3FB5] =	sst s2  }
0x8f: {  	_ = 	snop  }
0x90: {  	(tm) =	ssettm $0x1  }
0x91: {  	s18 =	sld [smem:$0x3FFB];
	_ =	sdelay $0x3  }
0x92: {  	_ =	strace s18  }
0x93: {  	s2 =	sld [smem:$0x3FFC];
	_ =	sdelay $0x3  }
0x94: {  	_ =	strace s2  }
0x95: {  	s2 =	sld [smem:$0x3FFD];
	_ =	sdelay $0x3  }
0x96: {  	_ =	strace s2  }
0x97: {  	_ =	strace $0x8FFFFFFF  }
0x98: {  	s19 =	sld [smem:$0x3FDB];
	_ =	sdelay $0x1  }
0x99: {  	s20 =	simm.s32 $_scs_section_size  }
0x9a: {  	s4 =	simm.s32 $_size__tile_overlayer_lowered;
	s5 =	simm.s32 $_tile_overlayer_lowered  }
0x9b: {  	s6 =	simm.s32 $0x1BFF;
	s21 =	sshll.u32 s5, $0x1;
	s3 =	sadd.s32 s20, s19  }
0x9c: {  	s22 =	simm.s32 $0x0;
	s4 =	sshll.u32 s4, $0x1;
	s5 =	sadd.s32 s21, s3  }
0x9d: {  	[timem:s22], [sflag:s6] =	dma.local [hbm:s5], s4  }
0x9e: {  	_ =	swait.ge [sflag:s6], s4  }
0x9f: {  	s4 =	ssub.s32 $0x0, s4;
	[sflag:s6] =	ssyncset.done $0x0  }
0xa0: {  	[sflag:s6] =	ssyncadd.s32 s4;
	_ =	sdelay $0x1  }
0xa1: {  	s23 =	simm.s32 $0x1B8B  }
0xa2: {  	_ =	swait.ge [sflag:s23], $0x1  }
0xa3: {  	[sflag:s23] =	ssyncset.done $0x0  }
0xa4: {  	[sflag:s23] =	ssyncadd.s32 $0xFFFFFFFF  }
0xa5: {  	s4 =	sld [smem:$0x0]  }
0xa6: {  	s5 =	sand.u32 $0xFFFFFFFE, s1  }
0xa7: {  	p0 =	sne.s32 s1, s5  }
0xa8: {  	s5 =	sshll.u32 @p0 s5, $0xE  }
0xa9: {  	s5 =	sadd.s32 @p0 $0x11B8D, s5;
	s6 =	sshll.u32 @p0 s4, $0x11  }
0xaa: {  	s5 =	sor.u32 @p0 s6, s5  }
0xab: {  	[sflag:s5] =	ssyncadd.remote.s32 @p0 $0x1;
	_ =	sdelay $0x1  }
0xac: {  	s5 =	simm.s32 @p0 $0x1B8D  }
0xad: {  	_ =	swait.eq @p0 [sflag:s5], $0x1  }
0xae: {  	[sflag:s5] =	ssyncadd.s32 @p0 $0xFFFFFFFF  }
0xaf: {  	s6 =	sshll.u32 @!p0 s1, $0xE  }
0xb0: {  	s6 =	sor.u32 @!p0 $0x4000, s6;
	s5 =	simm.s32 @!p0 $0x1B8D  }
0xb1: {  	s4 =	sshll.u32 @!p0 s4, $0x11;
	s6 =	sadd.s32 @!p0 $0x11B8D, s6;
	_ =	swait.eq @!p0 [sflag:s5], $0x1  }
0xb2: {  	s4 =	sor.u32 @!p0 s4, s6;
	[sflag:s5] =	ssyncadd.s32 @!p0 $0xFFFFFFFF  }
0xb3: {  	s25 =	simm.s32 $0x1B8E;
	s24 =	sld [smem:$0x3FFE];
	[sflag:s4] =	ssyncadd.remote.s32 @!p0 $0x1  }
0xb4: {  	s26 =	simm.s32 $execute0_lowered;
	[smem:$0x3FD2] =	sst s25  }
0xb5: {  	s5 =	sshll.u32 s26, $0x1;
	_ =	strace $0x80000049;
	[dreg:$0x1] =	wrdreg $0xFFFFFFFF  }
0xb6: {  	s28 =	simm.s32 $_size_execute0_lowered;
	s3 =	sadd.s32 s3, s5;
	[dreg:$0x0] =	wrdreg $0x0  }
0xb7: {  	s5 =	sshll.u32 s28, $0x1;
	[dreg:$0x2] =	wrdreg s3  }
0xb8: {  	[dreg:$0x3] =	wrdreg s5  }
0xb9: {  	[dreg:$0x4] =	wrdreg $0xC0  }
0xba: {  	_ =	task [dreg:s22], $0x5FFFF  }
0xbb: {  	[dreg:$0x1] =	wrdreg $0xFFFFFFFF  }
0xbc: {  	[dreg:$0x0] =	wrdreg $0x60  }
0xbd: {  	[dreg:$0x2] =	wrdreg s24  }
0xbe: {  	[dreg:$0x3] =	wrdreg $0x9  }
0xbf: {  	_ =	task.clear_ibuf [dreg:s22], $0x4FFFF;
	_ =	strace $0x90000049  }
0xc0: {  	s29 =	simm.s32 $0x9;
	_ =	strace $0x8000004B  }
0xc1: {  	_ =	swait.ge [sflag:s29], $0x1  }
0xc2: {  	[sflag:s29] =	ssyncadd.s32 $0xFFFFFFFF  }
0xc3: {  	_ =	strace $0x9000004B  }
0xc4: {  	_ =	sfence  }
0xc5: {  	s30 =	sld [smem:$0x0];
	_ =	sdelay $0x2  }
0xc6: {  	s31 =	sshll.u32 s1, $0xD;
	s1 =	sshrl.u32 s1, $0x2  }
0xc7: {  	s4 =	sand.u32 $0x4000, s31;
	s1 =	sadd.s32 s1, s30  }
0xc8: {  	s0 =	sor.u32 s4, s0;
	s1 =	sshll.u32 s1, $0x11  }
0xc9: {  	s0 =	sor.u32 s1, s0  }
0xca: {  	s0 =	sadd.s32 $0x8F2B, s0  }
0xcb: {  	[sflag:s0] =	ssyncadd.remote.s32 $0x1  }
0xcc: {  	_ =	sfence.sel $0xFFFF  }
0xcd: {  	[dreg:$0x0] =	wrdreg $0xFFFFFFFF;
	(pc) =	sbr.abs _section_cstart, $3  }
0xce: {  	[dreg:$0x1] =	wrdreg $0xFFFFFFFF  }
0xcf: {  	_ =	task.clear_ibuf [dreg:s22], $0x2FFFF;
	_ =	strace $0x9FFFFFFF  }
0xd0: {  	(tm) =	ssettm $0x7FFFFFFF  }
0xd1: {  	_ =	shalt  }
tec
execute0_lowered:
.L_overlay_start_1:
0x0: {  	(tag) =	ssettag $0x1  }
0x1: {  	s5 =	rddreg [dreg:$0x0];
	s1 =	stileid.u32  }
0x2: {  	s0 =	rddreg [dreg:$0x1];
	s2 =	simm.s32 $0x0;
	s4 =	srdreg.scid  }
0x3: {  	s11 =	simm.s32 $0x80;
	s12 =	simm.s32 $0x400;
	s13 =	simm.s32 $0x3  }
0x4: {  	s14 =	simm.s32 $0xD080;
	s15 =	simm.s32 $0x1;
	s16 =	simm.s32 $0x12080  }
0x5: {  	s17 =	simm.s32 $0x17080;
	s18 =	simm.s32 $0x2;
	s19 =	simm.s32 $0x0  }
0x6: {  	s3 =	sshll.u32 s1, $0x1D;
	[smem:$0x7FF] =	sst s2;
	s6 =	sand.u32 $0x1, s4  }
0x7: {  	s30 =	sshll.u32 s1, $0x1;
	s3 =	sshra.s32 s3, $0x1F;
	_ =	strace $0x8000004A  }
0x8: {  	s8 =	sor.u32 s6, s30;
	s6 =	ssub.s32 $0x2, s6;
	s3 =	sand.u32 $0xD080, s3  }
0x9: {  	s9 =	sshll.u32 s8, $0x4;
	s4 =	smul.u32 $0x50000, s8;
	s10 =	sshrl.u32 s6, $0x1  }
0xa: {  	s8 =	sshll.u32 s8, $0xF;
	s7 =	sadd.s32 s3, s5;
	s3 =	sadd.s32 $0x17D800, s5  }
0xb: {  	s5 =	sadd.s32 $0x2BD800, s5;
	s9 =	sand.u32 $0x70, s9;
	s10 =	ssub.s32 s6, s10  }
0xc: {  	s7 =	sadd.s32 s9, s7;
	s31 =	sshrl.u32 s4, $0x3;
	s9 =	sor.u32 $0xA000, s4  }
0xd: {  	s10 =	smax.u32 s10, $0x1;
	s6 =	sadd.s32 $0x3600, s7;
	s7 =	sadd.s32 s3, s31  }
.LBB2_1:
0xe: {  	[tilespmem:s2], [sflag:$0x3] =	stream.strided.gather [hbm4b:s6+s11], $0xD080, s12, s11, $0x38;
	[tilespmem:$0x17880] =	vst v63  }
0xf: {  	_ =	swait.ge [sflag:s13], $0xD080  }
0x10: {  	[sflag:s13] =	ssyncset.done $0x0  }
0x11: {  	s21 =	simm.s32 $0x0;
	[sflag:s13] =	ssyncadd.s32 $0xFFFF2F80  }
0x12: {  	[tilespmem:s14], [sflag:$0x1] =	stream.linear.gather [hbm4b:s7+s2], $0x5000, $0x38;
	[tilespmem:$0x17880] =	vst v63  }
.LBB2_2:
0x13: {  	s20 =	sshllo.u32 s21, $0x1  }
0x14: {  	s22 =	smul.u32 $0x5000, s20;
	_ =	sdelay $0x1  }
0x15: {  	_ =	swait.ge [sflag:s15], $0x5000;
	s22 =	sadd.s32 s4, s22  }
0x16: {  	[sflag:s15] =	ssyncset.done $0x0;
	s22 =	sshrl.u32 s22, $0x3  }
0x17: {  	[sflag:s15] =	ssyncadd.s32 $0xFFFFB000;
	s23 =	sadd.s32 s3, s22;
	s22 =	simm.s32 $0x0  }
0x18: {  	[tilespmem:s16], [sflag:$0x2] =	stream.linear.gather [hbm4b:s23+s22], $0x5000, $0x38;
	[tilespmem:$0x17880] =	vst v63  }
0x19: {  	s24 =	simm.s32 $0x0;
	s23 =	simm.s32 $0x0  }
.LBB2_3:
0x1a: {  	s25 =	sshll.u32 s23, $0x2;
	s26 =	sand.u32 $0x7, s22  }
0x1b: {  	s25 =	sand.u32 $0xFFFFF000, s25;
	s26 =	sshll.u32 s26, $0x6  }
0x1c: {  	s25 =	sor.u32 s26, s25  }
0x1d: {  	s25 =	sshrl.u32 s25, $0x2  }
0x1e: {  	s29 =	sadd.s32 $0xD280, s25  }
0x1f: {  	v4 =	vld [tilespmem:s29+$0xFFFFFE00]  }
0x20: {  	v6 =	vld [tilespmem:s29+$0xFFFFFE80]  }
0x21: {  	v1 =	vld [tilespmem:s29+$0x180]  }
0x22: {  	v2 =	vld [tilespmem:s29+$0x100]  }
0x23: {  	v3 =	vld [tilespmem:s29+$0x80]  }
0x24: {  	v5 =	vld [tilespmem:s29+$0x0]  }
0x25: {  	v9 =	vld [tilespmem:s29+$0xFFFFFF80];
	_ =	sdelay $0x1  }
0x26: {  	v0 =	vshll.u32 v4, $0x2;
	v30 =	vand.u32 $0xFFFF0000, v1  }
0x27: {  	v7 =	vshll.u32 v1, $0x2;
	v8 =	vshll.u32 v2, $0x2;
	v1 =	vand.u32 $0xFFFF0000, v2  }
0x28: {  	v14 =	vshll.u32 v3, $0x2;
	v2 =	vand.u32 $0xFFFF0000, v3;
	v3 =	vshll.u32 v5, $0x2  }
0x29: {  	v21 =	vshll.u32 v9, $0x2;
	v16 =	vand.u32 $0xFFFC, v0;
	v0 =	vshll.u32 v6, $0x2  }
0x2a: {  	v11 =	vld [tilespmem:s29+$0xFFFFFF00];
	v10 =	vand.u32 $0xFFFC, v8;
	v8 =	vand.u32 $0xFFFC, v14;
	v17 =	vand.u32 $0xFFFC, v0  }
0x2b: {  	v14 =	vand.u32 $0xFFFC, v3;
	v3 =	vand.u32 $0xFFFC, v21;
	v15 =	vor.u32 $0x1, v16  }
0x2c: {  	v21 =	vor.u32 $0x1, v3;
	_ =	sdelay $0x1  }
0x2d: {  	v13 =	vimm.f32 $0.0e+00;
	v19 =	vor.u32 $0x1, v17;
	v18 =	vld.idx.msk [tilespmem:v16+s2+$0x0], $0xffff  }
0x2e: {  	v12 =	vand.u32 $0xFFFC, v7;
	v7 =	vand.u32 $0xFFFF0000, v5;
	v5 =	vshll.u32 v11, $0x2;
	v20 =	vld.idx.msk [tilespmem:v17+s2+$0x0], $0xffff  }
0x2f: {  	v9 =	vand.u32 $0xFFFF0000, v9;
	v11 =	vand.u32 $0xFFFF0000, v11;
	v22 =	vand.u32 $0xFFFC, v5;
	v23 =	vld.idx.msk [tilespmem:v15+s2+$0x0], $0xffff  }
0x30: {  	v5 =	vand.u32 $0xFFFF0000, v4;
	v55 =	vor.u32 $0x1, v8;
	v56 =	vor.u32 $0x1, v12;
	v21 =	vld.idx.msk [tilespmem:v21+s2+$0x0], $0xffff  }
0x31: {  	v59 =	vor.u32 $0x2, v16;
	v24 =	vor.u32 $0x1, v22;
	v60 =	vor.u32 $0x2, v17  }
0x32: {  	v16 =	vor.u32 $0x3, v16;
	v15 =	vand.u32 $0xFFFF0000, v6;
	v19 =	vld.idx.msk [tilespmem:v19+s2+$0x0], $0xffff;
	v4 =	vshll.u32 v18, $0x10  }
0x33: {  	v6 =	vor.u32 $0x1, v14;
	v18 =	vand.u32 $0xFFFF0000, v18;
	v4 =	vmul.f32 v4, v5  }
0x34: {  	v25 =	vshll.u32 v20, $0x10;
	v20 =	vand.u32 $0xFFFF0000, v20;
	v18 =	vmul.f32 v18, v5  }
0x35: {  	v27 =	vshll.u32 v23, $0x10;
	v23 =	vand.u32 $0xFFFF0000, v23;
	v57 =	vshll.u32 v21, $0x10  }
0x36: {  	v26 =	vld.idx.msk [tilespmem:v22+s2+$0x0], $0xffff;
	v21 =	vand.u32 $0xFFFF0000, v21;
	v25 =	vmul.f32 v25, v15;
	v20 =	vmul.f32 v20, v15  }
0x37: {  	v27 =	vmul.f32 v27, v5;
	v54 =	vshll.u32 v19, $0x10;
	v23 =	vmul.f32 v23, v5  }
0x38: {  	v6 =	vld.idx.msk [tilespmem:v6+s2+$0x0], $0xffff;
	v19 =	vand.u32 $0xFFFF0000, v19;
	v21 =	vmul.f32 v21, v9;
	v4 =	vadd.f32 v4, v13  }
0x39: {  	v28 =	vld.idx.msk [tilespmem:v3+s2+$0x0], $0xffff;
	v18 =	vadd.f32 v18, v13;
	v19 =	vmul.f32 v19, v15;
	v27 =	vadd.f32 v27, v13  }
0x3a: {  	v24 =	vld.idx.msk [tilespmem:v24+s2+$0x0], $0xffff;
	v23 =	vadd.f32 v23, v13;
	v4 =	vadd.f32 v25, v4;
	v25 =	vmul.f32 v54, v15  }
0x3b: {  	v18 =	vadd.f32 v20, v18;
	v20 =	vshll.u32 v26, $0x10;
	v26 =	vand.u32 $0xFFFF0000, v26  }
0x3c: {  	v20 =	vmul.f32 v20, v11;
	v26 =	vmul.f32 v26, v11;
	v19 =	vadd.f32 v19, v23  }
0x3d: {  	v58 =	vshll.u32 v6, $0x10;
	v6 =	vand.u32 $0xFFFF0000, v6;
	v25 =	vadd.f32 v25, v27  }
0x3e: {  	v23 =	vld.idx.msk [tilespmem:v14+s2+$0x0], $0xffff;
	v27 =	vshll.u32 v28, $0x10;
	v6 =	vmul.f32 v6, v7;
	v4 =	vadd.f32 v20, v4  }
0x3f: {  	v20 =	vshll.u32 v24, $0x10;
	v24 =	vand.u32 $0xFFFF0000, v24;
	v27 =	vmul.f32 v27, v9  }
0x40: {  	v28 =	vand.u32 $0xFFFF0000, v28;
	v20 =	vmul.f32 v20, v11;
	v24 =	vmul.f32 v24, v11  }
0x41: {  	v18 =	vadd.f32 v26, v18;
	v28 =	vmul.f32 v28, v9;
	v4 =	vadd.f32 v27, v4;
	v27 =	vld.idx.msk [tilespmem:v8+s2+$0x0], $0xffff  }
0x42: {  	v20 =	vadd.f32 v20, v25;
	v19 =	vadd.f32 v24, v19;
	v24 =	vmul.f32 v57, v9  }
0x43: {  	v26 =	vld.idx.msk [tilespmem:v55+s2+$0x0], $0xffff;
	v18 =	vadd.f32 v28, v18;
	v28 =	vshll.u32 v23, $0x10;
	v23 =	vand.u32 $0xFFFF0000, v23  }
0x44: {  	v28 =	vmul.f32 v28, v7;
	v23 =	vmul.f32 v23, v7;
	v20 =	vadd.f32 v24, v20  }
0x45: {  	v19 =	vadd.f32 v21, v19;
	v21 =	vor.u32 $0x1, v10;
	v24 =	vmul.f32 v58, v7  }
0x46: {  	v4 =	vadd.f32 v28, v4;
	v18 =	vadd.f32 v23, v18;
	v23 =	vld.idx.msk [tilespmem:v10+s2+$0x0], $0xffff;
	v28 =	vshll.u32 v27, $0x10  }
0x47: {  	v20 =	vadd.f32 v24, v20;
	v27 =	vand.u32 $0xFFFF0000, v27;
	v6 =	vadd.f32 v6, v19  }
0x48: {  	v19 =	vshll.u32 v26, $0x10;
	v24 =	vld.idx.msk [tilespmem:v59+s2+$0x0], $0xffff;
	v28 =	vmul.f32 v28, v2;
	v27 =	vmul.f32 v27, v2  }
0x49: {  	v17 =	vor.u32 $0x3, v17;
	v26 =	vand.u32 $0xFFFF0000, v26;
	v19 =	vmul.f32 v19, v2  }
0x4a: {  	v26 =	vmul.f32 v26, v2;
	v21 =	vld.idx.msk [tilespmem:v21+s2+$0x0], $0xffff;
	v4 =	vadd.f32 v28, v4;
	v18 =	vadd.f32 v27, v18  }
0x4b: {  	v28 =	vld.idx.msk [tilespmem:v12+s2+$0x0], $0xffff;
	v27 =	vor.u32 $0x2, v22;
	v19 =	vadd.f32 v19, v20;
	v20 =	vshll.u32 v23, $0x10  }
0x4c: {  	v6 =	vadd.f32 v26, v6;
	v23 =	vand.u32 $0xFFFF0000, v23;
	v20 =	vmul.f32 v20, v1  }
0x4d: {  	v23 =	vmul.f32 v23, v1;
	v29 =	vshll.u32 v24, $0x10;
	v24 =	vand.u32 $0xFFFF0000, v24  }
0x4e: {  	v25 =	vld.idx.msk [tilespmem:v56+s2+$0x0], $0xffff;
	v22 =	vor.u32 $0x3, v22;
	v29 =	vmul.f32 v29, v5;
	v24 =	vmul.f32 v24, v5  }
0x4f: {  	v16 =	vld.idx.msk [tilespmem:v16+s2+$0x0], $0xffff;
	v4 =	vadd.f32 v20, v4;
	v18 =	vadd.f32 v23, v18;
	v20 =	vshll.u32 v21, $0x10  }
0x50: {  	v23 =	vshll.u32 v28, $0x10;
	v28 =	vand.u32 $0xFFFF0000, v28;
	v21 =	vand.u32 $0xFFFF0000, v21  }
0x51: {  	v61 =	vld.idx.msk [tilespmem:v27+s2+$0x0], $0xffff;
	v27 =	vadd.f32 v29, v13;
	v20 =	vmul.f32 v20, v1;
	v23 =	vmul.f32 v23, v30  }
0x52: {  	v24 =	vadd.f32 v24, v13;
	v21 =	vmul.f32 v21, v1;
	v28 =	vmul.f32 v28, v30  }
0x53: {  	v19 =	vadd.f32 v20, v19;
	v20 =	vshll.u32 v25, $0x10;
	v25 =	vand.u32 $0xFFFF0000, v25  }
0x54: {  	v26 =	vld.idx.msk [tilespmem:v60+s2+$0x0], $0xffff;
	v21 =	vadd.f32 v21, v6;
	v42 =	vadd.f32 v23, v4;
	v23 =	vshll.u32 v16, $0x10  }
0x55: {  	v17 =	vld.idx.msk [tilespmem:v17+s2+$0x0], $0xffff;
	v16 =	vand.u32 $0xFFFF0000, v16;
	v20 =	vmul.f32 v20, v30;
	v25 =	vmul.f32 v25, v30  }
0x56: {  	v35 =	vadd.f32 v28, v18;
	v18 =	vmul.f32 v23, v5;
	v16 =	vmul.f32 v16, v5  }
0x57: {  	v23 =	vor.u32 $0x2, v12;
	v12 =	vor.u32 $0x3, v12;
	v62 =	vshll.u32 v61, $0x10  }
0x58: {  	v22 =	vld.idx.msk [tilespmem:v22+s2+$0x0], $0xffff;
	v38 =	vadd.f32 v20, v19;
	v19 =	vor.u32 $0x2, v3;
	v20 =	vor.u32 $0x3, v3  }
0x59: {  	v32 =	vadd.f32 v25, v21;
	v21 =	vshll.u32 v26, $0x10;
	v26 =	vand.u32 $0xFFFF0000, v26  }
0x5a: {  	v18 =	vadd.f32 v18, v13;
	v13 =	vadd.f32 v16, v13;
	v16 =	vshll.u32 v17, $0x10  }
0x5b: {  	v17 =	vand.u32 $0xFFFF0000, v17;
	v21 =	vmul.f32 v21, v15;
	v16 =	vmul.f32 v16, v15  }
0x5c: {  	v25 =	vand.u32 $0xFFFF0000, v61;
	v26 =	vmul.f32 v26, v15;
	v15 =	vmul.f32 v17, v15  }
0x5d: {  	v17 =	vor.u32 $0x2, v10;
	v16 =	vadd.f32 v16, v18;
	v18 =	vshll.u32 v22, $0x10  }
0x5e: {  	v25 =	vmul.f32 v25, v11;
	v13 =	vadd.f32 v15, v13;
	v15 =	vmul.f32 v18, v11;
	v18 =	vld.idx.msk [tilespmem:v23+s2+$0x0], $0xffff  }
0x5f: {  	v21 =	vadd.f32 v21, v27;
	v27 =	vor.u32 $0x2, v14;
	v14 =	vor.u32 $0x3, v14;
	v19 =	vld.idx.msk [tilespmem:v19+s2+$0x0], $0xffff  }
0x60: {  	v24 =	vadd.f32 v26, v24;
	v22 =	vand.u32 $0xFFFF0000, v22;
	v26 =	vmul.f32 v62, v11;
	v20 =	vld.idx.msk [tilespmem:v20+s2+$0x0], $0xffff  }
0x61: {  	v11 =	vmul.f32 v22, v11  }
0x62: {  	v10 =	vor.u32 $0x3, v10;
	v12 =	vld.idx.msk [tilespmem:v12+s2+$0x0], $0xffff;
	v21 =	vadd.f32 v26, v21;
	v22 =	vadd.f32 v25, v24  }
0x63: {  	v23 =	vor.u32 $0x2, v8;
	v17 =	vld.idx.msk [tilespmem:v17+s2+$0x0], $0xffff;
	v15 =	vadd.f32 v15, v16;
	v11 =	vadd.f32 v11, v13  }
0x64: {  	v3 =	vld.idx.msk [tilespmem:v27+s2+$0x0], $0xffff;
	v63 =	vshll.u32 v18, $0x10;
	v27 =	vand.u32 $0xFFFF0000, v18;
	v16 =	vshll.u32 v19, $0x10  }
0x65: {  	v4 =	vld.idx.msk [tilespmem:v14+s2+$0x0], $0xffff;
	v19 =	vand.u32 $0xFFFF0000, v19;
	v13 =	vshll.u32 v20, $0x10;
	v14 =	vand.u32 $0xFFFF0000, v20  }
0x66: {  	v20 =	vor.u32 $0x3, v8;
	v16 =	vmul.f32 v16, v9;
	v19 =	vmul.f32 v19, v9  }
0x67: {  	v8 =	vmul.f32 v13, v9;
	v9 =	vmul.f32 v14, v9;
	v14 =	vshll.u32 v12, $0x10  }
0x68: {  	v18 =	vld.idx.msk [tilespmem:v10+s2+$0x0], $0xffff;
	v13 =	vand.u32 $0xFFFF0000, v12;
	v16 =	vadd.f32 v16, v21;
	v12 =	vadd.f32 v19, v22  }
0x69: {  	v21 =	vld.idx.msk [tilespmem:v23+s2+$0x0], $0xffff;
	v23 =	vshll.u32 v17, $0x10;
	v8 =	vadd.f32 v8, v15;
	v10 =	vshll.u32 v3, $0x10  }
0x6a: {  	v15 =	vand.u32 $0xFFFF0000, v3;
	v9 =	vadd.f32 v9, v11;
	v11 =	vshll.u32 v4, $0x10  }
0x6b: {  	v19 =	vand.u32 $0xFFFF0000, v4;
	v22 =	vmul.f32 v10, v7;
	v15 =	vmul.f32 v15, v7;
	v20 =	vld.idx.msk [tilespmem:v20+s2+$0x0], $0xffff  }
0x6c: {  	v17 =	vand.u32 $0xFFFF0000, v17;
	v10 =	vmul.f32 v11, v7;
	v7 =	vmul.f32 v19, v7  }
0x6d: {  	v6 =	vshll.u32 v18, $0x10;
	v18 =	vand.u32 $0xFFFF0000, v18;
	v28 =	vmul.f32 v23, v1  }
0x6e: {  	v29 =	vmul.f32 v17, v1;
	v11 =	vadd.f32 v22, v16;
	v22 =	vmul.f32 v63, v30  }
0x6f: {  	v12 =	vadd.f32 v15, v12;
	v16 =	vshll.u32 v21, $0x10;
	v3 =	vand.u32 $0xFFFF0000, v21  }
0x70: {  	s25 =	sshll.u32 s24, $0x4;
	v21 =	vmul.f32 v27, v30;
	v36 =	vmul.f32 v16, v2;
	v15 =	vshll.u32 v20, $0x10  }
0x71: {  	s28 =	simm.s32 $0x0;
	s26 =	sand.u32 $0x70, s25;
	s29 =	sadd.s32 $0x800, s29;
	v37 =	vmul.f32 v3, v2;
	v20 =	vand.u32 $0xFFFF0000, v20;
	v15 =	vmul.f32 v15, v2  }
.LBB2_4:
0x72: {  	_ = 	snop  }
0x73: {  	v7 =	vadd.f32 v7, v9;
	v9 =	vadd.f32 v36, v11  }
0x74: {  	v8 =	vadd.f32 v10, v8  }
0x75: {  	v16 =	vld [tilespmem:s29+$0x180];
	v10 =	vadd.f32 v37, v12;
	v9 =	vadd.f32 v28, v9  }
0x76: {  	v2 =	vmul.f32 v20, v2;
	v17 =	vld [tilespmem:s29+$0xFFFFFF00];
	v8 =	vadd.f32 v15, v8  }
0x77: {  	v12 =	vld [tilespmem:s29+$0x100];
	v10 =	vadd.f32 v29, v10;
	v11 =	vmul.f32 v6, v1;
	v0 =	vadd.f32 v22, v9  }
0x78: {  	v2 =	vadd.f32 v2, v7;
	v7 =	vld [tilespmem:s29+$0x80];
	v1 =	vmul.f32 v18, v1  }
0x79: {  	v15 =	vld [tilespmem:s29+$0x0];
	v14 =	vmul.f32 v14, v30;
	v11 =	vadd.f32 v11, v8;
	[tilespmem:$0x1FF70] =	vst v0;
	v0 =	vadd.f32 v21, v10  }
0x7a: {  	v1 =	vadd.f32 v1, v2;
	v2 =	vmul.f32 v13, v30;
	v13 =	vld [tilespmem:s29+$0xFFFFFF80]  }
0x7b: {  	v3 =	vand.u32 $0xFFFF0000, v16;
	v16 =	vshll.u32 v16, $0x2;
	[tilespmem:$0x1FF90] =	vst v0;
	v0 =	vadd.f32 v14, v11;
	v14 =	vld [tilespmem:s29+$0xFFFFFE80]  }
0x7c: {  	v23 =	vshll.u32 v17, $0x2;
	v18 =	vshll.u32 v12, $0x2;
	v19 =	vand.u32 $0xFFFC, v16  }
0x7d: {  	v18 =	vand.u32 $0xFFFC, v18;
	v27 =	vor.u32 $0x1, v19;
	v28 =	vor.u32 $0x2, v19  }
0x7e: {  	[tilespmem:$0x1FFA0] =	vst v0;
	v0 =	vadd.f32 v2, v1;
	v1 =	vand.u32 $0xFFFF0000, v12;
	v12 =	vshll.u32 v7, $0x2  }
0x7f: {  	v16 =	vshll.u32 v15, $0x2;
	v22 =	vshll.u32 v13, $0x2;
	v21 =	vand.u32 $0xFFFC, v12  }
0x80: {  	v12 =	vand.u32 $0xFFFF0000, v13;
	v13 =	vand.u32 $0xFFFC, v16;
	v24 =	vshll.u32 v14, $0x2  }
0x81: {  	v16 =	vand.u32 $0xFFFF0000, v14;
	v14 =	vand.u32 $0xFFFC, v23;
	v23 =	vld.idx.msk [tilespmem:v19+s2+$0x0], $0xffff;
	v19 =	vor.u32 $0x3, v19  }
0x82: {  	v20 =	vld [tilespmem:s29+$0xFFFFFE00];
	_ =	sdelay $0x1  }
0x83: {  	v30 =	vor.u32 $0x1, v18  }
0x84: {  	v61 =	vld.idx.msk [tilespmem:v18+s2+$0x0], $0xffff  }
0x85: {  	v19 =	vld.idx.msk [tilespmem:v19+s2+$0x0], $0xffff  }
0x86: {  	v25 =	vshll.u32 v20, $0x2;
	v31 =	vor.u32 $0x2, v18;
	v18 =	vor.u32 $0x3, v18  }
0x87: {  	v25 =	vand.u32 $0xFFFC, v25  }
0x88: {  	v47 =	vor.u32 $0x1, v25;
	v33 =	vor.u32 $0x1, v21;
	v52 =	vld.idx.msk [tilespmem:v30+s2+$0x0], $0xffff  }
0x89: {  	v2 =	vand.u32 $0xFFFF0000, v7;
	v7 =	vand.u32 $0xFFFF0000, v15;
	v37 =	vor.u32 $0x2, v13;
	v26 =	vld.idx.msk [tilespmem:v21+s2+$0x0], $0xffff  }
0x8a: {  	v15 =	vand.u32 $0xFFFF0000, v17;
	v29 =	vld.idx.msk [tilespmem:v13+s2+$0x0], $0xffff;
	v50 =	vshll.u32 v61, $0x10;
	v5 =	vshll.u32 v19, $0x10  }
0x8b: {  	v17 =	vand.u32 $0xFFFF0000, v20;
	v20 =	vand.u32 $0xFFFC, v24;
	v18 =	vld.idx.msk [tilespmem:v18+s2+$0x0], $0xffff;
	[tilespmem:$0x1FF80] =	vst v5;
	v5 =	vmul.f32 v50, v1  }
0x8c: {  	[tilespmem:$0x1FED0] =	vst v42;
	v36 =	vor.u32 $0x1, v13;
	v41 =	vor.u32 $0x3, v13;
	v13 =	vld.idx.msk [tilespmem:v25+s2+$0x0], $0xffff;
	v51 =	vand.u32 $0xFFFF0000, v61  }
0x8d: {  	v48 =	vor.u32 $0x2, v25;
	v22 =	vand.u32 $0xFFFC, v22;
	v33 =	vld.idx.msk [tilespmem:v33+s2+$0x0], $0xffff;
	[tilespmem:$0x1FF30] =	vst v5;
	v5 =	vmul.f32 v51, v1  }
0x8e: {  	[tilespmem:$0x1FFB0] =	vst v0;
	v34 =	vor.u32 $0x2, v21;
	v39 =	vor.u32 $0x1, v22;
	v40 =	vor.u32 $0x2, v22;
	v37 =	vld.idx.msk [tilespmem:v37+s2+$0x0], $0xffff  }
0x8f: {  	v0 =	vor.u32 $0x3, v25;
	v42 =	vor.u32 $0x1, v14;
	v63 =	vld.idx.msk [tilespmem:v14+s2+$0x0], $0xffff;
	[tilespmem:$0x1FF40] =	vst v5;
	v5 =	vand.u32 $0xFFFF0000, v19  }
0x90: {  	v43 =	vor.u32 $0x2, v14;
	v46 =	vor.u32 $0x3, v14;
	v60 =	vld.idx.msk [tilespmem:v20+s2+$0x0], $0xffff;
	[tilespmem:$0x1FFE0] =	vst v5;
	v5 =	vshll.u32 v18, $0x10  }
0x91: {  	v45 =	vor.u32 $0x2, v20;
	v14 =	vld.idx.msk [tilespmem:v27+s2+$0x0], $0xffff;
	v27 =	vshll.u32 v26, $0x10;
	[tilespmem:$0x1FFD0] =	vst v5;
	v5 =	vand.u32 $0xFFFF0000, v18  }
0x92: {  	v62 =	vld.idx.msk [tilespmem:v22+s2+$0x0], $0xffff;
	v21 =	vor.u32 $0x3, v21;
	v25 =	vshll.u32 v23, $0x10;
	[tilespmem:$0x1FFC0] =	vst v5;
	v5 =	vmul.f32 v27, v2  }
0x93: {  	v22 =	vor.u32 $0x3, v22;
	v61 =	vld.idx.msk [tilespmem:v34+s2+$0x0], $0xffff;
	v4 =	vmul.f32 v25, v3;
	v26 =	vand.u32 $0xFFFF0000, v26  }
0x94: {  	v41 =	vld.idx.msk [tilespmem:v41+s2+$0x0], $0xffff;
	v59 =	vshll.u32 v13, $0x10;
	v6 =	vand.u32 $0xFFFF0000, v33;
	[tilespmem:$0x1FF10] =	vst v5;
	v5 =	vmul.f32 v26, v2  }
0x95: {  	[tilespmem:$0x1FEF0] =	vst v38;
	v40 =	vld.idx.msk [tilespmem:v40+s2+$0x0], $0xffff;
	v57 =	vshll.u32 v60, $0x10;
	v38 =	vand.u32 $0xFFFF0000, v60;
	v60 =	vand.u32 $0xFFFF0000, v13  }
0x96: {  	v13 =	vand.u32 $0xFFFF0000, v37;
	[tilespmem:$0x1FF20] =	vst v5;
	v5 =	vshll.u32 v33, $0x10;
	v33 =	vshll.u32 v37, $0x10;
	v37 =	vld.idx.msk [tilespmem:v45+s2+$0x0], $0xffff  }
0x97: {  	v44 =	vor.u32 $0x1, v20;
	v49 =	vor.u32 $0x3, v20;
	v23 =	vand.u32 $0xFFFF0000, v23;
	v20 =	vld.idx.msk [tilespmem:v28+s2+$0x0], $0xffff  }
0x98: {  	v53 =	vshll.u32 v29, $0x10;
	v29 =	vand.u32 $0xFFFF0000, v29;
	[tilespmem:$0x1FF50] =	vst v4;
	v21 =	vld.idx.msk [tilespmem:v21+s2+$0x0], $0xffff;
	v4 =	vmul.f32 v23, v3  }
0x99: {  	v54 =	vld.idx.msk [tilespmem:v31+s2+$0x0], $0xffff;
	v23 =	vshll.u32 v61, $0x10;
	v61 =	vand.u32 $0xFFFF0000, v61;
	v9 =	vmul.f32 v53, v7  }
0x9a: {  	v22 =	vld.idx.msk [tilespmem:v22+s2+$0x0], $0xffff;
	v53 =	vshll.u32 v41, $0x10;
	v24 =	vshll.u32 v40, $0x10;
	v25 =	vand.u32 $0xFFFF0000, v40  }
0x9b: {  	v18 =	vshll.u32 v37, $0x10;
	v19 =	vand.u32 $0xFFFF0000, v37;
	v37 =	vmul.f32 v61, v2;
	v61 =	vld [tilespmem:$0x1FED0]  }
0x9c: {  	v36 =	vld.idx.msk [tilespmem:v36+s2+$0x0], $0xffff;
	v59 =	vmul.f32 v59, v17;
	[tilespmem:$0x1FF60] =	vst v4;
	v28 =	vshll.u32 v20, $0x10;
	v4 =	vand.u32 $0xFFFF0000, v20  }
0x9d: {  	v50 =	vshll.u32 v52, $0x10;
	v8 =	vshll.u32 v21, $0x10;
	v20 =	vand.u32 $0xFFFF0000, v21;
	v21 =	vld.idx.msk [tilespmem:v43+s2+$0x0], $0xffff  }
0x9e: {  	v51 =	vand.u32 $0xFFFF0000, v52;
	v52 =	vshll.u32 v54, $0x10;
	v43 =	vmul.f32 v29, v7;
	v29 =	vld.idx.msk [tilespmem:v46+s2+$0x0], $0xffff  }
0x9f: {  	[tilespmem:$0x1FEE0] =	vst v35;
	v39 =	vld.idx.msk [tilespmem:v39+s2+$0x0], $0xffff;
	v46 =	vand.u32 $0xFFFF0000, v41;
	v40 =	vshll.u32 v22, $0x10;
	v41 =	vand.u32 $0xFFFF0000, v22  }
0xa0: {  	v22 =	vmul.f32 v28, v3;
	v28 =	vmul.f32 v52, v1;
	v52 =	vadd.f32 v59, v61;
	v59 =	vld [tilespmem:$0x1FEE0]  }
0xa1: {  	[tilespmem:$0x1FF00] =	vst v32;
	v56 =	vshll.u32 v62, $0x10;
	v32 =	vand.u32 $0xFFFF0000, v62  }
0xa2: {  	v47 =	vld.idx.msk [tilespmem:v47+s2+$0x0], $0xffff;
	v60 =	vmul.f32 v60, v17;
	v54 =	vand.u32 $0xFFFF0000, v54;
	v27 =	vand.u32 $0xFFFF0000, v36  }
0xa3: {  	v11 =	vshll.u32 v29, $0x10;
	v26 =	vshll.u32 v36, $0x10;
	v36 =	vld.idx.msk [tilespmem:v44+s2+$0x0], $0xffff;
	v44 =	vmul.f32 v56, v12  }
0xa4: {  	v56 =	vmul.f32 v32, v12;
	v32 =	vand.u32 $0xFFFF0000, v39;
	v45 =	vshll.u32 v39, $0x10  }
0xa5: {  	v39 =	vand.u32 $0xFFFF0000, v29;
	v29 =	vmul.f32 v54, v1;
	v54 =	vadd.f32 v60, v59;
	v60 =	vld [tilespmem:$0x1FEF0]  }
0xa6: {  	v42 =	vld.idx.msk [tilespmem:v42+s2+$0x0], $0xffff;
	v31 =	vshll.u32 v21, $0x10;
	v34 =	vand.u32 $0xFFFF0000, v21  }
0xa7: {  	v21 =	vmul.f32 v4, v3;
	v4 =	vmul.f32 v50, v1;
	v50 =	vshll.u32 v47, $0x10  }
0xa8: {  	v50 =	vmul.f32 v50, v17  }
0xa9: {  	v35 =	vshll.u32 v36, $0x10  }
0xaa: {  	v35 =	vmul.f32 v35, v16;
	v50 =	vadd.f32 v50, v60  }
0xab: {  	v30 =	vshll.u32 v42, $0x10  }
0xac: {  	v30 =	vmul.f32 v30, v15;
	v35 =	vadd.f32 v35, v50  }
0xad: {  	v55 =	vshll.u32 v63, $0x10;
	v58 =	vand.u32 $0xFFFF0000, v63;
	v57 =	vmul.f32 v57, v16  }
0xae: {  	v62 =	vshll.u32 v14, $0x10;
	v55 =	vmul.f32 v55, v15;
	v30 =	vadd.f32 v30, v35  }
0xaf: {  	v58 =	vmul.f32 v58, v15;
	v38 =	vmul.f32 v38, v16;
	v61 =	vld [tilespmem:$0x1FF00];
	v52 =	vadd.f32 v57, v52  }
0xb0: {  	v63 =	vand.u32 $0xFFFF0000, v14;
	v62 =	vmul.f32 v62, v3;
	v45 =	vmul.f32 v45, v12  }
0xb1: {  	v47 =	vand.u32 $0xFFFF0000, v47;
	v57 =	vadd.f32 v55, v52;
	v38 =	vadd.f32 v38, v54  }
0xb2: {  	v63 =	vmul.f32 v63, v3;
	v47 =	vmul.f32 v47, v17;
	v59 =	vadd.f32 v45, v30;
	v30 =	vmovc v3;
	v3 =	vld [tilespmem:$0x1FF10]  }
0xb3: {  	v14 =	vand.u32 $0xFFFF0000, v36;
	v38 =	vadd.f32 v58, v38;
	v58 =	vadd.f32 v44, v57  }
0xb4: {  	v14 =	vmul.f32 v14, v16;
	v47 =	vadd.f32 v47, v61  }
0xb5: {  	v42 =	vand.u32 $0xFFFF0000, v42;
	v9 =	vadd.f32 v9, v58  }
0xb6: {  	v42 =	vmul.f32 v42, v15;
	v14 =	vadd.f32 v14, v47  }
0xb7: {  	v9 =	vadd.f32 v3, v9;
	v3 =	vld [tilespmem:$0x1FF20]  }
0xb8: {  	v32 =	vmul.f32 v32, v12;
	v14 =	vadd.f32 v42, v14;
	v38 =	vadd.f32 v56, v38;
	_ =	sdelay $0x1  }
0xb9: {  	v27 =	vmul.f32 v27, v7;
	v14 =	vadd.f32 v32, v14;
	v60 =	vadd.f32 v43, v38;
	_ =	sdelay $0x1  }
0xba: {  	v14 =	vadd.f32 v27, v14;
	v27 =	vadd.f32 v3, v60;
	v3 =	vld [tilespmem:$0x1FF30];
	_ =	sdelay $0x4  }
0xbb: {  	v9 =	vadd.f32 v3, v9;
	v3 =	vld [tilespmem:$0x1FF40];
	_ =	sdelay $0x4  }
0xbc: {  	v61 =	vadd.f32 v3, v27;
	v3 =	vld [tilespmem:$0x1FF50];
	_ =	sdelay $0x4  }
0xbd: {  	v42 =	vadd.f32 v3, v9;
	v3 =	vld [tilespmem:$0x1FF60]  }
0xbe: {  	v49 =	vld.idx.msk [tilespmem:v49+s2+$0x0], $0xffff  }
0xbf: {  	v48 =	vld.idx.msk [tilespmem:v48+s2+$0x0], $0xffff;
	v26 =	vmul.f32 v26, v7;
	_ =	sdelay $0x1  }
0xc0: {  	v5 =	vmul.f32 v5, v2;
	v26 =	vadd.f32 v26, v59  }
0xc1: {  	v35 =	vadd.f32 v3, v61;
	v3 =	vld [tilespmem:$0x1FF70]  }
0xc2: {  	v6 =	vmul.f32 v6, v2;
	v10 =	vand.u32 $0xFFFF0000, v49;
	v5 =	vadd.f32 v5, v26  }
0xc3: {  	[tilespmem:$0x1FFF0] =	vst v8;
	v8 =	vshll.u32 v49, $0x10;
	v49 =	vmul.f32 v51, v1;
	v51 =	vshll.u32 v48, $0x10  }
0xc4: {  	v6 =	vadd.f32 v6, v14;
	v14 =	vmul.f32 v51, v17;
	v4 =	vadd.f32 v4, v5;
	_ =	sdelay $0x1  }
0xc5: {  	v38 =	vadd.f32 v62, v4;
	v4 =	vadd.f32 v14, v3;
	v3 =	vld [tilespmem:$0x1FF90];
	_ =	sdelay $0x1  }
0xc6: {  	v0 =	vld.idx.msk [tilespmem:v0+s2+$0x0], $0xffff;
	v36 =	vmul.f32 v23, v2;
	v23 =	vand.u32 $0xFFFF0000, v48  }
0xc7: {  	v23 =	vmul.f32 v23, v17;
	v5 =	vadd.f32 v49, v6;
	_ =	sdelay $0x1  }
0xc8: {  	v32 =	vadd.f32 v63, v5;
	v5 =	vadd.f32 v23, v3;
	v3 =	vld [tilespmem:$0x1FFA0];
	_ =	sdelay $0x1  }
0xc9: {  	v48 =	vshll.u32 v0, $0x10  }
0xca: {  	v6 =	vmul.f32 v48, v17;
	_ =	sdelay $0x1  }
0xcb: {  	v6 =	vadd.f32 v6, v3;
	v3 =	vld [tilespmem:$0x1FFB0];
	_ =	sdelay $0x1  }
0xcc: {  	v0 =	vand.u32 $0xFFFF0000, v0  }
0xcd: {  	v0 =	vmul.f32 v0, v17;
	_ =	sdelay $0x1  }
0xce: {  	v0 =	vadd.f32 v0, v3;
	v3 =	vmul.f32 v10, v16  }
0xcf: {  	v8 =	vmul.f32 v8, v16;
	v18 =	vmul.f32 v18, v16  }
0xd0: {  	v31 =	vmul.f32 v31, v15;
	v0 =	vadd.f32 v3, v0;
	v3 =	vmul.f32 v39, v15  }
0xd1: {  	v19 =	vmul.f32 v19, v16;
	v9 =	vmul.f32 v11, v15;
	v4 =	vadd.f32 v18, v4  }
0xd2: {  	v6 =	vadd.f32 v8, v6;
	v0 =	vadd.f32 v3, v0;
	v3 =	vmul.f32 v41, v12  }
0xd3: {  	s28 =	sadd.s32 $0x8, s28;
	v34 =	vmul.f32 v34, v15;
	v4 =	vadd.f32 v31, v4;
	v5 =	vadd.f32 v19, v5  }
0xd4: {  	p0 =	slt.u32 s28, $0x48;
	v24 =	vmul.f32 v24, v12;
	v6 =	vadd.f32 v9, v6;
	v9 =	vadd.f32 v3, v0;
	v0 =	vld [tilespmem:$0x1FFF0]  }
.Ltmp0:
0xd5: {  	v25 =	vmul.f32 v25, v12;
	v5 =	vadd.f32 v34, v5;
	(pc) =	sbr.rel @p0 .LBB2_4-.Ltmp0, $4  }
0xd6: {  	v33 =	vmul.f32 v33, v7;
	v14 =	vld [tilespmem:$0x1FF80];
	v4 =	vadd.f32 v24, v4;
	v8 =	vmul.f32 v40, v12  }
0xd7: {  	v13 =	vmul.f32 v13, v7;
	v18 =	vld [tilespmem:$0x1FFC0];
	v5 =	vadd.f32 v25, v5  }
0xd8: {  	v11 =	vadd.f32 v33, v4;
	v10 =	vmul.f32 v53, v7;
	v8 =	vadd.f32 v8, v6;
	v6 =	vld [tilespmem:$0x1FFD0]  }
0xd9: {  	s29 =	sadd.s32 $0x800, s29;
	v7 =	vmul.f32 v46, v7;
	v12 =	vadd.f32 v13, v5;
	v13 =	vld [tilespmem:$0x1FFE0];
	v15 =	vmul.f32 v0, v2  }
0xda: {  	_ = 	snop  }
0xdb: {  	v0 =	vadd.f32 v10, v8;
	v3 =	vadd.f32 v36, v11  }
0xdc: {  	v2 =	vmul.f32 v20, v2;
	s28 =	sand.u32 $0x80, s25;
	v4 =	vadd.f32 v7, v9;
	v5 =	vadd.f32 v37, v12  }
0xdd: {  	[tilespmem:s25+$0x17080] =	vst v42;
	s31 =	sor.u32 s26, s28;
	v0 =	vadd.f32 v15, v0;
	v3 =	vadd.f32 v28, v3;
	v6 =	vmul.f32 v6, v1  }
0xde: {  	s24 =	sadd.s32 $0x1, s24;
	v60 =	vmul.f32 v18, v1;
	[tilespmem:s31+$0x17180] =	vst v35;
	v2 =	vadd.f32 v2, v4;
	v61 =	vadd.f32 v29, v5  }
0xdf: {  	v62 =	vmul.f32 v14, v30;
	p0 =	sne.s32 s24, $0x10;
	[tilespmem:s31+$0x17280] =	vst v38;
	v3 =	vadd.f32 v22, v3;
	v0 =	vadd.f32 v6, v0  }
.Ltmp1:
0xe0: {  	[tilespmem:s31+$0x17380] =	vst v32;
	v63 =	vmul.f32 v13, v30;
	v1 =	vadd.f32 v60, v2;
	v4 =	vadd.f32 v21, v61;
	(pc) =	sbr.rel @p0 .LBB2_3-.Ltmp1, $4  }
0xe1: {  	[tilespmem:s31+$0x17480] =	vst v3;
	v0 =	vadd.f32 v62, v0  }
0xe2: {  	v1 =	vadd.f32 v63, v1;
	[tilespmem:s31+$0x17580] =	vst v4  }
0xe3: {  	[tilespmem:s31+$0x17680] =	vst v0  }
0xe4: {  	s23 =	sadd.s32 $0x80, s23;
	s22 =	sadd.s32 $0x1, s22;
	[tilespmem:s31+$0x17780] =	vst v1  }
0xe5: {  	s22 =	sshll.u32 s21, $0x8  }
0xe6: {  	s31 =	sshll.u32 s21, $0xC;
	s23 =	sand.u32 $0x300, s22  }
0xe7: {  	s22 =	sand.u32 $0x4000, s31;
	s23 =	sor.u32 s23, s8  }
0xe8: {  	s23 =	sor.u32 s22, s23  }
0xe9: {  	s23 =	sshrl.u32 s23, $0x3  }
0xea: {  	s23 =	sadd.s32 s5, s23  }
0xeb: {  	[hbm4b:s23+s11] =	stream.strided.scatter [tilespmem:s17], [sflag:$0x3], $0x800, s12, s11, $0x38;
	[tilespmem:$0x17880] =	vst v63  }
0xec: {  	p0 =	seq.s32 s21, $0x7;
	_ =	swait.ge [sflag:s13], $0x800  }
0xed: {  	s23 =	smul.u32 @!p0 $0xA000, s21;
	[sflag:s13] =	ssyncset.done $0x0  }
0xee: {  	[sflag:s13] =	ssyncadd.s32 $0xFFFFF800  }
0xef: {  	s24 =	simm.s32 @!p0 $0x0;
	s23 =	sadd.s32 @!p0 s23, s9;
	_ =	swait.ge [sflag:s18], $0x5000  }
0xf0: {  	s25 =	simm.s32 @!p0 $0xD080;
	s23 =	sshrl.u32 @!p0 s23, $0x3;
	[sflag:s18] =	ssyncset.done $0x0  }
0xf1: {  	s21 =	sadd.s32 $0x1, s21;
	s23 =	sadd.s32 @!p0 s3, s23;
	[sflag:s18] =	ssyncadd.s32 $0xFFFFB000  }
0xf2: {  	[tilespmem:s25], [sflag:$0x1] =	stream.linear.gather @!p0 [hbm4b:s23+s24], $0x5000, $0x38;
	[tilespmem:$0x17880] =	vst v63  }
0xf3: {  	s23 =	simm.s32 $0x0;
	s24 =	simm.s32 $0x0;
	s25 =	simm.s32 $0x0  }
.LBB2_7:
0xf4: {  	s26 =	sshll.u32 s24, $0x2;
	s28 =	sand.u32 $0x7, s23  }
0xf5: {  	s26 =	sand.u32 $0xFFFFF000, s26;
	s28 =	sshll.u32 s28, $0x6  }
0xf6: {  	s26 =	sor.u32 s28, s26  }
0xf7: {  	s26 =	sshrl.u32 s26, $0x2  }
0xf8: {  	s30 =	sadd.s32 $0x12280, s26  }
0xf9: {  	v4 =	vld [tilespmem:s30+$0xFFFFFE00]  }
0xfa: {  	v6 =	vld [tilespmem:s30+$0xFFFFFE80]  }
0xfb: {  	v1 =	vld [tilespmem:s30+$0x180]  }
0xfc: {  	v2 =	vld [tilespmem:s30+$0x100]  }
0xfd: {  	v3 =	vld [tilespmem:s30+$0x80]  }
0xfe: {  	v5 =	vld [tilespmem:s30+$0x0]  }
0xff: {  	v9 =	vld [tilespmem:s30+$0xFFFFFF80];
	_ =	sdelay $0x1  }
0x100: {  	v0 =	vshll.u32 v4, $0x2;
	v30 =	vand.u32 $0xFFFF0000, v1  }
0x101: {  	v7 =	vshll.u32 v1, $0x2;
	v8 =	vshll.u32 v2, $0x2;
	v1 =	vand.u32 $0xFFFF0000, v2  }
0x102: {  	v14 =	vshll.u32 v3, $0x2;
	v2 =	vand.u32 $0xFFFF0000, v3;
	v3 =	vshll.u32 v5, $0x2  }
0x103: {  	v21 =	vshll.u32 v9, $0x2;
	v16 =	vand.u32 $0xFFFC, v0;
	v0 =	vshll.u32 v6, $0x2  }
0x104: {  	v11 =	vld [tilespmem:s30+$0xFFFFFF00];
	v10 =	vand.u32 $0xFFFC, v8;
	v8 =	vand.u32 $0xFFFC, v14;
	v17 =	vand.u32 $0xFFFC, v0  }
0x105: {  	v14 =	vand.u32 $0xFFFC, v3;
	v3 =	vand.u32 $0xFFFC, v21;
	v15 =	vor.u32 $0x1, v16  }
0x106: {  	v21 =	vor.u32 $0x1, v3;
	_ =	sdelay $0x1  }
0x107: {  	v13 =	vimm.f32 $0.0e+00;
	v19 =	vor.u32 $0x1, v17;
	v18 =	vld.idx.msk [tilespmem:v16+s2+$0x0], $0xffff  }
0x108: {  	v12 =	vand.u32 $0xFFFC, v7;
	v7 =	vand.u32 $0xFFFF0000, v5;
	v5 =	vshll.u32 v11, $0x2;
	v20 =	vld.idx.msk [tilespmem:v17+s2+$0x0], $0xffff  }
0x109: {  	v9 =	vand.u32 $0xFFFF0000, v9;
	v11 =	vand.u32 $0xFFFF0000, v11;
	v22 =	vand.u32 $0xFFFC, v5;
	v23 =	vld.idx.msk [tilespmem:v15+s2+$0x0], $0xffff  }
0x10a: {  	v5 =	vand.u32 $0xFFFF0000, v4;
	v55 =	vor.u32 $0x1, v8;
	v56 =	vor.u32 $0x1, v12;
	v21 =	vld.idx.msk [tilespmem:v21+s2+$0x0], $0xffff  }
0x10b: {  	v59 =	vor.u32 $0x2, v16;
	v24 =	vor.u32 $0x1, v22;
	v60 =	vor.u32 $0x2, v17  }
0x10c: {  	v16 =	vor.u32 $0x3, v16;
	v15 =	vand.u32 $0xFFFF0000, v6;
	v19 =	vld.idx.msk [tilespmem:v19+s2+$0x0], $0xffff;
	v4 =	vshll.u32 v18, $0x10  }
0x10d: {  	v6 =	vor.u32 $0x1, v14;
	v18 =	vand.u32 $0xFFFF0000, v18;
	v4 =	vmul.f32 v4, v5  }
0x10e: {  	v25 =	vshll.u32 v20, $0x10;
	v20 =	vand.u32 $0xFFFF0000, v20;
	v18 =	vmul.f32 v18, v5  }
0x10f: {  	v27 =	vshll.u32 v23, $0x10;
	v23 =	vand.u32 $0xFFFF0000, v23;
	v57 =	vshll.u32 v21, $0x10  }
0x110: {  	v26 =	vld.idx.msk [tilespmem:v22+s2+$0x0], $0xffff;
	v21 =	vand.u32 $0xFFFF0000, v21;
	v25 =	vmul.f32 v25, v15;
	v20 =	vmul.f32 v20, v15  }
0x111: {  	v27 =	vmul.f32 v27, v5;
	v54 =	vshll.u32 v19, $0x10;
	v23 =	vmul.f32 v23, v5  }
0x112: {  	v6 =	vld.idx.msk [tilespmem:v6+s2+$0x0], $0xffff;
	v19 =	vand.u32 $0xFFFF0000, v19;
	v21 =	vmul.f32 v21, v9;
	v4 =	vadd.f32 v4, v13  }
0x113: {  	v28 =	vld.idx.msk [tilespmem:v3+s2+$0x0], $0xffff;
	v18 =	vadd.f32 v18, v13;
	v19 =	vmul.f32 v19, v15;
	v27 =	vadd.f32 v27, v13  }
0x114: {  	v24 =	vld.idx.msk [tilespmem:v24+s2+$0x0], $0xffff;
	v23 =	vadd.f32 v23, v13;
	v4 =	vadd.f32 v25, v4;
	v25 =	vmul.f32 v54, v15  }
0x115: {  	v18 =	vadd.f32 v20, v18;
	v20 =	vshll.u32 v26, $0x10;
	v26 =	vand.u32 $0xFFFF0000, v26  }
0x116: {  	v20 =	vmul.f32 v20, v11;
	v26 =	vmul.f32 v26, v11;
	v19 =	vadd.f32 v19, v23  }
0x117: {  	v58 =	vshll.u32 v6, $0x10;
	v6 =	vand.u32 $0xFFFF0000, v6;
	v25 =	vadd.f32 v25, v27  }
0x118: {  	v23 =	vld.idx.msk [tilespmem:v14+s2+$0x0], $0xffff;
	v27 =	vshll.u32 v28, $0x10;
	v6 =	vmul.f32 v6, v7;
	v4 =	vadd.f32 v20, v4  }
0x119: {  	v20 =	vshll.u32 v24, $0x10;
	v24 =	vand.u32 $0xFFFF0000, v24;
	v27 =	vmul.f32 v27, v9  }
0x11a: {  	v28 =	vand.u32 $0xFFFF0000, v28;
	v20 =	vmul.f32 v20, v11;
	v24 =	vmul.f32 v24, v11  }
0x11b: {  	v18 =	vadd.f32 v26, v18;
	v28 =	vmul.f32 v28, v9;
	v4 =	vadd.f32 v27, v4;
	v27 =	vld.idx.msk [tilespmem:v8+s2+$0x0], $0xffff  }
0x11c: {  	v20 =	vadd.f32 v20, v25;
	v19 =	vadd.f32 v24, v19;
	v24 =	vmul.f32 v57, v9  }
0x11d: {  	v26 =	vld.idx.msk [tilespmem:v55+s2+$0x0], $0xffff;
	v18 =	vadd.f32 v28, v18;
	v28 =	vshll.u32 v23, $0x10;
	v23 =	vand.u32 $0xFFFF0000, v23  }
0x11e: {  	v28 =	vmul.f32 v28, v7;
	v23 =	vmul.f32 v23, v7;
	v20 =	vadd.f32 v24, v20  }
0x11f: {  	v19 =	vadd.f32 v21, v19;
	v21 =	vor.u32 $0x1, v10;
	v24 =	vmul.f32 v58, v7  }
0x120: {  	v4 =	vadd.f32 v28, v4;
	v18 =	vadd.f32 v23, v18;
	v23 =	vld.idx.msk [tilespmem:v10+s2+$0x0], $0xffff;
	v28 =	vshll.u32 v27, $0x10  }
0x121: {  	v20 =	vadd.f32 v24, v20;
	v27 =	vand.u32 $0xFFFF0000, v27;
	v6 =	vadd.f32 v6, v19  }
0x122: {  	v19 =	vshll.u32 v26, $0x10;
	v24 =	vld.idx.msk [tilespmem:v59+s2+$0x0], $0xffff;
	v28 =	vmul.f32 v28, v2;
	v27 =	vmul.f32 v27, v2  }
0x123: {  	v17 =	vor.u32 $0x3, v17;
	v26 =	vand.u32 $0xFFFF0000, v26;
	v19 =	vmul.f32 v19, v2  }
0x124: {  	v26 =	vmul.f32 v26, v2;
	v21 =	vld.idx.msk [tilespmem:v21+s2+$0x0], $0xffff;
	v4 =	vadd.f32 v28, v4;
	v18 =	vadd.f32 v27, v18  }
0x125: {  	v28 =	vld.idx.msk [tilespmem:v12+s2+$0x0], $0xffff;
	v27 =	vor.u32 $0x2, v22;
	v19 =	vadd.f32 v19, v20;
	v20 =	vshll.u32 v23, $0x10  }
0x126: {  	v6 =	vadd.f32 v26, v6;
	v23 =	vand.u32 $0xFFFF0000, v23;
	v20 =	vmul.f32 v20, v1  }
0x127: {  	v23 =	vmul.f32 v23, v1;
	v29 =	vshll.u32 v24, $0x10;
	v24 =	vand.u32 $0xFFFF0000, v24  }
0x128: {  	v25 =	vld.idx.msk [tilespmem:v56+s2+$0x0], $0xffff;
	v22 =	vor.u32 $0x3, v22;
	v29 =	vmul.f32 v29, v5;
	v24 =	vmul.f32 v24, v5  }
0x129: {  	v16 =	vld.idx.msk [tilespmem:v16+s2+$0x0], $0xffff;
	v4 =	vadd.f32 v20, v4;
	v18 =	vadd.f32 v23, v18;
	v20 =	vshll.u32 v21, $0x10  }
0x12a: {  	v23 =	vshll.u32 v28, $0x10;
	v28 =	vand.u32 $0xFFFF0000, v28;
	v21 =	vand.u32 $0xFFFF0000, v21  }
0x12b: {  	v61 =	vld.idx.msk [tilespmem:v27+s2+$0x0], $0xffff;
	v27 =	vadd.f32 v29, v13;
	v20 =	vmul.f32 v20, v1;
	v23 =	vmul.f32 v23, v30  }
0x12c: {  	v24 =	vadd.f32 v24, v13;
	v21 =	vmul.f32 v21, v1;
	v28 =	vmul.f32 v28, v30  }
0x12d: {  	v19 =	vadd.f32 v20, v19;
	v20 =	vshll.u32 v25, $0x10;
	v25 =	vand.u32 $0xFFFF0000, v25  }
0x12e: {  	v26 =	vld.idx.msk [tilespmem:v60+s2+$0x0], $0xffff;
	v21 =	vadd.f32 v21, v6;
	v42 =	vadd.f32 v23, v4;
	v23 =	vshll.u32 v16, $0x10  }
0x12f: {  	v17 =	vld.idx.msk [tilespmem:v17+s2+$0x0], $0xffff;
	v16 =	vand.u32 $0xFFFF0000, v16;
	v20 =	vmul.f32 v20, v30;
	v25 =	vmul.f32 v25, v30  }
0x130: {  	v35 =	vadd.f32 v28, v18;
	v18 =	vmul.f32 v23, v5;
	v16 =	vmul.f32 v16, v5  }
0x131: {  	v23 =	vor.u32 $0x2, v12;
	v12 =	vor.u32 $0x3, v12;
	v62 =	vshll.u32 v61, $0x10  }
0x132: {  	v22 =	vld.idx.msk [tilespmem:v22+s2+$0x0], $0xffff;
	v38 =	vadd.f32 v20, v19;
	v19 =	vor.u32 $0x2, v3;
	v20 =	vor.u32 $0x3, v3  }
0x133: {  	v32 =	vadd.f32 v25, v21;
	v21 =	vshll.u32 v26, $0x10;
	v26 =	vand.u32 $0xFFFF0000, v26  }
0x134: {  	v18 =	vadd.f32 v18, v13;
	v13 =	vadd.f32 v16, v13;
	v16 =	vshll.u32 v17, $0x10  }
0x135: {  	v17 =	vand.u32 $0xFFFF0000, v17;
	v21 =	vmul.f32 v21, v15;
	v16 =	vmul.f32 v16, v15  }
0x136: {  	v25 =	vand.u32 $0xFFFF0000, v61;
	v26 =	vmul.f32 v26, v15;
	v15 =	vmul.f32 v17, v15  }
0x137: {  	v17 =	vor.u32 $0x2, v10;
	v16 =	vadd.f32 v16, v18;
	v18 =	vshll.u32 v22, $0x10  }
0x138: {  	v25 =	vmul.f32 v25, v11;
	v13 =	vadd.f32 v15, v13;
	v15 =	vmul.f32 v18, v11;
	v18 =	vld.idx.msk [tilespmem:v23+s2+$0x0], $0xffff  }
0x139: {  	v21 =	vadd.f32 v21, v27;
	v27 =	vor.u32 $0x2, v14;
	v14 =	vor.u32 $0x3, v14;
	v19 =	vld.idx.msk [tilespmem:v19+s2+$0x0], $0xffff  }
0x13a: {  	v24 =	vadd.f32 v26, v24;
	v22 =	vand.u32 $0xFFFF0000, v22;
	v26 =	vmul.f32 v62, v11;
	v20 =	vld.idx.msk [tilespmem:v20+s2+$0x0], $0xffff  }
0x13b: {  	v11 =	vmul.f32 v22, v11  }
0x13c: {  	v10 =	vor.u32 $0x3, v10;
	v12 =	vld.idx.msk [tilespmem:v12+s2+$0x0], $0xffff;
	v21 =	vadd.f32 v26, v21;
	v22 =	vadd.f32 v25, v24  }
0x13d: {  	v23 =	vor.u32 $0x2, v8;
	v17 =	vld.idx.msk [tilespmem:v17+s2+$0x0], $0xffff;
	v15 =	vadd.f32 v15, v16;
	v11 =	vadd.f32 v11, v13  }
0x13e: {  	v3 =	vld.idx.msk [tilespmem:v27+s2+$0x0], $0xffff;
	v63 =	vshll.u32 v18, $0x10;
	v27 =	vand.u32 $0xFFFF0000, v18;
	v16 =	vshll.u32 v19, $0x10  }
0x13f: {  	v4 =	vld.idx.msk [tilespmem:v14+s2+$0x0], $0xffff;
	v19 =	vand.u32 $0xFFFF0000, v19;
	v13 =	vshll.u32 v20, $0x10;
	v14 =	vand.u32 $0xFFFF0000, v20  }
0x140: {  	v20 =	vor.u32 $0x3, v8;
	v16 =	vmul.f32 v16, v9;
	v19 =	vmul.f32 v19, v9  }
0x141: {  	v8 =	vmul.f32 v13, v9;
	v9 =	vmul.f32 v14, v9;
	v14 =	vshll.u32 v12, $0x10  }
0x142: {  	v18 =	vld.idx.msk [tilespmem:v10+s2+$0x0], $0xffff;
	v13 =	vand.u32 $0xFFFF0000, v12;
	v16 =	vadd.f32 v16, v21;
	v12 =	vadd.f32 v19, v22  }
0x143: {  	v21 =	vld.idx.msk [tilespmem:v23+s2+$0x0], $0xffff;
	v23 =	vshll.u32 v17, $0x10;
	v8 =	vadd.f32 v8, v15;
	v10 =	vshll.u32 v3, $0x10  }
0x144: {  	v15 =	vand.u32 $0xFFFF0000, v3;
	v9 =	vadd.f32 v9, v11;
	v11 =	vshll.u32 v4, $0x10  }
0x145: {  	v19 =	vand.u32 $0xFFFF0000, v4;
	v22 =	vmul.f32 v10, v7;
	v15 =	vmul.f32 v15, v7;
	v20 =	vld.idx.msk [tilespmem:v20+s2+$0x0], $0xffff  }
0x146: {  	v17 =	vand.u32 $0xFFFF0000, v17;
	v10 =	vmul.f32 v11, v7;
	v7 =	vmul.f32 v19, v7  }
0x147: {  	v6 =	vshll.u32 v18, $0x10;
	v18 =	vand.u32 $0xFFFF0000, v18;
	v28 =	vmul.f32 v23, v1  }
0x148: {  	v29 =	vmul.f32 v17, v1;
	v11 =	vadd.f32 v22, v16;
	v22 =	vmul.f32 v63, v30  }
0x149: {  	v12 =	vadd.f32 v15, v12;
	v16 =	vshll.u32 v21, $0x10;
	v3 =	vand.u32 $0xFFFF0000, v21  }
0x14a: {  	s26 =	sshll.u32 s25, $0x4;
	v21 =	vmul.f32 v27, v30;
	v36 =	vmul.f32 v16, v2;
	v15 =	vshll.u32 v20, $0x10  }
0x14b: {  	s29 =	simm.s32 $0x0;
	s28 =	sand.u32 $0x70, s26;
	s30 =	sadd.s32 $0x800, s30;
	v37 =	vmul.f32 v3, v2;
	v20 =	vand.u32 $0xFFFF0000, v20;
	v15 =	vmul.f32 v15, v2  }
.LBB2_8:
0x14c: {  	_ = 	snop  }
0x14d: {  	v7 =	vadd.f32 v7, v9;
	v9 =	vadd.f32 v36, v11  }
0x14e: {  	v8 =	vadd.f32 v10, v8  }
0x14f: {  	v16 =	vld [tilespmem:s30+$0x180];
	v10 =	vadd.f32 v37, v12;
	v9 =	vadd.f32 v28, v9  }
0x150: {  	v2 =	vmul.f32 v20, v2;
	v17 =	vld [tilespmem:s30+$0xFFFFFF00];
	v8 =	vadd.f32 v15, v8  }
0x151: {  	v12 =	vld [tilespmem:s30+$0x100];
	v10 =	vadd.f32 v29, v10;
	v11 =	vmul.f32 v6, v1;
	v0 =	vadd.f32 v22, v9  }
0x152: {  	v2 =	vadd.f32 v2, v7;
	v7 =	vld [tilespmem:s30+$0x80];
	v1 =	vmul.f32 v18, v1  }
0x153: {  	v15 =	vld [tilespmem:s30+$0x0];
	v14 =	vmul.f32 v14, v30;
	v11 =	vadd.f32 v11, v8;
	[tilespmem:$0x1FE40] =	vst v0;
	v0 =	vadd.f32 v21, v10  }
0x154: {  	v1 =	vadd.f32 v1, v2;
	v2 =	vmul.f32 v13, v30;
	v13 =	vld [tilespmem:s30+$0xFFFFFF80]  }
0x155: {  	v3 =	vand.u32 $0xFFFF0000, v16;
	v16 =	vshll.u32 v16, $0x2;
	[tilespmem:$0x1FE60] =	vst v0;
	v0 =	vadd.f32 v14, v11;
	v14 =	vld [tilespmem:s30+$0xFFFFFE80]  }
0x156: {  	v23 =	vshll.u32 v17, $0x2;
	v18 =	vshll.u32 v12, $0x2;
	v19 =	vand.u32 $0xFFFC, v16  }
0x157: {  	v18 =	vand.u32 $0xFFFC, v18;
	v27 =	vor.u32 $0x1, v19;
	v28 =	vor.u32 $0x2, v19  }
0x158: {  	[tilespmem:$0x1FE70] =	vst v0;
	v0 =	vadd.f32 v2, v1;
	v1 =	vand.u32 $0xFFFF0000, v12;
	v12 =	vshll.u32 v7, $0x2  }
0x159: {  	v16 =	vshll.u32 v15, $0x2;
	v22 =	vshll.u32 v13, $0x2;
	v21 =	vand.u32 $0xFFFC, v12  }
0x15a: {  	v12 =	vand.u32 $0xFFFF0000, v13;
	v13 =	vand.u32 $0xFFFC, v16;
	v24 =	vshll.u32 v14, $0x2  }
0x15b: {  	v16 =	vand.u32 $0xFFFF0000, v14;
	v14 =	vand.u32 $0xFFFC, v23;
	v23 =	vld.idx.msk [tilespmem:v19+s2+$0x0], $0xffff;
	v19 =	vor.u32 $0x3, v19  }
0x15c: {  	v20 =	vld [tilespmem:s30+$0xFFFFFE00];
	_ =	sdelay $0x1  }
0x15d: {  	v30 =	vor.u32 $0x1, v18  }
0x15e: {  	v61 =	vld.idx.msk [tilespmem:v18+s2+$0x0], $0xffff  }
0x15f: {  	v19 =	vld.idx.msk [tilespmem:v19+s2+$0x0], $0xffff  }
0x160: {  	v25 =	vshll.u32 v20, $0x2;
	v31 =	vor.u32 $0x2, v18;
	v18 =	vor.u32 $0x3, v18  }
0x161: {  	v25 =	vand.u32 $0xFFFC, v25  }
0x162: {  	v47 =	vor.u32 $0x1, v25;
	v33 =	vor.u32 $0x1, v21;
	v52 =	vld.idx.msk [tilespmem:v30+s2+$0x0], $0xffff  }
0x163: {  	v2 =	vand.u32 $0xFFFF0000, v7;
	v7 =	vand.u32 $0xFFFF0000, v15;
	v37 =	vor.u32 $0x2, v13;
	v26 =	vld.idx.msk [tilespmem:v21+s2+$0x0], $0xffff  }
0x164: {  	v15 =	vand.u32 $0xFFFF0000, v17;
	v29 =	vld.idx.msk [tilespmem:v13+s2+$0x0], $0xffff;
	v50 =	vshll.u32 v61, $0x10;
	v5 =	vshll.u32 v19, $0x10  }
0x165: {  	v17 =	vand.u32 $0xFFFF0000, v20;
	v20 =	vand.u32 $0xFFFC, v24;
	v18 =	vld.idx.msk [tilespmem:v18+s2+$0x0], $0xffff;
	[tilespmem:$0x1FE50] =	vst v5;
	v5 =	vmul.f32 v50, v1  }
0x166: {  	[tilespmem:$0x1FDA0] =	vst v42;
	v36 =	vor.u32 $0x1, v13;
	v41 =	vor.u32 $0x3, v13;
	v13 =	vld.idx.msk [tilespmem:v25+s2+$0x0], $0xffff;
	v51 =	vand.u32 $0xFFFF0000, v61  }
0x167: {  	v48 =	vor.u32 $0x2, v25;
	v22 =	vand.u32 $0xFFFC, v22;
	v33 =	vld.idx.msk [tilespmem:v33+s2+$0x0], $0xffff;
	[tilespmem:$0x1FE00] =	vst v5;
	v5 =	vmul.f32 v51, v1  }
0x168: {  	[tilespmem:$0x1FE80] =	vst v0;
	v34 =	vor.u32 $0x2, v21;
	v39 =	vor.u32 $0x1, v22;
	v40 =	vor.u32 $0x2, v22;
	v37 =	vld.idx.msk [tilespmem:v37+s2+$0x0], $0xffff  }
0x169: {  	v0 =	vor.u32 $0x3, v25;
	v42 =	vor.u32 $0x1, v14;
	v63 =	vld.idx.msk [tilespmem:v14+s2+$0x0], $0xffff;
	[tilespmem:$0x1FE10] =	vst v5;
	v5 =	vand.u32 $0xFFFF0000, v19  }
0x16a: {  	v43 =	vor.u32 $0x2, v14;
	v46 =	vor.u32 $0x3, v14;
	v60 =	vld.idx.msk [tilespmem:v20+s2+$0x0], $0xffff;
	[tilespmem:$0x1FEB0] =	vst v5;
	v5 =	vshll.u32 v18, $0x10  }
0x16b: {  	v45 =	vor.u32 $0x2, v20;
	v14 =	vld.idx.msk [tilespmem:v27+s2+$0x0], $0xffff;
	v27 =	vshll.u32 v26, $0x10;
	[tilespmem:$0x1FEA0] =	vst v5;
	v5 =	vand.u32 $0xFFFF0000, v18  }
0x16c: {  	v62 =	vld.idx.msk [tilespmem:v22+s2+$0x0], $0xffff;
	v21 =	vor.u32 $0x3, v21;
	v25 =	vshll.u32 v23, $0x10;
	[tilespmem:$0x1FE90] =	vst v5;
	v5 =	vmul.f32 v27, v2  }
0x16d: {  	v22 =	vor.u32 $0x3, v22;
	v61 =	vld.idx.msk [tilespmem:v34+s2+$0x0], $0xffff;
	v4 =	vmul.f32 v25, v3;
	v26 =	vand.u32 $0xFFFF0000, v26  }
0x16e: {  	v41 =	vld.idx.msk [tilespmem:v41+s2+$0x0], $0xffff;
	v59 =	vshll.u32 v13, $0x10;
	v6 =	vand.u32 $0xFFFF0000, v33;
	[tilespmem:$0x1FDE0] =	vst v5;
	v5 =	vmul.f32 v26, v2  }
0x16f: {  	[tilespmem:$0x1FDC0] =	vst v38;
	v40 =	vld.idx.msk [tilespmem:v40+s2+$0x0], $0xffff;
	v57 =	vshll.u32 v60, $0x10;
	v38 =	vand.u32 $0xFFFF0000, v60;
	v60 =	vand.u32 $0xFFFF0000, v13  }
0x170: {  	v13 =	vand.u32 $0xFFFF0000, v37;
	[tilespmem:$0x1FDF0] =	vst v5;
	v5 =	vshll.u32 v33, $0x10;
	v33 =	vshll.u32 v37, $0x10;
	v37 =	vld.idx.msk [tilespmem:v45+s2+$0x0], $0xffff  }
0x171: {  	v44 =	vor.u32 $0x1, v20;
	v49 =	vor.u32 $0x3, v20;
	v23 =	vand.u32 $0xFFFF0000, v23;
	v20 =	vld.idx.msk [tilespmem:v28+s2+$0x0], $0xffff  }
0x172: {  	v53 =	vshll.u32 v29, $0x10;
	v29 =	vand.u32 $0xFFFF0000, v29;
	[tilespmem:$0x1FE20] =	vst v4;
	v21 =	vld.idx.msk [tilespmem:v21+s2+$0x0], $0xffff;
	v4 =	vmul.f32 v23, v3  }
0x173: {  	v54 =	vld.idx.msk [tilespmem:v31+s2+$0x0], $0xffff;
	v23 =	vshll.u32 v61, $0x10;
	v61 =	vand.u32 $0xFFFF0000, v61;
	v9 =	vmul.f32 v53, v7  }
0x174: {  	v22 =	vld.idx.msk [tilespmem:v22+s2+$0x0], $0xffff;
	v53 =	vshll.u32 v41, $0x10;
	v24 =	vshll.u32 v40, $0x10;
	v25 =	vand.u32 $0xFFFF0000, v40  }
0x175: {  	v18 =	vshll.u32 v37, $0x10;
	v19 =	vand.u32 $0xFFFF0000, v37;
	v37 =	vmul.f32 v61, v2;
	v61 =	vld [tilespmem:$0x1FDA0]  }
0x176: {  	v36 =	vld.idx.msk [tilespmem:v36+s2+$0x0], $0xffff;
	v59 =	vmul.f32 v59, v17;
	[tilespmem:$0x1FE30] =	vst v4;
	v28 =	vshll.u32 v20, $0x10;
	v4 =	vand.u32 $0xFFFF0000, v20  }
0x177: {  	v50 =	vshll.u32 v52, $0x10;
	v8 =	vshll.u32 v21, $0x10;
	v20 =	vand.u32 $0xFFFF0000, v21;
	v21 =	vld.idx.msk [tilespmem:v43+s2+$0x0], $0xffff  }
0x178: {  	v51 =	vand.u32 $0xFFFF0000, v52;
	v52 =	vshll.u32 v54, $0x10;
	v43 =	vmul.f32 v29, v7;
	v29 =	vld.idx.msk [tilespmem:v46+s2+$0x0], $0xffff  }
0x179: {  	[tilespmem:$0x1FDB0] =	vst v35;
	v39 =	vld.idx.msk [tilespmem:v39+s2+$0x0], $0xffff;
	v46 =	vand.u32 $0xFFFF0000, v41;
	v40 =	vshll.u32 v22, $0x10;
	v41 =	vand.u32 $0xFFFF0000, v22  }
0x17a: {  	v22 =	vmul.f32 v28, v3;
	v28 =	vmul.f32 v52, v1;
	v52 =	vadd.f32 v59, v61;
	v59 =	vld [tilespmem:$0x1FDB0]  }
0x17b: {  	[tilespmem:$0x1FDD0] =	vst v32;
	v56 =	vshll.u32 v62, $0x10;
	v32 =	vand.u32 $0xFFFF0000, v62  }
0x17c: {  	v47 =	vld.idx.msk [tilespmem:v47+s2+$0x0], $0xffff;
	v60 =	vmul.f32 v60, v17;
	v54 =	vand.u32 $0xFFFF0000, v54;
	v27 =	vand.u32 $0xFFFF0000, v36  }
0x17d: {  	v11 =	vshll.u32 v29, $0x10;
	v26 =	vshll.u32 v36, $0x10;
	v36 =	vld.idx.msk [tilespmem:v44+s2+$0x0], $0xffff;
	v44 =	vmul.f32 v56, v12  }
0x17e: {  	v56 =	vmul.f32 v32, v12;
	v32 =	vand.u32 $0xFFFF0000, v39;
	v45 =	vshll.u32 v39, $0x10  }
0x17f: {  	v39 =	vand.u32 $0xFFFF0000, v29;
	v29 =	vmul.f32 v54, v1;
	v54 =	vadd.f32 v60, v59;
	v60 =	vld [tilespmem:$0x1FDC0]  }
0x180: {  	v42 =	vld.idx.msk [tilespmem:v42+s2+$0x0], $0xffff;
	v31 =	vshll.u32 v21, $0x10;
	v34 =	vand.u32 $0xFFFF0000, v21  }
0x181: {  	v21 =	vmul.f32 v4, v3;
	v4 =	vmul.f32 v50, v1;
	v50 =	vshll.u32 v47, $0x10  }
0x182: {  	v50 =	vmul.f32 v50, v17  }
0x183: {  	v35 =	vshll.u32 v36, $0x10  }
0x184: {  	v35 =	vmul.f32 v35, v16;
	v50 =	vadd.f32 v50, v60  }
0x185: {  	v30 =	vshll.u32 v42, $0x10  }
0x186: {  	v30 =	vmul.f32 v30, v15;
	v35 =	vadd.f32 v35, v50  }
0x187: {  	v55 =	vshll.u32 v63, $0x10;
	v58 =	vand.u32 $0xFFFF0000, v63;
	v57 =	vmul.f32 v57, v16  }
0x188: {  	v62 =	vshll.u32 v14, $0x10;
	v55 =	vmul.f32 v55, v15;
	v30 =	vadd.f32 v30, v35  }
0x189: {  	v58 =	vmul.f32 v58, v15;
	v38 =	vmul.f32 v38, v16;
	v61 =	vld [tilespmem:$0x1FDD0];
	v52 =	vadd.f32 v57, v52  }
0x18a: {  	v63 =	vand.u32 $0xFFFF0000, v14;
	v62 =	vmul.f32 v62, v3;
	v45 =	vmul.f32 v45, v12  }
0x18b: {  	v47 =	vand.u32 $0xFFFF0000, v47;
	v57 =	vadd.f32 v55, v52;
	v38 =	vadd.f32 v38, v54  }
0x18c: {  	v63 =	vmul.f32 v63, v3;
	v47 =	vmul.f32 v47, v17;
	v59 =	vadd.f32 v45, v30;
	v30 =	vmovc v3;
	v3 =	vld [tilespmem:$0x1FDE0]  }
0x18d: {  	v14 =	vand.u32 $0xFFFF0000, v36;
	v38 =	vadd.f32 v58, v38;
	v58 =	vadd.f32 v44, v57  }
0x18e: {  	v14 =	vmul.f32 v14, v16;
	v47 =	vadd.f32 v47, v61  }
0x18f: {  	v42 =	vand.u32 $0xFFFF0000, v42;
	v9 =	vadd.f32 v9, v58  }
0x190: {  	v42 =	vmul.f32 v42, v15;
	v14 =	vadd.f32 v14, v47  }
0x191: {  	v9 =	vadd.f32 v3, v9;
	v3 =	vld [tilespmem:$0x1FDF0]  }
0x192: {  	v32 =	vmul.f32 v32, v12;
	v14 =	vadd.f32 v42, v14;
	v38 =	vadd.f32 v56, v38;
	_ =	sdelay $0x1  }
0x193: {  	v27 =	vmul.f32 v27, v7;
	v14 =	vadd.f32 v32, v14;
	v60 =	vadd.f32 v43, v38;
	_ =	sdelay $0x1  }
0x194: {  	v14 =	vadd.f32 v27, v14;
	v27 =	vadd.f32 v3, v60;
	v3 =	vld [tilespmem:$0x1FE00];
	_ =	sdelay $0x4  }
0x195: {  	v9 =	vadd.f32 v3, v9;
	v3 =	vld [tilespmem:$0x1FE10];
	_ =	sdelay $0x4  }
0x196: {  	v61 =	vadd.f32 v3, v27;
	v3 =	vld [tilespmem:$0x1FE20];
	_ =	sdelay $0x4  }
0x197: {  	v42 =	vadd.f32 v3, v9;
	v3 =	vld [tilespmem:$0x1FE30]  }
0x198: {  	v49 =	vld.idx.msk [tilespmem:v49+s2+$0x0], $0xffff  }
0x199: {  	v48 =	vld.idx.msk [tilespmem:v48+s2+$0x0], $0xffff;
	v26 =	vmul.f32 v26, v7;
	_ =	sdelay $0x1  }
0x19a: {  	v5 =	vmul.f32 v5, v2;
	v26 =	vadd.f32 v26, v59  }
0x19b: {  	v35 =	vadd.f32 v3, v61;
	v3 =	vld [tilespmem:$0x1FE40]  }
0x19c: {  	v6 =	vmul.f32 v6, v2;
	v10 =	vand.u32 $0xFFFF0000, v49;
	v5 =	vadd.f32 v5, v26  }
0x19d: {  	[tilespmem:$0x1FEC0] =	vst v8;
	v8 =	vshll.u32 v49, $0x10;
	v49 =	vmul.f32 v51, v1;
	v51 =	vshll.u32 v48, $0x10  }
0x19e: {  	v6 =	vadd.f32 v6, v14;
	v14 =	vmul.f32 v51, v17;
	v4 =	vadd.f32 v4, v5;
	_ =	sdelay $0x1  }
0x19f: {  	v38 =	vadd.f32 v62, v4;
	v4 =	vadd.f32 v14, v3;
	v3 =	vld [tilespmem:$0x1FE60];
	_ =	sdelay $0x1  }
0x1a0: {  	v0 =	vld.idx.msk [tilespmem:v0+s2+$0x0], $0xffff;
	v36 =	vmul.f32 v23, v2;
	v23 =	vand.u32 $0xFFFF0000, v48  }
0x1a1: {  	v23 =	vmul.f32 v23, v17;
	v5 =	vadd.f32 v49, v6;
	_ =	sdelay $0x1  }
0x1a2: {  	v32 =	vadd.f32 v63, v5;
	v5 =	vadd.f32 v23, v3;
	v3 =	vld [tilespmem:$0x1FE70];
	_ =	sdelay $0x1  }
0x1a3: {  	v48 =	vshll.u32 v0, $0x10  }
0x1a4: {  	v6 =	vmul.f32 v48, v17;
	_ =	sdelay $0x1  }
0x1a5: {  	v6 =	vadd.f32 v6, v3;
	v3 =	vld [tilespmem:$0x1FE80];
	_ =	sdelay $0x1  }
0x1a6: {  	v0 =	vand.u32 $0xFFFF0000, v0  }
0x1a7: {  	v0 =	vmul.f32 v0, v17;
	_ =	sdelay $0x1  }
0x1a8: {  	v0 =	vadd.f32 v0, v3;
	v3 =	vmul.f32 v10, v16  }
0x1a9: {  	v8 =	vmul.f32 v8, v16;
	v18 =	vmul.f32 v18, v16  }
0x1aa: {  	v31 =	vmul.f32 v31, v15;
	v0 =	vadd.f32 v3, v0;
	v3 =	vmul.f32 v39, v15  }
0x1ab: {  	v19 =	vmul.f32 v19, v16;
	v9 =	vmul.f32 v11, v15;
	v4 =	vadd.f32 v18, v4  }
0x1ac: {  	v6 =	vadd.f32 v8, v6;
	v0 =	vadd.f32 v3, v0;
	v3 =	vmul.f32 v41, v12  }
0x1ad: {  	s29 =	sadd.s32 $0x8, s29;
	v34 =	vmul.f32 v34, v15;
	v4 =	vadd.f32 v31, v4;
	v5 =	vadd.f32 v19, v5  }
0x1ae: {  	p0 =	slt.u32 s29, $0x48;
	v24 =	vmul.f32 v24, v12;
	v6 =	vadd.f32 v9, v6;
	v9 =	vadd.f32 v3, v0;
	v0 =	vld [tilespmem:$0x1FEC0]  }
.Ltmp2:
0x1af: {  	v25 =	vmul.f32 v25, v12;
	v5 =	vadd.f32 v34, v5;
	(pc) =	sbr.rel @p0 .LBB2_8-.Ltmp2, $4  }
0x1b0: {  	v33 =	vmul.f32 v33, v7;
	v14 =	vld [tilespmem:$0x1FE50];
	v4 =	vadd.f32 v24, v4;
	v8 =	vmul.f32 v40, v12  }
0x1b1: {  	v13 =	vmul.f32 v13, v7;
	v18 =	vld [tilespmem:$0x1FE90];
	v5 =	vadd.f32 v25, v5  }
0x1b2: {  	v11 =	vadd.f32 v33, v4;
	v10 =	vmul.f32 v53, v7;
	v8 =	vadd.f32 v8, v6;
	v6 =	vld [tilespmem:$0x1FEA0]  }
0x1b3: {  	s30 =	sadd.s32 $0x800, s30;
	v7 =	vmul.f32 v46, v7;
	v12 =	vadd.f32 v13, v5;
	v13 =	vld [tilespmem:$0x1FEB0];
	v15 =	vmul.f32 v0, v2  }
0x1b4: {  	_ = 	snop  }
0x1b5: {  	v0 =	vadd.f32 v10, v8;
	v3 =	vadd.f32 v36, v11  }
0x1b6: {  	v2 =	vmul.f32 v20, v2;
	s29 =	sand.u32 $0x80, s26;
	v4 =	vadd.f32 v7, v9;
	v5 =	vadd.f32 v37, v12  }
0x1b7: {  	[tilespmem:s26+$0x17080] =	vst v42;
	s31 =	sor.u32 s28, s29;
	v0 =	vadd.f32 v15, v0;
	v3 =	vadd.f32 v28, v3;
	v6 =	vmul.f32 v6, v1  }
0x1b8: {  	s25 =	sadd.s32 $0x1, s25;
	v60 =	vmul.f32 v18, v1;
	[tilespmem:s31+$0x17180] =	vst v35;
	v2 =	vadd.f32 v2, v4;
	v61 =	vadd.f32 v29, v5  }
0x1b9: {  	v62 =	vmul.f32 v14, v30;
	p0 =	sne.s32 s25, $0x10;
	[tilespmem:s31+$0x17280] =	vst v38;
	v3 =	vadd.f32 v22, v3;
	v0 =	vadd.f32 v6, v0  }
.Ltmp3:
0x1ba: {  	[tilespmem:s31+$0x17380] =	vst v32;
	v63 =	vmul.f32 v13, v30;
	v1 =	vadd.f32 v60, v2;
	v4 =	vadd.f32 v21, v61;
	(pc) =	sbr.rel @p0 .LBB2_7-.Ltmp3, $4  }
0x1bb: {  	[tilespmem:s31+$0x17480] =	vst v3;
	v0 =	vadd.f32 v62, v0  }
0x1bc: {  	v1 =	vadd.f32 v63, v1;
	[tilespmem:s31+$0x17580] =	vst v4  }
0x1bd: {  	[tilespmem:s31+$0x17680] =	vst v0  }
0x1be: {  	s24 =	sadd.s32 $0x80, s24;
	s23 =	sadd.s32 $0x1, s23;
	[tilespmem:s31+$0x17780] =	vst v1  }
0x1bf: {  	s20 =	sshll.u32 s20, $0x7  }
0x1c0: {  	s20 =	sand.u32 $0x380, s20  }
0x1c1: {  	s20 =	sor.u32 s20, s8  }
0x1c2: {  	s20 =	sor.u32 s22, s20  }
0x1c3: {  	p0 =	sne.s32 s21, $0x8;
	s20 =	sshrl.u32 s20, $0x3  }
.Ltmp4:
0x1c4: {  	s20 =	sadd.s32 s5, s20;
	(pc) =	sbr.rel @p0 .LBB2_2-.Ltmp4, $4  }
0x1c5: {  	[hbm4b:s20+s11] =	stream.strided.scatter [tilespmem:s17], [sflag:$0x3], $0x800, s12, s11, $0x38;
	[tilespmem:$0x17880] =	vst v63  }
0x1c6: {  	_ =	swait.ge [sflag:s13], $0x800  }
0x1c7: {  	[sflag:s13] =	ssyncset.done $0x0  }
0x1c8: {  	[sflag:s13] =	ssyncadd.s32 $0xFFFFF800  }
0x1c9: {  	s19 =	sadd.s32 $0x1, s19  }
0x1ca: {  	p0 =	sne.s32 s19, s10  }
.Ltmp5:
0x1cb: {  	_ = 	snop;
	(pc) =	sbr.rel @p0 .LBB2_1-.Ltmp5, $1  }
0x1cc: {  	_ =	sdelay $0x3  }
0x1cd: {  	_ =	sfence.sel $0x180000  }
0x1ce: {  	[bflag:$0x0] =	sbarrier.arrive $0xFFFF  }
0x1cf: {  	p0 =	sne.s32 s1, $0x0;
	_ =	strace $0x9000004A  }
0x1d0: {  	s0 =	sadd.s32 @!p0 $0x100000, s0;
	[bflag:$0x2] =	sbarrier.arrive $0xFFFF  }
0x1d1: {  	[sflag:s0] =	ssyncadd.tile.s32 @!p0 $0x1;
	_ =	shalt  }
.Lfunc_end2:
_tile_overlayer_lowered:
.L_overlay_start_2:
0x1d2: {  	(tag) =	ssettag $0x2  }
0x1d3: {  	s0 =	rddreg [dreg:$0x0];
	s2 =	stileid.u32  }
0x1d4: {  	s1 =	rddreg [dreg:$0x1];
	p0 =	sne.s32 s2, $0x0  }
0x1d5: {  	s3 =	rddreg [dreg:$0x2];
	[bflag:$0x3] =	sbarrier.arrive $0xFFFF;
	s2 =	simm.s32 @!p0 $0x1C03  }
0x1d6: {  	[timem:s3], [sflag:s2] =	dma.local @!p0 [hbm:s0], s1  }
0x1d7: {  	s0 =	simm.s32 @!p0 $0x3  }
0x1d8: {  	_ =	swait.ge @!p0 [sflag:s0], s1  }
0x1d9: {  	s1 =	ssub.s32 @!p0 $0x0, s1;
	[sflag:s0] =	ssyncset.done @!p0 $0x0  }
0x1da: {  	[sflag:s0] =	ssyncadd.s32 @!p0 s1  }
0x1db: {  	[bflag:$0x3] =	sbarrier.arrive $0xFFFF  }
0x1dc: {  	_ =	shalt  }

</sc_bundles>
